<compile_context>
chip_gen: v7x
topology: tpu7x:2x2x1
jax: 0.10.2.dev20260603
libtpu: 0.0.44.dev20260713+nightly
codegen_flags: <defaults>
</compile_context>

<pallas_src>
import functools

import jax
import jax.numpy as jnp
from jax import lax
from jax.experimental import pallas as pl
from jax.experimental.pallas import tpu as pltpu
from jax.experimental.pallas import tpu_sc as plsc

USER_NUM = 100000
ITEM_NUM = 100000
D = 128
B = 16384
NEG = 50
W1 = 1e-07
W2 = 1.0
W3 = 1e-07
W4 = 1.0
NEG_WEIGHT = 10.0
GAMMA = 0.0001

NW = 32
UPW = B // NW
C = 4
UPC = UPW // C
L = 16
NSL = D // L

_NEG_OFFS = (0, 16, 32, 34)
_PAIR_OFFS = (0, 16, 32, 48, 64, 80, 84)
P2 = 2 * NEG
NPAIR = UPW // 2

_MESH = plsc.VectorSubcoreMesh(core_axis_name="c", subcore_axis_name="s")


def _dot_pre(ues, b_ref, brow):
    acc = ues[0] * b_ref[brow, pl.ds(0, L)]
    for j in range(1, NSL):
        acc = acc + ues[j] * b_ref[brow, pl.ds(j * L, L)]
    return plsc.cumsum(acc)


def _splat_i32(x):
    return jnp.full((L,), x, jnp.int32)


def _sc_body(users_r, pos_r, neg_r, uemb_r, iemb_r, bu16_r, bi16_r,
             ps_o, ns_o, bu_o, bp_o, bn_o,
             idxu_v, idxp_v, idxn_v, ue_v, pe_v,
             ne0_v, ne1_v, hi_v, hin0_v, hin1_v,
             brow_v, bnrow0_v, bnrow1_v,
             bu_v, bp_v, bnc_v, ps_v, ns_v,
             sem_ue, sem_pe, sem_bg, sem_ne0, sem_ne1, sem_bn0, sem_bn1):
    cid = lax.axis_index("c")
    sid = lax.axis_index("s")
    wid = sid * 2 + cid

    pltpu.sync_copy(users_r.at[wid], idxu_v)
    pltpu.sync_copy(pos_r.at[wid], idxp_v)
    pltpu.sync_copy(neg_r.at[wid], idxn_v)

    lanes = lax.iota(jnp.int32, L)
    last = lanes == (L - 1)

    def beta_chunk(ids_ref, c, table_r, out_v):
        for g in range(UPC // L):
            v = ids_ref[c, pl.ds(g * L, L)]
            hi_v[pl.ds(g * L, L)] = jnp.right_shift(v, 4)
        cp = pltpu.async_copy(table_r.at[hi_v], brow_v, sem_bg)
        cp.wait()
        for g in range(UPC // L):
            v = ids_ref[c, pl.ds(g * L, L)]
            lo = jnp.bitwise_and(v, 15)
            out_v[pl.ds(g * L, L)] = plsc.load_gather(
                brow_v, [lanes + g * L, lo])

    def start_neg(pg, hin_v, ne_v, bnrow_v, sem_ne, sem_bn):
        for off in _PAIR_OFFS:
            v = idxn_v[pg, pl.ds(off, L)]
            hin_v[pl.ds(off, L)] = jnp.right_shift(v, 4)
        pltpu.async_copy(iemb_r.at[idxn_v.at[pg]], ne_v, sem_ne)
        pltpu.async_copy(bi16_r.at[hin_v], bnrow_v, sem_bn)

    def wait_neg(ne_v, bnrow_v, sem_ne, sem_bn):
        pltpu.make_async_copy(iemb_r.at[pl.ds(0, P2)], ne_v, sem_ne).wait()
        pltpu.make_async_copy(bi16_r.at[pl.ds(0, P2)], bnrow_v, sem_bn).wait()

    def compute_pair(pl_loc, pg, ne_v, bnrow_v):
        for which in range(2):
            ul = 2 * pl_loc + which
            ro = which * NEG
            ues = [ue_v[ul, pl.ds(j * L, L)] for j in range(NSL)]
            plsc.store_scatter(ps_v, [_splat_i32(ul)],
                               _dot_pre(ues, pe_v, ul), mask=last)

            @plsc.parallel_loop(0, NEG, unroll=10)
            def _(n):
                plsc.store_scatter(ns_v, [_splat_i32(ul), _splat_i32(n)],
                                   _dot_pre(ues, ne_v, ro + n), mask=last)
            for off in _NEG_OFFS:
                v = idxn_v[pg, pl.ds(ro + off, L)]
                lo = jnp.bitwise_and(v, 15)
                bnc_v[ul, pl.ds(off, L)] = plsc.load_gather(
                    bnrow_v, [lanes + ro + off, lo])

    def chunk_body(c, carry):
        cp1 = pltpu.async_copy(uemb_r.at[idxu_v.at[c]], ue_v, sem_ue)
        cp2 = pltpu.async_copy(iemb_r.at[idxp_v.at[c]], pe_v, sem_pe)
        beta_chunk(idxu_v, c, bu16_r, bu_v)
        beta_chunk(idxp_v, c, bi16_r, bp_v)
        cp1.wait()
        cp2.wait()

        pbase = c * (UPC // 2)
        start_neg(pbase, hin0_v, ne0_v, bnrow0_v, sem_ne0, sem_bn0)

        def quad_body(q, carry2):
            p0 = 2 * q
            pg0 = pbase + p0
            start_neg(pg0 + 1, hin1_v, ne1_v, bnrow1_v, sem_ne1, sem_bn1)
            wait_neg(ne0_v, bnrow0_v, sem_ne0, sem_bn0)
            compute_pair(p0, pg0, ne0_v, bnrow0_v)

            @pl.when(p0 + 2 < UPC // 2)
            def _():
                start_neg(pg0 + 2, hin0_v, ne0_v, bnrow0_v, sem_ne0, sem_bn0)

            wait_neg(ne1_v, bnrow1_v, sem_ne1, sem_bn1)
            compute_pair(p0 + 1, pg0 + 1, ne1_v, bnrow1_v)
            return carry2

        lax.fori_loop(0, UPC // 4, quad_body, 0)

        pltpu.sync_copy(ps_v, ps_o.at[wid, c])
        pltpu.sync_copy(ns_v, ns_o.at[wid, c])
        pltpu.sync_copy(bu_v, bu_o.at[wid, c])
        pltpu.sync_copy(bp_v, bp_o.at[wid, c])
        pltpu.sync_copy(bnc_v, bn_o.at[wid, c])
        return carry

    lax.fori_loop(0, C, chunk_body, 0)


_sc_score = functools.partial(
    pl.kernel,
    out_type=[
        jax.ShapeDtypeStruct((NW, C, UPC), jnp.float32),
        jax.ShapeDtypeStruct((NW, C, UPC, NEG), jnp.float32),
        jax.ShapeDtypeStruct((NW, C, UPC), jnp.float32),
        jax.ShapeDtypeStruct((NW, C, UPC), jnp.float32),
        jax.ShapeDtypeStruct((NW, C, UPC, NEG), jnp.float32),
    ],
    mesh=_MESH,
    compiler_params=pltpu.CompilerParams(
        needs_layout_passes=False, use_tc_tiling_on_sc=False
    ),
    scratch_types=[
        pltpu.VMEM((C, UPC), jnp.int32),
        pltpu.VMEM((C, UPC), jnp.int32),
        pltpu.VMEM((NPAIR, P2), jnp.int32),
        pltpu.VMEM((UPC, D), jnp.float32),
        pltpu.VMEM((UPC, D), jnp.float32),
        pltpu.VMEM((P2, D), jnp.float32),
        pltpu.VMEM((P2, D), jnp.float32),
        pltpu.VMEM((UPC,), jnp.int32),
        pltpu.VMEM((P2,), jnp.int32),
        pltpu.VMEM((P2,), jnp.int32),
        pltpu.VMEM((UPC, L), jnp.float32),
        pltpu.VMEM((P2, L), jnp.float32),
        pltpu.VMEM((P2, L), jnp.float32),
        pltpu.VMEM((UPC,), jnp.float32),
        pltpu.VMEM((UPC,), jnp.float32),
        pltpu.VMEM((UPC, NEG), jnp.float32),
        pltpu.VMEM((UPC,), jnp.float32),
        pltpu.VMEM((UPC, NEG), jnp.float32),
        pltpu.SemaphoreType.DMA,
        pltpu.SemaphoreType.DMA,
        pltpu.SemaphoreType.DMA,
        pltpu.SemaphoreType.DMA,
        pltpu.SemaphoreType.DMA,
        pltpu.SemaphoreType.DMA,
        pltpu.SemaphoreType.DMA,
    ],
)(_sc_body)


_NORM_ROWS = 2000


def _norm_body(u_ref, i_ref, o_ref):
    k = pl.program_id(0)

    @pl.when(k == 0)
    def _():
        o_ref[0, 0] = 0.0

    u = u_ref[...]
    it = i_ref[...]
    o_ref[0, 0] += jnp.sum(u * u) + jnp.sum(it * it)


_norm_call = pl.pallas_call(
    _norm_body,
    grid=(USER_NUM // _NORM_ROWS,),
    in_specs=[
        pl.BlockSpec((_NORM_ROWS, D), lambda k: (k, 0)),
        pl.BlockSpec((_NORM_ROWS, D), lambda k: (k, 0)),
    ],
    out_specs=pl.BlockSpec((1, 1), lambda k: (0, 0), memory_space=pltpu.SMEM),
    out_shape=jax.ShapeDtypeStruct((1, 1), jnp.float32),
)

_BCE_ROWS = 2048


def _bce_body(ps_r, ns_r, bu_r, bp_r, bn_r, w_r, norm_r, o_r):
    k = pl.program_id(0)

    @pl.when(k == 0)
    def _():
        o_r[0, 0] = (GAMMA * 0.5) * norm_r[0, 0]

    bu = bu_r[...]
    pos_w = W1 + W2 * bu * bp_r[...]
    neg_w = W3 + W4 * bu * bn_r[...]
    x = ns_r[...]
    neg_bce = neg_w * (jnp.maximum(x, 0.0) + jnp.log1p(jnp.exp(-jnp.abs(x))))
    xp = ps_r[...]
    pos_bce = pos_w * (jnp.maximum(xp, 0.0) - xp + jnp.log1p(jnp.exp(-jnp.abs(xp))))
    w = w_r[...]
    o_r[0, 0] += jnp.sum(w * pos_bce) + (NEG_WEIGHT / NEG) * jnp.sum(w * neg_bce)


_bce_call = pl.pallas_call(
    _bce_body,
    grid=(B // _BCE_ROWS,),
    in_specs=[
        pl.BlockSpec((_BCE_ROWS, 1), lambda k: (k, 0)),
        pl.BlockSpec((_BCE_ROWS, NEG), lambda k: (k, 0)),
        pl.BlockSpec((_BCE_ROWS, 1), lambda k: (k, 0)),
        pl.BlockSpec((_BCE_ROWS, 1), lambda k: (k, 0)),
        pl.BlockSpec((_BCE_ROWS, NEG), lambda k: (k, 0)),
        pl.BlockSpec((_BCE_ROWS, 1), lambda k: (k, 0)),
        pl.BlockSpec((1, 1), lambda k: (0, 0), memory_space=pltpu.SMEM),
    ],
    out_specs=pl.BlockSpec((1, 1), lambda k: (0, 0), memory_space=pltpu.SMEM),
    out_shape=jax.ShapeDtypeStruct((1, 1), jnp.float32),
)


def kernel(users, pos_items, neg_items, weight, user_embeds, item_embeds, beta_uD, beta_iD):
    u3 = users.astype(jnp.int32).reshape(NW, C, UPC)
    p3 = pos_items.astype(jnp.int32).reshape(NW, C, UPC)
    n3 = neg_items.astype(jnp.int32).reshape(NW, NPAIR, P2)
    bu16 = beta_uD.reshape(USER_NUM // L, L)
    bi16 = beta_iD.reshape(ITEM_NUM // L, L)

    norm = _norm_call(user_embeds, item_embeds)
    ps, ns, obu, obp, obn = _sc_score(u3, p3, n3, user_embeds, item_embeds, bu16, bi16)
    loss = _bce_call(
        ps.reshape(B, 1),
        ns.reshape(B, NEG),
        obu.reshape(B, 1),
        obp.reshape(B, 1),
        obn.reshape(B, NEG),
        weight.reshape(B, 1),
        norm,
    )
    return loss[0, 0]

# --- scband reference (transcript-rebuilt; emitter-appended) ---
"""Pipeline reference for scband-ultra-gcn-68049461838420 (READ-ONLY COPY).

The authoritative reference and input builder live on the scoring server;
editing this copy changes nothing except your own understanding.
"""

import jax, jax.numpy as jnp
import numpy as np

USER_NUM = 100000
ITEM_NUM = 100000
D = 128
B = 16384
NEG = 50
W1 = 1e-07
W2 = 1.0
W3 = 1e-07
W4 = 1.0
NEG_WEIGHT = 10.0
GAMMA = 0.0001
INIT_W = 0.0001


def setup_inputs(seed: int = 0) -> dict:
    key = jax.random.key(seed)
    ks = jax.random.split(key, 8)
    users = jax.random.randint(ks[0], (B,), 0, USER_NUM, dtype=jnp.int64) if jax.config.jax_enable_x64 else jax.random.randint(ks[0], (B,), 0, USER_NUM)
    pos_items = jax.random.randint(ks[1], (B,), 0, ITEM_NUM)
    neg_items = jax.random.randint(ks[2], (B, NEG), 0, ITEM_NUM)
    weight = jax.random.uniform(ks[3], (B,), dtype=jnp.float32)
    user_embeds = jax.random.normal(ks[4], (USER_NUM, D), dtype=jnp.float32) * INIT_W
    item_embeds = jax.random.normal(ks[5], (ITEM_NUM, D), dtype=jnp.float32) * INIT_W
    beta_uD = jax.random.uniform(ks[6], (USER_NUM,), dtype=jnp.float32)
    beta_iD = jax.random.uniform(ks[7], (ITEM_NUM,), dtype=jnp.float32)
    return {
        "users": users,
        "pos_items": pos_items,
        "neg_items": neg_items,
        "weight": weight,
        "user_embeds": user_embeds,
        "item_embeds": item_embeds,
        "beta_uD": beta_uD,
        "beta_iD": beta_iD,
    }


def _bce_with_logits(x, z, w):
    # PyTorch F.binary_cross_entropy_with_logits, reduction='none', with weight
    return w * (jnp.maximum(x, 0.0) - x * z + jnp.log1p(jnp.exp(-jnp.abs(x))))


def reference(users, pos_items, neg_items, weight, user_embeds, item_embeds, beta_uD, beta_iD):
    n_pos = users.shape[0]
    # get_omegas (w2 > 0 and w4 > 0 branches)
    pos_weight = W1 + W2 * (beta_uD[users] * beta_iD[pos_items])
    neg_weight = W3 + W4 * (jnp.repeat(beta_uD[users], NEG) * beta_iD[neg_items.reshape(-1)])
    omega_weight = jnp.concatenate([pos_weight, neg_weight])
    # cal_loss_L
    ue = user_embeds[users]                      # [B, D] gather
    pe = item_embeds[pos_items]                  # [B, D] gather
    ne = item_embeds[neg_items]                  # [B, NEG, D] gather
    pos_scores = jnp.sum(ue * pe, axis=-1)       # [B]
    neg_scores = jnp.sum(ue[:, None, :] * ne, axis=-1)  # [B, NEG]
    neg_loss = _bce_with_logits(neg_scores, jnp.zeros_like(neg_scores), omega_weight[n_pos:].reshape(neg_scores.shape)).mean(axis=-1)
    pos_loss = _bce_with_logits(pos_scores, jnp.ones_like(pos_scores), omega_weight[:n_pos])
    loss = jnp.sum(weight * (pos_loss + neg_loss * NEG_WEIGHT))
    # norm_loss over module parameters (the two embedding tables)
    norm = (jnp.sum(user_embeds ** 2) + jnp.sum(item_embeds ** 2)) / 2.0
    return loss + GAMMA * norm

if __name__ == "__main__":
    import jax
    _d = setup_inputs()
    print(jax.jit(kernel)(*tuple(_d.values())))

</pallas_src>

<mosaic_0001>
#map = affine_map<(d0, d1) -> (0, 0, 0)>
#map1 = affine_map<(d0, d1) -> (0, 0)>
#map2 = affine_map<(d0, d1) -> (0, 0, 0, 0)>
module attributes {stable_mosaic.version = 14 : i64} {
  func.func @_sc_body(%arg0: i32, %arg1: i32, %arg2: memref<32x4x128xi32, #tpu.memory_space<hbm>>, %arg3: memref<32x4x128xi32, #tpu.memory_space<hbm>>, %arg4: memref<32x256x100xi32, #tpu.memory_space<hbm>>, %arg5: memref<100000x128xf32, #tpu.memory_space<hbm>>, %arg6: memref<100000x128xf32, #tpu.memory_space<hbm>>, %arg7: memref<6250x16xf32, #tpu.memory_space<hbm>>, %arg8: memref<6250x16xf32, #tpu.memory_space<hbm>>, %arg9: memref<32x4x128xf32, #tpu.memory_space<hbm>>, %arg10: memref<32x4x128x50xf32, #tpu.memory_space<hbm>>, %arg11: memref<32x4x128xf32, #tpu.memory_space<hbm>>, %arg12: memref<32x4x128xf32, #tpu.memory_space<hbm>>, %arg13: memref<32x4x128x50xf32, #tpu.memory_space<hbm>>, %arg14: memref<4x128xi32, #tpu.memory_space<vmem>>, %arg15: memref<4x128xi32, #tpu.memory_space<vmem>>, %arg16: memref<256x100xi32, #tpu.memory_space<vmem>>, %arg17: memref<128x128xf32, #tpu.memory_space<vmem>>, %arg18: memref<128x128xf32, #tpu.memory_space<vmem>>, %arg19: memref<100x128xf32, #tpu.memory_space<vmem>>, %arg20: memref<100x128xf32, #tpu.memory_space<vmem>>, %arg21: memref<128xi32, #tpu.memory_space<vmem>>, %arg22: memref<100xi32, #tpu.memory_space<vmem>>, %arg23: memref<100xi32, #tpu.memory_space<vmem>>, %arg24: memref<128x16xf32, #tpu.memory_space<vmem>>, %arg25: memref<100x16xf32, #tpu.memory_space<vmem>>, %arg26: memref<100x16xf32, #tpu.memory_space<vmem>>, %arg27: memref<128xf32, #tpu.memory_space<vmem>>, %arg28: memref<128xf32, #tpu.memory_space<vmem>>, %arg29: memref<128x50xf32, #tpu.memory_space<vmem>>, %arg30: memref<128xf32, #tpu.memory_space<vmem>>, %arg31: memref<128x50xf32, #tpu.memory_space<vmem>>, %arg32: memref<!tpu.dma_semaphore, #tpu.memory_space<semaphore_mem>>, %arg33: memref<!tpu.dma_semaphore, #tpu.memory_space<semaphore_mem>>, %arg34: memref<!tpu.dma_semaphore, #tpu.memory_space<semaphore_mem>>, %arg35: memref<!tpu.dma_semaphore, #tpu.memory_space<semaphore_mem>>, %arg36: memref<!tpu.dma_semaphore, #tpu.memory_space<semaphore_mem>>, %arg37: memref<!tpu.dma_semaphore, #tpu.memory_space<semaphore_mem>>, %arg38: memref<!tpu.dma_semaphore, #tpu.memory_space<semaphore_mem>>) attributes {dimension_semantics = [#tpu.dimension_semantics<core_parallel>, #tpu.dimension_semantics<subcore_parallel>], iteration_bounds = array<i64: 2, 16>, scalar_prefetch = 0 : i64, scratch_operands = 25 : i64, tpu.core_type = #tpu.core_type<sc_vector_subcore>, window_params = [{transform_indices = #map}, {transform_indices = #map}, {transform_indices = #map}, {transform_indices = #map1}, {transform_indices = #map1}, {transform_indices = #map1}, {transform_indices = #map1}, {transform_indices = #map}, {transform_indices = #map2}, {transform_indices = #map}, {transform_indices = #map}, {transform_indices = #map2}]} {
    %mul3A = arith.constant 2 : i32
    %mul3A_0 = arith.muli %arg1, %mul3A : i32
    %add3A = arith.addi %mul3A_0, %arg0 : i32
    "tpu.region"() ({
      %run_scoped3A = tpu.sem_alloc : memref<!tpu.dma_semaphore, #tpu.memory_space<semaphore_mem>>
      %dma_start3A = arith.constant 0 : i32
      %dma_start3A_8 = arith.constant 0 : i32
      %dma_start3A_9 = tpu.memref_slice %arg2[%add3A, %dma_start3A, %dma_start3A_8] : memref<32x4x128xi32, #tpu.memory_space<hbm>> -> memref<1x4x128xi32, #tpu.memory_space<hbm>>
      %dma_start3A_10 = tpu.memref_squeeze %dma_start3A_9 : memref<1x4x128xi32, #tpu.memory_space<hbm>> -> memref<4x128xi32, #tpu.memory_space<hbm>>
      %dma_start3A_11 = arith.constant 0 : i32
      %dma_start3A_12 = arith.constant 0 : i32
      %dma_start3A_13 = tpu.memref_slice %arg2[%add3A, %dma_start3A_11, %dma_start3A_12] : memref<32x4x128xi32, #tpu.memory_space<hbm>> -> memref<1x4x128xi32, #tpu.memory_space<hbm>>
      %dma_start3A_14 = tpu.memref_squeeze %dma_start3A_13 : memref<1x4x128xi32, #tpu.memory_space<hbm>> -> memref<4x128xi32, #tpu.memory_space<hbm>>
      tpu.enqueue_dma source(%dma_start3A_14 : memref<4x128xi32, #tpu.memory_space<hbm>>) target(%arg14 : memref<4x128xi32, #tpu.memory_space<vmem>>) target_semaphore(%run_scoped3A : memref<!tpu.dma_semaphore, #tpu.memory_space<semaphore_mem>>)
      %dma_wait3A = arith.constant 0 : i32
      %dma_wait3A_15 = arith.constant 0 : i32
      %dma_wait3A_16 = tpu.memref_slice %arg2[%add3A, %dma_wait3A, %dma_wait3A_15] : memref<32x4x128xi32, #tpu.memory_space<hbm>> -> memref<1x4x128xi32, #tpu.memory_space<hbm>>
      %dma_wait3A_17 = tpu.memref_squeeze %dma_wait3A_16 : memref<1x4x128xi32, #tpu.memory_space<hbm>> -> memref<4x128xi32, #tpu.memory_space<hbm>>
      %dma_wait3A_18 = arith.constant 0 : i32
      %dma_wait3A_19 = arith.constant 0 : i32
      %dma_wait3A_20 = tpu.memref_slice %arg2[%add3A, %dma_wait3A_18, %dma_wait3A_19] : memref<32x4x128xi32, #tpu.memory_space<hbm>> -> memref<1x4x128xi32, #tpu.memory_space<hbm>>
      %dma_wait3A_21 = tpu.memref_squeeze %dma_wait3A_20 : memref<1x4x128xi32, #tpu.memory_space<hbm>> -> memref<4x128xi32, #tpu.memory_space<hbm>>
      tpu.wait_dma2 semaphore(%run_scoped3A : memref<!tpu.dma_semaphore, #tpu.memory_space<semaphore_mem>>) src(%dma_wait3A_21 : memref<4x128xi32, #tpu.memory_space<hbm>>) dst(%arg14 : memref<4x128xi32, #tpu.memory_space<vmem>>)
      tpu.yield
    }) : () -> ()
    "tpu.region"() ({
      %run_scoped3A = tpu.sem_alloc : memref<!tpu.dma_semaphore, #tpu.memory_space<semaphore_mem>>
      %dma_start3A = arith.constant 0 : i32
      %dma_start3A_8 = arith.constant 0 : i32
      %dma_start3A_9 = tpu.memref_slice %arg3[%add3A, %dma_start3A, %dma_start3A_8] : memref<32x4x128xi32, #tpu.memory_space<hbm>> -> memref<1x4x128xi32, #tpu.memory_space<hbm>>
      %dma_start3A_10 = tpu.memref_squeeze %dma_start3A_9 : memref<1x4x128xi32, #tpu.memory_space<hbm>> -> memref<4x128xi32, #tpu.memory_space<hbm>>
      %dma_start3A_11 = arith.constant 0 : i32
      %dma_start3A_12 = arith.constant 0 : i32
      %dma_start3A_13 = tpu.memref_slice %arg3[%add3A, %dma_start3A_11, %dma_start3A_12] : memref<32x4x128xi32, #tpu.memory_space<hbm>> -> memref<1x4x128xi32, #tpu.memory_space<hbm>>
      %dma_start3A_14 = tpu.memref_squeeze %dma_start3A_13 : memref<1x4x128xi32, #tpu.memory_space<hbm>> -> memref<4x128xi32, #tpu.memory_space<hbm>>
      tpu.enqueue_dma source(%dma_start3A_14 : memref<4x128xi32, #tpu.memory_space<hbm>>) target(%arg15 : memref<4x128xi32, #tpu.memory_space<vmem>>) target_semaphore(%run_scoped3A : memref<!tpu.dma_semaphore, #tpu.memory_space<semaphore_mem>>)
      %dma_wait3A = arith.constant 0 : i32
      %dma_wait3A_15 = arith.constant 0 : i32
      %dma_wait3A_16 = tpu.memref_slice %arg3[%add3A, %dma_wait3A, %dma_wait3A_15] : memref<32x4x128xi32, #tpu.memory_space<hbm>> -> memref<1x4x128xi32, #tpu.memory_space<hbm>>
      %dma_wait3A_17 = tpu.memref_squeeze %dma_wait3A_16 : memref<1x4x128xi32, #tpu.memory_space<hbm>> -> memref<4x128xi32, #tpu.memory_space<hbm>>
      %dma_wait3A_18 = arith.constant 0 : i32
      %dma_wait3A_19 = arith.constant 0 : i32
      %dma_wait3A_20 = tpu.memref_slice %arg3[%add3A, %dma_wait3A_18, %dma_wait3A_19] : memref<32x4x128xi32, #tpu.memory_space<hbm>> -> memref<1x4x128xi32, #tpu.memory_space<hbm>>
      %dma_wait3A_21 = tpu.memref_squeeze %dma_wait3A_20 : memref<1x4x128xi32, #tpu.memory_space<hbm>> -> memref<4x128xi32, #tpu.memory_space<hbm>>
      tpu.wait_dma2 semaphore(%run_scoped3A : memref<!tpu.dma_semaphore, #tpu.memory_space<semaphore_mem>>) src(%dma_wait3A_21 : memref<4x128xi32, #tpu.memory_space<hbm>>) dst(%arg15 : memref<4x128xi32, #tpu.memory_space<vmem>>)
      tpu.yield
    }) : () -> ()
    "tpu.region"() ({
      %run_scoped3A = tpu.sem_alloc : memref<!tpu.dma_semaphore, #tpu.memory_space<semaphore_mem>>
      %dma_start3A = arith.constant 0 : i32
      %dma_start3A_8 = arith.constant 0 : i32
      %dma_start3A_9 = tpu.memref_slice %arg4[%add3A, %dma_start3A, %dma_start3A_8] : memref<32x256x100xi32, #tpu.memory_space<hbm>> -> memref<1x256x100xi32, #tpu.memory_space<hbm>>
      %dma_start3A_10 = tpu.memref_squeeze %dma_start3A_9 : memref<1x256x100xi32, #tpu.memory_space<hbm>> -> memref<256x100xi32, #tpu.memory_space<hbm>>
      %dma_start3A_11 = arith.constant 0 : i32
      %dma_start3A_12 = arith.constant 0 : i32
      %dma_start3A_13 = tpu.memref_slice %arg4[%add3A, %dma_start3A_11, %dma_start3A_12] : memref<32x256x100xi32, #tpu.memory_space<hbm>> -> memref<1x256x100xi32, #tpu.memory_space<hbm>>
      %dma_start3A_14 = tpu.memref_squeeze %dma_start3A_13 : memref<1x256x100xi32, #tpu.memory_space<hbm>> -> memref<256x100xi32, #tpu.memory_space<hbm>>
      tpu.enqueue_dma source(%dma_start3A_14 : memref<256x100xi32, #tpu.memory_space<hbm>>) target(%arg16 : memref<256x100xi32, #tpu.memory_space<vmem>>) target_semaphore(%run_scoped3A : memref<!tpu.dma_semaphore, #tpu.memory_space<semaphore_mem>>)
      %dma_wait3A = arith.constant 0 : i32
      %dma_wait3A_15 = arith.constant 0 : i32
      %dma_wait3A_16 = tpu.memref_slice %arg4[%add3A, %dma_wait3A, %dma_wait3A_15] : memref<32x256x100xi32, #tpu.memory_space<hbm>> -> memref<1x256x100xi32, #tpu.memory_space<hbm>>
      %dma_wait3A_17 = tpu.memref_squeeze %dma_wait3A_16 : memref<1x256x100xi32, #tpu.memory_space<hbm>> -> memref<256x100xi32, #tpu.memory_space<hbm>>
      %dma_wait3A_18 = arith.constant 0 : i32
      %dma_wait3A_19 = arith.constant 0 : i32
      %dma_wait3A_20 = tpu.memref_slice %arg4[%add3A, %dma_wait3A_18, %dma_wait3A_19] : memref<32x256x100xi32, #tpu.memory_space<hbm>> -> memref<1x256x100xi32, #tpu.memory_space<hbm>>
      %dma_wait3A_21 = tpu.memref_squeeze %dma_wait3A_20 : memref<1x256x100xi32, #tpu.memory_space<hbm>> -> memref<256x100xi32, #tpu.memory_space<hbm>>
      tpu.wait_dma2 semaphore(%run_scoped3A : memref<!tpu.dma_semaphore, #tpu.memory_space<semaphore_mem>>) src(%dma_wait3A_21 : memref<256x100xi32, #tpu.memory_space<hbm>>) dst(%arg16 : memref<256x100xi32, #tpu.memory_space<vmem>>)
      tpu.yield
    }) : () -> ()
    %iota3A = tpu.iota {dimensions = array<i32: 0>} : vector<16xi32>
    %eq3A = arith.constant 15 : i32
    %eq3A_1 = vector.broadcast %eq3A : i32 to vector<16xi32>
    %eq3A_2 = arith.cmpi eq, %iota3A, %eq3A_1 : vector<16xi32>
    %scan3A = arith.constant 0 : i32
    %scan3A_3 = arith.constant 0 : i32
    %scan3A_4 = arith.constant 4 : i32
    %scan3A_5 = arith.addi %scan3A_3, %scan3A_4 : i32
    %scan3A_6 = arith.constant 1 : i32
    scf.for %scan3A_8 = %scan3A_3 to %scan3A_5 step %scan3A_6  : i32 {
      %dma_start3A = arith.constant 0 : i32
      %dma_start3A_9 = tpu.memref_slice %arg14[%scan3A_8, %dma_start3A] : memref<4x128xi32, #tpu.memory_space<vmem>> -> memref<1x128xi32, #tpu.memory_space<vmem>>
      %dma_start3A_10 = tpu.memref_squeeze %dma_start3A_9 : memref<1x128xi32, #tpu.memory_space<vmem>> -> memref<128xi32, #tpu.memory_space<vmem>>
      %dma_start3A_11 = arith.constant 0 : i32
      %dma_start3A_12 = arith.constant 0 : i32
      %dma_start3A_13 = tpu.memref_slice %arg5[%dma_start3A_11, %dma_start3A_12] : memref<100000x128xf32, #tpu.memory_space<hbm>> -> memref<100000x128xf32, #tpu.memory_space<hbm>>
      tpu.enqueue_indirect_dma source(%dma_start3A_13 : memref<100000x128xf32, #tpu.memory_space<hbm>>) target(%arg17 : memref<128x128xf32, #tpu.memory_space<vmem>>) offsets(%dma_start3A_10 : memref<128xi32, #tpu.memory_space<vmem>>) semaphore(%arg32 : memref<!tpu.dma_semaphore, #tpu.memory_space<semaphore_mem>>)
      %dma_start3A_14 = arith.constant 0 : i32
      %dma_start3A_15 = tpu.memref_slice %arg15[%scan3A_8, %dma_start3A_14] : memref<4x128xi32, #tpu.memory_space<vmem>> -> memref<1x128xi32, #tpu.memory_space<vmem>>
      %dma_start3A_16 = tpu.memref_squeeze %dma_start3A_15 : memref<1x128xi32, #tpu.memory_space<vmem>> -> memref<128xi32, #tpu.memory_space<vmem>>
      %dma_start3A_17 = arith.constant 0 : i32
      %dma_start3A_18 = arith.constant 0 : i32
      %dma_start3A_19 = tpu.memref_slice %arg6[%dma_start3A_17, %dma_start3A_18] : memref<100000x128xf32, #tpu.memory_space<hbm>> -> memref<100000x128xf32, #tpu.memory_space<hbm>>
      tpu.enqueue_indirect_dma source(%dma_start3A_19 : memref<100000x128xf32, #tpu.memory_space<hbm>>) target(%arg18 : memref<128x128xf32, #tpu.memory_space<vmem>>) offsets(%dma_start3A_16 : memref<128xi32, #tpu.memory_space<vmem>>) semaphore(%arg33 : memref<!tpu.dma_semaphore, #tpu.memory_space<semaphore_mem>>)
      %get3A = arith.index_cast %scan3A_8 : i32 to index
      %get3A_20 = arith.constant 0 : index
      %get3A_21 = tpu.vector_load %arg14[%get3A, %get3A_20] {strides = array<i32>} : memref<4x128xi32, #tpu.memory_space<vmem>>, vector<16xi32>,
      %shift_right_arithmetic3A = arith.constant 4 : i32
      %shift_right_arithmetic3A_22 = vector.broadcast %shift_right_arithmetic3A : i32 to vector<16xi32>
      %shift_right_arithmetic3A_23 = arith.shrsi %get3A_21, %shift_right_arithmetic3A_22 : vector<16xi32>
      %swap3A = arith.constant 0 : index
      %swap3A_24 = tpu.vector_load %arg21[%swap3A] {strides = array<i32>} : memref<128xi32, #tpu.memory_space<vmem>>, vector<16xi32>,
      tpu.vector_store %arg21[%swap3A], %shift_right_arithmetic3A_23 {strides = array<i32>} : memref<128xi32, #tpu.memory_space<vmem>>, vector<16xi32>,
      %get3A_25 = arith.index_cast %scan3A_8 : i32 to index
      %get3A_26 = arith.constant 16 : index
      %get3A_27 = tpu.vector_load %arg14[%get3A_25, %get3A_26] {strides = array<i32>} : memref<4x128xi32, #tpu.memory_space<vmem>>, vector<16xi32>,
      %shift_right_arithmetic3A_28 = arith.constant 4 : i32
      %shift_right_arithmetic3A_29 = vector.broadcast %shift_right_arithmetic3A_28 : i32 to vector<16xi32>
      %shift_right_arithmetic3A_30 = arith.shrsi %get3A_27, %shift_right_arithmetic3A_29 : vector<16xi32>
      %swap3A_31 = arith.constant 16 : index
      %swap3A_32 = tpu.vector_load %arg21[%swap3A_31] {strides = array<i32>} : memref<128xi32, #tpu.memory_space<vmem>>, vector<16xi32>,
      tpu.vector_store %arg21[%swap3A_31], %shift_right_arithmetic3A_30 {strides = array<i32>} : memref<128xi32, #tpu.memory_space<vmem>>, vector<16xi32>,
      %get3A_33 = arith.index_cast %scan3A_8 : i32 to index
      %get3A_34 = arith.constant 32 : index
      %get3A_35 = tpu.vector_load %arg14[%get3A_33, %get3A_34] {strides = array<i32>} : memref<4x128xi32, #tpu.memory_space<vmem>>, vector<16xi32>,
      %shift_right_arithmetic3A_36 = arith.constant 4 : i32
      %shift_right_arithmetic3A_37 = vector.broadcast %shift_right_arithmetic3A_36 : i32 to vector<16xi32>
      %shift_right_arithmetic3A_38 = arith.shrsi %get3A_35, %shift_right_arithmetic3A_37 : vector<16xi32>
      %swap3A_39 = arith.constant 32 : index
      %swap3A_40 = tpu.vector_load %arg21[%swap3A_39] {strides = array<i32>} : memref<128xi32, #tpu.memory_space<vmem>>, vector<16xi32>,
      tpu.vector_store %arg21[%swap3A_39], %shift_right_arithmetic3A_38 {strides = array<i32>} : memref<128xi32, #tpu.memory_space<vmem>>, vector<16xi32>,
      %get3A_41 = arith.index_cast %scan3A_8 : i32 to index
      %get3A_42 = arith.constant 48 : index
      %get3A_43 = tpu.vector_load %arg14[%get3A_41, %get3A_42] {strides = array<i32>} : memref<4x128xi32, #tpu.memory_space<vmem>>, vector<16xi32>,
      %shift_right_arithmetic3A_44 = arith.constant 4 : i32
      %shift_right_arithmetic3A_45 = vector.broadcast %shift_right_arithmetic3A_44 : i32 to vector<16xi32>
      %shift_right_arithmetic3A_46 = arith.shrsi %get3A_43, %shift_right_arithmetic3A_45 : vector<16xi32>
      %swap3A_47 = arith.constant 48 : index
      %swap3A_48 = tpu.vector_load %arg21[%swap3A_47] {strides = array<i32>} : memref<128xi32, #tpu.memory_space<vmem>>, vector<16xi32>,
      tpu.vector_store %arg21[%swap3A_47], %shift_right_arithmetic3A_46 {strides = array<i32>} : memref<128xi32, #tpu.memory_space<vmem>>, vector<16xi32>,
      %get3A_49 = arith.index_cast %scan3A_8 : i32 to index
      %get3A_50 = arith.constant 64 : index
      %get3A_51 = tpu.vector_load %arg14[%get3A_49, %get3A_50] {strides = array<i32>} : memref<4x128xi32, #tpu.memory_space<vmem>>, vector<16xi32>,
      %shift_right_arithmetic3A_52 = arith.constant 4 : i32
      %shift_right_arithmetic3A_53 = vector.broadcast %shift_right_arithmetic3A_52 : i32 to vector<16xi32>
      %shift_right_arithmetic3A_54 = arith.shrsi %get3A_51, %shift_right_arithmetic3A_53 : vector<16xi32>
      %swap3A_55 = arith.constant 64 : index
      %swap3A_56 = tpu.vector_load %arg21[%swap3A_55] {strides = array<i32>} : memref<128xi32, #tpu.memory_space<vmem>>, vector<16xi32>,
      tpu.vector_store %arg21[%swap3A_55], %shift_right_arithmetic3A_54 {strides = array<i32>} : memref<128xi32, #tpu.memory_space<vmem>>, vector<16xi32>,
      %get3A_57 = arith.index_cast %scan3A_8 : i32 to index
      %get3A_58 = arith.constant 80 : index
      %get3A_59 = tpu.vector_load %arg14[%get3A_57, %get3A_58] {strides = array<i32>} : memref<4x128xi32, #tpu.memory_space<vmem>>, vector<16xi32>,
      %shift_right_arithmetic3A_60 = arith.constant 4 : i32
      %shift_right_arithmetic3A_61 = vector.broadcast %shift_right_arithmetic3A_60 : i32 to vector<16xi32>
      %shift_right_arithmetic3A_62 = arith.shrsi %get3A_59, %shift_right_arithmetic3A_61 : vector<16xi32>
      %swap3A_63 = arith.constant 80 : index
      %swap3A_64 = tpu.vector_load %arg21[%swap3A_63] {strides = array<i32>} : memref<128xi32, #tpu.memory_space<vmem>>, vector<16xi32>,
      tpu.vector_store %arg21[%swap3A_63], %shift_right_arithmetic3A_62 {strides = array<i32>} : memref<128xi32, #tpu.memory_space<vmem>>, vector<16xi32>,
      %get3A_65 = arith.index_cast %scan3A_8 : i32 to index
      %get3A_66 = arith.constant 96 : index
      %get3A_67 = tpu.vector_load %arg14[%get3A_65, %get3A_66] {strides = array<i32>} : memref<4x128xi32, #tpu.memory_space<vmem>>, vector<16xi32>,
      %shift_right_arithmetic3A_68 = arith.constant 4 : i32
      %shift_right_arithmetic3A_69 = vector.broadcast %shift_right_arithmetic3A_68 : i32 to vector<16xi32>
      %shift_right_arithmetic3A_70 = arith.shrsi %get3A_67, %shift_right_arithmetic3A_69 : vector<16xi32>
      %swap3A_71 = arith.constant 96 : index
      %swap3A_72 = tpu.vector_load %arg21[%swap3A_71] {strides = array<i32>} : memref<128xi32, #tpu.memory_space<vmem>>, vector<16xi32>,
      tpu.vector_store %arg21[%swap3A_71], %shift_right_arithmetic3A_70 {strides = array<i32>} : memref<128xi32, #tpu.memory_space<vmem>>, vector<16xi32>,
      %get3A_73 = arith.index_cast %scan3A_8 : i32 to index
      %get3A_74 = arith.constant 112 : index
      %get3A_75 = tpu.vector_load %arg14[%get3A_73, %get3A_74] {strides = array<i32>} : memref<4x128xi32, #tpu.memory_space<vmem>>, vector<16xi32>,
      %shift_right_arithmetic3A_76 = arith.constant 4 : i32
      %shift_right_arithmetic3A_77 = vector.broadcast %shift_right_arithmetic3A_76 : i32 to vector<16xi32>
      %shift_right_arithmetic3A_78 = arith.shrsi %get3A_75, %shift_right_arithmetic3A_77 : vector<16xi32>
      %swap3A_79 = arith.constant 112 : index
      %swap3A_80 = tpu.vector_load %arg21[%swap3A_79] {strides = array<i32>} : memref<128xi32, #tpu.memory_space<vmem>>, vector<16xi32>,
      tpu.vector_store %arg21[%swap3A_79], %shift_right_arithmetic3A_78 {strides = array<i32>} : memref<128xi32, #tpu.memory_space<vmem>>, vector<16xi32>,
      %dma_start3A_81 = arith.constant 0 : i32
      %dma_start3A_82 = arith.constant 0 : i32
      %dma_start3A_83 = tpu.memref_slice %arg7[%dma_start3A_81, %dma_start3A_82] : memref<6250x16xf32, #tpu.memory_space<hbm>> -> memref<6250x16xf32, #tpu.memory_space<hbm>>
      tpu.enqueue_indirect_dma source(%dma_start3A_83 : memref<6250x16xf32, #tpu.memory_space<hbm>>) target(%arg24 : memref<128x16xf32, #tpu.memory_space<vmem>>) offsets(%arg21 : memref<128xi32, #tpu.memory_space<vmem>>) semaphore(%arg34 : memref<!tpu.dma_semaphore, #tpu.memory_space<semaphore_mem>>)
      %dma_wait3A = arith.constant 0 : i32
      %dma_wait3A_84 = arith.constant 0 : i32
      %dma_wait3A_85 = tpu.memref_slice %arg7[%dma_wait3A, %dma_wait3A_84] : memref<6250x16xf32, #tpu.memory_space<hbm>> -> memref<6250x16xf32, #tpu.memory_space<hbm>>
      tpu.wait_indirect_dma semaphore(%arg34 : memref<!tpu.dma_semaphore, #tpu.memory_space<semaphore_mem>>) src(%dma_wait3A_85 : memref<6250x16xf32, #tpu.memory_space<hbm>>) dst(%arg24 : memref<128x16xf32, #tpu.memory_space<vmem>>)
      %get3A_86 = arith.index_cast %scan3A_8 : i32 to index
      %get3A_87 = arith.constant 0 : index
      %get3A_88 = tpu.vector_load %arg14[%get3A_86, %get3A_87] {strides = array<i32>} : memref<4x128xi32, #tpu.memory_space<vmem>>, vector<16xi32>,
      %and3A = arith.constant 15 : i32
      %and3A_89 = vector.broadcast %and3A : i32 to vector<16xi32>
      %and3A_90 = arith.andi %get3A_88, %and3A_89 : vector<16xi32>
      %add3A_91 = arith.constant 0 : i32
      %add3A_92 = vector.broadcast %add3A_91 : i32 to vector<16xi32>
      %add3A_93 = arith.addi %iota3A, %add3A_92 : vector<16xi32>
      %gather3A = tpu.vector_load_idx %arg24[%add3A_93, %and3A_90] : memref<128x16xf32, #tpu.memory_space<vmem>>[vector<16xi32>, vector<16xi32>], vector<16xf32>,
      %swap3A_94 = arith.constant 0 : index
      %swap3A_95 = tpu.vector_load %arg27[%swap3A_94] {strides = array<i32>} : memref<128xf32, #tpu.memory_space<vmem>>, vector<16xf32>,
      tpu.vector_store %arg27[%swap3A_94], %gather3A {strides = array<i32>} : memref<128xf32, #tpu.memory_space<vmem>>, vector<16xf32>,
      %get3A_96 = arith.index_cast %scan3A_8 : i32 to index
      %get3A_97 = arith.constant 16 : index
      %get3A_98 = tpu.vector_load %arg14[%get3A_96, %get3A_97] {strides = array<i32>} : memref<4x128xi32, #tpu.memory_space<vmem>>, vector<16xi32>,
      %and3A_99 = arith.constant 15 : i32
      %and3A_100 = vector.broadcast %and3A_99 : i32 to vector<16xi32>
      %and3A_101 = arith.andi %get3A_98, %and3A_100 : vector<16xi32>
      %add3A_102 = arith.constant 16 : i32
      %add3A_103 = vector.broadcast %add3A_102 : i32 to vector<16xi32>
      %add3A_104 = arith.addi %iota3A, %add3A_103 : vector<16xi32>
      %gather3A_105 = tpu.vector_load_idx %arg24[%add3A_104, %and3A_101] : memref<128x16xf32, #tpu.memory_space<vmem>>[vector<16xi32>, vector<16xi32>], vector<16xf32>,
      %swap3A_106 = arith.constant 16 : index
      %swap3A_107 = tpu.vector_load %arg27[%swap3A_106] {strides = array<i32>} : memref<128xf32, #tpu.memory_space<vmem>>, vector<16xf32>,
      tpu.vector_store %arg27[%swap3A_106], %gather3A_105 {strides = array<i32>} : memref<128xf32, #tpu.memory_space<vmem>>, vector<16xf32>,
      %get3A_108 = arith.index_cast %scan3A_8 : i32 to index
      %get3A_109 = arith.constant 32 : index
      %get3A_110 = tpu.vector_load %arg14[%get3A_108, %get3A_109] {strides = array<i32>} : memref<4x128xi32, #tpu.memory_space<vmem>>, vector<16xi32>,
      %and3A_111 = arith.constant 15 : i32
      %and3A_112 = vector.broadcast %and3A_111 : i32 to vector<16xi32>
      %and3A_113 = arith.andi %get3A_110, %and3A_112 : vector<16xi32>
      %add3A_114 = arith.constant 32 : i32
      %add3A_115 = vector.broadcast %add3A_114 : i32 to vector<16xi32>
      %add3A_116 = arith.addi %iota3A, %add3A_115 : vector<16xi32>
      %gather3A_117 = tpu.vector_load_idx %arg24[%add3A_116, %and3A_113] : memref<128x16xf32, #tpu.memory_space<vmem>>[vector<16xi32>, vector<16xi32>], vector<16xf32>,
      %swap3A_118 = arith.constant 32 : index
      %swap3A_119 = tpu.vector_load %arg27[%swap3A_118] {strides = array<i32>} : memref<128xf32, #tpu.memory_space<vmem>>, vector<16xf32>,
      tpu.vector_store %arg27[%swap3A_118], %gather3A_117 {strides = array<i32>} : memref<128xf32, #tpu.memory_space<vmem>>, vector<16xf32>,
      %get3A_120 = arith.index_cast %scan3A_8 : i32 to index
      %get3A_121 = arith.constant 48 : index
      %get3A_122 = tpu.vector_load %arg14[%get3A_120, %get3A_121] {strides = array<i32>} : memref<4x128xi32, #tpu.memory_space<vmem>>, vector<16xi32>,
      %and3A_123 = arith.constant 15 : i32
      %and3A_124 = vector.broadcast %and3A_123 : i32 to vector<16xi32>
      %and3A_125 = arith.andi %get3A_122, %and3A_124 : vector<16xi32>
      %add3A_126 = arith.constant 48 : i32
      %add3A_127 = vector.broadcast %add3A_126 : i32 to vector<16xi32>
      %add3A_128 = arith.addi %iota3A, %add3A_127 : vector<16xi32>
      %gather3A_129 = tpu.vector_load_idx %arg24[%add3A_128, %and3A_125] : memref<128x16xf32, #tpu.memory_space<vmem>>[vector<16xi32>, vector<16xi32>], vector<16xf32>,
      %swap3A_130 = arith.constant 48 : index
      %swap3A_131 = tpu.vector_load %arg27[%swap3A_130] {strides = array<i32>} : memref<128xf32, #tpu.memory_space<vmem>>, vector<16xf32>,
      tpu.vector_store %arg27[%swap3A_130], %gather3A_129 {strides = array<i32>} : memref<128xf32, #tpu.memory_space<vmem>>, vector<16xf32>,
      %get3A_132 = arith.index_cast %scan3A_8 : i32 to index
      %get3A_133 = arith.constant 64 : index
      %get3A_134 = tpu.vector_load %arg14[%get3A_132, %get3A_133] {strides = array<i32>} : memref<4x128xi32, #tpu.memory_space<vmem>>, vector<16xi32>,
      %and3A_135 = arith.constant 15 : i32
      %and3A_136 = vector.broadcast %and3A_135 : i32 to vector<16xi32>
      %and3A_137 = arith.andi %get3A_134, %and3A_136 : vector<16xi32>
      %add3A_138 = arith.constant 64 : i32
      %add3A_139 = vector.broadcast %add3A_138 : i32 to vector<16xi32>
      %add3A_140 = arith.addi %iota3A, %add3A_139 : vector<16xi32>
      %gather3A_141 = tpu.vector_load_idx %arg24[%add3A_140, %and3A_137] : memref<128x16xf32, #tpu.memory_space<vmem>>[vector<16xi32>, vector<16xi32>], vector<16xf32>,
      %swap3A_142 = arith.constant 64 : index
      %swap3A_143 = tpu.vector_load %arg27[%swap3A_142] {strides = array<i32>} : memref<128xf32, #tpu.memory_space<vmem>>, vector<16xf32>,
      tpu.vector_store %arg27[%swap3A_142], %gather3A_141 {strides = array<i32>} : memref<128xf32, #tpu.memory_space<vmem>>, vector<16xf32>,
      %get3A_144 = arith.index_cast %scan3A_8 : i32 to index
      %get3A_145 = arith.constant 80 : index
      %get3A_146 = tpu.vector_load %arg14[%get3A_144, %get3A_145] {strides = array<i32>} : memref<4x128xi32, #tpu.memory_space<vmem>>, vector<16xi32>,
      %and3A_147 = arith.constant 15 : i32
      %and3A_148 = vector.broadcast %and3A_147 : i32 to vector<16xi32>
      %and3A_149 = arith.andi %get3A_146, %and3A_148 : vector<16xi32>
      %add3A_150 = arith.constant 80 : i32
      %add3A_151 = vector.broadcast %add3A_150 : i32 to vector<16xi32>
      %add3A_152 = arith.addi %iota3A, %add3A_151 : vector<16xi32>
      %gather3A_153 = tpu.vector_load_idx %arg24[%add3A_152, %and3A_149] : memref<128x16xf32, #tpu.memory_space<vmem>>[vector<16xi32>, vector<16xi32>], vector<16xf32>,
      %swap3A_154 = arith.constant 80 : index
      %swap3A_155 = tpu.vector_load %arg27[%swap3A_154] {strides = array<i32>} : memref<128xf32, #tpu.memory_space<vmem>>, vector<16xf32>,
      tpu.vector_store %arg27[%swap3A_154], %gather3A_153 {strides = array<i32>} : memref<128xf32, #tpu.memory_space<vmem>>, vector<16xf32>,
      %get3A_156 = arith.index_cast %scan3A_8 : i32 to index
      %get3A_157 = arith.constant 96 : index
      %get3A_158 = tpu.vector_load %arg14[%get3A_156, %get3A_157] {strides = array<i32>} : memref<4x128xi32, #tpu.memory_space<vmem>>, vector<16xi32>,
      %and3A_159 = arith.constant 15 : i32
      %and3A_160 = vector.broadcast %and3A_159 : i32 to vector<16xi32>
      %and3A_161 = arith.andi %get3A_158, %and3A_160 : vector<16xi32>
      %add3A_162 = arith.constant 96 : i32
      %add3A_163 = vector.broadcast %add3A_162 : i32 to vector<16xi32>
      %add3A_164 = arith.addi %iota3A, %add3A_163 : vector<16xi32>
      %gather3A_165 = tpu.vector_load_idx %arg24[%add3A_164, %and3A_161] : memref<128x16xf32, #tpu.memory_space<vmem>>[vector<16xi32>, vector<16xi32>], vector<16xf32>,
      %swap3A_166 = arith.constant 96 : index
      %swap3A_167 = tpu.vector_load %arg27[%swap3A_166] {strides = array<i32>} : memref<128xf32, #tpu.memory_space<vmem>>, vector<16xf32>,
      tpu.vector_store %arg27[%swap3A_166], %gather3A_165 {strides = array<i32>} : memref<128xf32, #tpu.memory_space<vmem>>, vector<16xf32>,
      %get3A_168 = arith.index_cast %scan3A_8 : i32 to index
      %get3A_169 = arith.constant 112 : index
      %get3A_170 = tpu.vector_load %arg14[%get3A_168, %get3A_169] {strides = array<i32>} : memref<4x128xi32, #tpu.memory_space<vmem>>, vector<16xi32>,
      %and3A_171 = arith.constant 15 : i32
      %and3A_172 = vector.broadcast %and3A_171 : i32 to vector<16xi32>
      %and3A_173 = arith.andi %get3A_170, %and3A_172 : vector<16xi32>
      %add3A_174 = arith.constant 112 : i32
      %add3A_175 = vector.broadcast %add3A_174 : i32 to vector<16xi32>
      %add3A_176 = arith.addi %iota3A, %add3A_175 : vector<16xi32>
      %gather3A_177 = tpu.vector_load_idx %arg24[%add3A_176, %and3A_173] : memref<128x16xf32, #tpu.memory_space<vmem>>[vector<16xi32>, vector<16xi32>], vector<16xf32>,
      %swap3A_178 = arith.constant 112 : index
      %swap3A_179 = tpu.vector_load %arg27[%swap3A_178] {strides = array<i32>} : memref<128xf32, #tpu.memory_space<vmem>>, vector<16xf32>,
      tpu.vector_store %arg27[%swap3A_178], %gather3A_177 {strides = array<i32>} : memref<128xf32, #tpu.memory_space<vmem>>, vector<16xf32>,
      %get3A_180 = arith.index_cast %scan3A_8 : i32 to index
      %get3A_181 = arith.constant 0 : index
      %get3A_182 = tpu.vector_load %arg15[%get3A_180, %get3A_181] {strides = array<i32>} : memref<4x128xi32, #tpu.memory_space<vmem>>, vector<16xi32>,
      %shift_right_arithmetic3A_183 = arith.constant 4 : i32
      %shift_right_arithmetic3A_184 = vector.broadcast %shift_right_arithmetic3A_183 : i32 to vector<16xi32>
      %shift_right_arithmetic3A_185 = arith.shrsi %get3A_182, %shift_right_arithmetic3A_184 : vector<16xi32>
      %swap3A_186 = arith.constant 0 : index
      %swap3A_187 = tpu.vector_load %arg21[%swap3A_186] {strides = array<i32>} : memref<128xi32, #tpu.memory_space<vmem>>, vector<16xi32>,
      tpu.vector_store %arg21[%swap3A_186], %shift_right_arithmetic3A_185 {strides = array<i32>} : memref<128xi32, #tpu.memory_space<vmem>>, vector<16xi32>,
      %get3A_188 = arith.index_cast %scan3A_8 : i32 to index
      %get3A_189 = arith.constant 16 : index
      %get3A_190 = tpu.vector_load %arg15[%get3A_188, %get3A_189] {strides = array<i32>} : memref<4x128xi32, #tpu.memory_space<vmem>>, vector<16xi32>,
      %shift_right_arithmetic3A_191 = arith.constant 4 : i32
      %shift_right_arithmetic3A_192 = vector.broadcast %shift_right_arithmetic3A_191 : i32 to vector<16xi32>
      %shift_right_arithmetic3A_193 = arith.shrsi %get3A_190, %shift_right_arithmetic3A_192 : vector<16xi32>
      %swap3A_194 = arith.constant 16 : index
      %swap3A_195 = tpu.vector_load %arg21[%swap3A_194] {strides = array<i32>} : memref<128xi32, #tpu.memory_space<vmem>>, vector<16xi32>,
      tpu.vector_store %arg21[%swap3A_194], %shift_right_arithmetic3A_193 {strides = array<i32>} : memref<128xi32, #tpu.memory_space<vmem>>, vector<16xi32>,
      %get3A_196 = arith.index_cast %scan3A_8 : i32 to index
      %get3A_197 = arith.constant 32 : index
      %get3A_198 = tpu.vector_load %arg15[%get3A_196, %get3A_197] {strides = array<i32>} : memref<4x128xi32, #tpu.memory_space<vmem>>, vector<16xi32>,
      %shift_right_arithmetic3A_199 = arith.constant 4 : i32
      %shift_right_arithmetic3A_200 = vector.broadcast %shift_right_arithmetic3A_199 : i32 to vector<16xi32>
      %shift_right_arithmetic3A_201 = arith.shrsi %get3A_198, %shift_right_arithmetic3A_200 : vector<16xi32>
      %swap3A_202 = arith.constant 32 : index
      %swap3A_203 = tpu.vector_load %arg21[%swap3A_202] {strides = array<i32>} : memref<128xi32, #tpu.memory_space<vmem>>, vector<16xi32>,
      tpu.vector_store %arg21[%swap3A_202], %shift_right_arithmetic3A_201 {strides = array<i32>} : memref<128xi32, #tpu.memory_space<vmem>>, vector<16xi32>,
      %get3A_204 = arith.index_cast %scan3A_8 : i32 to index
      %get3A_205 = arith.constant 48 : index
      %get3A_206 = tpu.vector_load %arg15[%get3A_204, %get3A_205] {strides = array<i32>} : memref<4x128xi32, #tpu.memory_space<vmem>>, vector<16xi32>,
      %shift_right_arithmetic3A_207 = arith.constant 4 : i32
      %shift_right_arithmetic3A_208 = vector.broadcast %shift_right_arithmetic3A_207 : i32 to vector<16xi32>
      %shift_right_arithmetic3A_209 = arith.shrsi %get3A_206, %shift_right_arithmetic3A_208 : vector<16xi32>
      %swap3A_210 = arith.constant 48 : index
      %swap3A_211 = tpu.vector_load %arg21[%swap3A_210] {strides = array<i32>} : memref<128xi32, #tpu.memory_space<vmem>>, vector<16xi32>,
      tpu.vector_store %arg21[%swap3A_210], %shift_right_arithmetic3A_209 {strides = array<i32>} : memref<128xi32, #tpu.memory_space<vmem>>, vector<16xi32>,
      %get3A_212 = arith.index_cast %scan3A_8 : i32 to index
      %get3A_213 = arith.constant 64 : index
      %get3A_214 = tpu.vector_load %arg15[%get3A_212, %get3A_213] {strides = array<i32>} : memref<4x128xi32, #tpu.memory_space<vmem>>, vector<16xi32>,
      %shift_right_arithmetic3A_215 = arith.constant 4 : i32
      %shift_right_arithmetic3A_216 = vector.broadcast %shift_right_arithmetic3A_215 : i32 to vector<16xi32>
      %shift_right_arithmetic3A_217 = arith.shrsi %get3A_214, %shift_right_arithmetic3A_216 : vector<16xi32>
      %swap3A_218 = arith.constant 64 : index
      %swap3A_219 = tpu.vector_load %arg21[%swap3A_218] {strides = array<i32>} : memref<128xi32, #tpu.memory_space<vmem>>, vector<16xi32>,
      tpu.vector_store %arg21[%swap3A_218], %shift_right_arithmetic3A_217 {strides = array<i32>} : memref<128xi32, #tpu.memory_space<vmem>>, vector<16xi32>,
      %get3A_220 = arith.index_cast %scan3A_8 : i32 to index
      %get3A_221 = arith.constant 80 : index
      %get3A_222 = tpu.vector_load %arg15[%get3A_220, %get3A_221] {strides = array<i32>} : memref<4x128xi32, #tpu.memory_space<vmem>>, vector<16xi32>,
      %shift_right_arithmetic3A_223 = arith.constant 4 : i32
      %shift_right_arithmetic3A_224 = vector.broadcast %shift_right_arithmetic3A_223 : i32 to vector<16xi32>
      %shift_right_arithmetic3A_225 = arith.shrsi %get3A_222, %shift_right_arithmetic3A_224 : vector<16xi32>
      %swap3A_226 = arith.constant 80 : index
      %swap3A_227 = tpu.vector_load %arg21[%swap3A_226] {strides = array<i32>} : memref<128xi32, #tpu.memory_space<vmem>>, vector<16xi32>,
      tpu.vector_store %arg21[%swap3A_226], %shift_right_arithmetic3A_225 {strides = array<i32>} : memref<128xi32, #tpu.memory_space<vmem>>, vector<16xi32>,
      %get3A_228 = arith.index_cast %scan3A_8 : i32 to index
      %get3A_229 = arith.constant 96 : index
      %get3A_230 = tpu.vector_load %arg15[%get3A_228, %get3A_229] {strides = array<i32>} : memref<4x128xi32, #tpu.memory_space<vmem>>, vector<16xi32>,
      %shift_right_arithmetic3A_231 = arith.constant 4 : i32
      %shift_right_arithmetic3A_232 = vector.broadcast %shift_right_arithmetic3A_231 : i32 to vector<16xi32>
      %shift_right_arithmetic3A_233 = arith.shrsi %get3A_230, %shift_right_arithmetic3A_232 : vector<16xi32>
      %swap3A_234 = arith.constant 96 : index
      %swap3A_235 = tpu.vector_load %arg21[%swap3A_234] {strides = array<i32>} : memref<128xi32, #tpu.memory_space<vmem>>, vector<16xi32>,
      tpu.vector_store %arg21[%swap3A_234], %shift_right_arithmetic3A_233 {strides = array<i32>} : memref<128xi32, #tpu.memory_space<vmem>>, vector<16xi32>,
      %get3A_236 = arith.index_cast %scan3A_8 : i32 to index
      %get3A_237 = arith.constant 112 : index
      %get3A_238 = tpu.vector_load %arg15[%get3A_236, %get3A_237] {strides = array<i32>} : memref<4x128xi32, #tpu.memory_space<vmem>>, vector<16xi32>,
      %shift_right_arithmetic3A_239 = arith.constant 4 : i32
      %shift_right_arithmetic3A_240 = vector.broadcast %shift_right_arithmetic3A_239 : i32 to vector<16xi32>
      %shift_right_arithmetic3A_241 = arith.shrsi %get3A_238, %shift_right_arithmetic3A_240 : vector<16xi32>
      %swap3A_242 = arith.constant 112 : index
      %swap3A_243 = tpu.vector_load %arg21[%swap3A_242] {strides = array<i32>} : memref<128xi32, #tpu.memory_space<vmem>>, vector<16xi32>,
      tpu.vector_store %arg21[%swap3A_242], %shift_right_arithmetic3A_241 {strides = array<i32>} : memref<128xi32, #tpu.memory_space<vmem>>, vector<16xi32>,
      %dma_start3A_244 = arith.constant 0 : i32
      %dma_start3A_245 = arith.constant 0 : i32
      %dma_start3A_246 = tpu.memref_slice %arg8[%dma_start3A_244, %dma_start3A_245] : memref<6250x16xf32, #tpu.memory_space<hbm>> -> memref<6250x16xf32, #tpu.memory_space<hbm>>
      tpu.enqueue_indirect_dma source(%dma_start3A_246 : memref<6250x16xf32, #tpu.memory_space<hbm>>) target(%arg24 : memref<128x16xf32, #tpu.memory_space<vmem>>) offsets(%arg21 : memref<128xi32, #tpu.memory_space<vmem>>) semaphore(%arg34 : memref<!tpu.dma_semaphore, #tpu.memory_space<semaphore_mem>>)
      %dma_wait3A_247 = arith.constant 0 : i32
      %dma_wait3A_248 = arith.constant 0 : i32
      %dma_wait3A_249 = tpu.memref_slice %arg8[%dma_wait3A_247, %dma_wait3A_248] : memref<6250x16xf32, #tpu.memory_space<hbm>> -> memref<6250x16xf32, #tpu.memory_space<hbm>>
      tpu.wait_indirect_dma semaphore(%arg34 : memref<!tpu.dma_semaphore, #tpu.memory_space<semaphore_mem>>) src(%dma_wait3A_249 : memref<6250x16xf32, #tpu.memory_space<hbm>>) dst(%arg24 : memref<128x16xf32, #tpu.memory_space<vmem>>)
      %get3A_250 = arith.index_cast %scan3A_8 : i32 to index
      %get3A_251 = arith.constant 0 : index
      %get3A_252 = tpu.vector_load %arg15[%get3A_250, %get3A_251] {strides = array<i32>} : memref<4x128xi32, #tpu.memory_space<vmem>>, vector<16xi32>,
      %and3A_253 = arith.constant 15 : i32
      %and3A_254 = vector.broadcast %and3A_253 : i32 to vector<16xi32>
      %and3A_255 = arith.andi %get3A_252, %and3A_254 : vector<16xi32>
      %add3A_256 = arith.constant 0 : i32
      %add3A_257 = vector.broadcast %add3A_256 : i32 to vector<16xi32>
      %add3A_258 = arith.addi %iota3A, %add3A_257 : vector<16xi32>
      %gather3A_259 = tpu.vector_load_idx %arg24[%add3A_258, %and3A_255] : memref<128x16xf32, #tpu.memory_space<vmem>>[vector<16xi32>, vector<16xi32>], vector<16xf32>,
      %swap3A_260 = arith.constant 0 : index
      %swap3A_261 = tpu.vector_load %arg28[%swap3A_260] {strides = array<i32>} : memref<128xf32, #tpu.memory_space<vmem>>, vector<16xf32>,
      tpu.vector_store %arg28[%swap3A_260], %gather3A_259 {strides = array<i32>} : memref<128xf32, #tpu.memory_space<vmem>>, vector<16xf32>,
      %get3A_262 = arith.index_cast %scan3A_8 : i32 to index
      %get3A_263 = arith.constant 16 : index
      %get3A_264 = tpu.vector_load %arg15[%get3A_262, %get3A_263] {strides = array<i32>} : memref<4x128xi32, #tpu.memory_space<vmem>>, vector<16xi32>,
      %and3A_265 = arith.constant 15 : i32
      %and3A_266 = vector.broadcast %and3A_265 : i32 to vector<16xi32>
      %and3A_267 = arith.andi %get3A_264, %and3A_266 : vector<16xi32>
      %add3A_268 = arith.constant 16 : i32
      %add3A_269 = vector.broadcast %add3A_268 : i32 to vector<16xi32>
      %add3A_270 = arith.addi %iota3A, %add3A_269 : vector<16xi32>
      %gather3A_271 = tpu.vector_load_idx %arg24[%add3A_270, %and3A_267] : memref<128x16xf32, #tpu.memory_space<vmem>>[vector<16xi32>, vector<16xi32>], vector<16xf32>,
      %swap3A_272 = arith.constant 16 : index
      %swap3A_273 = tpu.vector_load %arg28[%swap3A_272] {strides = array<i32>} : memref<128xf32, #tpu.memory_space<vmem>>, vector<16xf32>,
      tpu.vector_store %arg28[%swap3A_272], %gather3A_271 {strides = array<i32>} : memref<128xf32, #tpu.memory_space<vmem>>, vector<16xf32>,
      %get3A_274 = arith.index_cast %scan3A_8 : i32 to index
      %get3A_275 = arith.constant 32 : index
      %get3A_276 = tpu.vector_load %arg15[%get3A_274, %get3A_275] {strides = array<i32>} : memref<4x128xi32, #tpu.memory_space<vmem>>, vector<16xi32>,
      %and3A_277 = arith.constant 15 : i32
      %and3A_278 = vector.broadcast %and3A_277 : i32 to vector<16xi32>
      %and3A_279 = arith.andi %get3A_276, %and3A_278 : vector<16xi32>
      %add3A_280 = arith.constant 32 : i32
      %add3A_281 = vector.broadcast %add3A_280 : i32 to vector<16xi32>
      %add3A_282 = arith.addi %iota3A, %add3A_281 : vector<16xi32>
      %gather3A_283 = tpu.vector_load_idx %arg24[%add3A_282, %and3A_279] : memref<128x16xf32, #tpu.memory_space<vmem>>[vector<16xi32>, vector<16xi32>], vector<16xf32>,
      %swap3A_284 = arith.constant 32 : index
      %swap3A_285 = tpu.vector_load %arg28[%swap3A_284] {strides = array<i32>} : memref<128xf32, #tpu.memory_space<vmem>>, vector<16xf32>,
      tpu.vector_store %arg28[%swap3A_284], %gather3A_283 {strides = array<i32>} : memref<128xf32, #tpu.memory_space<vmem>>, vector<16xf32>,
      %get3A_286 = arith.index_cast %scan3A_8 : i32 to index
      %get3A_287 = arith.constant 48 : index
      %get3A_288 = tpu.vector_load %arg15[%get3A_286, %get3A_287] {strides = array<i32>} : memref<4x128xi32, #tpu.memory_space<vmem>>, vector<16xi32>,
      %and3A_289 = arith.constant 15 : i32
      %and3A_290 = vector.broadcast %and3A_289 : i32 to vector<16xi32>
      %and3A_291 = arith.andi %get3A_288, %and3A_290 : vector<16xi32>
      %add3A_292 = arith.constant 48 : i32
      %add3A_293 = vector.broadcast %add3A_292 : i32 to vector<16xi32>
      %add3A_294 = arith.addi %iota3A, %add3A_293 : vector<16xi32>
      %gather3A_295 = tpu.vector_load_idx %arg24[%add3A_294, %and3A_291] : memref<128x16xf32, #tpu.memory_space<vmem>>[vector<16xi32>, vector<16xi32>], vector<16xf32>,
      %swap3A_296 = arith.constant 48 : index
      %swap3A_297 = tpu.vector_load %arg28[%swap3A_296] {strides = array<i32>} : memref<128xf32, #tpu.memory_space<vmem>>, vector<16xf32>,
      tpu.vector_store %arg28[%swap3A_296], %gather3A_295 {strides = array<i32>} : memref<128xf32, #tpu.memory_space<vmem>>, vector<16xf32>,
      %get3A_298 = arith.index_cast %scan3A_8 : i32 to index
      %get3A_299 = arith.constant 64 : index
      %get3A_300 = tpu.vector_load %arg15[%get3A_298, %get3A_299] {strides = array<i32>} : memref<4x128xi32, #tpu.memory_space<vmem>>, vector<16xi32>,
      %and3A_301 = arith.constant 15 : i32
      %and3A_302 = vector.broadcast %and3A_301 : i32 to vector<16xi32>
      %and3A_303 = arith.andi %get3A_300, %and3A_302 : vector<16xi32>
      %add3A_304 = arith.constant 64 : i32
      %add3A_305 = vector.broadcast %add3A_304 : i32 to vector<16xi32>
      %add3A_306 = arith.addi %iota3A, %add3A_305 : vector<16xi32>
      %gather3A_307 = tpu.vector_load_idx %arg24[%add3A_306, %and3A_303] : memref<128x16xf32, #tpu.memory_space<vmem>>[vector<16xi32>, vector<16xi32>], vector<16xf32>,
      %swap3A_308 = arith.constant 64 : index
      %swap3A_309 = tpu.vector_load %arg28[%swap3A_308] {strides = array<i32>} : memref<128xf32, #tpu.memory_space<vmem>>, vector<16xf32>,
      tpu.vector_store %arg28[%swap3A_308], %gather3A_307 {strides = array<i32>} : memref<128xf32, #tpu.memory_space<vmem>>, vector<16xf32>,
      %get3A_310 = arith.index_cast %scan3A_8 : i32 to index
      %get3A_311 = arith.constant 80 : index
      %get3A_312 = tpu.vector_load %arg15[%get3A_310, %get3A_311] {strides = array<i32>} : memref<4x128xi32, #tpu.memory_space<vmem>>, vector<16xi32>,
      %and3A_313 = arith.constant 15 : i32
      %and3A_314 = vector.broadcast %and3A_313 : i32 to vector<16xi32>
      %and3A_315 = arith.andi %get3A_312, %and3A_314 : vector<16xi32>
      %add3A_316 = arith.constant 80 : i32
      %add3A_317 = vector.broadcast %add3A_316 : i32 to vector<16xi32>
      %add3A_318 = arith.addi %iota3A, %add3A_317 : vector<16xi32>
      %gather3A_319 = tpu.vector_load_idx %arg24[%add3A_318, %and3A_315] : memref<128x16xf32, #tpu.memory_space<vmem>>[vector<16xi32>, vector<16xi32>], vector<16xf32>,
      %swap3A_320 = arith.constant 80 : index
      %swap3A_321 = tpu.vector_load %arg28[%swap3A_320] {strides = array<i32>} : memref<128xf32, #tpu.memory_space<vmem>>, vector<16xf32>,
      tpu.vector_store %arg28[%swap3A_320], %gather3A_319 {strides = array<i32>} : memref<128xf32, #tpu.memory_space<vmem>>, vector<16xf32>,
      %get3A_322 = arith.index_cast %scan3A_8 : i32 to index
      %get3A_323 = arith.constant 96 : index
      %get3A_324 = tpu.vector_load %arg15[%get3A_322, %get3A_323] {strides = array<i32>} : memref<4x128xi32, #tpu.memory_space<vmem>>, vector<16xi32>,
      %and3A_325 = arith.constant 15 : i32
      %and3A_326 = vector.broadcast %and3A_325 : i32 to vector<16xi32>
      %and3A_327 = arith.andi %get3A_324, %and3A_326 : vector<16xi32>
      %add3A_328 = arith.constant 96 : i32
      %add3A_329 = vector.broadcast %add3A_328 : i32 to vector<16xi32>
      %add3A_330 = arith.addi %iota3A, %add3A_329 : vector<16xi32>
      %gather3A_331 = tpu.vector_load_idx %arg24[%add3A_330, %and3A_327] : memref<128x16xf32, #tpu.memory_space<vmem>>[vector<16xi32>, vector<16xi32>], vector<16xf32>,
      %swap3A_332 = arith.constant 96 : index
      %swap3A_333 = tpu.vector_load %arg28[%swap3A_332] {strides = array<i32>} : memref<128xf32, #tpu.memory_space<vmem>>, vector<16xf32>,
      tpu.vector_store %arg28[%swap3A_332], %gather3A_331 {strides = array<i32>} : memref<128xf32, #tpu.memory_space<vmem>>, vector<16xf32>,
      %get3A_334 = arith.index_cast %scan3A_8 : i32 to index
      %get3A_335 = arith.constant 112 : index
      %get3A_336 = tpu.vector_load %arg15[%get3A_334, %get3A_335] {strides = array<i32>} : memref<4x128xi32, #tpu.memory_space<vmem>>, vector<16xi32>,
      %and3A_337 = arith.constant 15 : i32
      %and3A_338 = vector.broadcast %and3A_337 : i32 to vector<16xi32>
      %and3A_339 = arith.andi %get3A_336, %and3A_338 : vector<16xi32>
      %add3A_340 = arith.constant 112 : i32
      %add3A_341 = vector.broadcast %add3A_340 : i32 to vector<16xi32>
      %add3A_342 = arith.addi %iota3A, %add3A_341 : vector<16xi32>
      %gather3A_343 = tpu.vector_load_idx %arg24[%add3A_342, %and3A_339] : memref<128x16xf32, #tpu.memory_space<vmem>>[vector<16xi32>, vector<16xi32>], vector<16xf32>,
      %swap3A_344 = arith.constant 112 : index
      %swap3A_345 = tpu.vector_load %arg28[%swap3A_344] {strides = array<i32>} : memref<128xf32, #tpu.memory_space<vmem>>, vector<16xf32>,
      tpu.vector_store %arg28[%swap3A_344], %gather3A_343 {strides = array<i32>} : memref<128xf32, #tpu.memory_space<vmem>>, vector<16xf32>,
      %dma_wait3A_346 = arith.constant 0 : i32
      %dma_wait3A_347 = tpu.memref_slice %arg14[%scan3A_8, %dma_wait3A_346] : memref<4x128xi32, #tpu.memory_space<vmem>> -> memref<1x128xi32, #tpu.memory_space<vmem>>
      %dma_wait3A_348 = tpu.memref_squeeze %dma_wait3A_347 : memref<1x128xi32, #tpu.memory_space<vmem>> -> memref<128xi32, #tpu.memory_space<vmem>>
      %dma_wait3A_349 = arith.constant 0 : i32
      %dma_wait3A_350 = arith.constant 0 : i32
      %dma_wait3A_351 = tpu.memref_slice %arg5[%dma_wait3A_349, %dma_wait3A_350] : memref<100000x128xf32, #tpu.memory_space<hbm>> -> memref<100000x128xf32, #tpu.memory_space<hbm>>
      tpu.wait_indirect_dma semaphore(%arg32 : memref<!tpu.dma_semaphore, #tpu.memory_space<semaphore_mem>>) src(%dma_wait3A_351 : memref<100000x128xf32, #tpu.memory_space<hbm>>) dst(%arg17 : memref<128x128xf32, #tpu.memory_space<vmem>>)
      %dma_wait3A_352 = arith.constant 0 : i32
      %dma_wait3A_353 = tpu.memref_slice %arg15[%scan3A_8, %dma_wait3A_352] : memref<4x128xi32, #tpu.memory_space<vmem>> -> memref<1x128xi32, #tpu.memory_space<vmem>>
      %dma_wait3A_354 = tpu.memref_squeeze %dma_wait3A_353 : memref<1x128xi32, #tpu.memory_space<vmem>> -> memref<128xi32, #tpu.memory_space<vmem>>
      %dma_wait3A_355 = arith.constant 0 : i32
      %dma_wait3A_356 = arith.constant 0 : i32
      %dma_wait3A_357 = tpu.memref_slice %arg6[%dma_wait3A_355, %dma_wait3A_356] : memref<100000x128xf32, #tpu.memory_space<hbm>> -> memref<100000x128xf32, #tpu.memory_space<hbm>>
      tpu.wait_indirect_dma semaphore(%arg33 : memref<!tpu.dma_semaphore, #tpu.memory_space<semaphore_mem>>) src(%dma_wait3A_357 : memref<100000x128xf32, #tpu.memory_space<hbm>>) dst(%arg18 : memref<128x128xf32, #tpu.memory_space<vmem>>)
      %mul3A_358 = arith.constant 64 : i32
      %mul3A_359 = arith.muli %scan3A_8, %mul3A_358 : i32
      %get3A_360 = arith.index_cast %mul3A_359 : i32 to index
      %get3A_361 = arith.constant 0 : index
      %get3A_362 = tpu.vector_load %arg16[%get3A_360, %get3A_361] {strides = array<i32>} : memref<256x100xi32, #tpu.memory_space<vmem>>, vector<16xi32>,
      %shift_right_arithmetic3A_363 = arith.constant 4 : i32
      %shift_right_arithmetic3A_364 = vector.broadcast %shift_right_arithmetic3A_363 : i32 to vector<16xi32>
      %shift_right_arithmetic3A_365 = arith.shrsi %get3A_362, %shift_right_arithmetic3A_364 : vector<16xi32>
      %swap3A_366 = arith.constant 0 : index
      %swap3A_367 = tpu.vector_load %arg22[%swap3A_366] {strides = array<i32>} : memref<100xi32, #tpu.memory_space<vmem>>, vector<16xi32>,
      tpu.vector_store %arg22[%swap3A_366], %shift_right_arithmetic3A_365 {strides = array<i32>} : memref<100xi32, #tpu.memory_space<vmem>>, vector<16xi32>,
      %get3A_368 = arith.index_cast %mul3A_359 : i32 to index
      %get3A_369 = arith.constant 16 : index
      %get3A_370 = tpu.vector_load %arg16[%get3A_368, %get3A_369] {strides = array<i32>} : memref<256x100xi32, #tpu.memory_space<vmem>>, vector<16xi32>,
      %shift_right_arithmetic3A_371 = arith.constant 4 : i32
      %shift_right_arithmetic3A_372 = vector.broadcast %shift_right_arithmetic3A_371 : i32 to vector<16xi32>
      %shift_right_arithmetic3A_373 = arith.shrsi %get3A_370, %shift_right_arithmetic3A_372 : vector<16xi32>
      %swap3A_374 = arith.constant 16 : index
      %swap3A_375 = tpu.vector_load %arg22[%swap3A_374] {strides = array<i32>} : memref<100xi32, #tpu.memory_space<vmem>>, vector<16xi32>,
      tpu.vector_store %arg22[%swap3A_374], %shift_right_arithmetic3A_373 {strides = array<i32>} : memref<100xi32, #tpu.memory_space<vmem>>, vector<16xi32>,
      %get3A_376 = arith.index_cast %mul3A_359 : i32 to index
      %get3A_377 = arith.constant 32 : index
      %get3A_378 = tpu.vector_load %arg16[%get3A_376, %get3A_377] {strides = array<i32>} : memref<256x100xi32, #tpu.memory_space<vmem>>, vector<16xi32>,
      %shift_right_arithmetic3A_379 = arith.constant 4 : i32
      %shift_right_arithmetic3A_380 = vector.broadcast %shift_right_arithmetic3A_379 : i32 to vector<16xi32>
      %shift_right_arithmetic3A_381 = arith.shrsi %get3A_378, %shift_right_arithmetic3A_380 : vector<16xi32>
      %swap3A_382 = arith.constant 32 : index
      %swap3A_383 = tpu.vector_load %arg22[%swap3A_382] {strides = array<i32>} : memref<100xi32, #tpu.memory_space<vmem>>, vector<16xi32>,
      tpu.vector_store %arg22[%swap3A_382], %shift_right_arithmetic3A_381 {strides = array<i32>} : memref<100xi32, #tpu.memory_space<vmem>>, vector<16xi32>,
      %get3A_384 = arith.index_cast %mul3A_359 : i32 to index
      %get3A_385 = arith.constant 48 : index
      %get3A_386 = tpu.vector_load %arg16[%get3A_384, %get3A_385] {strides = array<i32>} : memref<256x100xi32, #tpu.memory_space<vmem>>, vector<16xi32>,
      %shift_right_arithmetic3A_387 = arith.constant 4 : i32
      %shift_right_arithmetic3A_388 = vector.broadcast %shift_right_arithmetic3A_387 : i32 to vector<16xi32>
      %shift_right_arithmetic3A_389 = arith.shrsi %get3A_386, %shift_right_arithmetic3A_388 : vector<16xi32>
      %swap3A_390 = arith.constant 48 : index
      %swap3A_391 = tpu.vector_load %arg22[%swap3A_390] {strides = array<i32>} : memref<100xi32, #tpu.memory_space<vmem>>, vector<16xi32>,
      tpu.vector_store %arg22[%swap3A_390], %shift_right_arithmetic3A_389 {strides = array<i32>} : memref<100xi32, #tpu.memory_space<vmem>>, vector<16xi32>,
      %get3A_392 = arith.index_cast %mul3A_359 : i32 to index
      %get3A_393 = arith.constant 64 : index
      %get3A_394 = tpu.vector_load %arg16[%get3A_392, %get3A_393] {strides = array<i32>} : memref<256x100xi32, #tpu.memory_space<vmem>>, vector<16xi32>,
      %shift_right_arithmetic3A_395 = arith.constant 4 : i32
      %shift_right_arithmetic3A_396 = vector.broadcast %shift_right_arithmetic3A_395 : i32 to vector<16xi32>
      %shift_right_arithmetic3A_397 = arith.shrsi %get3A_394, %shift_right_arithmetic3A_396 : vector<16xi32>
      %swap3A_398 = arith.constant 64 : index
      %swap3A_399 = tpu.vector_load %arg22[%swap3A_398] {strides = array<i32>} : memref<100xi32, #tpu.memory_space<vmem>>, vector<16xi32>,
      tpu.vector_store %arg22[%swap3A_398], %shift_right_arithmetic3A_397 {strides = array<i32>} : memref<100xi32, #tpu.memory_space<vmem>>, vector<16xi32>,
      %get3A_400 = arith.index_cast %mul3A_359 : i32 to index
      %get3A_401 = arith.constant 80 : index
      %get3A_402 = tpu.vector_load %arg16[%get3A_400, %get3A_401] {strides = array<i32>} : memref<256x100xi32, #tpu.memory_space<vmem>>, vector<16xi32>,
      %shift_right_arithmetic3A_403 = arith.constant 4 : i32
      %shift_right_arithmetic3A_404 = vector.broadcast %shift_right_arithmetic3A_403 : i32 to vector<16xi32>
      %shift_right_arithmetic3A_405 = arith.shrsi %get3A_402, %shift_right_arithmetic3A_404 : vector<16xi32>
      %swap3A_406 = arith.constant 80 : index
      %swap3A_407 = tpu.vector_load %arg22[%swap3A_406] {strides = array<i32>} : memref<100xi32, #tpu.memory_space<vmem>>, vector<16xi32>,
      tpu.vector_store %arg22[%swap3A_406], %shift_right_arithmetic3A_405 {strides = array<i32>} : memref<100xi32, #tpu.memory_space<vmem>>, vector<16xi32>,
      %get3A_408 = arith.index_cast %mul3A_359 : i32 to index
      %get3A_409 = arith.constant 84 : index
      %get3A_410 = tpu.vector_load %arg16[%get3A_408, %get3A_409] {strides = array<i32>} : memref<256x100xi32, #tpu.memory_space<vmem>>, vector<16xi32>,
      %shift_right_arithmetic3A_411 = arith.constant 4 : i32
      %shift_right_arithmetic3A_412 = vector.broadcast %shift_right_arithmetic3A_411 : i32 to vector<16xi32>
      %shift_right_arithmetic3A_413 = arith.shrsi %get3A_410, %shift_right_arithmetic3A_412 : vector<16xi32>
      %swap3A_414 = arith.constant 84 : index
      %swap3A_415 = tpu.vector_load %arg22[%swap3A_414] {strides = array<i32>} : memref<100xi32, #tpu.memory_space<vmem>>, vector<16xi32>,
      tpu.vector_store %arg22[%swap3A_414], %shift_right_arithmetic3A_413 {strides = array<i32>} : memref<100xi32, #tpu.memory_space<vmem>>, vector<16xi32>,
      %dma_start3A_416 = arith.constant 0 : i32
      %dma_start3A_417 = tpu.memref_slice %arg16[%mul3A_359, %dma_start3A_416] : memref<256x100xi32, #tpu.memory_space<vmem>> -> memref<1x100xi32, #tpu.memory_space<vmem>>
      %dma_start3A_418 = tpu.memref_squeeze %dma_start3A_417 : memref<1x100xi32, #tpu.memory_space<vmem>> -> memref<100xi32, #tpu.memory_space<vmem>>
      %dma_start3A_419 = arith.constant 0 : i32
      %dma_start3A_420 = arith.constant 0 : i32
      %dma_start3A_421 = tpu.memref_slice %arg6[%dma_start3A_419, %dma_start3A_420] : memref<100000x128xf32, #tpu.memory_space<hbm>> -> memref<100000x128xf32, #tpu.memory_space<hbm>>
      tpu.enqueue_indirect_dma source(%dma_start3A_421 : memref<100000x128xf32, #tpu.memory_space<hbm>>) target(%arg19 : memref<100x128xf32, #tpu.memory_space<vmem>>) offsets(%dma_start3A_418 : memref<100xi32, #tpu.memory_space<vmem>>) semaphore(%arg35 : memref<!tpu.dma_semaphore, #tpu.memory_space<semaphore_mem>>)
      %dma_start3A_422 = arith.constant 0 : i32
      %dma_start3A_423 = arith.constant 0 : i32
      %dma_start3A_424 = tpu.memref_slice %arg8[%dma_start3A_422, %dma_start3A_423] : memref<6250x16xf32, #tpu.memory_space<hbm>> -> memref<6250x16xf32, #tpu.memory_space<hbm>>
      tpu.enqueue_indirect_dma source(%dma_start3A_424 : memref<6250x16xf32, #tpu.memory_space<hbm>>) target(%arg25 : memref<100x16xf32, #tpu.memory_space<vmem>>) offsets(%arg22 : memref<100xi32, #tpu.memory_space<vmem>>) semaphore(%arg37 : memref<!tpu.dma_semaphore, #tpu.memory_space<semaphore_mem>>)
      %scan3A_425 = arith.constant 0 : i32
      %scan3A_426 = arith.constant 0 : i32
      %scan3A_427 = arith.constant 32 : i32
      %scan3A_428 = arith.addi %scan3A_426, %scan3A_427 : i32
      %scan3A_429 = arith.constant 1 : i32
      scf.for %scan3A_431 = %scan3A_426 to %scan3A_428 step %scan3A_429  : i32 {
        %mul3A_432 = arith.constant 2 : i32
        %mul3A_433 = arith.muli %mul3A_432, %scan3A_431 : i32
        %add3A_434 = arith.addi %mul3A_359, %mul3A_433 : i32
        %add3A_435 = arith.constant 1 : i32
        %add3A_436 = arith.addi %add3A_434, %add3A_435 : i32
        %get3A_437 = arith.index_cast %add3A_436 : i32 to index
        %get3A_438 = arith.constant 0 : index
        %get3A_439 = tpu.vector_load %arg16[%get3A_437, %get3A_438] {strides = array<i32>} : memref<256x100xi32, #tpu.memory_space<vmem>>, vector<16xi32>,
        %shift_right_arithmetic3A_440 = arith.constant 4 : i32
        %shift_right_arithmetic3A_441 = vector.broadcast %shift_right_arithmetic3A_440 : i32 to vector<16xi32>
        %shift_right_arithmetic3A_442 = arith.shrsi %get3A_439, %shift_right_arithmetic3A_441 : vector<16xi32>
        %swap3A_443 = arith.constant 0 : index
        %swap3A_444 = tpu.vector_load %arg23[%swap3A_443] {strides = array<i32>} : memref<100xi32, #tpu.memory_space<vmem>>, vector<16xi32>,
        tpu.vector_store %arg23[%swap3A_443], %shift_right_arithmetic3A_442 {strides = array<i32>} : memref<100xi32, #tpu.memory_space<vmem>>, vector<16xi32>,
        %get3A_445 = arith.index_cast %add3A_436 : i32 to index
        %get3A_446 = arith.constant 16 : index
        %get3A_447 = tpu.vector_load %arg16[%get3A_445, %get3A_446] {strides = array<i32>} : memref<256x100xi32, #tpu.memory_space<vmem>>, vector<16xi32>,
        %shift_right_arithmetic3A_448 = arith.constant 4 : i32
        %shift_right_arithmetic3A_449 = vector.broadcast %shift_right_arithmetic3A_448 : i32 to vector<16xi32>
        %shift_right_arithmetic3A_450 = arith.shrsi %get3A_447, %shift_right_arithmetic3A_449 : vector<16xi32>
        %swap3A_451 = arith.constant 16 : index
        %swap3A_452 = tpu.vector_load %arg23[%swap3A_451] {strides = array<i32>} : memref<100xi32, #tpu.memory_space<vmem>>, vector<16xi32>,
        tpu.vector_store %arg23[%swap3A_451], %shift_right_arithmetic3A_450 {strides = array<i32>} : memref<100xi32, #tpu.memory_space<vmem>>, vector<16xi32>,
        %get3A_453 = arith.index_cast %add3A_436 : i32 to index
        %get3A_454 = arith.constant 32 : index
        %get3A_455 = tpu.vector_load %arg16[%get3A_453, %get3A_454] {strides = array<i32>} : memref<256x100xi32, #tpu.memory_space<vmem>>, vector<16xi32>,
        %shift_right_arithmetic3A_456 = arith.constant 4 : i32
        %shift_right_arithmetic3A_457 = vector.broadcast %shift_right_arithmetic3A_456 : i32 to vector<16xi32>
        %shift_right_arithmetic3A_458 = arith.shrsi %get3A_455, %shift_right_arithmetic3A_457 : vector<16xi32>
        %swap3A_459 = arith.constant 32 : index
        %swap3A_460 = tpu.vector_load %arg23[%swap3A_459] {strides = array<i32>} : memref<100xi32, #tpu.memory_space<vmem>>, vector<16xi32>,
        tpu.vector_store %arg23[%swap3A_459], %shift_right_arithmetic3A_458 {strides = array<i32>} : memref<100xi32, #tpu.memory_space<vmem>>, vector<16xi32>,
        %get3A_461 = arith.index_cast %add3A_436 : i32 to index
        %get3A_462 = arith.constant 48 : index
        %get3A_463 = tpu.vector_load %arg16[%get3A_461, %get3A_462] {strides = array<i32>} : memref<256x100xi32, #tpu.memory_space<vmem>>, vector<16xi32>,
        %shift_right_arithmetic3A_464 = arith.constant 4 : i32
        %shift_right_arithmetic3A_465 = vector.broadcast %shift_right_arithmetic3A_464 : i32 to vector<16xi32>
        %shift_right_arithmetic3A_466 = arith.shrsi %get3A_463, %shift_right_arithmetic3A_465 : vector<16xi32>
        %swap3A_467 = arith.constant 48 : index
        %swap3A_468 = tpu.vector_load %arg23[%swap3A_467] {strides = array<i32>} : memref<100xi32, #tpu.memory_space<vmem>>, vector<16xi32>,
        tpu.vector_store %arg23[%swap3A_467], %shift_right_arithmetic3A_466 {strides = array<i32>} : memref<100xi32, #tpu.memory_space<vmem>>, vector<16xi32>,
        %get3A_469 = arith.index_cast %add3A_436 : i32 to index
        %get3A_470 = arith.constant 64 : index
        %get3A_471 = tpu.vector_load %arg16[%get3A_469, %get3A_470] {strides = array<i32>} : memref<256x100xi32, #tpu.memory_space<vmem>>, vector<16xi32>,
        %shift_right_arithmetic3A_472 = arith.constant 4 : i32
        %shift_right_arithmetic3A_473 = vector.broadcast %shift_right_arithmetic3A_472 : i32 to vector<16xi32>
        %shift_right_arithmetic3A_474 = arith.shrsi %get3A_471, %shift_right_arithmetic3A_473 : vector<16xi32>
        %swap3A_475 = arith.constant 64 : index
        %swap3A_476 = tpu.vector_load %arg23[%swap3A_475] {strides = array<i32>} : memref<100xi32, #tpu.memory_space<vmem>>, vector<16xi32>,
        tpu.vector_store %arg23[%swap3A_475], %shift_right_arithmetic3A_474 {strides = array<i32>} : memref<100xi32, #tpu.memory_space<vmem>>, vector<16xi32>,
        %get3A_477 = arith.index_cast %add3A_436 : i32 to index
        %get3A_478 = arith.constant 80 : index
        %get3A_479 = tpu.vector_load %arg16[%get3A_477, %get3A_478] {strides = array<i32>} : memref<256x100xi32, #tpu.memory_space<vmem>>, vector<16xi32>,
        %shift_right_arithmetic3A_480 = arith.constant 4 : i32
        %shift_right_arithmetic3A_481 = vector.broadcast %shift_right_arithmetic3A_480 : i32 to vector<16xi32>
        %shift_right_arithmetic3A_482 = arith.shrsi %get3A_479, %shift_right_arithmetic3A_481 : vector<16xi32>
        %swap3A_483 = arith.constant 80 : index
        %swap3A_484 = tpu.vector_load %arg23[%swap3A_483] {strides = array<i32>} : memref<100xi32, #tpu.memory_space<vmem>>, vector<16xi32>,
        tpu.vector_store %arg23[%swap3A_483], %shift_right_arithmetic3A_482 {strides = array<i32>} : memref<100xi32, #tpu.memory_space<vmem>>, vector<16xi32>,
        %get3A_485 = arith.index_cast %add3A_436 : i32 to index
        %get3A_486 = arith.constant 84 : index
        %get3A_487 = tpu.vector_load %arg16[%get3A_485, %get3A_486] {strides = array<i32>} : memref<256x100xi32, #tpu.memory_space<vmem>>, vector<16xi32>,
        %shift_right_arithmetic3A_488 = arith.constant 4 : i32
        %shift_right_arithmetic3A_489 = vector.broadcast %shift_right_arithmetic3A_488 : i32 to vector<16xi32>
        %shift_right_arithmetic3A_490 = arith.shrsi %get3A_487, %shift_right_arithmetic3A_489 : vector<16xi32>
        %swap3A_491 = arith.constant 84 : index
        %swap3A_492 = tpu.vector_load %arg23[%swap3A_491] {strides = array<i32>} : memref<100xi32, #tpu.memory_space<vmem>>, vector<16xi32>,
        tpu.vector_store %arg23[%swap3A_491], %shift_right_arithmetic3A_490 {strides = array<i32>} : memref<100xi32, #tpu.memory_space<vmem>>, vector<16xi32>,
        %dma_start3A_493 = arith.constant 0 : i32
        %dma_start3A_494 = tpu.memref_slice %arg16[%add3A_436, %dma_start3A_493] : memref<256x100xi32, #tpu.memory_space<vmem>> -> memref<1x100xi32, #tpu.memory_space<vmem>>
        %dma_start3A_495 = tpu.memref_squeeze %dma_start3A_494 : memref<1x100xi32, #tpu.memory_space<vmem>> -> memref<100xi32, #tpu.memory_space<vmem>>
        %dma_start3A_496 = arith.constant 0 : i32
        %dma_start3A_497 = arith.constant 0 : i32
        %dma_start3A_498 = tpu.memref_slice %arg6[%dma_start3A_496, %dma_start3A_497] : memref<100000x128xf32, #tpu.memory_space<hbm>> -> memref<100000x128xf32, #tpu.memory_space<hbm>>
        tpu.enqueue_indirect_dma source(%dma_start3A_498 : memref<100000x128xf32, #tpu.memory_space<hbm>>) target(%arg20 : memref<100x128xf32, #tpu.memory_space<vmem>>) offsets(%dma_start3A_495 : memref<100xi32, #tpu.memory_space<vmem>>) semaphore(%arg36 : memref<!tpu.dma_semaphore, #tpu.memory_space<semaphore_mem>>)
        %dma_start3A_499 = arith.constant 0 : i32
        %dma_start3A_500 = arith.constant 0 : i32
        %dma_start3A_501 = tpu.memref_slice %arg8[%dma_start3A_499, %dma_start3A_500] : memref<6250x16xf32, #tpu.memory_space<hbm>> -> memref<6250x16xf32, #tpu.memory_space<hbm>>
        tpu.enqueue_indirect_dma source(%dma_start3A_501 : memref<6250x16xf32, #tpu.memory_space<hbm>>) target(%arg26 : memref<100x16xf32, #tpu.memory_space<vmem>>) offsets(%arg23 : memref<100xi32, #tpu.memory_space<vmem>>) semaphore(%arg38 : memref<!tpu.dma_semaphore, #tpu.memory_space<semaphore_mem>>)
        %dma_wait3A_502 = arith.constant 0 : i32
        %dma_wait3A_503 = arith.constant 0 : i32
        %dma_wait3A_504 = tpu.memref_slice %arg6[%dma_wait3A_502, %dma_wait3A_503] : memref<100000x128xf32, #tpu.memory_space<hbm>> -> memref<100x128xf32, #tpu.memory_space<hbm>>
        %dma_wait3A_505 = arith.constant 0 : i32
        %dma_wait3A_506 = arith.constant 0 : i32
        %dma_wait3A_507 = tpu.memref_slice %arg6[%dma_wait3A_505, %dma_wait3A_506] : memref<100000x128xf32, #tpu.memory_space<hbm>> -> memref<100x128xf32, #tpu.memory_space<hbm>>
        tpu.wait_dma2 semaphore(%arg35 : memref<!tpu.dma_semaphore, #tpu.memory_space<semaphore_mem>>) src(%dma_wait3A_507 : memref<100x128xf32, #tpu.memory_space<hbm>>) dst(%arg19 : memref<100x128xf32, #tpu.memory_space<vmem>>)
        %dma_wait3A_508 = arith.constant 0 : i32
        %dma_wait3A_509 = arith.constant 0 : i32
        %dma_wait3A_510 = tpu.memref_slice %arg8[%dma_wait3A_508, %dma_wait3A_509] : memref<6250x16xf32, #tpu.memory_space<hbm>> -> memref<100x16xf32, #tpu.memory_space<hbm>>
        %dma_wait3A_511 = arith.constant 0 : i32
        %dma_wait3A_512 = arith.constant 0 : i32
        %dma_wait3A_513 = tpu.memref_slice %arg8[%dma_wait3A_511, %dma_wait3A_512] : memref<6250x16xf32, #tpu.memory_space<hbm>> -> memref<100x16xf32, #tpu.memory_space<hbm>>
        tpu.wait_dma2 semaphore(%arg37 : memref<!tpu.dma_semaphore, #tpu.memory_space<semaphore_mem>>) src(%dma_wait3A_513 : memref<100x16xf32, #tpu.memory_space<hbm>>) dst(%arg25 : memref<100x16xf32, #tpu.memory_space<vmem>>)
        %mul3A_514 = arith.constant 2 : i32
        %mul3A_515 = arith.muli %mul3A_514, %mul3A_433 : i32
        %add3A_516 = arith.constant 0 : i32
        %add3A_517 = arith.addi %mul3A_515, %add3A_516 : i32
        %get3A_518 = arith.index_cast %add3A_517 : i32 to index
        %get3A_519 = arith.constant 0 : index
        %get3A_520 = tpu.vector_load %arg17[%get3A_518, %get3A_519] {strides = array<i32>} : memref<128x128xf32, #tpu.memory_space<vmem>>, vector<16xf32>,
        %get3A_521 = arith.index_cast %add3A_517 : i32 to index
        %get3A_522 = arith.constant 16 : index
        %get3A_523 = tpu.vector_load %arg17[%get3A_521, %get3A_522] {strides = array<i32>} : memref<128x128xf32, #tpu.memory_space<vmem>>, vector<16xf32>,
        %get3A_524 = arith.index_cast %add3A_517 : i32 to index
        %get3A_525 = arith.constant 32 : index
        %get3A_526 = tpu.vector_load %arg17[%get3A_524, %get3A_525] {strides = array<i32>} : memref<128x128xf32, #tpu.memory_space<vmem>>, vector<16xf32>,
        %get3A_527 = arith.index_cast %add3A_517 : i32 to index
        %get3A_528 = arith.constant 48 : index
        %get3A_529 = tpu.vector_load %arg17[%get3A_527, %get3A_528] {strides = array<i32>} : memref<128x128xf32, #tpu.memory_space<vmem>>, vector<16xf32>,
        %get3A_530 = arith.index_cast %add3A_517 : i32 to index
        %get3A_531 = arith.constant 64 : index
        %get3A_532 = tpu.vector_load %arg17[%get3A_530, %get3A_531] {strides = array<i32>} : memref<128x128xf32, #tpu.memory_space<vmem>>, vector<16xf32>,
        %get3A_533 = arith.index_cast %add3A_517 : i32 to index
        %get3A_534 = arith.constant 80 : index
        %get3A_535 = tpu.vector_load %arg17[%get3A_533, %get3A_534] {strides = array<i32>} : memref<128x128xf32, #tpu.memory_space<vmem>>, vector<16xf32>,
        %get3A_536 = arith.index_cast %add3A_517 : i32 to index
        %get3A_537 = arith.constant 96 : index
        %get3A_538 = tpu.vector_load %arg17[%get3A_536, %get3A_537] {strides = array<i32>} : memref<128x128xf32, #tpu.memory_space<vmem>>, vector<16xf32>,
        %get3A_539 = arith.index_cast %add3A_517 : i32 to index
        %get3A_540 = arith.constant 112 : index
        %get3A_541 = tpu.vector_load %arg17[%get3A_539, %get3A_540] {strides = array<i32>} : memref<128x128xf32, #tpu.memory_space<vmem>>, vector<16xf32>,
        %broadcast_in_dim3A = vector.broadcast %add3A_517 : i32 to vector<16xi32>
        %get3A_542 = arith.index_cast %add3A_517 : i32 to index
        %get3A_543 = arith.constant 0 : index
        %get3A_544 = tpu.vector_load %arg18[%get3A_542, %get3A_543] {strides = array<i32>} : memref<128x128xf32, #tpu.memory_space<vmem>>, vector<16xf32>,
        %mul3A_545 = arith.mulf %get3A_520, %get3A_544 : vector<16xf32>
        %get3A_546 = arith.index_cast %add3A_517 : i32 to index
        %get3A_547 = arith.constant 16 : index
        %get3A_548 = tpu.vector_load %arg18[%get3A_546, %get3A_547] {strides = array<i32>} : memref<128x128xf32, #tpu.memory_space<vmem>>, vector<16xf32>,
        %mul3A_549 = arith.mulf %get3A_523, %get3A_548 : vector<16xf32>
        %add3A_550 = arith.addf %mul3A_545, %mul3A_549 : vector<16xf32>
        %get3A_551 = arith.index_cast %add3A_517 : i32 to index
        %get3A_552 = arith.constant 32 : index
        %get3A_553 = tpu.vector_load %arg18[%get3A_551, %get3A_552] {strides = array<i32>} : memref<128x128xf32, #tpu.memory_space<vmem>>, vector<16xf32>,
        %mul3A_554 = arith.mulf %get3A_526, %get3A_553 : vector<16xf32>
        %add3A_555 = arith.addf %add3A_550, %mul3A_554 : vector<16xf32>
        %get3A_556 = arith.index_cast %add3A_517 : i32 to index
        %get3A_557 = arith.constant 48 : index
        %get3A_558 = tpu.vector_load %arg18[%get3A_556, %get3A_557] {strides = array<i32>} : memref<128x128xf32, #tpu.memory_space<vmem>>, vector<16xf32>,
        %mul3A_559 = arith.mulf %get3A_529, %get3A_558 : vector<16xf32>
        %add3A_560 = arith.addf %add3A_555, %mul3A_559 : vector<16xf32>
        %get3A_561 = arith.index_cast %add3A_517 : i32 to index
        %get3A_562 = arith.constant 64 : index
        %get3A_563 = tpu.vector_load %arg18[%get3A_561, %get3A_562] {strides = array<i32>} : memref<128x128xf32, #tpu.memory_space<vmem>>, vector<16xf32>,
        %mul3A_564 = arith.mulf %get3A_532, %get3A_563 : vector<16xf32>
        %add3A_565 = arith.addf %add3A_560, %mul3A_564 : vector<16xf32>
        %get3A_566 = arith.index_cast %add3A_517 : i32 to index
        %get3A_567 = arith.constant 80 : index
        %get3A_568 = tpu.vector_load %arg18[%get3A_566, %get3A_567] {strides = array<i32>} : memref<128x128xf32, #tpu.memory_space<vmem>>, vector<16xf32>,
        %mul3A_569 = arith.mulf %get3A_535, %get3A_568 : vector<16xf32>
        %add3A_570 = arith.addf %add3A_565, %mul3A_569 : vector<16xf32>
        %get3A_571 = arith.index_cast %add3A_517 : i32 to index
        %get3A_572 = arith.constant 96 : index
        %get3A_573 = tpu.vector_load %arg18[%get3A_571, %get3A_572] {strides = array<i32>} : memref<128x128xf32, #tpu.memory_space<vmem>>, vector<16xf32>,
        %mul3A_574 = arith.mulf %get3A_538, %get3A_573 : vector<16xf32>
        %add3A_575 = arith.addf %add3A_570, %mul3A_574 : vector<16xf32>
        %get3A_576 = arith.index_cast %add3A_517 : i32 to index
        %get3A_577 = arith.constant 112 : index
        %get3A_578 = tpu.vector_load %arg18[%get3A_576, %get3A_577] {strides = array<i32>} : memref<128x128xf32, #tpu.memory_space<vmem>>, vector<16xf32>,
        %mul3A_579 = arith.mulf %get3A_541, %get3A_578 : vector<16xf32>
        %add3A_580 = arith.addf %add3A_575, %mul3A_579 : vector<16xf32>
        %broadcast_in_dim3A_581 = arith.constant true
        %broadcast_in_dim3A_582 = vector.broadcast %broadcast_in_dim3A_581 : i1 to vector<16xi1>
        %masked_cumsum3A = tpu.scan <sum>, %add3A_580 masked %broadcast_in_dim3A_582 : vector<16xf32>, vector<16xi1> -> vector<16xf32>
        tpu.vector_store_idx %arg30[%broadcast_in_dim3A], %masked_cumsum3A masked %eq3A_2 : memref<128xf32, #tpu.memory_space<vmem>>[vector<16xi32>], vector<16xf32>, vector<16xi1>
        %parallel_loop3A = arith.constant 0 : i32
        %parallel_loop3A_583 = arith.constant 50 : i32
        %parallel_loop3A_584 = arith.constant 1 : i32
        scf.for %parallel_loop3A_1083 = %parallel_loop3A to %parallel_loop3A_583 step %parallel_loop3A_584  : i32 {
          %parallel_loop3A_1084 = vector.broadcast %add3A_517 : i32 to vector<16xi32>
          %parallel_loop3A_1085 = vector.broadcast %parallel_loop3A_1083 : i32 to vector<16xi32>
          %parallel_loop3A_1086 = arith.constant 0 : i32
          %parallel_loop3A_1087 = arith.addi %parallel_loop3A_1086, %parallel_loop3A_1083 : i32
          %parallel_loop3A_1088 = arith.index_cast %parallel_loop3A_1087 : i32 to index
          %parallel_loop3A_1089 = arith.constant 0 : index
          %parallel_loop3A_1090 = tpu.vector_load %arg19[%parallel_loop3A_1088, %parallel_loop3A_1089] {strides = array<i32>} : memref<100x128xf32, #tpu.memory_space<vmem>>, vector<16xf32>,
          %parallel_loop3A_1091 = arith.mulf %get3A_520, %parallel_loop3A_1090 : vector<16xf32>
          %parallel_loop3A_1092 = arith.index_cast %parallel_loop3A_1087 : i32 to index
          %parallel_loop3A_1093 = arith.constant 16 : index
          %parallel_loop3A_1094 = tpu.vector_load %arg19[%parallel_loop3A_1092, %parallel_loop3A_1093] {strides = array<i32>} : memref<100x128xf32, #tpu.memory_space<vmem>>, vector<16xf32>,
          %parallel_loop3A_1095 = arith.mulf %get3A_523, %parallel_loop3A_1094 : vector<16xf32>
          %parallel_loop3A_1096 = arith.addf %parallel_loop3A_1091, %parallel_loop3A_1095 : vector<16xf32>
          %parallel_loop3A_1097 = arith.index_cast %parallel_loop3A_1087 : i32 to index
          %parallel_loop3A_1098 = arith.constant 32 : index
          %parallel_loop3A_1099 = tpu.vector_load %arg19[%parallel_loop3A_1097, %parallel_loop3A_1098] {strides = array<i32>} : memref<100x128xf32, #tpu.memory_space<vmem>>, vector<16xf32>,
          %parallel_loop3A_1100 = arith.mulf %get3A_526, %parallel_loop3A_1099 : vector<16xf32>
          %parallel_loop3A_1101 = arith.addf %parallel_loop3A_1096, %parallel_loop3A_1100 : vector<16xf32>
          %parallel_loop3A_1102 = arith.index_cast %parallel_loop3A_1087 : i32 to index
          %parallel_loop3A_1103 = arith.constant 48 : index
          %parallel_loop3A_1104 = tpu.vector_load %arg19[%parallel_loop3A_1102, %parallel_loop3A_1103] {strides = array<i32>} : memref<100x128xf32, #tpu.memory_space<vmem>>, vector<16xf32>,
          %parallel_loop3A_1105 = arith.mulf %get3A_529, %parallel_loop3A_1104 : vector<16xf32>
          %parallel_loop3A_1106 = arith.addf %parallel_loop3A_1101, %parallel_loop3A_1105 : vector<16xf32>
          %parallel_loop3A_1107 = arith.index_cast %parallel_loop3A_1087 : i32 to index
          %parallel_loop3A_1108 = arith.constant 64 : index
          %parallel_loop3A_1109 = tpu.vector_load %arg19[%parallel_loop3A_1107, %parallel_loop3A_1108] {strides = array<i32>} : memref<100x128xf32, #tpu.memory_space<vmem>>, vector<16xf32>,
          %parallel_loop3A_1110 = arith.mulf %get3A_532, %parallel_loop3A_1109 : vector<16xf32>
          %parallel_loop3A_1111 = arith.addf %parallel_loop3A_1106, %parallel_loop3A_1110 : vector<16xf32>
          %parallel_loop3A_1112 = arith.index_cast %parallel_loop3A_1087 : i32 to index
          %parallel_loop3A_1113 = arith.constant 80 : index
          %parallel_loop3A_1114 = tpu.vector_load %arg19[%parallel_loop3A_1112, %parallel_loop3A_1113] {strides = array<i32>} : memref<100x128xf32, #tpu.memory_space<vmem>>, vector<16xf32>,
          %parallel_loop3A_1115 = arith.mulf %get3A_535, %parallel_loop3A_1114 : vector<16xf32>
          %parallel_loop3A_1116 = arith.addf %parallel_loop3A_1111, %parallel_loop3A_1115 : vector<16xf32>
          %parallel_loop3A_1117 = arith.index_cast %parallel_loop3A_1087 : i32 to index
          %parallel_loop3A_1118 = arith.constant 96 : index
          %parallel_loop3A_1119 = tpu.vector_load %arg19[%parallel_loop3A_1117, %parallel_loop3A_1118] {strides = array<i32>} : memref<100x128xf32, #tpu.memory_space<vmem>>, vector<16xf32>,
          %parallel_loop3A_1120 = arith.mulf %get3A_538, %parallel_loop3A_1119 : vector<16xf32>
          %parallel_loop3A_1121 = arith.addf %parallel_loop3A_1116, %parallel_loop3A_1120 : vector<16xf32>
          %parallel_loop3A_1122 = arith.index_cast %parallel_loop3A_1087 : i32 to index
          %parallel_loop3A_1123 = arith.constant 112 : index
          %parallel_loop3A_1124 = tpu.vector_load %arg19[%parallel_loop3A_1122, %parallel_loop3A_1123] {strides = array<i32>} : memref<100x128xf32, #tpu.memory_space<vmem>>, vector<16xf32>,
          %parallel_loop3A_1125 = arith.mulf %get3A_541, %parallel_loop3A_1124 : vector<16xf32>
          %parallel_loop3A_1126 = arith.addf %parallel_loop3A_1121, %parallel_loop3A_1125 : vector<16xf32>
          %parallel_loop3A_1127 = arith.constant true
          %parallel_loop3A_1128 = vector.broadcast %parallel_loop3A_1127 : i1 to vector<16xi1>
          %parallel_loop3A_1129 = tpu.scan <sum>, %parallel_loop3A_1126 masked %parallel_loop3A_1128 : vector<16xf32>, vector<16xi1> -> vector<16xf32>
          tpu.vector_store_idx %arg31[%parallel_loop3A_1084, %parallel_loop3A_1085], %parallel_loop3A_1129 masked %eq3A_2 : memref<128x50xf32, #tpu.memory_space<vmem>>[vector<16xi32>, vector<16xi32>], vector<16xf32>, vector<16xi1>
        } {sc.loop_unroll_factor = 10 : i64, sc.parallel_access}
        %get3A_585 = arith.index_cast %add3A_434 : i32 to index
        %get3A_586 = arith.constant 0 : index
        %get3A_587 = tpu.vector_load %arg16[%get3A_585, %get3A_586] {strides = array<i32>} : memref<256x100xi32, #tpu.memory_space<vmem>>, vector<16xi32>,
        %and3A_588 = arith.constant 15 : i32
        %and3A_589 = vector.broadcast %and3A_588 : i32 to vector<16xi32>
        %and3A_590 = arith.andi %get3A_587, %and3A_589 : vector<16xi32>
        %add3A_591 = arith.constant 0 : i32
        %add3A_592 = vector.broadcast %add3A_591 : i32 to vector<16xi32>
        %add3A_593 = arith.addi %iota3A, %add3A_592 : vector<16xi32>
        %add3A_594 = arith.constant 0 : i32
        %add3A_595 = vector.broadcast %add3A_594 : i32 to vector<16xi32>
        %add3A_596 = arith.addi %add3A_593, %add3A_595 : vector<16xi32>
        %gather3A_597 = tpu.vector_load_idx %arg25[%add3A_596, %and3A_590] : memref<100x16xf32, #tpu.memory_space<vmem>>[vector<16xi32>, vector<16xi32>], vector<16xf32>,
        %swap3A_598 = arith.index_cast %add3A_517 : i32 to index
        %swap3A_599 = arith.constant 0 : index
        %swap3A_600 = tpu.vector_load %arg29[%swap3A_598, %swap3A_599] {strides = array<i32>} : memref<128x50xf32, #tpu.memory_space<vmem>>, vector<16xf32>,
        tpu.vector_store %arg29[%swap3A_598, %swap3A_599], %gather3A_597 {strides = array<i32>} : memref<128x50xf32, #tpu.memory_space<vmem>>, vector<16xf32>,
        %get3A_601 = arith.index_cast %add3A_434 : i32 to index
        %get3A_602 = arith.constant 16 : index
        %get3A_603 = tpu.vector_load %arg16[%get3A_601, %get3A_602] {strides = array<i32>} : memref<256x100xi32, #tpu.memory_space<vmem>>, vector<16xi32>,
        %and3A_604 = arith.constant 15 : i32
        %and3A_605 = vector.broadcast %and3A_604 : i32 to vector<16xi32>
        %and3A_606 = arith.andi %get3A_603, %and3A_605 : vector<16xi32>
        %add3A_607 = arith.constant 0 : i32
        %add3A_608 = vector.broadcast %add3A_607 : i32 to vector<16xi32>
        %add3A_609 = arith.addi %iota3A, %add3A_608 : vector<16xi32>
        %add3A_610 = arith.constant 16 : i32
        %add3A_611 = vector.broadcast %add3A_610 : i32 to vector<16xi32>
        %add3A_612 = arith.addi %add3A_609, %add3A_611 : vector<16xi32>
        %gather3A_613 = tpu.vector_load_idx %arg25[%add3A_612, %and3A_606] : memref<100x16xf32, #tpu.memory_space<vmem>>[vector<16xi32>, vector<16xi32>], vector<16xf32>,
        %swap3A_614 = arith.index_cast %add3A_517 : i32 to index
        %swap3A_615 = arith.constant 16 : index
        %swap3A_616 = tpu.vector_load %arg29[%swap3A_614, %swap3A_615] {strides = array<i32>} : memref<128x50xf32, #tpu.memory_space<vmem>>, vector<16xf32>,
        tpu.vector_store %arg29[%swap3A_614, %swap3A_615], %gather3A_613 {strides = array<i32>} : memref<128x50xf32, #tpu.memory_space<vmem>>, vector<16xf32>,
        %get3A_617 = arith.index_cast %add3A_434 : i32 to index
        %get3A_618 = arith.constant 32 : index
        %get3A_619 = tpu.vector_load %arg16[%get3A_617, %get3A_618] {strides = array<i32>} : memref<256x100xi32, #tpu.memory_space<vmem>>, vector<16xi32>,
        %and3A_620 = arith.constant 15 : i32
        %and3A_621 = vector.broadcast %and3A_620 : i32 to vector<16xi32>
        %and3A_622 = arith.andi %get3A_619, %and3A_621 : vector<16xi32>
        %add3A_623 = arith.constant 0 : i32
        %add3A_624 = vector.broadcast %add3A_623 : i32 to vector<16xi32>
        %add3A_625 = arith.addi %iota3A, %add3A_624 : vector<16xi32>
        %add3A_626 = arith.constant 32 : i32
        %add3A_627 = vector.broadcast %add3A_626 : i32 to vector<16xi32>
        %add3A_628 = arith.addi %add3A_625, %add3A_627 : vector<16xi32>
        %gather3A_629 = tpu.vector_load_idx %arg25[%add3A_628, %and3A_622] : memref<100x16xf32, #tpu.memory_space<vmem>>[vector<16xi32>, vector<16xi32>], vector<16xf32>,
        %swap3A_630 = arith.index_cast %add3A_517 : i32 to index
        %swap3A_631 = arith.constant 32 : index
        %swap3A_632 = tpu.vector_load %arg29[%swap3A_630, %swap3A_631] {strides = array<i32>} : memref<128x50xf32, #tpu.memory_space<vmem>>, vector<16xf32>,
        tpu.vector_store %arg29[%swap3A_630, %swap3A_631], %gather3A_629 {strides = array<i32>} : memref<128x50xf32, #tpu.memory_space<vmem>>, vector<16xf32>,
        %get3A_633 = arith.index_cast %add3A_434 : i32 to index
        %get3A_634 = arith.constant 34 : index
        %get3A_635 = tpu.vector_load %arg16[%get3A_633, %get3A_634] {strides = array<i32>} : memref<256x100xi32, #tpu.memory_space<vmem>>, vector<16xi32>,
        %and3A_636 = arith.constant 15 : i32
        %and3A_637 = vector.broadcast %and3A_636 : i32 to vector<16xi32>
        %and3A_638 = arith.andi %get3A_635, %and3A_637 : vector<16xi32>
        %add3A_639 = arith.constant 0 : i32
        %add3A_640 = vector.broadcast %add3A_639 : i32 to vector<16xi32>
        %add3A_641 = arith.addi %iota3A, %add3A_640 : vector<16xi32>
        %add3A_642 = arith.constant 34 : i32
        %add3A_643 = vector.broadcast %add3A_642 : i32 to vector<16xi32>
        %add3A_644 = arith.addi %add3A_641, %add3A_643 : vector<16xi32>
        %gather3A_645 = tpu.vector_load_idx %arg25[%add3A_644, %and3A_638] : memref<100x16xf32, #tpu.memory_space<vmem>>[vector<16xi32>, vector<16xi32>], vector<16xf32>,
        %swap3A_646 = arith.index_cast %add3A_517 : i32 to index
        %swap3A_647 = arith.constant 34 : index
        %swap3A_648 = tpu.vector_load %arg29[%swap3A_646, %swap3A_647] {strides = array<i32>} : memref<128x50xf32, #tpu.memory_space<vmem>>, vector<16xf32>,
        tpu.vector_store %arg29[%swap3A_646, %swap3A_647], %gather3A_645 {strides = array<i32>} : memref<128x50xf32, #tpu.memory_space<vmem>>, vector<16xf32>,
        %mul3A_649 = arith.constant 2 : i32
        %mul3A_650 = arith.muli %mul3A_649, %mul3A_433 : i32
        %add3A_651 = arith.constant 1 : i32
        %add3A_652 = arith.addi %mul3A_650, %add3A_651 : i32
        %get3A_653 = arith.index_cast %add3A_652 : i32 to index
        %get3A_654 = arith.constant 0 : index
        %get3A_655 = tpu.vector_load %arg17[%get3A_653, %get3A_654] {strides = array<i32>} : memref<128x128xf32, #tpu.memory_space<vmem>>, vector<16xf32>,
        %get3A_656 = arith.index_cast %add3A_652 : i32 to index
        %get3A_657 = arith.constant 16 : index
        %get3A_658 = tpu.vector_load %arg17[%get3A_656, %get3A_657] {strides = array<i32>} : memref<128x128xf32, #tpu.memory_space<vmem>>, vector<16xf32>,
        %get3A_659 = arith.index_cast %add3A_652 : i32 to index
        %get3A_660 = arith.constant 32 : index
        %get3A_661 = tpu.vector_load %arg17[%get3A_659, %get3A_660] {strides = array<i32>} : memref<128x128xf32, #tpu.memory_space<vmem>>, vector<16xf32>,
        %get3A_662 = arith.index_cast %add3A_652 : i32 to index
        %get3A_663 = arith.constant 48 : index
        %get3A_664 = tpu.vector_load %arg17[%get3A_662, %get3A_663] {strides = array<i32>} : memref<128x128xf32, #tpu.memory_space<vmem>>, vector<16xf32>,
        %get3A_665 = arith.index_cast %add3A_652 : i32 to index
        %get3A_666 = arith.constant 64 : index
        %get3A_667 = tpu.vector_load %arg17[%get3A_665, %get3A_666] {strides = array<i32>} : memref<128x128xf32, #tpu.memory_space<vmem>>, vector<16xf32>,
        %get3A_668 = arith.index_cast %add3A_652 : i32 to index
        %get3A_669 = arith.constant 80 : index
        %get3A_670 = tpu.vector_load %arg17[%get3A_668, %get3A_669] {strides = array<i32>} : memref<128x128xf32, #tpu.memory_space<vmem>>, vector<16xf32>,
        %get3A_671 = arith.index_cast %add3A_652 : i32 to index
        %get3A_672 = arith.constant 96 : index
        %get3A_673 = tpu.vector_load %arg17[%get3A_671, %get3A_672] {strides = array<i32>} : memref<128x128xf32, #tpu.memory_space<vmem>>, vector<16xf32>,
        %get3A_674 = arith.index_cast %add3A_652 : i32 to index
        %get3A_675 = arith.constant 112 : index
        %get3A_676 = tpu.vector_load %arg17[%get3A_674, %get3A_675] {strides = array<i32>} : memref<128x128xf32, #tpu.memory_space<vmem>>, vector<16xf32>,
        %broadcast_in_dim3A_677 = vector.broadcast %add3A_652 : i32 to vector<16xi32>
        %get3A_678 = arith.index_cast %add3A_652 : i32 to index
        %get3A_679 = arith.constant 0 : index
        %get3A_680 = tpu.vector_load %arg18[%get3A_678, %get3A_679] {strides = array<i32>} : memref<128x128xf32, #tpu.memory_space<vmem>>, vector<16xf32>,
        %mul3A_681 = arith.mulf %get3A_655, %get3A_680 : vector<16xf32>
        %get3A_682 = arith.index_cast %add3A_652 : i32 to index
        %get3A_683 = arith.constant 16 : index
        %get3A_684 = tpu.vector_load %arg18[%get3A_682, %get3A_683] {strides = array<i32>} : memref<128x128xf32, #tpu.memory_space<vmem>>, vector<16xf32>,
        %mul3A_685 = arith.mulf %get3A_658, %get3A_684 : vector<16xf32>
        %add3A_686 = arith.addf %mul3A_681, %mul3A_685 : vector<16xf32>
        %get3A_687 = arith.index_cast %add3A_652 : i32 to index
        %get3A_688 = arith.constant 32 : index
        %get3A_689 = tpu.vector_load %arg18[%get3A_687, %get3A_688] {strides = array<i32>} : memref<128x128xf32, #tpu.memory_space<vmem>>, vector<16xf32>,
        %mul3A_690 = arith.mulf %get3A_661, %get3A_689 : vector<16xf32>
        %add3A_691 = arith.addf %add3A_686, %mul3A_690 : vector<16xf32>
        %get3A_692 = arith.index_cast %add3A_652 : i32 to index
        %get3A_693 = arith.constant 48 : index
        %get3A_694 = tpu.vector_load %arg18[%get3A_692, %get3A_693] {strides = array<i32>} : memref<128x128xf32, #tpu.memory_space<vmem>>, vector<16xf32>,
        %mul3A_695 = arith.mulf %get3A_664, %get3A_694 : vector<16xf32>
        %add3A_696 = arith.addf %add3A_691, %mul3A_695 : vector<16xf32>
        %get3A_697 = arith.index_cast %add3A_652 : i32 to index
        %get3A_698 = arith.constant 64 : index
        %get3A_699 = tpu.vector_load %arg18[%get3A_697, %get3A_698] {strides = array<i32>} : memref<128x128xf32, #tpu.memory_space<vmem>>, vector<16xf32>,
        %mul3A_700 = arith.mulf %get3A_667, %get3A_699 : vector<16xf32>
        %add3A_701 = arith.addf %add3A_696, %mul3A_700 : vector<16xf32>
        %get3A_702 = arith.index_cast %add3A_652 : i32 to index
        %get3A_703 = arith.constant 80 : index
        %get3A_704 = tpu.vector_load %arg18[%get3A_702, %get3A_703] {strides = array<i32>} : memref<128x128xf32, #tpu.memory_space<vmem>>, vector<16xf32>,
        %mul3A_705 = arith.mulf %get3A_670, %get3A_704 : vector<16xf32>
        %add3A_706 = arith.addf %add3A_701, %mul3A_705 : vector<16xf32>
        %get3A_707 = arith.index_cast %add3A_652 : i32 to index
        %get3A_708 = arith.constant 96 : index
        %get3A_709 = tpu.vector_load %arg18[%get3A_707, %get3A_708] {strides = array<i32>} : memref<128x128xf32, #tpu.memory_space<vmem>>, vector<16xf32>,
        %mul3A_710 = arith.mulf %get3A_673, %get3A_709 : vector<16xf32>
        %add3A_711 = arith.addf %add3A_706, %mul3A_710 : vector<16xf32>
        %get3A_712 = arith.index_cast %add3A_652 : i32 to index
        %get3A_713 = arith.constant 112 : index
        %get3A_714 = tpu.vector_load %arg18[%get3A_712, %get3A_713] {strides = array<i32>} : memref<128x128xf32, #tpu.memory_space<vmem>>, vector<16xf32>,
        %mul3A_715 = arith.mulf %get3A_676, %get3A_714 : vector<16xf32>
        %add3A_716 = arith.addf %add3A_711, %mul3A_715 : vector<16xf32>
        %broadcast_in_dim3A_717 = arith.constant true
        %broadcast_in_dim3A_718 = vector.broadcast %broadcast_in_dim3A_717 : i1 to vector<16xi1>
        %masked_cumsum3A_719 = tpu.scan <sum>, %add3A_716 masked %broadcast_in_dim3A_718 : vector<16xf32>, vector<16xi1> -> vector<16xf32>
        tpu.vector_store_idx %arg30[%broadcast_in_dim3A_677], %masked_cumsum3A_719 masked %eq3A_2 : memref<128xf32, #tpu.memory_space<vmem>>[vector<16xi32>], vector<16xf32>, vector<16xi1>
        %parallel_loop3A_720 = arith.constant 0 : i32
        %parallel_loop3A_721 = arith.constant 50 : i32
        %parallel_loop3A_722 = arith.constant 1 : i32
        scf.for %parallel_loop3A_1083 = %parallel_loop3A_720 to %parallel_loop3A_721 step %parallel_loop3A_722  : i32 {
          %parallel_loop3A_1084 = vector.broadcast %add3A_652 : i32 to vector<16xi32>
          %parallel_loop3A_1085 = vector.broadcast %parallel_loop3A_1083 : i32 to vector<16xi32>
          %parallel_loop3A_1086 = arith.constant 50 : i32
          %parallel_loop3A_1087 = arith.addi %parallel_loop3A_1086, %parallel_loop3A_1083 : i32
          %parallel_loop3A_1088 = arith.index_cast %parallel_loop3A_1087 : i32 to index
          %parallel_loop3A_1089 = arith.constant 0 : index
          %parallel_loop3A_1090 = tpu.vector_load %arg19[%parallel_loop3A_1088, %parallel_loop3A_1089] {strides = array<i32>} : memref<100x128xf32, #tpu.memory_space<vmem>>, vector<16xf32>,
          %parallel_loop3A_1091 = arith.mulf %get3A_655, %parallel_loop3A_1090 : vector<16xf32>
          %parallel_loop3A_1092 = arith.index_cast %parallel_loop3A_1087 : i32 to index
          %parallel_loop3A_1093 = arith.constant 16 : index
          %parallel_loop3A_1094 = tpu.vector_load %arg19[%parallel_loop3A_1092, %parallel_loop3A_1093] {strides = array<i32>} : memref<100x128xf32, #tpu.memory_space<vmem>>, vector<16xf32>,
          %parallel_loop3A_1095 = arith.mulf %get3A_658, %parallel_loop3A_1094 : vector<16xf32>
          %parallel_loop3A_1096 = arith.addf %parallel_loop3A_1091, %parallel_loop3A_1095 : vector<16xf32>
          %parallel_loop3A_1097 = arith.index_cast %parallel_loop3A_1087 : i32 to index
          %parallel_loop3A_1098 = arith.constant 32 : index
          %parallel_loop3A_1099 = tpu.vector_load %arg19[%parallel_loop3A_1097, %parallel_loop3A_1098] {strides = array<i32>} : memref<100x128xf32, #tpu.memory_space<vmem>>, vector<16xf32>,
          %parallel_loop3A_1100 = arith.mulf %get3A_661, %parallel_loop3A_1099 : vector<16xf32>
          %parallel_loop3A_1101 = arith.addf %parallel_loop3A_1096, %parallel_loop3A_1100 : vector<16xf32>
          %parallel_loop3A_1102 = arith.index_cast %parallel_loop3A_1087 : i32 to index
          %parallel_loop3A_1103 = arith.constant 48 : index
          %parallel_loop3A_1104 = tpu.vector_load %arg19[%parallel_loop3A_1102, %parallel_loop3A_1103] {strides = array<i32>} : memref<100x128xf32, #tpu.memory_space<vmem>>, vector<16xf32>,
          %parallel_loop3A_1105 = arith.mulf %get3A_664, %parallel_loop3A_1104 : vector<16xf32>
          %parallel_loop3A_1106 = arith.addf %parallel_loop3A_1101, %parallel_loop3A_1105 : vector<16xf32>
          %parallel_loop3A_1107 = arith.index_cast %parallel_loop3A_1087 : i32 to index
          %parallel_loop3A_1108 = arith.constant 64 : index
          %parallel_loop3A_1109 = tpu.vector_load %arg19[%parallel_loop3A_1107, %parallel_loop3A_1108] {strides = array<i32>} : memref<100x128xf32, #tpu.memory_space<vmem>>, vector<16xf32>,
          %parallel_loop3A_1110 = arith.mulf %get3A_667, %parallel_loop3A_1109 : vector<16xf32>
          %parallel_loop3A_1111 = arith.addf %parallel_loop3A_1106, %parallel_loop3A_1110 : vector<16xf32>
          %parallel_loop3A_1112 = arith.index_cast %parallel_loop3A_1087 : i32 to index
          %parallel_loop3A_1113 = arith.constant 80 : index
          %parallel_loop3A_1114 = tpu.vector_load %arg19[%parallel_loop3A_1112, %parallel_loop3A_1113] {strides = array<i32>} : memref<100x128xf32, #tpu.memory_space<vmem>>, vector<16xf32>,
          %parallel_loop3A_1115 = arith.mulf %get3A_670, %parallel_loop3A_1114 : vector<16xf32>
          %parallel_loop3A_1116 = arith.addf %parallel_loop3A_1111, %parallel_loop3A_1115 : vector<16xf32>
          %parallel_loop3A_1117 = arith.index_cast %parallel_loop3A_1087 : i32 to index
          %parallel_loop3A_1118 = arith.constant 96 : index
          %parallel_loop3A_1119 = tpu.vector_load %arg19[%parallel_loop3A_1117, %parallel_loop3A_1118] {strides = array<i32>} : memref<100x128xf32, #tpu.memory_space<vmem>>, vector<16xf32>,
          %parallel_loop3A_1120 = arith.mulf %get3A_673, %parallel_loop3A_1119 : vector<16xf32>
          %parallel_loop3A_1121 = arith.addf %parallel_loop3A_1116, %parallel_loop3A_1120 : vector<16xf32>
          %parallel_loop3A_1122 = arith.index_cast %parallel_loop3A_1087 : i32 to index
          %parallel_loop3A_1123 = arith.constant 112 : index
          %parallel_loop3A_1124 = tpu.vector_load %arg19[%parallel_loop3A_1122, %parallel_loop3A_1123] {strides = array<i32>} : memref<100x128xf32, #tpu.memory_space<vmem>>, vector<16xf32>,
          %parallel_loop3A_1125 = arith.mulf %get3A_676, %parallel_loop3A_1124 : vector<16xf32>
          %parallel_loop3A_1126 = arith.addf %parallel_loop3A_1121, %parallel_loop3A_1125 : vector<16xf32>
          %parallel_loop3A_1127 = arith.constant true
          %parallel_loop3A_1128 = vector.broadcast %parallel_loop3A_1127 : i1 to vector<16xi1>
          %parallel_loop3A_1129 = tpu.scan <sum>, %parallel_loop3A_1126 masked %parallel_loop3A_1128 : vector<16xf32>, vector<16xi1> -> vector<16xf32>
          tpu.vector_store_idx %arg31[%parallel_loop3A_1084, %parallel_loop3A_1085], %parallel_loop3A_1129 masked %eq3A_2 : memref<128x50xf32, #tpu.memory_space<vmem>>[vector<16xi32>, vector<16xi32>], vector<16xf32>, vector<16xi1>
        } {sc.loop_unroll_factor = 10 : i64, sc.parallel_access}
        %get3A_723 = arith.index_cast %add3A_434 : i32 to index
        %get3A_724 = arith.constant 50 : index
        %get3A_725 = tpu.vector_load %arg16[%get3A_723, %get3A_724] {strides = array<i32>} : memref<256x100xi32, #tpu.memory_space<vmem>>, vector<16xi32>,
        %and3A_726 = arith.constant 15 : i32
        %and3A_727 = vector.broadcast %and3A_726 : i32 to vector<16xi32>
        %and3A_728 = arith.andi %get3A_725, %and3A_727 : vector<16xi32>
        %add3A_729 = arith.constant 50 : i32
        %add3A_730 = vector.broadcast %add3A_729 : i32 to vector<16xi32>
        %add3A_731 = arith.addi %iota3A, %add3A_730 : vector<16xi32>
        %add3A_732 = arith.constant 0 : i32
        %add3A_733 = vector.broadcast %add3A_732 : i32 to vector<16xi32>
        %add3A_734 = arith.addi %add3A_731, %add3A_733 : vector<16xi32>
        %gather3A_735 = tpu.vector_load_idx %arg25[%add3A_734, %and3A_728] : memref<100x16xf32, #tpu.memory_space<vmem>>[vector<16xi32>, vector<16xi32>], vector<16xf32>,
        %swap3A_736 = arith.index_cast %add3A_652 : i32 to index
        %swap3A_737 = arith.constant 0 : index
        %swap3A_738 = tpu.vector_load %arg29[%swap3A_736, %swap3A_737] {strides = array<i32>} : memref<128x50xf32, #tpu.memory_space<vmem>>, vector<16xf32>,
        tpu.vector_store %arg29[%swap3A_736, %swap3A_737], %gather3A_735 {strides = array<i32>} : memref<128x50xf32, #tpu.memory_space<vmem>>, vector<16xf32>,
        %get3A_739 = arith.index_cast %add3A_434 : i32 to index
        %get3A_740 = arith.constant 66 : index
        %get3A_741 = tpu.vector_load %arg16[%get3A_739, %get3A_740] {strides = array<i32>} : memref<256x100xi32, #tpu.memory_space<vmem>>, vector<16xi32>,
        %and3A_742 = arith.constant 15 : i32
        %and3A_743 = vector.broadcast %and3A_742 : i32 to vector<16xi32>
        %and3A_744 = arith.andi %get3A_741, %and3A_743 : vector<16xi32>
        %add3A_745 = arith.constant 50 : i32
        %add3A_746 = vector.broadcast %add3A_745 : i32 to vector<16xi32>
        %add3A_747 = arith.addi %iota3A, %add3A_746 : vector<16xi32>
        %add3A_748 = arith.constant 16 : i32
        %add3A_749 = vector.broadcast %add3A_748 : i32 to vector<16xi32>
        %add3A_750 = arith.addi %add3A_747, %add3A_749 : vector<16xi32>
        %gather3A_751 = tpu.vector_load_idx %arg25[%add3A_750, %and3A_744] : memref<100x16xf32, #tpu.memory_space<vmem>>[vector<16xi32>, vector<16xi32>], vector<16xf32>,
        %swap3A_752 = arith.index_cast %add3A_652 : i32 to index
        %swap3A_753 = arith.constant 16 : index
        %swap3A_754 = tpu.vector_load %arg29[%swap3A_752, %swap3A_753] {strides = array<i32>} : memref<128x50xf32, #tpu.memory_space<vmem>>, vector<16xf32>,
        tpu.vector_store %arg29[%swap3A_752, %swap3A_753], %gather3A_751 {strides = array<i32>} : memref<128x50xf32, #tpu.memory_space<vmem>>, vector<16xf32>,
        %get3A_755 = arith.index_cast %add3A_434 : i32 to index
        %get3A_756 = arith.constant 82 : index
        %get3A_757 = tpu.vector_load %arg16[%get3A_755, %get3A_756] {strides = array<i32>} : memref<256x100xi32, #tpu.memory_space<vmem>>, vector<16xi32>,
        %and3A_758 = arith.constant 15 : i32
        %and3A_759 = vector.broadcast %and3A_758 : i32 to vector<16xi32>
        %and3A_760 = arith.andi %get3A_757, %and3A_759 : vector<16xi32>
        %add3A_761 = arith.constant 50 : i32
        %add3A_762 = vector.broadcast %add3A_761 : i32 to vector<16xi32>
        %add3A_763 = arith.addi %iota3A, %add3A_762 : vector<16xi32>
        %add3A_764 = arith.constant 32 : i32
        %add3A_765 = vector.broadcast %add3A_764 : i32 to vector<16xi32>
        %add3A_766 = arith.addi %add3A_763, %add3A_765 : vector<16xi32>
        %gather3A_767 = tpu.vector_load_idx %arg25[%add3A_766, %and3A_760] : memref<100x16xf32, #tpu.memory_space<vmem>>[vector<16xi32>, vector<16xi32>], vector<16xf32>,
        %swap3A_768 = arith.index_cast %add3A_652 : i32 to index
        %swap3A_769 = arith.constant 32 : index
        %swap3A_770 = tpu.vector_load %arg29[%swap3A_768, %swap3A_769] {strides = array<i32>} : memref<128x50xf32, #tpu.memory_space<vmem>>, vector<16xf32>,
        tpu.vector_store %arg29[%swap3A_768, %swap3A_769], %gather3A_767 {strides = array<i32>} : memref<128x50xf32, #tpu.memory_space<vmem>>, vector<16xf32>,
        %get3A_771 = arith.index_cast %add3A_434 : i32 to index
        %get3A_772 = arith.constant 84 : index
        %get3A_773 = tpu.vector_load %arg16[%get3A_771, %get3A_772] {strides = array<i32>} : memref<256x100xi32, #tpu.memory_space<vmem>>, vector<16xi32>,
        %and3A_774 = arith.constant 15 : i32
        %and3A_775 = vector.broadcast %and3A_774 : i32 to vector<16xi32>
        %and3A_776 = arith.andi %get3A_773, %and3A_775 : vector<16xi32>
        %add3A_777 = arith.constant 50 : i32
        %add3A_778 = vector.broadcast %add3A_777 : i32 to vector<16xi32>
        %add3A_779 = arith.addi %iota3A, %add3A_778 : vector<16xi32>
        %add3A_780 = arith.constant 34 : i32
        %add3A_781 = vector.broadcast %add3A_780 : i32 to vector<16xi32>
        %add3A_782 = arith.addi %add3A_779, %add3A_781 : vector<16xi32>
        %gather3A_783 = tpu.vector_load_idx %arg25[%add3A_782, %and3A_776] : memref<100x16xf32, #tpu.memory_space<vmem>>[vector<16xi32>, vector<16xi32>], vector<16xf32>,
        %swap3A_784 = arith.index_cast %add3A_652 : i32 to index
        %swap3A_785 = arith.constant 34 : index
        %swap3A_786 = tpu.vector_load %arg29[%swap3A_784, %swap3A_785] {strides = array<i32>} : memref<128x50xf32, #tpu.memory_space<vmem>>, vector<16xf32>,
        tpu.vector_store %arg29[%swap3A_784, %swap3A_785], %gather3A_783 {strides = array<i32>} : memref<128x50xf32, #tpu.memory_space<vmem>>, vector<16xf32>,
        %add3A_787 = arith.constant 2 : i32
        %add3A_788 = arith.addi %mul3A_433, %add3A_787 : i32
        %lt3A = arith.constant 64 : i32
        %lt3A_789 = arith.cmpi slt, %add3A_788, %lt3A : i32
        %convert_element_type3A = arith.extui %lt3A_789 : i1 to i32
        %cond3A = arith.constant 0 : i32
        %cond3A_790 = arith.cmpi ne, %convert_element_type3A, %cond3A : i32
        scf.if %cond3A_790 {
          %add3A_1083 = arith.constant 2 : i32
          %add3A_1084 = arith.addi %add3A_434, %add3A_1083 : i32
          %get3A_1085 = arith.index_cast %add3A_1084 : i32 to index
          %get3A_1086 = arith.constant 0 : index
          %get3A_1087 = tpu.vector_load %arg16[%get3A_1085, %get3A_1086] {strides = array<i32>} : memref<256x100xi32, #tpu.memory_space<vmem>>, vector<16xi32>,
          %shift_right_arithmetic3A_1088 = arith.constant 4 : i32
          %shift_right_arithmetic3A_1089 = vector.broadcast %shift_right_arithmetic3A_1088 : i32 to vector<16xi32>
          %shift_right_arithmetic3A_1090 = arith.shrsi %get3A_1087, %shift_right_arithmetic3A_1089 : vector<16xi32>
          %swap3A_1091 = arith.constant 0 : index
          %swap3A_1092 = tpu.vector_load %arg22[%swap3A_1091] {strides = array<i32>} : memref<100xi32, #tpu.memory_space<vmem>>, vector<16xi32>,
          tpu.vector_store %arg22[%swap3A_1091], %shift_right_arithmetic3A_1090 {strides = array<i32>} : memref<100xi32, #tpu.memory_space<vmem>>, vector<16xi32>,
          %get3A_1093 = arith.index_cast %add3A_1084 : i32 to index
          %get3A_1094 = arith.constant 16 : index
          %get3A_1095 = tpu.vector_load %arg16[%get3A_1093, %get3A_1094] {strides = array<i32>} : memref<256x100xi32, #tpu.memory_space<vmem>>, vector<16xi32>,
          %shift_right_arithmetic3A_1096 = arith.constant 4 : i32
          %shift_right_arithmetic3A_1097 = vector.broadcast %shift_right_arithmetic3A_1096 : i32 to vector<16xi32>
          %shift_right_arithmetic3A_1098 = arith.shrsi %get3A_1095, %shift_right_arithmetic3A_1097 : vector<16xi32>
          %swap3A_1099 = arith.constant 16 : index
          %swap3A_1100 = tpu.vector_load %arg22[%swap3A_1099] {strides = array<i32>} : memref<100xi32, #tpu.memory_space<vmem>>, vector<16xi32>,
          tpu.vector_store %arg22[%swap3A_1099], %shift_right_arithmetic3A_1098 {strides = array<i32>} : memref<100xi32, #tpu.memory_space<vmem>>, vector<16xi32>,
          %get3A_1101 = arith.index_cast %add3A_1084 : i32 to index
          %get3A_1102 = arith.constant 32 : index
          %get3A_1103 = tpu.vector_load %arg16[%get3A_1101, %get3A_1102] {strides = array<i32>} : memref<256x100xi32, #tpu.memory_space<vmem>>, vector<16xi32>,
          %shift_right_arithmetic3A_1104 = arith.constant 4 : i32
          %shift_right_arithmetic3A_1105 = vector.broadcast %shift_right_arithmetic3A_1104 : i32 to vector<16xi32>
          %shift_right_arithmetic3A_1106 = arith.shrsi %get3A_1103, %shift_right_arithmetic3A_1105 : vector<16xi32>
          %swap3A_1107 = arith.constant 32 : index
          %swap3A_1108 = tpu.vector_load %arg22[%swap3A_1107] {strides = array<i32>} : memref<100xi32, #tpu.memory_space<vmem>>, vector<16xi32>,
          tpu.vector_store %arg22[%swap3A_1107], %shift_right_arithmetic3A_1106 {strides = array<i32>} : memref<100xi32, #tpu.memory_space<vmem>>, vector<16xi32>,
          %get3A_1109 = arith.index_cast %add3A_1084 : i32 to index
          %get3A_1110 = arith.constant 48 : index
          %get3A_1111 = tpu.vector_load %arg16[%get3A_1109, %get3A_1110] {strides = array<i32>} : memref<256x100xi32, #tpu.memory_space<vmem>>, vector<16xi32>,
          %shift_right_arithmetic3A_1112 = arith.constant 4 : i32
          %shift_right_arithmetic3A_1113 = vector.broadcast %shift_right_arithmetic3A_1112 : i32 to vector<16xi32>
          %shift_right_arithmetic3A_1114 = arith.shrsi %get3A_1111, %shift_right_arithmetic3A_1113 : vector<16xi32>
          %swap3A_1115 = arith.constant 48 : index
          %swap3A_1116 = tpu.vector_load %arg22[%swap3A_1115] {strides = array<i32>} : memref<100xi32, #tpu.memory_space<vmem>>, vector<16xi32>,
          tpu.vector_store %arg22[%swap3A_1115], %shift_right_arithmetic3A_1114 {strides = array<i32>} : memref<100xi32, #tpu.memory_space<vmem>>, vector<16xi32>,
          %get3A_1117 = arith.index_cast %add3A_1084 : i32 to index
          %get3A_1118 = arith.constant 64 : index
          %get3A_1119 = tpu.vector_load %arg16[%get3A_1117, %get3A_1118] {strides = array<i32>} : memref<256x100xi32, #tpu.memory_space<vmem>>, vector<16xi32>,
          %shift_right_arithmetic3A_1120 = arith.constant 4 : i32
          %shift_right_arithmetic3A_1121 = vector.broadcast %shift_right_arithmetic3A_1120 : i32 to vector<16xi32>
          %shift_right_arithmetic3A_1122 = arith.shrsi %get3A_1119, %shift_right_arithmetic3A_1121 : vector<16xi32>
          %swap3A_1123 = arith.constant 64 : index
          %swap3A_1124 = tpu.vector_load %arg22[%swap3A_1123] {strides = array<i32>} : memref<100xi32, #tpu.memory_space<vmem>>, vector<16xi32>,
          tpu.vector_store %arg22[%swap3A_1123], %shift_right_arithmetic3A_1122 {strides = array<i32>} : memref<100xi32, #tpu.memory_space<vmem>>, vector<16xi32>,
          %get3A_1125 = arith.index_cast %add3A_1084 : i32 to index
          %get3A_1126 = arith.constant 80 : index
          %get3A_1127 = tpu.vector_load %arg16[%get3A_1125, %get3A_1126] {strides = array<i32>} : memref<256x100xi32, #tpu.memory_space<vmem>>, vector<16xi32>,
          %shift_right_arithmetic3A_1128 = arith.constant 4 : i32
          %shift_right_arithmetic3A_1129 = vector.broadcast %shift_right_arithmetic3A_1128 : i32 to vector<16xi32>
          %shift_right_arithmetic3A_1130 = arith.shrsi %get3A_1127, %shift_right_arithmetic3A_1129 : vector<16xi32>
          %swap3A_1131 = arith.constant 80 : index
          %swap3A_1132 = tpu.vector_load %arg22[%swap3A_1131] {strides = array<i32>} : memref<100xi32, #tpu.memory_space<vmem>>, vector<16xi32>,
          tpu.vector_store %arg22[%swap3A_1131], %shift_right_arithmetic3A_1130 {strides = array<i32>} : memref<100xi32, #tpu.memory_space<vmem>>, vector<16xi32>,
          %get3A_1133 = arith.index_cast %add3A_1084 : i32 to index
          %get3A_1134 = arith.constant 84 : index
          %get3A_1135 = tpu.vector_load %arg16[%get3A_1133, %get3A_1134] {strides = array<i32>} : memref<256x100xi32, #tpu.memory_space<vmem>>, vector<16xi32>,
          %shift_right_arithmetic3A_1136 = arith.constant 4 : i32
          %shift_right_arithmetic3A_1137 = vector.broadcast %shift_right_arithmetic3A_1136 : i32 to vector<16xi32>
          %shift_right_arithmetic3A_1138 = arith.shrsi %get3A_1135, %shift_right_arithmetic3A_1137 : vector<16xi32>
          %swap3A_1139 = arith.constant 84 : index
          %swap3A_1140 = tpu.vector_load %arg22[%swap3A_1139] {strides = array<i32>} : memref<100xi32, #tpu.memory_space<vmem>>, vector<16xi32>,
          tpu.vector_store %arg22[%swap3A_1139], %shift_right_arithmetic3A_1138 {strides = array<i32>} : memref<100xi32, #tpu.memory_space<vmem>>, vector<16xi32>,
          %dma_start3A_1141 = arith.constant 0 : i32
          %dma_start3A_1142 = tpu.memref_slice %arg16[%add3A_1084, %dma_start3A_1141] : memref<256x100xi32, #tpu.memory_space<vmem>> -> memref<1x100xi32, #tpu.memory_space<vmem>>
          %dma_start3A_1143 = tpu.memref_squeeze %dma_start3A_1142 : memref<1x100xi32, #tpu.memory_space<vmem>> -> memref<100xi32, #tpu.memory_space<vmem>>
          %dma_start3A_1144 = arith.constant 0 : i32
          %dma_start3A_1145 = arith.constant 0 : i32
          %dma_start3A_1146 = tpu.memref_slice %arg6[%dma_start3A_1144, %dma_start3A_1145] : memref<100000x128xf32, #tpu.memory_space<hbm>> -> memref<100000x128xf32, #tpu.memory_space<hbm>>
          tpu.enqueue_indirect_dma source(%dma_start3A_1146 : memref<100000x128xf32, #tpu.memory_space<hbm>>) target(%arg19 : memref<100x128xf32, #tpu.memory_space<vmem>>) offsets(%dma_start3A_1143 : memref<100xi32, #tpu.memory_space<vmem>>) semaphore(%arg35 : memref<!tpu.dma_semaphore, #tpu.memory_space<semaphore_mem>>)
          %dma_start3A_1147 = arith.constant 0 : i32
          %dma_start3A_1148 = arith.constant 0 : i32
          %dma_start3A_1149 = tpu.memref_slice %arg8[%dma_start3A_1147, %dma_start3A_1148] : memref<6250x16xf32, #tpu.memory_space<hbm>> -> memref<6250x16xf32, #tpu.memory_space<hbm>>
          tpu.enqueue_indirect_dma source(%dma_start3A_1149 : memref<6250x16xf32, #tpu.memory_space<hbm>>) target(%arg25 : memref<100x16xf32, #tpu.memory_space<vmem>>) offsets(%arg22 : memref<100xi32, #tpu.memory_space<vmem>>) semaphore(%arg37 : memref<!tpu.dma_semaphore, #tpu.memory_space<semaphore_mem>>)
        } else {
        }
        %dma_wait3A_791 = arith.constant 0 : i32
        %dma_wait3A_792 = arith.constant 0 : i32
        %dma_wait3A_793 = tpu.memref_slice %arg6[%dma_wait3A_791, %dma_wait3A_792] : memref<100000x128xf32, #tpu.memory_space<hbm>> -> memref<100x128xf32, #tpu.memory_space<hbm>>
        %dma_wait3A_794 = arith.constant 0 : i32
        %dma_wait3A_795 = arith.constant 0 : i32
        %dma_wait3A_796 = tpu.memref_slice %arg6[%dma_wait3A_794, %dma_wait3A_795] : memref<100000x128xf32, #tpu.memory_space<hbm>> -> memref<100x128xf32, #tpu.memory_space<hbm>>
        tpu.wait_dma2 semaphore(%arg36 : memref<!tpu.dma_semaphore, #tpu.memory_space<semaphore_mem>>) src(%dma_wait3A_796 : memref<100x128xf32, #tpu.memory_space<hbm>>) dst(%arg20 : memref<100x128xf32, #tpu.memory_space<vmem>>)
        %dma_wait3A_797 = arith.constant 0 : i32
        %dma_wait3A_798 = arith.constant 0 : i32
        %dma_wait3A_799 = tpu.memref_slice %arg8[%dma_wait3A_797, %dma_wait3A_798] : memref<6250x16xf32, #tpu.memory_space<hbm>> -> memref<100x16xf32, #tpu.memory_space<hbm>>
        %dma_wait3A_800 = arith.constant 0 : i32
        %dma_wait3A_801 = arith.constant 0 : i32
        %dma_wait3A_802 = tpu.memref_slice %arg8[%dma_wait3A_800, %dma_wait3A_801] : memref<6250x16xf32, #tpu.memory_space<hbm>> -> memref<100x16xf32, #tpu.memory_space<hbm>>
        tpu.wait_dma2 semaphore(%arg38 : memref<!tpu.dma_semaphore, #tpu.memory_space<semaphore_mem>>) src(%dma_wait3A_802 : memref<100x16xf32, #tpu.memory_space<hbm>>) dst(%arg26 : memref<100x16xf32, #tpu.memory_space<vmem>>)
        %add3A_803 = arith.constant 1 : i32
        %add3A_804 = arith.addi %mul3A_433, %add3A_803 : i32
        %add3A_805 = arith.constant 1 : i32
        %add3A_806 = arith.addi %add3A_434, %add3A_805 : i32
        %mul3A_807 = arith.constant 2 : i32
        %mul3A_808 = arith.muli %mul3A_807, %add3A_804 : i32
        %add3A_809 = arith.constant 0 : i32
        %add3A_810 = arith.addi %mul3A_808, %add3A_809 : i32
        %get3A_811 = arith.index_cast %add3A_810 : i32 to index
        %get3A_812 = arith.constant 0 : index
        %get3A_813 = tpu.vector_load %arg17[%get3A_811, %get3A_812] {strides = array<i32>} : memref<128x128xf32, #tpu.memory_space<vmem>>, vector<16xf32>,
        %get3A_814 = arith.index_cast %add3A_810 : i32 to index
        %get3A_815 = arith.constant 16 : index
        %get3A_816 = tpu.vector_load %arg17[%get3A_814, %get3A_815] {strides = array<i32>} : memref<128x128xf32, #tpu.memory_space<vmem>>, vector<16xf32>,
        %get3A_817 = arith.index_cast %add3A_810 : i32 to index
        %get3A_818 = arith.constant 32 : index
        %get3A_819 = tpu.vector_load %arg17[%get3A_817, %get3A_818] {strides = array<i32>} : memref<128x128xf32, #tpu.memory_space<vmem>>, vector<16xf32>,
        %get3A_820 = arith.index_cast %add3A_810 : i32 to index
        %get3A_821 = arith.constant 48 : index
        %get3A_822 = tpu.vector_load %arg17[%get3A_820, %get3A_821] {strides = array<i32>} : memref<128x128xf32, #tpu.memory_space<vmem>>, vector<16xf32>,
        %get3A_823 = arith.index_cast %add3A_810 : i32 to index
        %get3A_824 = arith.constant 64 : index
        %get3A_825 = tpu.vector_load %arg17[%get3A_823, %get3A_824] {strides = array<i32>} : memref<128x128xf32, #tpu.memory_space<vmem>>, vector<16xf32>,
        %get3A_826 = arith.index_cast %add3A_810 : i32 to index
        %get3A_827 = arith.constant 80 : index
        %get3A_828 = tpu.vector_load %arg17[%get3A_826, %get3A_827] {strides = array<i32>} : memref<128x128xf32, #tpu.memory_space<vmem>>, vector<16xf32>,
        %get3A_829 = arith.index_cast %add3A_810 : i32 to index
        %get3A_830 = arith.constant 96 : index
        %get3A_831 = tpu.vector_load %arg17[%get3A_829, %get3A_830] {strides = array<i32>} : memref<128x128xf32, #tpu.memory_space<vmem>>, vector<16xf32>,
        %get3A_832 = arith.index_cast %add3A_810 : i32 to index
        %get3A_833 = arith.constant 112 : index
        %get3A_834 = tpu.vector_load %arg17[%get3A_832, %get3A_833] {strides = array<i32>} : memref<128x128xf32, #tpu.memory_space<vmem>>, vector<16xf32>,
        %broadcast_in_dim3A_835 = vector.broadcast %add3A_810 : i32 to vector<16xi32>
        %get3A_836 = arith.index_cast %add3A_810 : i32 to index
        %get3A_837 = arith.constant 0 : index
        %get3A_838 = tpu.vector_load %arg18[%get3A_836, %get3A_837] {strides = array<i32>} : memref<128x128xf32, #tpu.memory_space<vmem>>, vector<16xf32>,
        %mul3A_839 = arith.mulf %get3A_813, %get3A_838 : vector<16xf32>
        %get3A_840 = arith.index_cast %add3A_810 : i32 to index
        %get3A_841 = arith.constant 16 : index
        %get3A_842 = tpu.vector_load %arg18[%get3A_840, %get3A_841] {strides = array<i32>} : memref<128x128xf32, #tpu.memory_space<vmem>>, vector<16xf32>,
        %mul3A_843 = arith.mulf %get3A_816, %get3A_842 : vector<16xf32>
        %add3A_844 = arith.addf %mul3A_839, %mul3A_843 : vector<16xf32>
        %get3A_845 = arith.index_cast %add3A_810 : i32 to index
        %get3A_846 = arith.constant 32 : index
        %get3A_847 = tpu.vector_load %arg18[%get3A_845, %get3A_846] {strides = array<i32>} : memref<128x128xf32, #tpu.memory_space<vmem>>, vector<16xf32>,
        %mul3A_848 = arith.mulf %get3A_819, %get3A_847 : vector<16xf32>
        %add3A_849 = arith.addf %add3A_844, %mul3A_848 : vector<16xf32>
        %get3A_850 = arith.index_cast %add3A_810 : i32 to index
        %get3A_851 = arith.constant 48 : index
        %get3A_852 = tpu.vector_load %arg18[%get3A_850, %get3A_851] {strides = array<i32>} : memref<128x128xf32, #tpu.memory_space<vmem>>, vector<16xf32>,
        %mul3A_853 = arith.mulf %get3A_822, %get3A_852 : vector<16xf32>
        %add3A_854 = arith.addf %add3A_849, %mul3A_853 : vector<16xf32>
        %get3A_855 = arith.index_cast %add3A_810 : i32 to index
        %get3A_856 = arith.constant 64 : index
        %get3A_857 = tpu.vector_load %arg18[%get3A_855, %get3A_856] {strides = array<i32>} : memref<128x128xf32, #tpu.memory_space<vmem>>, vector<16xf32>,
        %mul3A_858 = arith.mulf %get3A_825, %get3A_857 : vector<16xf32>
        %add3A_859 = arith.addf %add3A_854, %mul3A_858 : vector<16xf32>
        %get3A_860 = arith.index_cast %add3A_810 : i32 to index
        %get3A_861 = arith.constant 80 : index
        %get3A_862 = tpu.vector_load %arg18[%get3A_860, %get3A_861] {strides = array<i32>} : memref<128x128xf32, #tpu.memory_space<vmem>>, vector<16xf32>,
        %mul3A_863 = arith.mulf %get3A_828, %get3A_862 : vector<16xf32>
        %add3A_864 = arith.addf %add3A_859, %mul3A_863 : vector<16xf32>
        %get3A_865 = arith.index_cast %add3A_810 : i32 to index
        %get3A_866 = arith.constant 96 : index
        %get3A_867 = tpu.vector_load %arg18[%get3A_865, %get3A_866] {strides = array<i32>} : memref<128x128xf32, #tpu.memory_space<vmem>>, vector<16xf32>,
        %mul3A_868 = arith.mulf %get3A_831, %get3A_867 : vector<16xf32>
        %add3A_869 = arith.addf %add3A_864, %mul3A_868 : vector<16xf32>
        %get3A_870 = arith.index_cast %add3A_810 : i32 to index
        %get3A_871 = arith.constant 112 : index
        %get3A_872 = tpu.vector_load %arg18[%get3A_870, %get3A_871] {strides = array<i32>} : memref<128x128xf32, #tpu.memory_space<vmem>>, vector<16xf32>,
        %mul3A_873 = arith.mulf %get3A_834, %get3A_872 : vector<16xf32>
        %add3A_874 = arith.addf %add3A_869, %mul3A_873 : vector<16xf32>
        %broadcast_in_dim3A_875 = arith.constant true
        %broadcast_in_dim3A_876 = vector.broadcast %broadcast_in_dim3A_875 : i1 to vector<16xi1>
        %masked_cumsum3A_877 = tpu.scan <sum>, %add3A_874 masked %broadcast_in_dim3A_876 : vector<16xf32>, vector<16xi1> -> vector<16xf32>
        tpu.vector_store_idx %arg30[%broadcast_in_dim3A_835], %masked_cumsum3A_877 masked %eq3A_2 : memref<128xf32, #tpu.memory_space<vmem>>[vector<16xi32>], vector<16xf32>, vector<16xi1>
        %parallel_loop3A_878 = arith.constant 0 : i32
        %parallel_loop3A_879 = arith.constant 50 : i32
        %parallel_loop3A_880 = arith.constant 1 : i32
        scf.for %parallel_loop3A_1083 = %parallel_loop3A_878 to %parallel_loop3A_879 step %parallel_loop3A_880  : i32 {
          %parallel_loop3A_1084 = vector.broadcast %add3A_810 : i32 to vector<16xi32>
          %parallel_loop3A_1085 = vector.broadcast %parallel_loop3A_1083 : i32 to vector<16xi32>
          %parallel_loop3A_1086 = arith.constant 0 : i32
          %parallel_loop3A_1087 = arith.addi %parallel_loop3A_1086, %parallel_loop3A_1083 : i32
          %parallel_loop3A_1088 = arith.index_cast %parallel_loop3A_1087 : i32 to index
          %parallel_loop3A_1089 = arith.constant 0 : index
          %parallel_loop3A_1090 = tpu.vector_load %arg20[%parallel_loop3A_1088, %parallel_loop3A_1089] {strides = array<i32>} : memref<100x128xf32, #tpu.memory_space<vmem>>, vector<16xf32>,
          %parallel_loop3A_1091 = arith.mulf %get3A_813, %parallel_loop3A_1090 : vector<16xf32>
          %parallel_loop3A_1092 = arith.index_cast %parallel_loop3A_1087 : i32 to index
          %parallel_loop3A_1093 = arith.constant 16 : index
          %parallel_loop3A_1094 = tpu.vector_load %arg20[%parallel_loop3A_1092, %parallel_loop3A_1093] {strides = array<i32>} : memref<100x128xf32, #tpu.memory_space<vmem>>, vector<16xf32>,
          %parallel_loop3A_1095 = arith.mulf %get3A_816, %parallel_loop3A_1094 : vector<16xf32>
          %parallel_loop3A_1096 = arith.addf %parallel_loop3A_1091, %parallel_loop3A_1095 : vector<16xf32>
          %parallel_loop3A_1097 = arith.index_cast %parallel_loop3A_1087 : i32 to index
          %parallel_loop3A_1098 = arith.constant 32 : index
          %parallel_loop3A_1099 = tpu.vector_load %arg20[%parallel_loop3A_1097, %parallel_loop3A_1098] {strides = array<i32>} : memref<100x128xf32, #tpu.memory_space<vmem>>, vector<16xf32>,
          %parallel_loop3A_1100 = arith.mulf %get3A_819, %parallel_loop3A_1099 : vector<16xf32>
          %parallel_loop3A_1101 = arith.addf %parallel_loop3A_1096, %parallel_loop3A_1100 : vector<16xf32>
          %parallel_loop3A_1102 = arith.index_cast %parallel_loop3A_1087 : i32 to index
          %parallel_loop3A_1103 = arith.constant 48 : index
          %parallel_loop3A_1104 = tpu.vector_load %arg20[%parallel_loop3A_1102, %parallel_loop3A_1103] {strides = array<i32>} : memref<100x128xf32, #tpu.memory_space<vmem>>, vector<16xf32>,
          %parallel_loop3A_1105 = arith.mulf %get3A_822, %parallel_loop3A_1104 : vector<16xf32>
          %parallel_loop3A_1106 = arith.addf %parallel_loop3A_1101, %parallel_loop3A_1105 : vector<16xf32>
          %parallel_loop3A_1107 = arith.index_cast %parallel_loop3A_1087 : i32 to index
          %parallel_loop3A_1108 = arith.constant 64 : index
          %parallel_loop3A_1109 = tpu.vector_load %arg20[%parallel_loop3A_1107, %parallel_loop3A_1108] {strides = array<i32>} : memref<100x128xf32, #tpu.memory_space<vmem>>, vector<16xf32>,
          %parallel_loop3A_1110 = arith.mulf %get3A_825, %parallel_loop3A_1109 : vector<16xf32>
          %parallel_loop3A_1111 = arith.addf %parallel_loop3A_1106, %parallel_loop3A_1110 : vector<16xf32>
          %parallel_loop3A_1112 = arith.index_cast %parallel_loop3A_1087 : i32 to index
          %parallel_loop3A_1113 = arith.constant 80 : index
          %parallel_loop3A_1114 = tpu.vector_load %arg20[%parallel_loop3A_1112, %parallel_loop3A_1113] {strides = array<i32>} : memref<100x128xf32, #tpu.memory_space<vmem>>, vector<16xf32>,
          %parallel_loop3A_1115 = arith.mulf %get3A_828, %parallel_loop3A_1114 : vector<16xf32>
          %parallel_loop3A_1116 = arith.addf %parallel_loop3A_1111, %parallel_loop3A_1115 : vector<16xf32>
          %parallel_loop3A_1117 = arith.index_cast %parallel_loop3A_1087 : i32 to index
          %parallel_loop3A_1118 = arith.constant 96 : index
          %parallel_loop3A_1119 = tpu.vector_load %arg20[%parallel_loop3A_1117, %parallel_loop3A_1118] {strides = array<i32>} : memref<100x128xf32, #tpu.memory_space<vmem>>, vector<16xf32>,
          %parallel_loop3A_1120 = arith.mulf %get3A_831, %parallel_loop3A_1119 : vector<16xf32>
          %parallel_loop3A_1121 = arith.addf %parallel_loop3A_1116, %parallel_loop3A_1120 : vector<16xf32>
          %parallel_loop3A_1122 = arith.index_cast %parallel_loop3A_1087 : i32 to index
          %parallel_loop3A_1123 = arith.constant 112 : index
          %parallel_loop3A_1124 = tpu.vector_load %arg20[%parallel_loop3A_1122, %parallel_loop3A_1123] {strides = array<i32>} : memref<100x128xf32, #tpu.memory_space<vmem>>, vector<16xf32>,
          %parallel_loop3A_1125 = arith.mulf %get3A_834, %parallel_loop3A_1124 : vector<16xf32>
          %parallel_loop3A_1126 = arith.addf %parallel_loop3A_1121, %parallel_loop3A_1125 : vector<16xf32>
          %parallel_loop3A_1127 = arith.constant true
          %parallel_loop3A_1128 = vector.broadcast %parallel_loop3A_1127 : i1 to vector<16xi1>
          %parallel_loop3A_1129 = tpu.scan <sum>, %parallel_loop3A_1126 masked %parallel_loop3A_1128 : vector<16xf32>, vector<16xi1> -> vector<16xf32>
          tpu.vector_store_idx %arg31[%parallel_loop3A_1084, %parallel_loop3A_1085], %parallel_loop3A_1129 masked %eq3A_2 : memref<128x50xf32, #tpu.memory_space<vmem>>[vector<16xi32>, vector<16xi32>], vector<16xf32>, vector<16xi1>
        } {sc.loop_unroll_factor = 10 : i64, sc.parallel_access}
        %get3A_881 = arith.index_cast %add3A_806 : i32 to index
        %get3A_882 = arith.constant 0 : index
        %get3A_883 = tpu.vector_load %arg16[%get3A_881, %get3A_882] {strides = array<i32>} : memref<256x100xi32, #tpu.memory_space<vmem>>, vector<16xi32>,
        %and3A_884 = arith.constant 15 : i32
        %and3A_885 = vector.broadcast %and3A_884 : i32 to vector<16xi32>
        %and3A_886 = arith.andi %get3A_883, %and3A_885 : vector<16xi32>
        %add3A_887 = arith.constant 0 : i32
        %add3A_888 = vector.broadcast %add3A_887 : i32 to vector<16xi32>
        %add3A_889 = arith.addi %iota3A, %add3A_888 : vector<16xi32>
        %add3A_890 = arith.constant 0 : i32
        %add3A_891 = vector.broadcast %add3A_890 : i32 to vector<16xi32>
        %add3A_892 = arith.addi %add3A_889, %add3A_891 : vector<16xi32>
        %gather3A_893 = tpu.vector_load_idx %arg26[%add3A_892, %and3A_886] : memref<100x16xf32, #tpu.memory_space<vmem>>[vector<16xi32>, vector<16xi32>], vector<16xf32>,
        %swap3A_894 = arith.index_cast %add3A_810 : i32 to index
        %swap3A_895 = arith.constant 0 : index
        %swap3A_896 = tpu.vector_load %arg29[%swap3A_894, %swap3A_895] {strides = array<i32>} : memref<128x50xf32, #tpu.memory_space<vmem>>, vector<16xf32>,
        tpu.vector_store %arg29[%swap3A_894, %swap3A_895], %gather3A_893 {strides = array<i32>} : memref<128x50xf32, #tpu.memory_space<vmem>>, vector<16xf32>,
        %get3A_897 = arith.index_cast %add3A_806 : i32 to index
        %get3A_898 = arith.constant 16 : index
        %get3A_899 = tpu.vector_load %arg16[%get3A_897, %get3A_898] {strides = array<i32>} : memref<256x100xi32, #tpu.memory_space<vmem>>, vector<16xi32>,
        %and3A_900 = arith.constant 15 : i32
        %and3A_901 = vector.broadcast %and3A_900 : i32 to vector<16xi32>
        %and3A_902 = arith.andi %get3A_899, %and3A_901 : vector<16xi32>
        %add3A_903 = arith.constant 0 : i32
        %add3A_904 = vector.broadcast %add3A_903 : i32 to vector<16xi32>
        %add3A_905 = arith.addi %iota3A, %add3A_904 : vector<16xi32>
        %add3A_906 = arith.constant 16 : i32
        %add3A_907 = vector.broadcast %add3A_906 : i32 to vector<16xi32>
        %add3A_908 = arith.addi %add3A_905, %add3A_907 : vector<16xi32>
        %gather3A_909 = tpu.vector_load_idx %arg26[%add3A_908, %and3A_902] : memref<100x16xf32, #tpu.memory_space<vmem>>[vector<16xi32>, vector<16xi32>], vector<16xf32>,
        %swap3A_910 = arith.index_cast %add3A_810 : i32 to index
        %swap3A_911 = arith.constant 16 : index
        %swap3A_912 = tpu.vector_load %arg29[%swap3A_910, %swap3A_911] {strides = array<i32>} : memref<128x50xf32, #tpu.memory_space<vmem>>, vector<16xf32>,
        tpu.vector_store %arg29[%swap3A_910, %swap3A_911], %gather3A_909 {strides = array<i32>} : memref<128x50xf32, #tpu.memory_space<vmem>>, vector<16xf32>,
        %get3A_913 = arith.index_cast %add3A_806 : i32 to index
        %get3A_914 = arith.constant 32 : index
        %get3A_915 = tpu.vector_load %arg16[%get3A_913, %get3A_914] {strides = array<i32>} : memref<256x100xi32, #tpu.memory_space<vmem>>, vector<16xi32>,
        %and3A_916 = arith.constant 15 : i32
        %and3A_917 = vector.broadcast %and3A_916 : i32 to vector<16xi32>
        %and3A_918 = arith.andi %get3A_915, %and3A_917 : vector<16xi32>
        %add3A_919 = arith.constant 0 : i32
        %add3A_920 = vector.broadcast %add3A_919 : i32 to vector<16xi32>
        %add3A_921 = arith.addi %iota3A, %add3A_920 : vector<16xi32>
        %add3A_922 = arith.constant 32 : i32
        %add3A_923 = vector.broadcast %add3A_922 : i32 to vector<16xi32>
        %add3A_924 = arith.addi %add3A_921, %add3A_923 : vector<16xi32>
        %gather3A_925 = tpu.vector_load_idx %arg26[%add3A_924, %and3A_918] : memref<100x16xf32, #tpu.memory_space<vmem>>[vector<16xi32>, vector<16xi32>], vector<16xf32>,
        %swap3A_926 = arith.index_cast %add3A_810 : i32 to index
        %swap3A_927 = arith.constant 32 : index
        %swap3A_928 = tpu.vector_load %arg29[%swap3A_926, %swap3A_927] {strides = array<i32>} : memref<128x50xf32, #tpu.memory_space<vmem>>, vector<16xf32>,
        tpu.vector_store %arg29[%swap3A_926, %swap3A_927], %gather3A_925 {strides = array<i32>} : memref<128x50xf32, #tpu.memory_space<vmem>>, vector<16xf32>,
        %get3A_929 = arith.index_cast %add3A_806 : i32 to index
        %get3A_930 = arith.constant 34 : index
        %get3A_931 = tpu.vector_load %arg16[%get3A_929, %get3A_930] {strides = array<i32>} : memref<256x100xi32, #tpu.memory_space<vmem>>, vector<16xi32>,
        %and3A_932 = arith.constant 15 : i32
        %and3A_933 = vector.broadcast %and3A_932 : i32 to vector<16xi32>
        %and3A_934 = arith.andi %get3A_931, %and3A_933 : vector<16xi32>
        %add3A_935 = arith.constant 0 : i32
        %add3A_936 = vector.broadcast %add3A_935 : i32 to vector<16xi32>
        %add3A_937 = arith.addi %iota3A, %add3A_936 : vector<16xi32>
        %add3A_938 = arith.constant 34 : i32
        %add3A_939 = vector.broadcast %add3A_938 : i32 to vector<16xi32>
        %add3A_940 = arith.addi %add3A_937, %add3A_939 : vector<16xi32>
        %gather3A_941 = tpu.vector_load_idx %arg26[%add3A_940, %and3A_934] : memref<100x16xf32, #tpu.memory_space<vmem>>[vector<16xi32>, vector<16xi32>], vector<16xf32>,
        %swap3A_942 = arith.index_cast %add3A_810 : i32 to index
        %swap3A_943 = arith.constant 34 : index
        %swap3A_944 = tpu.vector_load %arg29[%swap3A_942, %swap3A_943] {strides = array<i32>} : memref<128x50xf32, #tpu.memory_space<vmem>>, vector<16xf32>,
        tpu.vector_store %arg29[%swap3A_942, %swap3A_943], %gather3A_941 {strides = array<i32>} : memref<128x50xf32, #tpu.memory_space<vmem>>, vector<16xf32>,
        %mul3A_945 = arith.constant 2 : i32
        %mul3A_946 = arith.muli %mul3A_945, %add3A_804 : i32
        %add3A_947 = arith.constant 1 : i32
        %add3A_948 = arith.addi %mul3A_946, %add3A_947 : i32
        %get3A_949 = arith.index_cast %add3A_948 : i32 to index
        %get3A_950 = arith.constant 0 : index
        %get3A_951 = tpu.vector_load %arg17[%get3A_949, %get3A_950] {strides = array<i32>} : memref<128x128xf32, #tpu.memory_space<vmem>>, vector<16xf32>,
        %get3A_952 = arith.index_cast %add3A_948 : i32 to index
        %get3A_953 = arith.constant 16 : index
        %get3A_954 = tpu.vector_load %arg17[%get3A_952, %get3A_953] {strides = array<i32>} : memref<128x128xf32, #tpu.memory_space<vmem>>, vector<16xf32>,
        %get3A_955 = arith.index_cast %add3A_948 : i32 to index
        %get3A_956 = arith.constant 32 : index
        %get3A_957 = tpu.vector_load %arg17[%get3A_955, %get3A_956] {strides = array<i32>} : memref<128x128xf32, #tpu.memory_space<vmem>>, vector<16xf32>,
        %get3A_958 = arith.index_cast %add3A_948 : i32 to index
        %get3A_959 = arith.constant 48 : index
        %get3A_960 = tpu.vector_load %arg17[%get3A_958, %get3A_959] {strides = array<i32>} : memref<128x128xf32, #tpu.memory_space<vmem>>, vector<16xf32>,
        %get3A_961 = arith.index_cast %add3A_948 : i32 to index
        %get3A_962 = arith.constant 64 : index
        %get3A_963 = tpu.vector_load %arg17[%get3A_961, %get3A_962] {strides = array<i32>} : memref<128x128xf32, #tpu.memory_space<vmem>>, vector<16xf32>,
        %get3A_964 = arith.index_cast %add3A_948 : i32 to index
        %get3A_965 = arith.constant 80 : index
        %get3A_966 = tpu.vector_load %arg17[%get3A_964, %get3A_965] {strides = array<i32>} : memref<128x128xf32, #tpu.memory_space<vmem>>, vector<16xf32>,
        %get3A_967 = arith.index_cast %add3A_948 : i32 to index
        %get3A_968 = arith.constant 96 : index
        %get3A_969 = tpu.vector_load %arg17[%get3A_967, %get3A_968] {strides = array<i32>} : memref<128x128xf32, #tpu.memory_space<vmem>>, vector<16xf32>,
        %get3A_970 = arith.index_cast %add3A_948 : i32 to index
        %get3A_971 = arith.constant 112 : index
        %get3A_972 = tpu.vector_load %arg17[%get3A_970, %get3A_971] {strides = array<i32>} : memref<128x128xf32, #tpu.memory_space<vmem>>, vector<16xf32>,
        %broadcast_in_dim3A_973 = vector.broadcast %add3A_948 : i32 to vector<16xi32>
        %get3A_974 = arith.index_cast %add3A_948 : i32 to index
        %get3A_975 = arith.constant 0 : index
        %get3A_976 = tpu.vector_load %arg18[%get3A_974, %get3A_975] {strides = array<i32>} : memref<128x128xf32, #tpu.memory_space<vmem>>, vector<16xf32>,
        %mul3A_977 = arith.mulf %get3A_951, %get3A_976 : vector<16xf32>
        %get3A_978 = arith.index_cast %add3A_948 : i32 to index
        %get3A_979 = arith.constant 16 : index
        %get3A_980 = tpu.vector_load %arg18[%get3A_978, %get3A_979] {strides = array<i32>} : memref<128x128xf32, #tpu.memory_space<vmem>>, vector<16xf32>,
        %mul3A_981 = arith.mulf %get3A_954, %get3A_980 : vector<16xf32>
        %add3A_982 = arith.addf %mul3A_977, %mul3A_981 : vector<16xf32>
        %get3A_983 = arith.index_cast %add3A_948 : i32 to index
        %get3A_984 = arith.constant 32 : index
        %get3A_985 = tpu.vector_load %arg18[%get3A_983, %get3A_984] {strides = array<i32>} : memref<128x128xf32, #tpu.memory_space<vmem>>, vector<16xf32>,
        %mul3A_986 = arith.mulf %get3A_957, %get3A_985 : vector<16xf32>
        %add3A_987 = arith.addf %add3A_982, %mul3A_986 : vector<16xf32>
        %get3A_988 = arith.index_cast %add3A_948 : i32 to index
        %get3A_989 = arith.constant 48 : index
        %get3A_990 = tpu.vector_load %arg18[%get3A_988, %get3A_989] {strides = array<i32>} : memref<128x128xf32, #tpu.memory_space<vmem>>, vector<16xf32>,
        %mul3A_991 = arith.mulf %get3A_960, %get3A_990 : vector<16xf32>
        %add3A_992 = arith.addf %add3A_987, %mul3A_991 : vector<16xf32>
        %get3A_993 = arith.index_cast %add3A_948 : i32 to index
        %get3A_994 = arith.constant 64 : index
        %get3A_995 = tpu.vector_load %arg18[%get3A_993, %get3A_994] {strides = array<i32>} : memref<128x128xf32, #tpu.memory_space<vmem>>, vector<16xf32>,
        %mul3A_996 = arith.mulf %get3A_963, %get3A_995 : vector<16xf32>
        %add3A_997 = arith.addf %add3A_992, %mul3A_996 : vector<16xf32>
        %get3A_998 = arith.index_cast %add3A_948 : i32 to index
        %get3A_999 = arith.constant 80 : index
        %get3A_1000 = tpu.vector_load %arg18[%get3A_998, %get3A_999] {strides = array<i32>} : memref<128x128xf32, #tpu.memory_space<vmem>>, vector<16xf32>,
        %mul3A_1001 = arith.mulf %get3A_966, %get3A_1000 : vector<16xf32>
        %add3A_1002 = arith.addf %add3A_997, %mul3A_1001 : vector<16xf32>
        %get3A_1003 = arith.index_cast %add3A_948 : i32 to index
        %get3A_1004 = arith.constant 96 : index
        %get3A_1005 = tpu.vector_load %arg18[%get3A_1003, %get3A_1004] {strides = array<i32>} : memref<128x128xf32, #tpu.memory_space<vmem>>, vector<16xf32>,
        %mul3A_1006 = arith.mulf %get3A_969, %get3A_1005 : vector<16xf32>
        %add3A_1007 = arith.addf %add3A_1002, %mul3A_1006 : vector<16xf32>
        %get3A_1008 = arith.index_cast %add3A_948 : i32 to index
        %get3A_1009 = arith.constant 112 : index
        %get3A_1010 = tpu.vector_load %arg18[%get3A_1008, %get3A_1009] {strides = array<i32>} : memref<128x128xf32, #tpu.memory_space<vmem>>, vector<16xf32>,
        %mul3A_1011 = arith.mulf %get3A_972, %get3A_1010 : vector<16xf32>
        %add3A_1012 = arith.addf %add3A_1007, %mul3A_1011 : vector<16xf32>
        %broadcast_in_dim3A_1013 = arith.constant true
        %broadcast_in_dim3A_1014 = vector.broadcast %broadcast_in_dim3A_1013 : i1 to vector<16xi1>
        %masked_cumsum3A_1015 = tpu.scan <sum>, %add3A_1012 masked %broadcast_in_dim3A_1014 : vector<16xf32>, vector<16xi1> -> vector<16xf32>
        tpu.vector_store_idx %arg30[%broadcast_in_dim3A_973], %masked_cumsum3A_1015 masked %eq3A_2 : memref<128xf32, #tpu.memory_space<vmem>>[vector<16xi32>], vector<16xf32>, vector<16xi1>
        %parallel_loop3A_1016 = arith.constant 0 : i32
        %parallel_loop3A_1017 = arith.constant 50 : i32
        %parallel_loop3A_1018 = arith.constant 1 : i32
        scf.for %parallel_loop3A_1083 = %parallel_loop3A_1016 to %parallel_loop3A_1017 step %parallel_loop3A_1018  : i32 {
          %parallel_loop3A_1084 = vector.broadcast %add3A_948 : i32 to vector<16xi32>
          %parallel_loop3A_1085 = vector.broadcast %parallel_loop3A_1083 : i32 to vector<16xi32>
          %parallel_loop3A_1086 = arith.constant 50 : i32
          %parallel_loop3A_1087 = arith.addi %parallel_loop3A_1086, %parallel_loop3A_1083 : i32
          %parallel_loop3A_1088 = arith.index_cast %parallel_loop3A_1087 : i32 to index
          %parallel_loop3A_1089 = arith.constant 0 : index
          %parallel_loop3A_1090 = tpu.vector_load %arg20[%parallel_loop3A_1088, %parallel_loop3A_1089] {strides = array<i32>} : memref<100x128xf32, #tpu.memory_space<vmem>>, vector<16xf32>,
          %parallel_loop3A_1091 = arith.mulf %get3A_951, %parallel_loop3A_1090 : vector<16xf32>
          %parallel_loop3A_1092 = arith.index_cast %parallel_loop3A_1087 : i32 to index
          %parallel_loop3A_1093 = arith.constant 16 : index
          %parallel_loop3A_1094 = tpu.vector_load %arg20[%parallel_loop3A_1092, %parallel_loop3A_1093] {strides = array<i32>} : memref<100x128xf32, #tpu.memory_space<vmem>>, vector<16xf32>,
          %parallel_loop3A_1095 = arith.mulf %get3A_954, %parallel_loop3A_1094 : vector<16xf32>
          %parallel_loop3A_1096 = arith.addf %parallel_loop3A_1091, %parallel_loop3A_1095 : vector<16xf32>
          %parallel_loop3A_1097 = arith.index_cast %parallel_loop3A_1087 : i32 to index
          %parallel_loop3A_1098 = arith.constant 32 : index
          %parallel_loop3A_1099 = tpu.vector_load %arg20[%parallel_loop3A_1097, %parallel_loop3A_1098] {strides = array<i32>} : memref<100x128xf32, #tpu.memory_space<vmem>>, vector<16xf32>,
          %parallel_loop3A_1100 = arith.mulf %get3A_957, %parallel_loop3A_1099 : vector<16xf32>
          %parallel_loop3A_1101 = arith.addf %parallel_loop3A_1096, %parallel_loop3A_1100 : vector<16xf32>
          %parallel_loop3A_1102 = arith.index_cast %parallel_loop3A_1087 : i32 to index
          %parallel_loop3A_1103 = arith.constant 48 : index
          %parallel_loop3A_1104 = tpu.vector_load %arg20[%parallel_loop3A_1102, %parallel_loop3A_1103] {strides = array<i32>} : memref<100x128xf32, #tpu.memory_space<vmem>>, vector<16xf32>,
          %parallel_loop3A_1105 = arith.mulf %get3A_960, %parallel_loop3A_1104 : vector<16xf32>
          %parallel_loop3A_1106 = arith.addf %parallel_loop3A_1101, %parallel_loop3A_1105 : vector<16xf32>
          %parallel_loop3A_1107 = arith.index_cast %parallel_loop3A_1087 : i32 to index
          %parallel_loop3A_1108 = arith.constant 64 : index
          %parallel_loop3A_1109 = tpu.vector_load %arg20[%parallel_loop3A_1107, %parallel_loop3A_1108] {strides = array<i32>} : memref<100x128xf32, #tpu.memory_space<vmem>>, vector<16xf32>,
          %parallel_loop3A_1110 = arith.mulf %get3A_963, %parallel_loop3A_1109 : vector<16xf32>
          %parallel_loop3A_1111 = arith.addf %parallel_loop3A_1106, %parallel_loop3A_1110 : vector<16xf32>
          %parallel_loop3A_1112 = arith.index_cast %parallel_loop3A_1087 : i32 to index
          %parallel_loop3A_1113 = arith.constant 80 : index
          %parallel_loop3A_1114 = tpu.vector_load %arg20[%parallel_loop3A_1112, %parallel_loop3A_1113] {strides = array<i32>} : memref<100x128xf32, #tpu.memory_space<vmem>>, vector<16xf32>,
          %parallel_loop3A_1115 = arith.mulf %get3A_966, %parallel_loop3A_1114 : vector<16xf32>
          %parallel_loop3A_1116 = arith.addf %parallel_loop3A_1111, %parallel_loop3A_1115 : vector<16xf32>
          %parallel_loop3A_1117 = arith.index_cast %parallel_loop3A_1087 : i32 to index
          %parallel_loop3A_1118 = arith.constant 96 : index
          %parallel_loop3A_1119 = tpu.vector_load %arg20[%parallel_loop3A_1117, %parallel_loop3A_1118] {strides = array<i32>} : memref<100x128xf32, #tpu.memory_space<vmem>>, vector<16xf32>,
          %parallel_loop3A_1120 = arith.mulf %get3A_969, %parallel_loop3A_1119 : vector<16xf32>
          %parallel_loop3A_1121 = arith.addf %parallel_loop3A_1116, %parallel_loop3A_1120 : vector<16xf32>
          %parallel_loop3A_1122 = arith.index_cast %parallel_loop3A_1087 : i32 to index
          %parallel_loop3A_1123 = arith.constant 112 : index
          %parallel_loop3A_1124 = tpu.vector_load %arg20[%parallel_loop3A_1122, %parallel_loop3A_1123] {strides = array<i32>} : memref<100x128xf32, #tpu.memory_space<vmem>>, vector<16xf32>,
          %parallel_loop3A_1125 = arith.mulf %get3A_972, %parallel_loop3A_1124 : vector<16xf32>
          %parallel_loop3A_1126 = arith.addf %parallel_loop3A_1121, %parallel_loop3A_1125 : vector<16xf32>
          %parallel_loop3A_1127 = arith.constant true
          %parallel_loop3A_1128 = vector.broadcast %parallel_loop3A_1127 : i1 to vector<16xi1>
          %parallel_loop3A_1129 = tpu.scan <sum>, %parallel_loop3A_1126 masked %parallel_loop3A_1128 : vector<16xf32>, vector<16xi1> -> vector<16xf32>
          tpu.vector_store_idx %arg31[%parallel_loop3A_1084, %parallel_loop3A_1085], %parallel_loop3A_1129 masked %eq3A_2 : memref<128x50xf32, #tpu.memory_space<vmem>>[vector<16xi32>, vector<16xi32>], vector<16xf32>, vector<16xi1>
        } {sc.loop_unroll_factor = 10 : i64, sc.parallel_access}
        %get3A_1019 = arith.index_cast %add3A_806 : i32 to index
        %get3A_1020 = arith.constant 50 : index
        %get3A_1021 = tpu.vector_load %arg16[%get3A_1019, %get3A_1020] {strides = array<i32>} : memref<256x100xi32, #tpu.memory_space<vmem>>, vector<16xi32>,
        %and3A_1022 = arith.constant 15 : i32
        %and3A_1023 = vector.broadcast %and3A_1022 : i32 to vector<16xi32>
        %and3A_1024 = arith.andi %get3A_1021, %and3A_1023 : vector<16xi32>
        %add3A_1025 = arith.constant 50 : i32
        %add3A_1026 = vector.broadcast %add3A_1025 : i32 to vector<16xi32>
        %add3A_1027 = arith.addi %iota3A, %add3A_1026 : vector<16xi32>
        %add3A_1028 = arith.constant 0 : i32
        %add3A_1029 = vector.broadcast %add3A_1028 : i32 to vector<16xi32>
        %add3A_1030 = arith.addi %add3A_1027, %add3A_1029 : vector<16xi32>
        %gather3A_1031 = tpu.vector_load_idx %arg26[%add3A_1030, %and3A_1024] : memref<100x16xf32, #tpu.memory_space<vmem>>[vector<16xi32>, vector<16xi32>], vector<16xf32>,
        %swap3A_1032 = arith.index_cast %add3A_948 : i32 to index
        %swap3A_1033 = arith.constant 0 : index
        %swap3A_1034 = tpu.vector_load %arg29[%swap3A_1032, %swap3A_1033] {strides = array<i32>} : memref<128x50xf32, #tpu.memory_space<vmem>>, vector<16xf32>,
        tpu.vector_store %arg29[%swap3A_1032, %swap3A_1033], %gather3A_1031 {strides = array<i32>} : memref<128x50xf32, #tpu.memory_space<vmem>>, vector<16xf32>,
        %get3A_1035 = arith.index_cast %add3A_806 : i32 to index
        %get3A_1036 = arith.constant 66 : index
        %get3A_1037 = tpu.vector_load %arg16[%get3A_1035, %get3A_1036] {strides = array<i32>} : memref<256x100xi32, #tpu.memory_space<vmem>>, vector<16xi32>,
        %and3A_1038 = arith.constant 15 : i32
        %and3A_1039 = vector.broadcast %and3A_1038 : i32 to vector<16xi32>
        %and3A_1040 = arith.andi %get3A_1037, %and3A_1039 : vector<16xi32>
        %add3A_1041 = arith.constant 50 : i32
        %add3A_1042 = vector.broadcast %add3A_1041 : i32 to vector<16xi32>
        %add3A_1043 = arith.addi %iota3A, %add3A_1042 : vector<16xi32>
        %add3A_1044 = arith.constant 16 : i32
        %add3A_1045 = vector.broadcast %add3A_1044 : i32 to vector<16xi32>
        %add3A_1046 = arith.addi %add3A_1043, %add3A_1045 : vector<16xi32>
        %gather3A_1047 = tpu.vector_load_idx %arg26[%add3A_1046, %and3A_1040] : memref<100x16xf32, #tpu.memory_space<vmem>>[vector<16xi32>, vector<16xi32>], vector<16xf32>,
        %swap3A_1048 = arith.index_cast %add3A_948 : i32 to index
        %swap3A_1049 = arith.constant 16 : index
        %swap3A_1050 = tpu.vector_load %arg29[%swap3A_1048, %swap3A_1049] {strides = array<i32>} : memref<128x50xf32, #tpu.memory_space<vmem>>, vector<16xf32>,
        tpu.vector_store %arg29[%swap3A_1048, %swap3A_1049], %gather3A_1047 {strides = array<i32>} : memref<128x50xf32, #tpu.memory_space<vmem>>, vector<16xf32>,
        %get3A_1051 = arith.index_cast %add3A_806 : i32 to index
        %get3A_1052 = arith.constant 82 : index
        %get3A_1053 = tpu.vector_load %arg16[%get3A_1051, %get3A_1052] {strides = array<i32>} : memref<256x100xi32, #tpu.memory_space<vmem>>, vector<16xi32>,
        %and3A_1054 = arith.constant 15 : i32
        %and3A_1055 = vector.broadcast %and3A_1054 : i32 to vector<16xi32>
        %and3A_1056 = arith.andi %get3A_1053, %and3A_1055 : vector<16xi32>
        %add3A_1057 = arith.constant 50 : i32
        %add3A_1058 = vector.broadcast %add3A_1057 : i32 to vector<16xi32>
        %add3A_1059 = arith.addi %iota3A, %add3A_1058 : vector<16xi32>
        %add3A_1060 = arith.constant 32 : i32
        %add3A_1061 = vector.broadcast %add3A_1060 : i32 to vector<16xi32>
        %add3A_1062 = arith.addi %add3A_1059, %add3A_1061 : vector<16xi32>
        %gather3A_1063 = tpu.vector_load_idx %arg26[%add3A_1062, %and3A_1056] : memref<100x16xf32, #tpu.memory_space<vmem>>[vector<16xi32>, vector<16xi32>], vector<16xf32>,
        %swap3A_1064 = arith.index_cast %add3A_948 : i32 to index
        %swap3A_1065 = arith.constant 32 : index
        %swap3A_1066 = tpu.vector_load %arg29[%swap3A_1064, %swap3A_1065] {strides = array<i32>} : memref<128x50xf32, #tpu.memory_space<vmem>>, vector<16xf32>,
        tpu.vector_store %arg29[%swap3A_1064, %swap3A_1065], %gather3A_1063 {strides = array<i32>} : memref<128x50xf32, #tpu.memory_space<vmem>>, vector<16xf32>,
        %get3A_1067 = arith.index_cast %add3A_806 : i32 to index
        %get3A_1068 = arith.constant 84 : index
        %get3A_1069 = tpu.vector_load %arg16[%get3A_1067, %get3A_1068] {strides = array<i32>} : memref<256x100xi32, #tpu.memory_space<vmem>>, vector<16xi32>,
        %and3A_1070 = arith.constant 15 : i32
        %and3A_1071 = vector.broadcast %and3A_1070 : i32 to vector<16xi32>
        %and3A_1072 = arith.andi %get3A_1069, %and3A_1071 : vector<16xi32>
        %add3A_1073 = arith.constant 50 : i32
        %add3A_1074 = vector.broadcast %add3A_1073 : i32 to vector<16xi32>
        %add3A_1075 = arith.addi %iota3A, %add3A_1074 : vector<16xi32>
        %add3A_1076 = arith.constant 34 : i32
        %add3A_1077 = vector.broadcast %add3A_1076 : i32 to vector<16xi32>
        %add3A_1078 = arith.addi %add3A_1075, %add3A_1077 : vector<16xi32>
        %gather3A_1079 = tpu.vector_load_idx %arg26[%add3A_1078, %and3A_1072] : memref<100x16xf32, #tpu.memory_space<vmem>>[vector<16xi32>, vector<16xi32>], vector<16xf32>,
        %swap3A_1080 = arith.index_cast %add3A_948 : i32 to index
        %swap3A_1081 = arith.constant 34 : index
        %swap3A_1082 = tpu.vector_load %arg29[%swap3A_1080, %swap3A_1081] {strides = array<i32>} : memref<128x50xf32, #tpu.memory_space<vmem>>, vector<16xf32>,
        tpu.vector_store %arg29[%swap3A_1080, %swap3A_1081], %gather3A_1079 {strides = array<i32>} : memref<128x50xf32, #tpu.memory_space<vmem>>, vector<16xf32>,
      }
      %scan3A_430 = arith.constant 32 : i32
      "tpu.region"() ({
        %run_scoped3A = tpu.sem_alloc : memref<!tpu.dma_semaphore, #tpu.memory_space<semaphore_mem>>
        %dma_start3A_431 = arith.constant 0 : i32
        %dma_start3A_432 = tpu.memref_slice %arg9[%add3A, %scan3A_8, %dma_start3A_431] : memref<32x4x128xf32, #tpu.memory_space<hbm>> -> memref<1x1x128xf32, #tpu.memory_space<hbm>>
        %dma_start3A_433 = tpu.memref_squeeze %dma_start3A_432 : memref<1x1x128xf32, #tpu.memory_space<hbm>> -> memref<128xf32, #tpu.memory_space<hbm>>
        %dma_start3A_434 = arith.constant 0 : i32
        %dma_start3A_435 = tpu.memref_slice %arg9[%add3A, %scan3A_8, %dma_start3A_434] : memref<32x4x128xf32, #tpu.memory_space<hbm>> -> memref<1x1x128xf32, #tpu.memory_space<hbm>>
        %dma_start3A_436 = tpu.memref_squeeze %dma_start3A_435 : memref<1x1x128xf32, #tpu.memory_space<hbm>> -> memref<128xf32, #tpu.memory_space<hbm>>
        tpu.enqueue_dma source(%arg30 : memref<128xf32, #tpu.memory_space<vmem>>) target(%dma_start3A_436 : memref<128xf32, #tpu.memory_space<hbm>>) target_semaphore(%run_scoped3A : memref<!tpu.dma_semaphore, #tpu.memory_space<semaphore_mem>>)
        %dma_wait3A_437 = arith.constant 0 : i32
        %dma_wait3A_438 = tpu.memref_slice %arg9[%add3A, %scan3A_8, %dma_wait3A_437] : memref<32x4x128xf32, #tpu.memory_space<hbm>> -> memref<1x1x128xf32, #tpu.memory_space<hbm>>
        %dma_wait3A_439 = tpu.memref_squeeze %dma_wait3A_438 : memref<1x1x128xf32, #tpu.memory_space<hbm>> -> memref<128xf32, #tpu.memory_space<hbm>>
        %dma_wait3A_440 = arith.constant 0 : i32
        %dma_wait3A_441 = tpu.memref_slice %arg9[%add3A, %scan3A_8, %dma_wait3A_440] : memref<32x4x128xf32, #tpu.memory_space<hbm>> -> memref<1x1x128xf32, #tpu.memory_space<hbm>>
        %dma_wait3A_442 = tpu.memref_squeeze %dma_wait3A_441 : memref<1x1x128xf32, #tpu.memory_space<hbm>> -> memref<128xf32, #tpu.memory_space<hbm>>
        tpu.wait_dma2 semaphore(%run_scoped3A : memref<!tpu.dma_semaphore, #tpu.memory_space<semaphore_mem>>) src(%arg30 : memref<128xf32, #tpu.memory_space<vmem>>) dst(%dma_wait3A_442 : memref<128xf32, #tpu.memory_space<hbm>>)
        tpu.yield
      }) : () -> ()
      "tpu.region"() ({
        %run_scoped3A = tpu.sem_alloc : memref<!tpu.dma_semaphore, #tpu.memory_space<semaphore_mem>>
        %dma_start3A_431 = arith.constant 0 : i32
        %dma_start3A_432 = arith.constant 0 : i32
        %dma_start3A_433 = tpu.memref_slice %arg10[%add3A, %scan3A_8, %dma_start3A_431, %dma_start3A_432] : memref<32x4x128x50xf32, #tpu.memory_space<hbm>> -> memref<1x1x128x50xf32, #tpu.memory_space<hbm>>
        %dma_start3A_434 = tpu.memref_squeeze %dma_start3A_433 : memref<1x1x128x50xf32, #tpu.memory_space<hbm>> -> memref<128x50xf32, #tpu.memory_space<hbm>>
        %dma_start3A_435 = arith.constant 0 : i32
        %dma_start3A_436 = arith.constant 0 : i32
        %dma_start3A_437 = tpu.memref_slice %arg10[%add3A, %scan3A_8, %dma_start3A_435, %dma_start3A_436] : memref<32x4x128x50xf32, #tpu.memory_space<hbm>> -> memref<1x1x128x50xf32, #tpu.memory_space<hbm>>
        %dma_start3A_438 = tpu.memref_squeeze %dma_start3A_437 : memref<1x1x128x50xf32, #tpu.memory_space<hbm>> -> memref<128x50xf32, #tpu.memory_space<hbm>>
        tpu.enqueue_dma source(%arg31 : memref<128x50xf32, #tpu.memory_space<vmem>>) target(%dma_start3A_438 : memref<128x50xf32, #tpu.memory_space<hbm>>) target_semaphore(%run_scoped3A : memref<!tpu.dma_semaphore, #tpu.memory_space<semaphore_mem>>)
        %dma_wait3A_439 = arith.constant 0 : i32
        %dma_wait3A_440 = arith.constant 0 : i32
        %dma_wait3A_441 = tpu.memref_slice %arg10[%add3A, %scan3A_8, %dma_wait3A_439, %dma_wait3A_440] : memref<32x4x128x50xf32, #tpu.memory_space<hbm>> -> memref<1x1x128x50xf32, #tpu.memory_space<hbm>>
        %dma_wait3A_442 = tpu.memref_squeeze %dma_wait3A_441 : memref<1x1x128x50xf32, #tpu.memory_space<hbm>> -> memref<128x50xf32, #tpu.memory_space<hbm>>
        %dma_wait3A_443 = arith.constant 0 : i32
        %dma_wait3A_444 = arith.constant 0 : i32
        %dma_wait3A_445 = tpu.memref_slice %arg10[%add3A, %scan3A_8, %dma_wait3A_443, %dma_wait3A_444] : memref<32x4x128x50xf32, #tpu.memory_space<hbm>> -> memref<1x1x128x50xf32, #tpu.memory_space<hbm>>
        %dma_wait3A_446 = tpu.memref_squeeze %dma_wait3A_445 : memref<1x1x128x50xf32, #tpu.memory_space<hbm>> -> memref<128x50xf32, #tpu.memory_space<hbm>>
        tpu.wait_dma2 semaphore(%run_scoped3A : memref<!tpu.dma_semaphore, #tpu.memory_space<semaphore_mem>>) src(%arg31 : memref<128x50xf32, #tpu.memory_space<vmem>>) dst(%dma_wait3A_446 : memref<128x50xf32, #tpu.memory_space<hbm>>)
        tpu.yield
      }) : () -> ()
      "tpu.region"() ({
        %run_scoped3A = tpu.sem_alloc : memref<!tpu.dma_semaphore, #tpu.memory_space<semaphore_mem>>
        %dma_start3A_431 = arith.constant 0 : i32
        %dma_start3A_432 = tpu.memref_slice %arg11[%add3A, %scan3A_8, %dma_start3A_431] : memref<32x4x128xf32, #tpu.memory_space<hbm>> -> memref<1x1x128xf32, #tpu.memory_space<hbm>>
        %dma_start3A_433 = tpu.memref_squeeze %dma_start3A_432 : memref<1x1x128xf32, #tpu.memory_space<hbm>> -> memref<128xf32, #tpu.memory_space<hbm>>
        %dma_start3A_434 = arith.constant 0 : i32
        %dma_start3A_435 = tpu.memref_slice %arg11[%add3A, %scan3A_8, %dma_start3A_434] : memref<32x4x128xf32, #tpu.memory_space<hbm>> -> memref<1x1x128xf32, #tpu.memory_space<hbm>>
        %dma_start3A_436 = tpu.memref_squeeze %dma_start3A_435 : memref<1x1x128xf32, #tpu.memory_space<hbm>> -> memref<128xf32, #tpu.memory_space<hbm>>
        tpu.enqueue_dma source(%arg27 : memref<128xf32, #tpu.memory_space<vmem>>) target(%dma_start3A_436 : memref<128xf32, #tpu.memory_space<hbm>>) target_semaphore(%run_scoped3A : memref<!tpu.dma_semaphore, #tpu.memory_space<semaphore_mem>>)
        %dma_wait3A_437 = arith.constant 0 : i32
        %dma_wait3A_438 = tpu.memref_slice %arg11[%add3A, %scan3A_8, %dma_wait3A_437] : memref<32x4x128xf32, #tpu.memory_space<hbm>> -> memref<1x1x128xf32, #tpu.memory_space<hbm>>
        %dma_wait3A_439 = tpu.memref_squeeze %dma_wait3A_438 : memref<1x1x128xf32, #tpu.memory_space<hbm>> -> memref<128xf32, #tpu.memory_space<hbm>>
        %dma_wait3A_440 = arith.constant 0 : i32
        %dma_wait3A_441 = tpu.memref_slice %arg11[%add3A, %scan3A_8, %dma_wait3A_440] : memref<32x4x128xf32, #tpu.memory_space<hbm>> -> memref<1x1x128xf32, #tpu.memory_space<hbm>>
        %dma_wait3A_442 = tpu.memref_squeeze %dma_wait3A_441 : memref<1x1x128xf32, #tpu.memory_space<hbm>> -> memref<128xf32, #tpu.memory_space<hbm>>
        tpu.wait_dma2 semaphore(%run_scoped3A : memref<!tpu.dma_semaphore, #tpu.memory_space<semaphore_mem>>) src(%arg27 : memref<128xf32, #tpu.memory_space<vmem>>) dst(%dma_wait3A_442 : memref<128xf32, #tpu.memory_space<hbm>>)
        tpu.yield
      }) : () -> ()
      "tpu.region"() ({
        %run_scoped3A = tpu.sem_alloc : memref<!tpu.dma_semaphore, #tpu.memory_space<semaphore_mem>>
        %dma_start3A_431 = arith.constant 0 : i32
        %dma_start3A_432 = tpu.memref_slice %arg12[%add3A, %scan3A_8, %dma_start3A_431] : memref<32x4x128xf32, #tpu.memory_space<hbm>> -> memref<1x1x128xf32, #tpu.memory_space<hbm>>
        %dma_start3A_433 = tpu.memref_squeeze %dma_start3A_432 : memref<1x1x128xf32, #tpu.memory_space<hbm>> -> memref<128xf32, #tpu.memory_space<hbm>>
        %dma_start3A_434 = arith.constant 0 : i32
        %dma_start3A_435 = tpu.memref_slice %arg12[%add3A, %scan3A_8, %dma_start3A_434] : memref<32x4x128xf32, #tpu.memory_space<hbm>> -> memref<1x1x128xf32, #tpu.memory_space<hbm>>
        %dma_start3A_436 = tpu.memref_squeeze %dma_start3A_435 : memref<1x1x128xf32, #tpu.memory_space<hbm>> -> memref<128xf32, #tpu.memory_space<hbm>>
        tpu.enqueue_dma source(%arg28 : memref<128xf32, #tpu.memory_space<vmem>>) target(%dma_start3A_436 : memref<128xf32, #tpu.memory_space<hbm>>) target_semaphore(%run_scoped3A : memref<!tpu.dma_semaphore, #tpu.memory_space<semaphore_mem>>)
        %dma_wait3A_437 = arith.constant 0 : i32
        %dma_wait3A_438 = tpu.memref_slice %arg12[%add3A, %scan3A_8, %dma_wait3A_437] : memref<32x4x128xf32, #tpu.memory_space<hbm>> -> memref<1x1x128xf32, #tpu.memory_space<hbm>>
        %dma_wait3A_439 = tpu.memref_squeeze %dma_wait3A_438 : memref<1x1x128xf32, #tpu.memory_space<hbm>> -> memref<128xf32, #tpu.memory_space<hbm>>
        %dma_wait3A_440 = arith.constant 0 : i32
        %dma_wait3A_441 = tpu.memref_slice %arg12[%add3A, %scan3A_8, %dma_wait3A_440] : memref<32x4x128xf32, #tpu.memory_space<hbm>> -> memref<1x1x128xf32, #tpu.memory_space<hbm>>
        %dma_wait3A_442 = tpu.memref_squeeze %dma_wait3A_441 : memref<1x1x128xf32, #tpu.memory_space<hbm>> -> memref<128xf32, #tpu.memory_space<hbm>>
        tpu.wait_dma2 semaphore(%run_scoped3A : memref<!tpu.dma_semaphore, #tpu.memory_space<semaphore_mem>>) src(%arg28 : memref<128xf32, #tpu.memory_space<vmem>>) dst(%dma_wait3A_442 : memref<128xf32, #tpu.memory_space<hbm>>)
        tpu.yield
      }) : () -> ()
      "tpu.region"() ({
        %run_scoped3A = tpu.sem_alloc : memref<!tpu.dma_semaphore, #tpu.memory_space<semaphore_mem>>
        %dma_start3A_431 = arith.constant 0 : i32
        %dma_start3A_432 = arith.constant 0 : i32
        %dma_start3A_433 = tpu.memref_slice %arg13[%add3A, %scan3A_8, %dma_start3A_431, %dma_start3A_432] : memref<32x4x128x50xf32, #tpu.memory_space<hbm>> -> memref<1x1x128x50xf32, #tpu.memory_space<hbm>>
        %dma_start3A_434 = tpu.memref_squeeze %dma_start3A_433 : memref<1x1x128x50xf32, #tpu.memory_space<hbm>> -> memref<128x50xf32, #tpu.memory_space<hbm>>
        %dma_start3A_435 = arith.constant 0 : i32
        %dma_start3A_436 = arith.constant 0 : i32
        %dma_start3A_437 = tpu.memref_slice %arg13[%add3A, %scan3A_8, %dma_start3A_435, %dma_start3A_436] : memref<32x4x128x50xf32, #tpu.memory_space<hbm>> -> memref<1x1x128x50xf32, #tpu.memory_space<hbm>>
        %dma_start3A_438 = tpu.memref_squeeze %dma_start3A_437 : memref<1x1x128x50xf32, #tpu.memory_space<hbm>> -> memref<128x50xf32, #tpu.memory_space<hbm>>
        tpu.enqueue_dma source(%arg29 : memref<128x50xf32, #tpu.memory_space<vmem>>) target(%dma_start3A_438 : memref<128x50xf32, #tpu.memory_space<hbm>>) target_semaphore(%run_scoped3A : memref<!tpu.dma_semaphore, #tpu.memory_space<semaphore_mem>>)
        %dma_wait3A_439 = arith.constant 0 : i32
        %dma_wait3A_440 = arith.constant 0 : i32
        %dma_wait3A_441 = tpu.memref_slice %arg13[%add3A, %scan3A_8, %dma_wait3A_439, %dma_wait3A_440] : memref<32x4x128x50xf32, #tpu.memory_space<hbm>> -> memref<1x1x128x50xf32, #tpu.memory_space<hbm>>
        %dma_wait3A_442 = tpu.memref_squeeze %dma_wait3A_441 : memref<1x1x128x50xf32, #tpu.memory_space<hbm>> -> memref<128x50xf32, #tpu.memory_space<hbm>>
        %dma_wait3A_443 = arith.constant 0 : i32
        %dma_wait3A_444 = arith.constant 0 : i32
        %dma_wait3A_445 = tpu.memref_slice %arg13[%add3A, %scan3A_8, %dma_wait3A_443, %dma_wait3A_444] : memref<32x4x128x50xf32, #tpu.memory_space<hbm>> -> memref<1x1x128x50xf32, #tpu.memory_space<hbm>>
        %dma_wait3A_446 = tpu.memref_squeeze %dma_wait3A_445 : memref<1x1x128x50xf32, #tpu.memory_space<hbm>> -> memref<128x50xf32, #tpu.memory_space<hbm>>
        tpu.wait_dma2 semaphore(%run_scoped3A : memref<!tpu.dma_semaphore, #tpu.memory_space<semaphore_mem>>) src(%arg29 : memref<128x50xf32, #tpu.memory_space<vmem>>) dst(%dma_wait3A_446 : memref<128x50xf32, #tpu.memory_space<hbm>>)
        tpu.yield
      }) : () -> ()
    }
    %scan3A_7 = arith.constant 4 : i32
    return
  }
}

module attributes {stable_mosaic.version = 14 : i64} {
  func.func @_norm_body(%arg0: i32, %arg1: memref<2000x128xf32, #tpu.memory_space<vmem>>, %arg2: memref<2000x128xf32, #tpu.memory_space<vmem>>, %arg3: memref<1x1xf32, #tpu.memory_space<smem>>) attributes {dimension_semantics = [#tpu.dimension_semantics<arbitrary>], iteration_bounds = array<i64: 50>, scalar_prefetch = 0 : i64, scratch_operands = 0 : i64, tpu.core_type = #tpu.core_type<tc>, window_params = [{transform_indices = @transform_0, window_bounds = array<i64: 2000, 128>}, {transform_indices = @transform_1, window_bounds = array<i64: 2000, 128>}, {transform_indices = @transform_2, window_bounds = array<i64: 1, 1>}]} {
    %eq3A = arith.constant 0 : i32
    %eq3A_0 = arith.cmpi eq, %arg0, %eq3A : i32
    %convert_element_type3A = arith.extui %eq3A_0 : i1 to i32
    %cond3A = arith.constant 0 : i32
    %cond3A_1 = arith.cmpi ne, %convert_element_type3A, %cond3A : i32
    scf.if %cond3A_1 {
      %swap3A_23 = arith.constant 0.000000e+00 : f32
      %swap3A_24 = arith.constant 0 : index
      %swap3A_25 = arith.constant 0 : index
      %swap3A_26 = memref.load %arg3[%swap3A_24, %swap3A_25] : memref<1x1xf32, #tpu.memory_space<smem>>
      memref.store %swap3A_23, %arg3[%swap3A_24, %swap3A_25] : memref<1x1xf32, #tpu.memory_space<smem>>
    } else {
    }
    %get3A = arith.constant 0 : index
    %get3A_2 = arith.constant 0 : index
    %get3A_3 = vector.load %arg1[%get3A, %get3A_2] : memref<2000x128xf32, #tpu.memory_space<vmem>>, vector<2000x128xf32>
    %get3A_4 = arith.constant 0 : index
    %get3A_5 = arith.constant 0 : index
    %get3A_6 = vector.load %arg2[%get3A_4, %get3A_5] : memref<2000x128xf32, #tpu.memory_space<vmem>>, vector<2000x128xf32>
    %get3A_7 = arith.constant 0 : index
    %get3A_8 = arith.constant 0 : index
    %get3A_9 = memref.load %arg3[%get3A_7, %get3A_8] : memref<1x1xf32, #tpu.memory_space<smem>>
    %mul3A = arith.mulf %get3A_3, %get3A_3 : vector<2000x128xf32>
    %reduce_sum3A = vector.shape_cast %mul3A : vector<2000x128xf32> to vector<1x2000x128xf32>
    %reduce_sum3A_10 = arith.constant dense<0.000000e+00> : vector<1xf32>
    %reduce_sum3A_11 = vector.multi_reduction <add>, %reduce_sum3A, %reduce_sum3A_10 [1, 2] : vector<1x2000x128xf32> to vector<1xf32>
    %reduce_sum3A_12 = vector.shape_cast %reduce_sum3A_11 : vector<1xf32> to vector<1x1x1xf32>
    %reduce_sum3A_13 = vector.extract %reduce_sum3A_12[0, 0, 0] : f32 from vector<1x1x1xf32>
    %mul3A_14 = arith.mulf %get3A_6, %get3A_6 : vector<2000x128xf32>
    %reduce_sum3A_15 = vector.shape_cast %mul3A_14 : vector<2000x128xf32> to vector<1x2000x128xf32>
    %reduce_sum3A_16 = arith.constant dense<0.000000e+00> : vector<1xf32>
    %reduce_sum3A_17 = vector.multi_reduction <add>, %reduce_sum3A_15, %reduce_sum3A_16 [1, 2] : vector<1x2000x128xf32> to vector<1xf32>
    %reduce_sum3A_18 = vector.shape_cast %reduce_sum3A_17 : vector<1xf32> to vector<1x1x1xf32>
    %reduce_sum3A_19 = vector.extract %reduce_sum3A_18[0, 0, 0] : f32 from vector<1x1x1xf32>
    %add3A = arith.addf %reduce_sum3A_13, %reduce_sum3A_19 : f32
    %add3A_20 = arith.addf %get3A_9, %add3A : f32
    %swap3A = arith.constant 0 : index
    %swap3A_21 = arith.constant 0 : index
    %swap3A_22 = memref.load %arg3[%swap3A, %swap3A_21] : memref<1x1xf32, #tpu.memory_space<smem>>
    memref.store %add3A_20, %arg3[%swap3A, %swap3A_21] : memref<1x1xf32, #tpu.memory_space<smem>>
    return
  }
  func.func @transform_0(%arg0: i32) -> (i32, i32) {
    %c0_i32 = arith.constant 0 : i32
    %c0_i32_0 = arith.constant 0 : i32
    return %arg0, %c0_i32 : i32, i32
  }
  func.func @transform_1(%arg0: i32) -> (i32, i32) {
    %c0_i32 = arith.constant 0 : i32
    %c0_i32_0 = arith.constant 0 : i32
    return %arg0, %c0_i32 : i32, i32
  }
  func.func @transform_2(%arg0: i32) -> (i32, i32) {
    %c0_i32 = arith.constant 0 : i32
    %c0_i32_0 = arith.constant 0 : i32
    %c0_i32_1 = arith.constant 0 : i32
    return %c0_i32, %c0_i32_0 : i32, i32
  }
}

module attributes {stable_mosaic.version = 14 : i64} {
  func.func @_bce_body(%arg0: i32, %arg1: memref<2048x1xf32, #tpu.memory_space<vmem>>, %arg2: memref<2048x50xf32, #tpu.memory_space<vmem>>, %arg3: memref<2048x1xf32, #tpu.memory_space<vmem>>, %arg4: memref<2048x1xf32, #tpu.memory_space<vmem>>, %arg5: memref<2048x50xf32, #tpu.memory_space<vmem>>, %arg6: memref<2048x1xf32, #tpu.memory_space<vmem>>, %arg7: memref<1x1xf32, #tpu.memory_space<smem>>, %arg8: memref<1x1xf32, #tpu.memory_space<smem>>) attributes {dimension_semantics = [#tpu.dimension_semantics<arbitrary>], iteration_bounds = array<i64: 8>, scalar_prefetch = 0 : i64, scratch_operands = 0 : i64, tpu.core_type = #tpu.core_type<tc>, window_params = [{transform_indices = @transform_0, window_bounds = array<i64: 2048, 1>}, {transform_indices = @transform_1, window_bounds = array<i64: 2048, 50>}, {transform_indices = @transform_2, window_bounds = array<i64: 2048, 1>}, {transform_indices = @transform_3, window_bounds = array<i64: 2048, 1>}, {transform_indices = @transform_4, window_bounds = array<i64: 2048, 50>}, {transform_indices = @transform_5, window_bounds = array<i64: 2048, 1>}, {transform_indices = @transform_6, window_bounds = array<i64: 1, 1>}, {transform_indices = @transform_7, window_bounds = array<i64: 1, 1>}]} {
    %eq3A = arith.constant 0 : i32
    %eq3A_0 = arith.cmpi eq, %arg0, %eq3A : i32
    %convert_element_type3A = arith.extui %eq3A_0 : i1 to i32
    %cond3A = arith.constant 0 : i32
    %cond3A_1 = arith.cmpi ne, %convert_element_type3A, %cond3A : i32
    scf.if %cond3A_1 {
      %get3A_70 = arith.constant 0 : index
      %get3A_71 = arith.constant 0 : index
      %get3A_72 = memref.load %arg7[%get3A_70, %get3A_71] : memref<1x1xf32, #tpu.memory_space<smem>>
      %mul3A_73 = arith.constant 5.000000e-05 : f32
      %mul3A_74 = arith.mulf %mul3A_73, %get3A_72 : f32
      %swap3A_75 = arith.constant 0 : index
      %swap3A_76 = arith.constant 0 : index
      %swap3A_77 = memref.load %arg8[%swap3A_75, %swap3A_76] : memref<1x1xf32, #tpu.memory_space<smem>>
      memref.store %mul3A_74, %arg8[%swap3A_75, %swap3A_76] : memref<1x1xf32, #tpu.memory_space<smem>>
    } else {
    }
    %get3A = arith.constant 0 : index
    %get3A_2 = arith.constant 0 : index
    %get3A_3 = vector.load %arg3[%get3A, %get3A_2] : memref<2048x1xf32, #tpu.memory_space<vmem>>, vector<2048x1xf32>
    %mul3A = arith.constant 1.000000e+00 : f32
    %mul3A_4 = vector.broadcast %mul3A : f32 to vector<2048x1xf32>
    %mul3A_5 = arith.mulf %mul3A_4, %get3A_3 : vector<2048x1xf32>
    %get3A_6 = arith.constant 0 : index
    %get3A_7 = arith.constant 0 : index
    %get3A_8 = vector.load %arg4[%get3A_6, %get3A_7] : memref<2048x1xf32, #tpu.memory_space<vmem>>, vector<2048x1xf32>
    %mul3A_9 = arith.mulf %mul3A_5, %get3A_8 : vector<2048x1xf32>
    %add3A = arith.constant 1.000000e-07 : f32
    %add3A_10 = vector.broadcast %add3A : f32 to vector<2048x1xf32>
    %add3A_11 = arith.addf %add3A_10, %mul3A_9 : vector<2048x1xf32>
    %mul3A_12 = arith.constant 1.000000e+00 : f32
    %mul3A_13 = vector.broadcast %mul3A_12 : f32 to vector<2048x1xf32>
    %mul3A_14 = arith.mulf %mul3A_13, %get3A_3 : vector<2048x1xf32>
    %get3A_15 = arith.constant 0 : index
    %get3A_16 = arith.constant 0 : index
    %get3A_17 = vector.load %arg5[%get3A_15, %get3A_16] : memref<2048x50xf32, #tpu.memory_space<vmem>>, vector<2048x50xf32>
    %mul3A_18 = vector.broadcast %mul3A_14 : vector<2048x1xf32> to vector<2048x50xf32>
    %mul3A_19 = arith.mulf %mul3A_18, %get3A_17 : vector<2048x50xf32>
    %add3A_20 = arith.constant 1.000000e-07 : f32
    %add3A_21 = vector.broadcast %add3A_20 : f32 to vector<2048x50xf32>
    %add3A_22 = arith.addf %add3A_21, %mul3A_19 : vector<2048x50xf32>
    %get3A_23 = arith.constant 0 : index
    %get3A_24 = arith.constant 0 : index
    %get3A_25 = vector.load %arg2[%get3A_23, %get3A_24] : memref<2048x50xf32, #tpu.memory_space<vmem>>, vector<2048x50xf32>
    %max3A = arith.constant 0.000000e+00 : f32
    %max3A_26 = vector.broadcast %max3A : f32 to vector<2048x50xf32>
    %max3A_27 = arith.maximumf %get3A_25, %max3A_26 : vector<2048x50xf32>
    %abs3A = math.absf %get3A_25 : vector<2048x50xf32>
    %neg3A = arith.constant 0.000000e+00 : f32
    %neg3A_28 = vector.broadcast %neg3A : f32 to vector<2048x50xf32>
    %neg3A_29 = arith.subf %neg3A_28, %abs3A : vector<2048x50xf32>
    %exp3A = math.exp %neg3A_29 : vector<2048x50xf32>
    %log1p3A = math.log1p %exp3A : vector<2048x50xf32>
    %add3A_30 = arith.addf %max3A_27, %log1p3A : vector<2048x50xf32>
    %mul3A_31 = arith.mulf %add3A_22, %add3A_30 : vector<2048x50xf32>
    %get3A_32 = arith.constant 0 : index
    %get3A_33 = arith.constant 0 : index
    %get3A_34 = vector.load %arg1[%get3A_32, %get3A_33] : memref<2048x1xf32, #tpu.memory_space<vmem>>, vector<2048x1xf32>
    %max3A_35 = arith.constant 0.000000e+00 : f32
    %max3A_36 = vector.broadcast %max3A_35 : f32 to vector<2048x1xf32>
    %max3A_37 = arith.maximumf %get3A_34, %max3A_36 : vector<2048x1xf32>
    %sub3A = arith.subf %max3A_37, %get3A_34 : vector<2048x1xf32>
    %abs3A_38 = math.absf %get3A_34 : vector<2048x1xf32>
    %neg3A_39 = arith.constant 0.000000e+00 : f32
    %neg3A_40 = vector.broadcast %neg3A_39 : f32 to vector<2048x1xf32>
    %neg3A_41 = arith.subf %neg3A_40, %abs3A_38 : vector<2048x1xf32>
    %exp3A_42 = math.exp %neg3A_41 : vector<2048x1xf32>
    %log1p3A_43 = math.log1p %exp3A_42 : vector<2048x1xf32>
    %add3A_44 = arith.addf %sub3A, %log1p3A_43 : vector<2048x1xf32>
    %mul3A_45 = arith.mulf %add3A_11, %add3A_44 : vector<2048x1xf32>
    %get3A_46 = arith.constant 0 : index
    %get3A_47 = arith.constant 0 : index
    %get3A_48 = vector.load %arg6[%get3A_46, %get3A_47] : memref<2048x1xf32, #tpu.memory_space<vmem>>, vector<2048x1xf32>
    %get3A_49 = arith.constant 0 : index
    %get3A_50 = arith.constant 0 : index
    %get3A_51 = memref.load %arg8[%get3A_49, %get3A_50] : memref<1x1xf32, #tpu.memory_space<smem>>
    %mul3A_52 = arith.mulf %get3A_48, %mul3A_45 : vector<2048x1xf32>
    %reduce_sum3A = vector.shape_cast %mul3A_52 : vector<2048x1xf32> to vector<1x2048x1xf32>
    %reduce_sum3A_53 = arith.constant dense<0.000000e+00> : vector<1xf32>
    %reduce_sum3A_54 = vector.multi_reduction <add>, %reduce_sum3A, %reduce_sum3A_53 [1, 2] : vector<1x2048x1xf32> to vector<1xf32>
    %reduce_sum3A_55 = vector.shape_cast %reduce_sum3A_54 : vector<1xf32> to vector<1x1x1xf32>
    %reduce_sum3A_56 = vector.extract %reduce_sum3A_55[0, 0, 0] : f32 from vector<1x1x1xf32>
    %mul3A_57 = vector.broadcast %get3A_48 : vector<2048x1xf32> to vector<2048x50xf32>
    %mul3A_58 = arith.mulf %mul3A_57, %mul3A_31 : vector<2048x50xf32>
    %reduce_sum3A_59 = vector.shape_cast %mul3A_58 : vector<2048x50xf32> to vector<1x2048x50xf32>
    %reduce_sum3A_60 = arith.constant dense<0.000000e+00> : vector<1xf32>
    %reduce_sum3A_61 = vector.multi_reduction <add>, %reduce_sum3A_59, %reduce_sum3A_60 [1, 2] : vector<1x2048x50xf32> to vector<1xf32>
    %reduce_sum3A_62 = vector.shape_cast %reduce_sum3A_61 : vector<1xf32> to vector<1x1x1xf32>
    %reduce_sum3A_63 = vector.extract %reduce_sum3A_62[0, 0, 0] : f32 from vector<1x1x1xf32>
    %mul3A_64 = arith.constant 2.000000e-01 : f32
    %mul3A_65 = arith.mulf %mul3A_64, %reduce_sum3A_63 : f32
    %add3A_66 = arith.addf %reduce_sum3A_56, %mul3A_65 : f32
    %add3A_67 = arith.addf %get3A_51, %add3A_66 : f32
    %swap3A = arith.constant 0 : index
    %swap3A_68 = arith.constant 0 : index
    %swap3A_69 = memref.load %arg8[%swap3A, %swap3A_68] : memref<1x1xf32, #tpu.memory_space<smem>>
    memref.store %add3A_67, %arg8[%swap3A, %swap3A_68] : memref<1x1xf32, #tpu.memory_space<smem>>
    return
  }
  func.func @transform_0(%arg0: i32) -> (i32, i32) {
    %c0_i32 = arith.constant 0 : i32
    %c0_i32_0 = arith.constant 0 : i32
    return %arg0, %c0_i32 : i32, i32
  }
  func.func @transform_1(%arg0: i32) -> (i32, i32) {
    %c0_i32 = arith.constant 0 : i32
    %c0_i32_0 = arith.constant 0 : i32
    return %arg0, %c0_i32 : i32, i32
  }
  func.func @transform_2(%arg0: i32) -> (i32, i32) {
    %c0_i32 = arith.constant 0 : i32
    %c0_i32_0 = arith.constant 0 : i32
    return %arg0, %c0_i32 : i32, i32
  }
  func.func @transform_3(%arg0: i32) -> (i32, i32) {
    %c0_i32 = arith.constant 0 : i32
    %c0_i32_0 = arith.constant 0 : i32
    return %arg0, %c0_i32 : i32, i32
  }
  func.func @transform_4(%arg0: i32) -> (i32, i32) {
    %c0_i32 = arith.constant 0 : i32
    %c0_i32_0 = arith.constant 0 : i32
    return %arg0, %c0_i32 : i32, i32
  }
  func.func @transform_5(%arg0: i32) -> (i32, i32) {
    %c0_i32 = arith.constant 0 : i32
    %c0_i32_0 = arith.constant 0 : i32
    return %arg0, %c0_i32 : i32, i32
  }
  func.func @transform_6(%arg0: i32) -> (i32, i32) {
    %c0_i32 = arith.constant 0 : i32
    %c0_i32_0 = arith.constant 0 : i32
    %c0_i32_1 = arith.constant 0 : i32
    return %c0_i32, %c0_i32_0 : i32, i32
  }
  func.func @transform_7(%arg0: i32) -> (i32, i32) {
    %c0_i32 = arith.constant 0 : i32
    %c0_i32_0 = arith.constant 0 : i32
    %c0_i32_1 = arith.constant 0 : i32
    return %c0_i32, %c0_i32_0 : i32, i32
  }
}

</mosaic_0001>

<sc_bundles>
// kernel: kernel.5.cloned.1.call-start
scs
__scs_entry_jumppad:
0x0: {  	(pc) =	sbr.rel $0x88, $3  }
0x1: {  	(tag) =	ssettag $0x0;
	lr =	simm.s32 $0x1  }
0x2: {  	[smem:$0x3F99] =	sst lr;
	_ =	strace $0xD0000000  }
0x3: {  	_ = 	snop  }
0x4: {  	_ = 	snop  }
0x5: {  	_ = 	snop  }
0x6: {  	_ = 	snop  }
0x7: {  	_ = 	snop  }
__scs_overlays_trampoline_lowered:
0x8: {  	[smem:$0x3FA8] =	sst s0  }
0x9: {  	[smem:$0x3FA9] =	sst s1  }
0xa: {  	[smem:$0x3FAA] =	sst s2  }
0xb: {  	[smem:$0x3FAB] =	sst s3  }
0xc: {  	[smem:$0x3FAC] =	sst s4  }
0xd: {  	[smem:$0x3FAD] =	sst s5  }
0xe: {  	[smem:$0x3FAE] =	sst s6  }
0xf: {  	[smem:$0x3FAF] =	sst s7  }
0x10: {  	[smem:$0x3FB0] =	sst s8  }
0x11: {  	[smem:$0x3FB1] =	sst s9;
	s0 =	simm.s32 @!p0 $0x0  }
0x12: {  	s1 =	sld [smem:$0x3F97];
	s0 =	simm.s32 @p0 $0x1  }
0x13: {  	[smem:$0x3FB2] =	sst s0;
	s0 =	simm.s32 @!p1 $0x0  }
0x14: {  	s2 =	sld [smem:$0x3F96];
	s0 =	simm.s32 @p1 $0x1  }
0x15: {  	[smem:$0x3FB3] =	sst s0;
	s0 =	simm.s32 @!p2 $0x0  }
0x16: {  	s3 =	sld [smem:$0x3FDB];
	s0 =	simm.s32 @p2 $0x1  }
0x17: {  	s4 =	simm.s32 $0x1BF5;
	[smem:$0x3FB5] =	sst s0  }
0x18: {  	s0 =	sld [smem:$0x3F98];
	_ =	swait.ge [sflag:s4], $0x0  }
0x19: {  	s7 =	sld [smem:$0x3F99]  }
0x1a: {  	s8 =	sadd.s32 $0xFFFFE003, lr  }
0x1b: {  	s9 =	sadd.s32 $0xFFFFFEF7, lr;
	s5 =	simm.s32 $0xFFFFFFFF;
	p2 =	slt.u32 s8, $0xFFFFF086  }
0x1c: {  	p1 =	slt.u32 s9, $0xF7A;
	s5 =	simm.s32 @!p2 $0x0  }
0x1d: {  	s5 =	simm.s32 @p1 $0x1;
	p0 =	seq.s32 s7, s2  }
0x1e: {  	s7 =	smul.u32 @!p0 $0xF7A, s2;
	p2 =	seq.s32 @!p0 s5, $0x0  }
0x1f: {  	s9 =	smul.u32 $0xF7A, s1;
	s8 =	simm.s32 @!p0 $0x1BF5;
	p2 =	por !p2, p0  }
0x20: {  	[sflag:s8] =	ssyncset.s32 @!p0 $0xFFFFF086;
	s6 =	sadd.s32 @!p0 s3, s7;
	s7 =	simm.s32 @!p0 $0x108  }
0x21: {  	s3 =	sadd.s32 s3, s9;
	s6 =	sadd.s32 @!p0 $0x88, s6;
	s7 =	simm.s32 @p2 $0x1082  }
0x22: {  	[simem:s7], [sflag:s8] =	dma.local @!p0 [hbm:s6], $0xF7A  }
0x23: {  	s9 =	sor.u32 $0xD0000000, s2;
	s6 =	simm.s32 $0x108;
	_ =	swait.ge @!p0 [sflag:s8], $0x0  }
0x24: {  	s3 =	sadd.s32 $0x88, s3;
	s6 =	simm.s32 @!p1 $0x1082;
	[sflag:s4] =	ssyncset.s32 $0xFFFFF086  }
0x25: {  	[simem:s6], [sflag:s4] =	dma.local [hbm:s3], $0xF7A  }
0x26: {  	[smem:$0x3F99] =	sst s1;
	(tag) =	ssettag s2;
	_ =	strace s9  }
0x27: {  	s1 =	sld [smem:$0x3FA9]  }
0x28: {  	s2 =	sld [smem:$0x3FAA]  }
0x29: {  	s4 =	sld [smem:$0x3FAC]  }
0x2a: {  	p0 =	seq.s32 s5, $0x0;
	s5 =	sld [smem:$0x3FAD]  }
0x2b: {  	s6 =	sld [smem:$0x3FAE]  }
0x2c: {  	s7 =	sld [smem:$0x3FAF]  }
0x2d: {  	s3 =	simm.s32 $0x108;
	s8 =	sld [smem:$0x3FB0]  }
0x2e: {  	s3 =	simm.s32 @!p0 $0x1082;
	s9 =	sld [smem:$0x3FB1]  }
0x2f: {  	lr =	sadd.s32 s0, s3;
	s0 =	sld [smem:$0x3FA8]  }
0x30: {  	s3 =	sld [smem:$0x3FAB]  }
0x31: {  	[smem:$0x3FB4] =	sst s10  }
0x32: {  	s10 =	sld [smem:$0x3FB2];
	_ =	sdelay $0x3  }
0x33: {  	p0 =	seq.s32 s10, $0x1;
	s10 =	sld [smem:$0x3FB4];
	_ =	sdelay $0x3  }
0x34: {  	[smem:$0x3FB4] =	sst s10  }
0x35: {  	s10 =	sld [smem:$0x3FB3];
	_ =	sdelay $0x3  }
0x36: {  	p1 =	seq.s32 s10, $0x1;
	s10 =	sld [smem:$0x3FB4];
	_ =	sdelay $0x3  }
0x37: {  	[smem:$0x3FB4] =	sst s10  }
0x38: {  	s10 =	sld [smem:$0x3FB5]  }
0x39: {  	_ = 	snop;
	(pc) =	sbr.ind lr, $3  }
0x3a: {  	_ = 	snop  }
0x3b: {  	_ = 	snop  }
0x3c: {  	p2 =	seq.s32 s10, $0x1;
	s10 =	sld [smem:$0x3FB4]  }
0x3d: {  	_ =	shalt  }
0x3e: {  	_ =	shalt  }
0x3f: {  	_ =	shalt  }
0x40: {  	_ =	shalt  }
0x41: {  	_ =	shalt  }
0x42: {  	_ =	shalt  }
0x43: {  	_ =	shalt  }
0x44: {  	_ =	shalt  }
0x45: {  	_ =	shalt  }
0x46: {  	_ =	shalt  }
0x47: {  	_ =	shalt  }
0x48: {  	_ =	shalt  }
0x49: {  	_ =	shalt  }
0x4a: {  	_ =	shalt  }
0x4b: {  	_ =	shalt  }
0x4c: {  	_ =	shalt  }
0x4d: {  	_ =	shalt  }
0x4e: {  	_ =	shalt  }
0x4f: {  	_ =	shalt  }
0x50: {  	_ =	shalt  }
0x51: {  	_ =	shalt  }
0x52: {  	_ =	shalt  }
0x53: {  	_ =	shalt  }
0x54: {  	_ =	shalt  }
0x55: {  	_ =	shalt  }
0x56: {  	_ =	shalt  }
0x57: {  	_ =	shalt  }
0x58: {  	_ =	shalt  }
0x59: {  	_ =	shalt  }
0x5a: {  	_ =	shalt  }
0x5b: {  	_ =	shalt  }
0x5c: {  	_ =	shalt  }
0x5d: {  	_ =	shalt  }
0x5e: {  	_ =	shalt  }
0x5f: {  	_ =	shalt  }
0x60: {  	_ =	shalt  }
0x61: {  	_ =	shalt  }
0x62: {  	_ =	shalt  }
0x63: {  	_ =	shalt  }
0x64: {  	_ =	shalt  }
0x65: {  	_ =	shalt  }
0x66: {  	_ =	shalt  }
0x67: {  	_ =	shalt  }
0x68: {  	_ =	shalt  }
0x69: {  	_ =	shalt  }
0x6a: {  	_ =	shalt  }
0x6b: {  	_ =	shalt  }
0x6c: {  	_ =	shalt  }
0x6d: {  	_ =	shalt  }
0x6e: {  	_ =	shalt  }
0x6f: {  	_ =	shalt  }
0x70: {  	_ =	shalt  }
0x71: {  	_ =	shalt  }
0x72: {  	_ =	shalt  }
0x73: {  	_ =	shalt  }
0x74: {  	_ =	shalt  }
0x75: {  	_ =	shalt  }
0x76: {  	_ =	shalt  }
0x77: {  	_ =	shalt  }
0x78: {  	_ =	shalt  }
0x79: {  	_ =	shalt  }
0x7a: {  	_ =	shalt  }
0x7b: {  	_ =	shalt  }
0x7c: {  	_ =	shalt  }
0x7d: {  	_ =	shalt  }
0x7e: {  	_ =	shalt  }
0x7f: {  	_ =	shalt  }
0x80: {  	_ =	shalt  }
0x81: {  	_ =	shalt  }
0x82: {  	_ =	shalt  }
0x83: {  	_ =	shalt  }
0x84: {  	_ =	shalt  }
0x85: {  	_ =	shalt  }
0x86: {  	_ =	shalt  }
0x87: {  	_ =	shalt  }
.Lfunc_end0:
.L_simem_size_0:
called_computation_lowered:
.L_overlay_start_0:
0x88: {  	s2 =	sld [smem:$0x3FD9]  }
0x89: {  	s3 =	sld [smem:$0x3FFE];
	_ =	sdelay $0x1  }
0x8a: {  	s1 =	srdreg.scid  }
0x8b: {  	s0 =	sand.u32 $0x1, s1  }
0x8c: {  	s17 =	sshll.u32 s0, $0xA;
	s2 =	sadd.s32 s3, s2  }
0x8d: {  	s2 =	sadd.s32 s2, s17  }
0x8e: {  	[smem:$0x3FC0] =	sst s2  }
0x8f: {  	_ = 	snop  }
0x90: {  	s2 =	sld [smem:$0x3FC9]  }
0x91: {  	s18 =	sld [smem:$0x3FC8]  }
0x92: {  	s4 =	sld [smem:$0x3FC5]  }
0x93: {  	s5 =	sld [smem:$0x3FC4]  }
0x94: {  	s6 =	sld [smem:$0x3FC3]  }
0x95: {  	s7 =	sld [smem:$0x3FC2];
	(tm) =	ssettm $0x1  }
0x96: {  	s8 =	sld [smem:$0x3FFB];
	_ =	sdelay $0x3  }
0x97: {  	_ =	strace s8  }
0x98: {  	s8 =	sld [smem:$0x3FFC];
	_ =	sdelay $0x3  }
0x99: {  	_ =	strace s8  }
0x9a: {  	s8 =	sld [smem:$0x3FFD];
	_ =	sdelay $0x3  }
0x9b: {  	_ =	strace s8  }
0x9c: {  	_ =	strace $0x8FFFFFFF  }
0x9d: {  	s19 =	sld [smem:$0x3FDB];
	_ =	sdelay $0x1  }
0x9e: {  	s9 =	simm.s32 $_scs_section_size  }
0x9f: {  	s10 =	simm.s32 $_size__tile_overlayer_lowered;
	s11 =	simm.s32 $_tile_overlayer_lowered  }
0xa0: {  	s22 =	simm.s32 $0x1BFF;
	s21 =	sshll.u32 s11, $0x1;
	s8 =	sadd.s32 s9, s19  }
0xa1: {  	s12 =	simm.s32 $0x0;
	s20 =	sshll.u32 s10, $0x1;
	s10 =	sadd.s32 s21, s8  }
0xa2: {  	[timem:s12], [sflag:s22] =	dma.local [hbm:s10], s20  }
0xa3: {  	_ =	swait.ge [sflag:s22], s20  }
0xa4: {  	s9 =	ssub.s32 $0x0, s20;
	[sflag:s22] =	ssyncset.done $0x0  }
0xa5: {  	[sflag:s22] =	ssyncadd.s32 s9;
	_ =	sdelay $0x1  }
0xa6: {  	s23 =	simm.s32 $0x1B8B  }
0xa7: {  	_ =	swait.ge [sflag:s23], $0x1  }
0xa8: {  	[sflag:s23] =	ssyncset.done $0x0  }
0xa9: {  	s25 =	simm.s32 $0x1B8E;
	s24 =	sld [smem:$0x3FFE];
	[sflag:s23] =	ssyncadd.s32 $0xFFFFFFFF  }
0xaa: {  	s26 =	simm.s32 $execute0_lowered;
	[smem:$0x3FD2] =	sst s25  }
0xab: {  	s10 =	sshll.u32 s26, $0x1;
	_ =	strace $0x80000046;
	[dreg:$0x1] =	wrdreg $0xFFFFFFFF  }
0xac: {  	s28 =	simm.s32 $_size_execute0_lowered;
	s8 =	sadd.s32 s8, s10;
	[dreg:$0x0] =	wrdreg $0x0  }
0xad: {  	s10 =	sshll.u32 s28, $0x1;
	[dreg:$0x2] =	wrdreg s8  }
0xae: {  	[dreg:$0x3] =	wrdreg s10  }
0xaf: {  	[dreg:$0x4] =	wrdreg $0xC0  }
0xb0: {  	_ =	task [dreg:s12], $0x5FFFF  }
0xb1: {  	[dreg:$0x1] =	wrdreg $0xFFFFFFFF  }
0xb2: {  	[dreg:$0x0] =	wrdreg $0x60  }
0xb3: {  	[dreg:$0x2] =	wrdreg s2  }
0xb4: {  	[dreg:$0x3] =	wrdreg s18  }
0xb5: {  	[dreg:$0x4] =	wrdreg s24  }
0xb6: {  	[dreg:$0x5] =	wrdreg s4  }
0xb7: {  	[dreg:$0x6] =	wrdreg s5  }
0xb8: {  	[dreg:$0x7] =	wrdreg s6  }
0xb9: {  	[dreg:$0x8] =	wrdreg s7  }
0xba: {  	[dreg:$0x9] =	wrdreg $0x9  }
0xbb: {  	_ =	task.clear_ibuf [dreg:s12], $0xAFFFF;
	_ =	strace $0x90000046  }
0xbc: {  	s29 =	simm.s32 $0x9;
	_ =	strace $0x80000048  }
0xbd: {  	_ =	swait.ge [sflag:s29], $0x1  }
0xbe: {  	[sflag:s29] =	ssyncadd.s32 $0xFFFFFFFF  }
0xbf: {  	_ =	strace $0x90000048  }
0xc0: {  	_ =	sfence  }
0xc1: {  	s30 =	sld [smem:$0x0];
	_ =	sdelay $0x2  }
0xc2: {  	s31 =	sshll.u32 s1, $0xD;
	s1 =	sshrl.u32 s1, $0x2  }
0xc3: {  	s3 =	sand.u32 $0x4000, s31;
	s1 =	sadd.s32 s1, s30  }
0xc4: {  	s0 =	sor.u32 s3, s0;
	s1 =	sshll.u32 s1, $0x11  }
0xc5: {  	s0 =	sor.u32 s1, s0  }
0xc6: {  	s0 =	sadd.s32 $0x8F2B, s0  }
0xc7: {  	[sflag:s0] =	ssyncadd.remote.s32 $0x1  }
0xc8: {  	_ =	sfence.sel $0xFFFF  }
0xc9: {  	[dreg:$0x0] =	wrdreg $0xFFFFFFFF;
	(pc) =	sbr.abs _section_cstart, $3  }
0xca: {  	[dreg:$0x1] =	wrdreg $0xFFFFFFFF  }
0xcb: {  	_ =	task.clear_ibuf [dreg:s12], $0x2FFFF;
	_ =	strace $0x9FFFFFFF  }
0xcc: {  	(tm) =	ssettm $0x7FFFFFFF  }
0xcd: {  	_ =	shalt  }
tec
execute0_lowered:
.L_overlay_start_1:
0x0: {  	(tag) =	ssettag $0x1  }
0x1: {  	s0 =	rddreg [dreg:$0x0]  }
0x2: {  	s1 =	rddreg [dreg:$0x1]  }
0x3: {  	s3 =	rddreg [dreg:$0x2]  }
0x4: {  	s2 =	rddreg [dreg:$0x4];
	s4 =	srdreg.scid  }
0x5: {  	s5 =	stileid.u32;
	s18 =	simm.s32 $0x8;
	s30 =	simm.s32 $0x64  }
0x6: {  	s19 =	simm.s32 $0x11E00;
	s13 =	simm.s32 $0x15F90;
	s14 =	simm.s32 $0x4  }
0x7: {  	s15 =	simm.s32 $0x6;
	s17 =	simm.s32 $0x182D0;
	s4 =	sand.u32 $0x1, s4  }
0x8: {  	s6 =	sshll.u32 s5, $0x1;
	s5 =	rddreg [dreg:$0x6];
	s9 =	sadd.s32 $0x37200, s3  }
0x9: {  	s20 =	sadd.s32 $0x1B200, s3;
	s7 =	sor.u32 s4, s6;
	s6 =	simm.s32 $0x0  }
0xa: {  	s21 =	sadd.s32 $0x37A00, s3;
	s22 =	sadd.s32 $0x38200, s3;
	[smem:$0x7FF] =	sst s6  }
0xb: {  	s4 =	ssub.s32 $0x2, s4;
	_ =	strace $0x80000047;
	[dreg:$0x8] =	wrdreg s9  }
0xc: {  	s8 =	smul.u32 $0xD00, s7;
	s23 =	sshrl.u32 s4, $0x1;
	[dreg:$0x9] =	wrdreg s20  }
0xd: {  	s24 =	sshll.u32 s7, $0x9;
	s25 =	sshll.u32 s7, $0x6;
	[dreg:$0xa] =	wrdreg s21  }
0xe: {  	v0 =	vlaneseq.u32;
	s29 =	smul.u32 $0x7000, s7;
	s7 =	simm.s32 $0x0;
	[dreg:$0xb] =	wrdreg s22  }
0xf: {  	v0 =	vmul.u32 $0x10, v0;
	[dreg:$0xd] =	wrdreg s24;
	s0 =	sadd.s32 s0, s25;
	s26 =	sadd.s32 s1, s25  }
0x10: {  	s25 =	simm.s32 $0x15150;
	s20 =	simm.s32 $0x150E8;
	[dreg:$0xe] =	wrdreg s0  }
0x11: {  	v3 =	vor.u32 $0x300, v0;
	s1 =	simm.s32 $0x18350;
	s22 =	simm.s32 $0x7;
	[dreg:$0xf] =	wrdreg s26  }
0x12: {  	[tilespmem:$0x1FFC0] =	vst v3;
	v3 =	vor.u32 $0x400, v0;
	s8 =	sadd.s32 s8, s3;
	s3 =	sadd.s32 $0x38A00, s3;
	[dreg:$0x11] =	wrdreg s29  }
0x13: {  	[tilespmem:$0x1FFD0] =	vst v3;
	v3 =	vor.u32 $0x500, v0;
	[dreg:$0xc] =	wrdreg s3;
	s3 =	ssub.s32 s4, s23;
	s28 =	sadd.s32 $0x1200, s8  }
0x14: {  	vm0 =	vcmask $0x3F3C;
	v1 =	vor.u32 $0x100, v0;
	s26 =	simm.s32 $0x3;
	[tilespmem:$0x1FFE0] =	vst v3;
	v3 =	vor.u32 $0x600, v0;
	[dreg:$0x10] =	wrdreg s28;
	s31 =	smax.u32 s3, $0x1  }
0x15: {  	v2 =	vor.u32 $0x200, v0;
	v7 =	vor.u32 $0x700, v0;
	v8 =	vadd.s32 $0x220, v0;
	s0 =	simm.s32 $0x15950;
	s4 =	simm.s32 $0x5;
	[tilespmem:$0x1FFF0] =	vst v3;
	[dreg:$0x12] =	wrdreg s31  }
.LBB2_1:
0x16: {  	[dreg:$0x13] =	wrdreg s7  }
0x17: {  	s3 =	rddreg [dreg:$0xe]  }
0x18: {  	[tilespmem:s6], [sflag:$0x8] =	stream.linear.gather [hbm4b:s3+s6], $0x200, $0x38;
	[tilespmem:$0x19F50] =	vst v63  }
0x19: {  	_ =	swait.ge [sflag:s18], $0x200  }
0x1a: {  	[sflag:s18] =	ssyncset.done $0x0  }
0x1b: {  	s28 =	simm.s32 $0x200;
	s24 =	rddreg [dreg:$0xf];
	[sflag:s18] =	ssyncadd.s32 $0xFFFFFE00  }
0x1c: {  	[tilespmem:s28], [sflag:$0x8] =	stream.linear.gather [hbm4b:s24+s6], $0x200, $0x38;
	[tilespmem:$0x19F50] =	vst v63  }
0x1d: {  	_ =	swait.ge [sflag:s18], $0x200  }
0x1e: {  	[sflag:s18] =	ssyncset.done $0x0  }
0x1f: {  	s31 =	simm.s32 $0x400;
	s29 =	rddreg [dreg:$0x10];
	[sflag:s18] =	ssyncadd.s32 $0xFFFFFE00  }
0x20: {  	[tilespmem:s31], [sflag:$0x8] =	stream.linear.gather [hbm4b:s29+s6], $0x6800, $0x38;
	[tilespmem:$0x19F50] =	vst v63  }
0x21: {  	_ =	swait.ge [sflag:s18], $0x6800  }
0x22: {  	[sflag:s18] =	ssyncset.done $0x0  }
0x23: {  	s23 =	simm.s32 $0x0;
	[sflag:s18] =	ssyncadd.s32 $0xFFFF9800  }
.LBB2_2:
0x24: {  	s31 =	sshll.u32 s23, $0x7  }
0x25: {  	s3 =	rddreg [dreg:$0x3];
	s7 =	simm.s32 $0x80;
	s8 =	simm.s32 $0x6C00  }
0x26: {  	[tilespmem:s8], [sflag:$0x1] =	stream.indirect.gather [hbm4b:s3+s7], $0x80, s31, s7, $0xb8;
	[tilespmem:$0x19F50] =	vst v63  }
0x27: {  	s10 =	simm.s32 $0xAC00;
	s9 =	sadd.s32 $0x200, s31  }
0x28: {  	[tilespmem:s10], [sflag:$0x2] =	stream.indirect.gather [hbm4b:s2+s7], $0x80, s9, s7, $0xb8;
	[tilespmem:$0x19F50] =	vst v63  }
0x29: {  	v9 =	vld [tilespmem:s31+$0x0];
	_ =	sdelay $0x4  }
0x2a: {  	v9 =	vshra.s32 v9, $0x4  }
0x2b: {  	[tilespmem:$0x15000] =	vst v9  }
0x2c: {  	v9 =	vld [tilespmem:s31+$0x10];
	_ =	sdelay $0x4  }
0x2d: {  	v9 =	vshra.s32 v9, $0x4  }
0x2e: {  	[tilespmem:$0x15010] =	vst v9  }
0x2f: {  	v9 =	vld [tilespmem:s31+$0x20];
	_ =	sdelay $0x4  }
0x30: {  	v9 =	vshra.s32 v9, $0x4  }
0x31: {  	[tilespmem:$0x15020] =	vst v9  }
0x32: {  	v9 =	vld [tilespmem:s31+$0x30];
	_ =	sdelay $0x4  }
0x33: {  	v9 =	vshra.s32 v9, $0x4  }
0x34: {  	[tilespmem:$0x15030] =	vst v9  }
0x35: {  	v9 =	vld [tilespmem:s31+$0x40];
	_ =	sdelay $0x4  }
0x36: {  	v9 =	vshra.s32 v9, $0x4  }
0x37: {  	[tilespmem:$0x15040] =	vst v9  }
0x38: {  	v9 =	vld [tilespmem:s31+$0x50];
	_ =	sdelay $0x4  }
0x39: {  	v9 =	vshra.s32 v9, $0x4  }
0x3a: {  	[tilespmem:$0x15050] =	vst v9  }
0x3b: {  	v9 =	vld [tilespmem:s31+$0x60];
	_ =	sdelay $0x4  }
0x3c: {  	v9 =	vshra.s32 v9, $0x4  }
0x3d: {  	[tilespmem:$0x15060] =	vst v9  }
0x3e: {  	v9 =	vld [tilespmem:s31+$0x70];
	_ =	sdelay $0x4  }
0x3f: {  	v9 =	vshra.s32 v9, $0x4  }
0x40: {  	s11 =	rddreg [dreg:$0x5];
	s12 =	simm.s32 $0x15000;
	[tilespmem:$0x15070] =	vst v9  }
0x41: {  	[tilespmem:s25], [sflag:$0x3] =	stream.indirect.gather [hbm4b:s11+s7], $0x10, s12, s7, $0xb8;
	[tilespmem:$0x19F50] =	vst v63  }
0x42: {  	_ =	swait.ge [sflag:s26], $0x800  }
0x43: {  	[sflag:s26] =	ssyncset.done $0x0  }
0x44: {  	[sflag:s26] =	ssyncadd.s32 $0xFFFFF800  }
0x45: {  	v9 =	vld [tilespmem:s31+$0x0];
	_ =	sdelay $0x4  }
0x46: {  	v9 =	vand.u32 $0xF, v9  }
0x47: {  	v9 =	vor.u32 v0, v9;
	_ =	sdelay $0x4  }
0x48: {  	v9 =	vld.idx.msk [tilespmem:v9+s25+$0x0], $0xffff;
	_ =	sdelay $0x4  }
0x49: {  	[tilespmem:$0x165D0] =	vst v9  }
0x4a: {  	v9 =	vld [tilespmem:s31+$0x10];
	_ =	sdelay $0x4  }
0x4b: {  	v9 =	vand.u32 $0xF, v9  }
0x4c: {  	v9 =	vor.u32 v1, v9;
	_ =	sdelay $0x4  }
0x4d: {  	v9 =	vld.idx.msk [tilespmem:v9+s25+$0x0], $0xffff;
	_ =	sdelay $0x4  }
0x4e: {  	[tilespmem:$0x165E0] =	vst v9  }
0x4f: {  	v9 =	vld [tilespmem:s31+$0x20];
	_ =	sdelay $0x4  }
0x50: {  	v9 =	vand.u32 $0xF, v9  }
0x51: {  	v9 =	vor.u32 v2, v9;
	_ =	sdelay $0x4  }
0x52: {  	v9 =	vld.idx.msk [tilespmem:v9+s25+$0x0], $0xffff;
	_ =	sdelay $0x4  }
0x53: {  	[tilespmem:$0x165F0] =	vst v9  }
0x54: {  	v9 =	vld [tilespmem:s31+$0x30]  }
0x55: {  	v3 =	vld [tilespmem:$0x1FFC0];
	_ =	sdelay $0x3  }
0x56: {  	v9 =	vand.u32 $0xF, v9  }
0x57: {  	v9 =	vor.u32 v3, v9;
	_ =	sdelay $0x4  }
0x58: {  	v9 =	vld.idx.msk [tilespmem:v9+s25+$0x0], $0xffff;
	_ =	sdelay $0x4  }
0x59: {  	[tilespmem:$0x16600] =	vst v9  }
0x5a: {  	v9 =	vld [tilespmem:s31+$0x40]  }
0x5b: {  	v4 =	vld [tilespmem:$0x1FFD0];
	_ =	sdelay $0x3  }
0x5c: {  	v9 =	vand.u32 $0xF, v9  }
0x5d: {  	v9 =	vor.u32 v4, v9;
	_ =	sdelay $0x4  }
0x5e: {  	v9 =	vld.idx.msk [tilespmem:v9+s25+$0x0], $0xffff;
	_ =	sdelay $0x4  }
0x5f: {  	[tilespmem:$0x16610] =	vst v9  }
0x60: {  	v9 =	vld [tilespmem:s31+$0x50]  }
0x61: {  	v5 =	vld [tilespmem:$0x1FFE0];
	_ =	sdelay $0x3  }
0x62: {  	v9 =	vand.u32 $0xF, v9  }
0x63: {  	v9 =	vor.u32 v5, v9;
	_ =	sdelay $0x4  }
0x64: {  	v9 =	vld.idx.msk [tilespmem:v9+s25+$0x0], $0xffff;
	_ =	sdelay $0x4  }
0x65: {  	[tilespmem:$0x16620] =	vst v9  }
0x66: {  	v9 =	vld [tilespmem:s31+$0x60]  }
0x67: {  	v6 =	vld [tilespmem:$0x1FFF0];
	_ =	sdelay $0x3  }
0x68: {  	v9 =	vand.u32 $0xF, v9  }
0x69: {  	v9 =	vor.u32 v6, v9;
	_ =	sdelay $0x4  }
0x6a: {  	v9 =	vld.idx.msk [tilespmem:v9+s25+$0x0], $0xffff;
	_ =	sdelay $0x4  }
0x6b: {  	[tilespmem:$0x16630] =	vst v9  }
0x6c: {  	v9 =	vld [tilespmem:s31+$0x70];
	_ =	sdelay $0x4  }
0x6d: {  	v9 =	vand.u32 $0xF, v9  }
0x6e: {  	v9 =	vor.u32 v7, v9;
	_ =	sdelay $0x4  }
0x6f: {  	v9 =	vld.idx.msk [tilespmem:v9+s25+$0x0], $0xffff;
	_ =	sdelay $0x4  }
0x70: {  	[tilespmem:$0x16640] =	vst v9  }
0x71: {  	v9 =	vld [tilespmem:s31+$0x200];
	_ =	sdelay $0x4  }
0x72: {  	v9 =	vshra.s32 v9, $0x4  }
0x73: {  	[tilespmem:$0x15000] =	vst v9  }
0x74: {  	v9 =	vld [tilespmem:s31+$0x210];
	_ =	sdelay $0x4  }
0x75: {  	v9 =	vshra.s32 v9, $0x4  }
0x76: {  	[tilespmem:$0x15010] =	vst v9  }
0x77: {  	v9 =	vld [tilespmem:s31+$0x220];
	_ =	sdelay $0x4  }
0x78: {  	v9 =	vshra.s32 v9, $0x4  }
0x79: {  	[tilespmem:$0x15020] =	vst v9  }
0x7a: {  	v9 =	vld [tilespmem:s31+$0x230];
	_ =	sdelay $0x4  }
0x7b: {  	v9 =	vshra.s32 v9, $0x4  }
0x7c: {  	[tilespmem:$0x15030] =	vst v9  }
0x7d: {  	v9 =	vld [tilespmem:s31+$0x240];
	_ =	sdelay $0x4  }
0x7e: {  	v9 =	vshra.s32 v9, $0x4  }
0x7f: {  	[tilespmem:$0x15040] =	vst v9  }
0x80: {  	v9 =	vld [tilespmem:s31+$0x250];
	_ =	sdelay $0x4  }
0x81: {  	v9 =	vshra.s32 v9, $0x4  }
0x82: {  	[tilespmem:$0x15050] =	vst v9  }
0x83: {  	v9 =	vld [tilespmem:s31+$0x260];
	_ =	sdelay $0x4  }
0x84: {  	v9 =	vshra.s32 v9, $0x4  }
0x85: {  	[tilespmem:$0x15060] =	vst v9  }
0x86: {  	v9 =	vld [tilespmem:s31+$0x270];
	_ =	sdelay $0x4  }
0x87: {  	v9 =	vshra.s32 v9, $0x4  }
0x88: {  	[tilespmem:$0x15070] =	vst v9  }
0x89: {  	[tilespmem:s25], [sflag:$0x3] =	stream.indirect.gather [hbm4b:s5+s7], $0x10, s12, s7, $0xb8;
	[tilespmem:$0x19F50] =	vst v63  }
0x8a: {  	_ =	swait.ge [sflag:s26], $0x800  }
0x8b: {  	[sflag:s26] =	ssyncset.done $0x0  }
0x8c: {  	[sflag:s26] =	ssyncadd.s32 $0xFFFFF800  }
0x8d: {  	v9 =	vld [tilespmem:s31+$0x200];
	_ =	sdelay $0x4  }
0x8e: {  	v9 =	vand.u32 $0xF, v9  }
0x8f: {  	v9 =	vor.u32 v0, v9;
	_ =	sdelay $0x4  }
0x90: {  	v9 =	vld.idx.msk [tilespmem:v9+s25+$0x0], $0xffff;
	_ =	sdelay $0x4  }
0x91: {  	[tilespmem:$0x16650] =	vst v9  }
0x92: {  	v9 =	vld [tilespmem:s31+$0x210];
	_ =	sdelay $0x4  }
0x93: {  	v9 =	vand.u32 $0xF, v9  }
0x94: {  	v9 =	vor.u32 v1, v9;
	_ =	sdelay $0x4  }
0x95: {  	v9 =	vld.idx.msk [tilespmem:v9+s25+$0x0], $0xffff;
	_ =	sdelay $0x4  }
0x96: {  	[tilespmem:$0x16660] =	vst v9  }
0x97: {  	v9 =	vld [tilespmem:s31+$0x220];
	_ =	sdelay $0x4  }
0x98: {  	v9 =	vand.u32 $0xF, v9  }
0x99: {  	v9 =	vor.u32 v2, v9;
	_ =	sdelay $0x4  }
0x9a: {  	v9 =	vld.idx.msk [tilespmem:v9+s25+$0x0], $0xffff;
	_ =	sdelay $0x4  }
0x9b: {  	[tilespmem:$0x16670] =	vst v9  }
0x9c: {  	v9 =	vld [tilespmem:s31+$0x230];
	_ =	sdelay $0x4  }
0x9d: {  	v9 =	vand.u32 $0xF, v9  }
0x9e: {  	v9 =	vor.u32 v3, v9;
	_ =	sdelay $0x4  }
0x9f: {  	v9 =	vld.idx.msk [tilespmem:v9+s25+$0x0], $0xffff;
	_ =	sdelay $0x4  }
0xa0: {  	[tilespmem:$0x16680] =	vst v9  }
0xa1: {  	v9 =	vld [tilespmem:s31+$0x240];
	_ =	sdelay $0x4  }
0xa2: {  	v9 =	vand.u32 $0xF, v9  }
0xa3: {  	v9 =	vor.u32 v4, v9;
	_ =	sdelay $0x4  }
0xa4: {  	v9 =	vld.idx.msk [tilespmem:v9+s25+$0x0], $0xffff;
	_ =	sdelay $0x4  }
0xa5: {  	[tilespmem:$0x16690] =	vst v9  }
0xa6: {  	v9 =	vld [tilespmem:s31+$0x250];
	_ =	sdelay $0x4  }
0xa7: {  	v9 =	vand.u32 $0xF, v9  }
0xa8: {  	v9 =	vor.u32 v5, v9;
	_ =	sdelay $0x4  }
0xa9: {  	v9 =	vld.idx.msk [tilespmem:v9+s25+$0x0], $0xffff;
	_ =	sdelay $0x4  }
0xaa: {  	[tilespmem:$0x166A0] =	vst v9  }
0xab: {  	v9 =	vld [tilespmem:s31+$0x260];
	_ =	sdelay $0x4  }
0xac: {  	v9 =	vand.u32 $0xF, v9  }
0xad: {  	v9 =	vor.u32 v6, v9;
	_ =	sdelay $0x4  }
0xae: {  	v9 =	vld.idx.msk [tilespmem:v9+s25+$0x0], $0xffff;
	_ =	sdelay $0x4  }
0xaf: {  	[tilespmem:$0x166B0] =	vst v9  }
0xb0: {  	v9 =	vld [tilespmem:s31+$0x270];
	_ =	sdelay $0x4  }
0xb1: {  	v9 =	vand.u32 $0xF, v9  }
0xb2: {  	v9 =	vor.u32 v7, v9;
	_ =	sdelay $0x4  }
0xb3: {  	v9 =	vld.idx.msk [tilespmem:v9+s25+$0x0], $0xffff;
	_ =	sdelay $0x4  }
0xb4: {  	s16 =	simm.s32 $0x1;
	[tilespmem:$0x166C0] =	vst v9  }
0xb5: {  	_ =	swait.ge [sflag:s16], $0x4000  }
0xb6: {  	[sflag:s16] =	ssyncset.done $0x0  }
0xb7: {  	s21 =	simm.s32 $0x2;
	[sflag:s16] =	ssyncadd.s32 $0xFFFFC000  }
0xb8: {  	s24 =	smul.u32 $0x6800, s23;
	_ =	swait.ge [sflag:s21], $0x4000  }
0xb9: {  	[sflag:s21] =	ssyncset.done $0x0  }
0xba: {  	s3 =	sshra.s32 s24, $0x2;
	[sflag:s21] =	ssyncadd.s32 $0xFFFFC000  }
0xbb: {  	v9 =	vld [tilespmem:s3+$0x400];
	_ =	sdelay $0x4  }
0xbc: {  	v9 =	vshra.s32 v9, $0x4  }
0xbd: {  	[tilespmem:$0x15080] =	vst v9  }
0xbe: {  	v9 =	vld [tilespmem:s3+$0x410];
	_ =	sdelay $0x4  }
0xbf: {  	v9 =	vshra.s32 v9, $0x4  }
0xc0: {  	[tilespmem:$0x15090] =	vst v9  }
0xc1: {  	v9 =	vld [tilespmem:s3+$0x420];
	_ =	sdelay $0x4  }
0xc2: {  	v9 =	vshra.s32 v9, $0x4  }
0xc3: {  	[tilespmem:$0x150A0] =	vst v9  }
0xc4: {  	v9 =	vld [tilespmem:s3+$0x430];
	_ =	sdelay $0x4  }
0xc5: {  	v9 =	vshra.s32 v9, $0x4  }
0xc6: {  	[tilespmem:$0x150B0] =	vst v9  }
0xc7: {  	v9 =	vld [tilespmem:s3+$0x440];
	_ =	sdelay $0x4  }
0xc8: {  	v9 =	vshra.s32 v9, $0x4  }
0xc9: {  	[tilespmem:$0x150C0] =	vst v9  }
0xca: {  	v9 =	vld [tilespmem:s3+$0x450];
	_ =	sdelay $0x4  }
0xcb: {  	v9 =	vshra.s32 v9, $0x4  }
0xcc: {  	[tilespmem:$0x150D0] =	vst v9  }
0xcd: {  	v9 =	vld [tilespmem:s3+$0x454];
	_ =	sdelay $0x4  }
0xce: {  	v9 =	vshra.s32 v9, $0x4  }
0xcf: {  	s28 =	simm.s32 $0xEC00;
	s29 =	simm.s32 $0x15080;
	s3 =	sadd.s32 $0x400, s3;
	[tilespmem:$0x150D4] =	vst v9  }
0xd0: {  	[tilespmem:s28], [sflag:$0x4] =	stream.indirect.gather [hbm4b:s2+s30], $0x80, s3, s30, $0xb8;
	[tilespmem:$0x19F50] =	vst v63  }
0xd1: {  	s8 =	simm.s32 $0x0;
	s7 =	simm.s32 $0x0;
	s3 =	sshll.u32 s23, $0x6  }
0xd2: {  	[tilespmem:s0], [sflag:$0x6] =	stream.indirect.gather [hbm4b:s5+s30], $0x10, s29, s30, $0xb8;
	[tilespmem:$0x19F50] =	vst v63  }
.LBB2_3:
0xd3: {  	s9 =	sshll.u32 s8, $0x1  }
0xd4: {  	s9 =	sadd.s32 s3, s9  }
0xd5: {  	s9 =	smul.u32 $0x1A0, s9;
	_ =	sdelay $0x1  }
0xd6: {  	s9 =	sshra.s32 s9, $0x2  }
0xd7: {  	v9 =	vld [tilespmem:s9+$0x468];
	_ =	sdelay $0x4  }
0xd8: {  	v9 =	vshra.s32 v9, $0x4  }
0xd9: {  	[tilespmem:$0x150E8] =	vst v9  }
0xda: {  	v9 =	vld [tilespmem:s9+$0x478];
	_ =	sdelay $0x4  }
0xdb: {  	v9 =	vshra.s32 v9, $0x4  }
0xdc: {  	[tilespmem:$0x150F8] =	vst v9  }
0xdd: {  	v9 =	vld [tilespmem:s9+$0x488];
	_ =	sdelay $0x4  }
0xde: {  	v9 =	vshra.s32 v9, $0x4  }
0xdf: {  	[tilespmem:$0x15108] =	vst v9  }
0xe0: {  	v9 =	vld [tilespmem:s9+$0x498];
	_ =	sdelay $0x4  }
0xe1: {  	v9 =	vshra.s32 v9, $0x4  }
0xe2: {  	[tilespmem:$0x15118] =	vst v9  }
0xe3: {  	v9 =	vld [tilespmem:s9+$0x4A8];
	_ =	sdelay $0x4  }
0xe4: {  	v9 =	vshra.s32 v9, $0x4  }
0xe5: {  	[tilespmem:$0x15128] =	vst v9  }
0xe6: {  	v9 =	vld [tilespmem:s9+$0x4B8];
	_ =	sdelay $0x4  }
0xe7: {  	v9 =	vshra.s32 v9, $0x4  }
0xe8: {  	[tilespmem:$0x15138] =	vst v9  }
0xe9: {  	v9 =	vld [tilespmem:s9+$0x4BC];
	_ =	sdelay $0x4  }
0xea: {  	v9 =	vshra.s32 v9, $0x4  }
0xeb: {  	s10 =	sadd.s32 $0x468, s9;
	[tilespmem:$0x1513C] =	vst v9  }
0xec: {  	[tilespmem:s19], [sflag:$0x5] =	stream.indirect.gather [hbm4b:s2+s30], $0x80, s10, s30, $0xb8;
	[tilespmem:$0x19F50] =	vst v63  }
0xed: {  	_ = 	snop  }
0xee: {  	[tilespmem:s13], [sflag:$0x7] =	stream.indirect.gather [hbm4b:s5+s30], $0x10, s20, s30, $0xb8;
	[tilespmem:$0x19F50] =	vst v63  }
0xef: {  	_ =	swait.ge [sflag:s14], $0x3200  }
0xf0: {  	[sflag:s14] =	ssyncset.done $0x0  }
0xf1: {  	[sflag:s14] =	ssyncadd.s32 $0xFFFFCE00  }
0xf2: {  	_ =	swait.ge [sflag:s15], $0x640  }
0xf3: {  	[sflag:s15] =	ssyncset.done $0x0  }
0xf4: {  	s16 =	sshll.u32 s8, $0x9;
	[sflag:s15] =	ssyncadd.s32 $0xFFFFF9C0  }
0xf5: {  	v17 =	vld [tilespmem:s16+$0x6C00]  }
0xf6: {  	v16 =	vld [tilespmem:s16+$0x6C10]  }
0xf7: {  	v9 =	vld [tilespmem:s16+$0xAC00]  }
0xf8: {  	v10 =	vld [tilespmem:s16+$0xAC10]  }
0xf9: {  	v15 =	vld [tilespmem:s16+$0x6C20]  }
0xfa: {  	v11 =	vld [tilespmem:s16+$0xAC20]  }
0xfb: {  	v14 =	vld [tilespmem:s16+$0x6C30]  }
0xfc: {  	v18 =	vld [tilespmem:s16+$0xAC30]  }
0xfd: {  	v13 =	vld [tilespmem:s16+$0x6C40];
	v9 =	vmul.f32 v9, v17;
	v10 =	vmul.f32 v10, v16  }
0xfe: {  	v19 =	vld [tilespmem:s16+$0xAC40]  }
0xff: {  	v12 =	vld [tilespmem:s16+$0x6C50];
	v9 =	vadd.f32 v10, v9;
	v10 =	vmul.f32 v11, v15  }
0x100: {  	v20 =	vld [tilespmem:s16+$0xAC50]  }
0x101: {  	v21 =	vld [tilespmem:s16+$0xAC60];
	v18 =	vmul.f32 v18, v14;
	v10 =	vadd.f32 v10, v9  }
0x102: {  	v11 =	vld [tilespmem:s16+$0x6C60]  }
0x103: {  	v9 =	vld [tilespmem:s16+$0x6C70];
	v10 =	vadd.f32 v18, v10;
	v18 =	vmul.f32 v19, v13  }
0x104: {  	v19 =	vld [tilespmem:s16+$0xAC70]  }
0x105: {  	v10 =	vadd.f32 v18, v10;
	v18 =	vmul.f32 v20, v12;
	_ =	sdelay $0x1  }
0x106: {  	v10 =	vadd.f32 v18, v10;
	v18 =	vmul.f32 v21, v11;
	_ =	sdelay $0x1  }
0x107: {  	v10 =	vadd.f32 v18, v10;
	v18 =	vmul.f32 v19, v9;
	_ =	sdelay $0x1  }
0x108: {  	v10 =	vadd.f32 v18, v10;
	_ =	sdelay $0x1  }
0x109: {  	(xrf2) =	vadd.scan.msk.f32 $0xffff, v10;
	_ =	sdelay $0x4  }
0x10a: {  	s10 =	sshll.u32 s8, $0x2  }
0x10b: {  	v10 =	vmov s10;
	_ =	sdelay $0x3  }
0x10c: {  	v18, _, _ =	vpop (xrf2)  }
0x10d: {  	s11 =	simm.s32 $0xEE80;
	[tilespmem:v10+s17+$0x0] =	vst.idx.msk vm0, v18  }
0x10e: {  	v18 =	vld [tilespmem:s11+$0x200]  }
0x10f: {  	v19 =	vld [tilespmem:s11+$0x210]  }
0x110: {  	v20 =	vld [tilespmem:s11+$0xFFFFFD80]  }
0x111: {  	v21 =	vld [tilespmem:s11+$0x220]  }
0x112: {  	v22 =	vld [tilespmem:s11+$0xFFFFFD90]  }
0x113: {  	v23 =	vld [tilespmem:s11+$0x230]  }
0x114: {  	v24 =	vld [tilespmem:s11+$0xFFFFFE00]  }
0x115: {  	v25 =	vld [tilespmem:s11+$0x240]  }
0x116: {  	v26 =	vld [tilespmem:s11+$0xFFFFFE10]  }
0x117: {  	v27 =	vld [tilespmem:s11+$0x250]  }
0x118: {  	v28 =	vld [tilespmem:s11+$0xFFFFFE80]  }
0x119: {  	v29 =	vld [tilespmem:s11+$0x260]  }
0x11a: {  	v30 =	vld [tilespmem:s11+$0xFFFFFE90]  }
0x11b: {  	v31 =	vld [tilespmem:s11+$0x270]  }
0x11c: {  	v32 =	vld [tilespmem:s11+$0xFFFFFF00]  }
0x11d: {  	v33 =	vld [tilespmem:s11+$0xFFFFFF10]  }
0x11e: {  	v34 =	vld [tilespmem:s11+$0xFFFFFF80]  }
0x11f: {  	v35 =	vld [tilespmem:s11+$0xFFFFFF90]  }
0x120: {  	v36 =	vld [tilespmem:s11+$0x0]  }
0x121: {  	v37 =	vld [tilespmem:s11+$0x10]  }
0x122: {  	v38 =	vld [tilespmem:s11+$0x80]  }
0x123: {  	v39 =	vld [tilespmem:s11+$0x90]  }
0x124: {  	v40 =	vld [tilespmem:s11+$0x100]  }
0x125: {  	v41 =	vld [tilespmem:s11+$0x110]  }
0x126: {  	v42 =	vld [tilespmem:s11+$0x180]  }
0x127: {  	v43 =	vld [tilespmem:s11+$0x190]  }
0x128: {  	v44 =	vld [tilespmem:s11+$0xFFFFFDA0]  }
0x129: {  	v45 =	vld [tilespmem:s11+$0xFFFFFEA0]  }
0x12a: {  	v46 =	vld [tilespmem:s11+$0xFFFFFFA0]  }
0x12b: {  	v47 =	vld [tilespmem:s11+$0xA0]  }
0x12c: {  	v48 =	vld [tilespmem:s11+$0x1A0]  }
0x12d: {  	s12 =	simm.s32 $0x9;
	v54 =	vld [tilespmem:s11+$0xB0];
	v18 =	vmul.f32 v18, v17;
	v19 =	vmul.f32 v19, v16  }
0x12e: {  	v53 =	vmov s12;
	v49 =	vld [tilespmem:s11+$0x130];
	v20 =	vmul.f32 v20, v17;
	v22 =	vmul.f32 v22, v16  }
0x12f: {  	v56 =	vand.u32 $0x78, v53;
	v50 =	vld [tilespmem:s11+$0x1B0];
	v24 =	vmul.f32 v24, v17;
	v26 =	vmul.f32 v26, v16  }
0x130: {  	v10 =	vmul.u32 $0x38, v10;
	v58 =	vld [tilespmem:s11+$0xFFFFFE40];
	v51 =	vmul.f32 v35, v16;
	v52 =	vmul.f32 v37, v16  }
0x131: {  	v60 =	vld [tilespmem:s11+$0xFFFFFEC0];
	v55 =	vmul.f32 v39, v16;
	v40 =	vmul.f32 v40, v17;
	v37 =	vand.u32 $0x7, v53  }
0x132: {  	v62 =	vld [tilespmem:s11+$0xFFFFFF40];
	v41 =	vmul.f32 v41, v16;
	v39 =	vadd.s32 v10, v56;
	v42 =	vmul.f32 v42, v17  }
0x133: {  	v63 =	vld [tilespmem:s11+$0xFFFFFFC0];
	v43 =	vmul.f32 v43, v16;
	v18 =	vadd.f32 v19, v18;
	v19 =	vmul.f32 v21, v15  }
0x134: {  	v57 =	vmul.f32 v44, v15;
	v21 =	vld [tilespmem:s11+$0xFFFFFE20];
	v20 =	vadd.f32 v22, v20;
	v22 =	vmul.f32 v28, v17  }
0x135: {  	v28 =	vmul.f32 v30, v16;
	v30 =	vld [tilespmem:s11+$0xFFFFFE30];
	v18 =	vadd.f32 v19, v18;
	v19 =	vmul.f32 v23, v14  }
0x136: {  	v61 =	vmul.f32 v45, v15;
	v53 =	vmul.f32 v54, v14;
	v24 =	vadd.f32 v26, v24;
	v26 =	vld [tilespmem:s11+$0xFFFFFEB0]  }
0x137: {  	v40 =	vadd.f32 v41, v40;
	v23 =	vld [tilespmem:s11+$0xFFFFFF20];
	v18 =	vadd.f32 v19, v18;
	v19 =	vmul.f32 v25, v13  }
0x138: {  	v45 =	vld [tilespmem:s11+$0x40];
	v59 =	vadd.f32 v43, v42;
	v22 =	vadd.f32 v28, v22;
	v28 =	vmul.f32 v32, v17  }
0x139: {  	v20 =	vadd.f32 v57, v20;
	v25 =	vld [tilespmem:s11+$0x20];
	v18 =	vadd.f32 v19, v18;
	v19 =	vmul.f32 v27, v12  }
0x13a: {  	v22 =	vadd.f32 v61, v22;
	v21 =	vmul.f32 v21, v15;
	v30 =	vmul.f32 v30, v14;
	v27 =	vld [tilespmem:s11+$0x120]  }
0x13b: {  	v54 =	vld [tilespmem:s11+$0xFFFFFED0];
	v26 =	vmul.f32 v26, v14;
	v18 =	vadd.f32 v19, v18;
	v19 =	vmul.f32 v29, v11  }
0x13c: {  	v23 =	vmul.f32 v23, v15;
	v21 =	vadd.f32 v21, v24;
	v24 =	vmul.f32 v46, v15;
	v29 =	vld [tilespmem:s11+$0xFFFFFDB0]  }
0x13d: {  	v56 =	vld [tilespmem:s11+$0xFFFFFF50];
	v46 =	vmul.f32 v48, v15;
	v18 =	vadd.f32 v19, v18;
	v19 =	vmul.f32 v31, v9  }
0x13e: {  	v32 =	vld [tilespmem:s11+$0xFFFFFF30];
	v22 =	vadd.f32 v26, v22;
	v25 =	vmul.f32 v25, v15;
	v31 =	vmul.f32 v33, v16  }
0x13f: {  	v44 =	vld [tilespmem:s11+$0xFFFFFEE0];
	v27 =	vmul.f32 v27, v15;
	v19 =	vadd.f32 v19, v18;
	v18 =	vmul.f32 v34, v17  }
0x140: {  	v21 =	vadd.f32 v30, v21;
	v34 =	vld [tilespmem:s11+$0xFFFFFFB0];
	v28 =	vadd.f32 v31, v28;
	v31 =	vmul.f32 v36, v17  }
0x141: {  	v57 =	vld [tilespmem:s11+$0xFFFFFFD0];
	v29 =	vmul.f32 v29, v14;
	v27 =	vadd.f32 v27, v40;
	v33 =	vadd.f32 v51, v18  }
0x142: {  	v61 =	vld [tilespmem:s11+$0x150];
	v18 =	vmul.f32 v38, v17;
	v31 =	vadd.f32 v52, v31;
	v23 =	vadd.f32 v23, v28  }
0x143: {  	v36 =	vld [tilespmem:s11+$0x30];
	v28 =	vmul.f32 v47, v15;
	v20 =	vadd.f32 v29, v20;
	v29 =	vmul.f32 v32, v14  }
0x144: {  	v48 =	vld [tilespmem:s11+$0x1C0];
	v35 =	vadd.f32 v55, v18;
	v18 =	vor.u32 v37, v39;
	v24 =	vadd.f32 v24, v33  }
0x145: {  	v51 =	vld [tilespmem:s11+$0xFFFFFDC0];
	v25 =	vadd.f32 v25, v31;
	v55 =	vmul.f32 v50, v14;
	v26 =	vmul.f32 v34, v14  }
0x146: {  	v52 =	vld [tilespmem:s11+$0xFFFFFDD0];
	v33 =	vadd.f32 v46, v59;
	v59 =	vmul.f32 v62, v13;
	v37 =	vmul.f32 v45, v13  }
0x147: {  	v30 =	vld [tilespmem:s11+$0xFFFFFE50];
	v45 =	vmul.f32 v56, v12;
	v24 =	vadd.f32 v26, v24;
	v26 =	vmul.f32 v49, v14  }
0x148: {  	v47 =	vld [tilespmem:s11+$0x140];
	v23 =	vadd.f32 v29, v23;
	v29 =	vmul.f32 v36, v14;
	v28 =	vadd.f32 v28, v35  }
0x149: {  	v31 =	vld [tilespmem:s11+$0xC0];
	v33 =	vadd.f32 v55, v33;
	v26 =	vadd.f32 v26, v27;
	v27 =	vmul.f32 v58, v13  }
0x14a: {  	v62 =	vld [tilespmem:s11+$0xFFFFFDE0];
	v25 =	vadd.f32 v29, v25;
	v29 =	vmul.f32 v51, v13;
	v23 =	vadd.f32 v59, v23  }
0x14b: {  	v46 =	vld [tilespmem:s11+$0xFFFFFF60];
	v32 =	vmul.f32 v52, v12;
	v21 =	vadd.f32 v27, v21;
	v27 =	vmul.f32 v63, v13  }
0x14c: {  	v28 =	vadd.f32 v53, v28;
	v58 =	vld [tilespmem:s11+$0x50];
	v20 =	vadd.f32 v29, v20;
	v29 =	vmul.f32 v60, v13  }
0x14d: {  	v60 =	vld [tilespmem:s11+$0xD0];
	v25 =	vadd.f32 v37, v25;
	v24 =	vadd.f32 v27, v24;
	v27 =	vmul.f32 v47, v13  }
0x14e: {  	v23 =	vadd.f32 v45, v23;
	v22 =	vadd.f32 v29, v22;
	v29 =	vmul.f32 v31, v13;
	v31 =	vld [tilespmem:s11+$0x1D0]  }
0x14f: {  	v52 =	vld [tilespmem:s11+$0xFFFFFDF0];
	v20 =	vadd.f32 v32, v20;
	v26 =	vadd.f32 v27, v26;
	v27 =	vmul.f32 v30, v12  }
0x150: {  	v63 =	vld [tilespmem:s11+$0xFFFFFE60];
	v28 =	vadd.f32 v29, v28;
	v29 =	vmul.f32 v48, v13;
	v30 =	vmul.f32 v54, v12  }
0x151: {  	v50 =	vld [tilespmem:s11+$0xE0];
	v47 =	vmul.f32 v58, v12;
	v21 =	vadd.f32 v27, v21;
	v27 =	vmul.f32 v57, v12  }
0x152: {  	v48 =	vmul.f32 v60, v12;
	v29 =	vadd.f32 v29, v33;
	v22 =	vadd.f32 v30, v22;
	v30 =	vld [tilespmem:s11+$0xFFFFFFE0]  }
0x153: {  	v49 =	vld [tilespmem:s11+$0x60];
	v31 =	vmul.f32 v31, v12;
	v24 =	vadd.f32 v27, v24;
	v27 =	vmul.f32 v61, v12  }
0x154: {  	(xrf2) =	vadd.scan.msk.f32 $0xffff, v19;
	v56 =	vld [tilespmem:s11+$0xFFFFFEF0];
	v19 =	vadd.f32 v47, v25;
	v25 =	vadd.f32 v48, v28;
	v28 =	vmul.f32 v62, v11  }
0x155: {  	v51 =	vld [tilespmem:s11+$0x160];
	v59 =	vmul.f32 v52, v9;
	v26 =	vadd.f32 v27, v26;
	v27 =	vmul.f32 v63, v11  }
0x156: {  	v33 =	vmul.f32 v46, v11;
	v29 =	vadd.f32 v31, v29;
	v31 =	vld [tilespmem:s11+$0x1E0];
	v28 =	vadd.f32 v28, v20  }
0x157: {  	v60 =	vld [tilespmem:s11+$0x70];
	v20 =	vmul.f32 v44, v11;
	v27 =	vadd.f32 v27, v21;
	v21 =	vmul.f32 v30, v11  }
0x158: {  	v53 =	vld [tilespmem:s11+$0xFFFFFE70];
	v55 =	vadd.f32 v33, v23;
	v57 =	vmov s7;
	v30 =	vmul.f32 v49, v11  }
0x159: {  	v54 =	vadd.f32 v20, v22;
	v20 =	vmul.f32 v50, v11;
	v23 =	vadd.f32 v21, v24;
	v24 =	vld [tilespmem:s11+$0xFFFFFF70]  }
0x15a: {  	v58 =	vld [tilespmem:s11+$0xFFFFFFF0];
	v32 =	vand.u32 $0x38, v57;
	v22 =	vadd.f32 v30, v19;
	v19 =	vmul.f32 v51, v11  }
0x15b: {  	v61 =	vmul.f32 v56, v9;
	v21 =	vadd.f32 v20, v25;
	v25 =	vmul.f32 v31, v11  }
0x15c: {  	v34 =	vld [tilespmem:s11+$0xF0];
	v38 =	vmul.f32 v60, v9;
	v30 =	vand.u32 $0x6, v57;
	v20 =	vadd.f32 v19, v26  }
0x15d: {  	s21 =	simm.s32 $0x1;
	s24 =	simm.s32 $0x2;
	v35 =	vld [tilespmem:s11+$0x170];
	v19 =	vmul.f32 v53, v9;
	v31 =	vadd.f32 v25, v29;
	v26 =	vadd.f32 v59, v28  }
0x15e: {  	s12 =	simm.s32 $0xF380;
	v36 =	vld [tilespmem:s11+$0x1F0];
	v28 =	vmov s21;
	v25 =	vmov s24;
	v63 =	vmul.f32 v24, v9  }
0x15f: {  	s29 =	simm.s32 $0x4;
	s28 =	simm.s32 $0x5;
	s16 =	simm.s32 $0x3;
	v37 =	vld [tilespmem:s12+$0x210];
	v62, _, _ =	vpop (xrf2);
	v29 =	vadd.f32 v19, v27;
	v19 =	vadd.f32 v61, v54;
	(xrf2) =	vadd.scan.msk.f32 $0xffff, v26;
	v24 =	vmul.f32 v58, v9  }
0x160: {  	[tilespmem:v18+s1+$0x0] =	vst.idx.msk vm0, v62;
	v33 =	vld [tilespmem:s12+$0x200];
	s11 =	simm.s32 $0xA;
	s24 =	simm.s32 $0x14;
	v27 =	vmov s16;
	v26 =	vmov s29;
	s16 =	simm.s32 $0x0;
	v18 =	vadd.f32 v63, v55  }
.LBB2_4:
0x161: {  	p0 =	slt.u32 s24, $0x28;
	v39 =	vld [tilespmem:s12+$0xFFFFFD80];
	v23 =	vadd.f32 v24, v23;
	v24 =	vmov s28;
	s28 =	sadd.s32 $0x6, s16;
	v34 =	vmul.f32 v34, v9  }
0x162: {  	v40 =	vld [tilespmem:s12+$0x220];
	v22 =	vadd.f32 v38, v22;
	v38 =	vmov s28;
	v35 =	vmul.f32 v35, v9;
	(xrf2) =	vadd.scan.msk.f32 $0xffff, v29  }
0x163: {  	v32 =	vadd.s32 v10, v32;
	v29 =	vld [tilespmem:s12+$0xFFFFFD90];
	v21 =	vadd.f32 v34, v21;
	v34 =	vmul.f32 v36, v9  }
0x164: {  	v30 =	vor.u32 v30, v32;
	v32 =	vand.u32 $0x7, v28;
	v36 =	vld [tilespmem:s12+$0x230];
	v35 =	vadd.f32 v35, v20  }
0x165: {  	v33 =	vmul.f32 v33, v17;
	v41 =	vld [tilespmem:s12+$0xFFFFFE00];
	v37 =	vmul.f32 v37, v16;
	v20 =	vadd.f32 v34, v31;
	(xrf2) =	vadd.scan.msk.f32 $0xffff, v19  }
0x166: {  	v28 =	vand.u32 $0x38, v28;
	v34 =	vand.u32 $0x6, v25;
	v19 =	vmul.f32 v39, v17;
	v31 =	vld [tilespmem:s12+$0x240]  }
0x167: {  	v28 =	vadd.s32 v10, v28;
	v39 =	vld [tilespmem:s12+$0xFFFFFE10];
	v33 =	vadd.f32 v37, v33;
	v3 =	vmul.f32 v40, v15  }
0x168: {  	v28 =	vor.u32 v32, v28;
	v25 =	vand.u32 $0x78, v25;
	v29 =	vmul.f32 v29, v16;
	v40 =	vld [tilespmem:s12+$0x250];
	(xrf2) =	vadd.scan.msk.f32 $0xffff, v18  }
0x169: {  	v25 =	vadd.s32 v10, v25;
	v32 =	vld [tilespmem:s12+$0xFFFFFE80];
	v33 =	vadd.f32 v3, v33;
	v3 =	vmul.f32 v36, v14;
	v37, _, _ =	vpop (xrf2)  }
0x16a: {  	v18 =	vadd.f32 v29, v19;
	v19 =	vmul.f32 v41, v17;
	v29 =	vld [tilespmem:s12+$0x260];
	[tilespmem:v30+s1+$0x0] =	vst.idx.msk vm0, v37;
	v30 =	vand.u32 $0x78, v27  }
0x16b: {  	v25 =	vor.u32 v34, v25;
	v37 =	vld [tilespmem:s12+$0xFFFFFE90];
	v33 =	vadd.f32 v3, v33;
	v31 =	vmul.f32 v31, v13;
	(xrf2) =	vadd.scan.msk.f32 $0xffff, v23  }
0x16c: {  	v27 =	vand.u32 $0x7, v27;
	v30 =	vadd.s32 v10, v30;
	v23 =	vmul.f32 v39, v16;
	v34 =	vld [tilespmem:s12+$0x270];
	v36, _, _ =	vpop (xrf2)  }
0x16d: {  	v39 =	vld [tilespmem:s12+$0xFFFFFF00];
	v3 =	vadd.f32 v31, v33;
	v33 =	vmul.f32 v40, v12;
	[tilespmem:v28+s1+$0x0] =	vst.idx.msk vm0, v36;
	v28 =	vand.u32 $0x6, v26  }
0x16e: {  	v27 =	vor.u32 v27, v30;
	v19 =	vadd.f32 v23, v19;
	v23 =	vmul.f32 v32, v17;
	v32 =	vld [tilespmem:s12+$0xFFFFFF10];
	(xrf2) =	vadd.scan.msk.f32 $0xffff, v22  }
0x16f: {  	v26 =	vand.u32 $0x78, v26;
	v22 =	vld [tilespmem:s12+$0xFFFFFF80];
	v30 =	vadd.f32 v33, v3;
	v29 =	vmul.f32 v29, v11;
	v31, _, _ =	vpop (xrf2)  }
0x170: {  	v3 =	vmul.f32 v37, v16;
	v36 =	vld [tilespmem:s12+$0xFFFFFF90];
	[tilespmem:v25+s1+$0x0] =	vst.idx.msk vm0, v31;
	v25 =	vadd.s32 v10, v26;
	v26 =	vand.u32 $0x78, v24  }
0x171: {  	v31 =	vld [tilespmem:s12+$0x0];
	v29 =	vadd.f32 v29, v30;
	v30 =	vmul.f32 v34, v9;
	v25 =	vor.u32 v28, v25;
	(xrf2) =	vadd.scan.msk.f32 $0xffff, v21  }
0x172: {  	v26 =	vadd.s32 v10, v26;
	v21 =	vadd.f32 v3, v23;
	v23 =	vmul.f32 v39, v17;
	v28 =	vld [tilespmem:s12+$0x10];
	v33, _, _ =	vpop (xrf2)  }
0x173: {  	s28 =	sadd.s32 $0x7, s16;
	v24 =	vand.u32 $0x7, v24;
	v32 =	vmul.f32 v32, v16;
	v34 =	vld [tilespmem:s12+$0x80];
	v29 =	vadd.f32 v30, v29;
	[tilespmem:v27+s1+$0x0] =	vst.idx.msk vm0, v33  }
0x174: {  	v24 =	vor.u32 v24, v26;
	v26 =	vmov s28;
	v22 =	vmul.f32 v22, v17;
	v27 =	vld [tilespmem:s12+$0x90]  }
0x175: {  	v23 =	vadd.f32 v32, v23;
	v30 =	vmul.f32 v36, v16;
	v32 =	vld [tilespmem:s12+$0x100];
	(xrf2) =	vadd.scan.msk.f32 $0xffff, v29;
	v29 =	vand.u32 $0x78, v38;
	v33, _, _ =	vpop (xrf2)  }
0x176: {  	v31 =	vmul.f32 v31, v17;
	v36 =	vld [tilespmem:s12+$0x110];
	[tilespmem:v25+s1+$0x0] =	vst.idx.msk vm0, v33;
	v25 =	vand.u32 $0x6, v38;
	v29 =	vadd.s32 v10, v29  }
0x177: {  	s29 =	sadd.s32 $0x8, s16;
	s16 =	smov.u32 s11;
	s28 =	sadd.s32 $0x9, s11;
	v22 =	vadd.f32 v30, v22;
	v28 =	vmul.f32 v28, v16;
	v30 =	vld [tilespmem:s12+$0x180];
	v25 =	vor.u32 v25, v29  }
0x178: {  	v37 =	vmov s29;
	s11 =	smov.u32 s24;
	v29 =	vmul.f32 v34, v17;
	v33 =	vld [tilespmem:s12+$0x190];
	v34 =	vmov s28;
	v38, _, _ =	vpop (xrf2);
	(xrf2) =	vadd.scan.msk.f32 $0xffff, v35  }
0x179: {  	v35 =	vld [tilespmem:s12+$0xFFFFFDA0];
	v28 =	vadd.f32 v28, v31;
	v27 =	vmul.f32 v27, v16;
	v31 =	vand.u32 $0x78, v34;
	[tilespmem:v24+s1+$0x0] =	vst.idx.msk vm0, v38  }
0x17a: {  	v3 =	vand.u32 $0x7, v34;
	v24 =	vld [tilespmem:s12+$0xFFFFFE20];
	v32 =	vmul.f32 v32, v17;
	v31 =	vadd.s32 v10, v31  }
0x17b: {  	v38 =	vld [tilespmem:s12+$0xFFFFFEA0];
	v27 =	vadd.f32 v27, v29;
	v29 =	vmul.f32 v36, v16;
	v31 =	vor.u32 v3, v31;
	v34, _, _ =	vpop (xrf2);
	(xrf2) =	vadd.scan.msk.f32 $0xffff, v20  }
0x17c: {  	v20 =	vld [tilespmem:s12+$0xFFFFFF20];
	v30 =	vmul.f32 v30, v17;
	[tilespmem:v25+s1+$0x0] =	vst.idx.msk vm0, v34;
	v25 =	vand.u32 $0x78, v26;
	v26 =	vand.u32 $0x7, v26  }
0x17d: {  	v34 =	vld [tilespmem:s12+$0xFFFFFFA0];
	v29 =	vadd.f32 v29, v32;
	v3 =	vmul.f32 v33, v16;
	v25 =	vadd.s32 v10, v25  }
0x17e: {  	v33 =	vmul.f32 v35, v15;
	v35 =	vld [tilespmem:s12+$0x20];
	v25 =	vor.u32 v26, v25;
	v26 =	vand.u32 $0x78, v37  }
0x17f: {  	v24 =	vmul.f32 v24, v15;
	v36 =	vld [tilespmem:s12+$0xA0];
	v30 =	vadd.f32 v3, v30;
	v32, _, _ =	vpop (xrf2);
	v26 =	vadd.s32 v10, v26  }
0x180: {  	v18 =	vadd.f32 v33, v18;
	v3 =	vmul.f32 v38, v15;
	v38 =	vld [tilespmem:s12+$0x120];
	[tilespmem:v31+s1+$0x0] =	vst.idx.msk vm0, v32;
	v31 =	vand.u32 $0x6, v37  }
0x181: {  	v19 =	vadd.f32 v24, v19;
	v20 =	vmul.f32 v20, v15;
	v24 =	vld [tilespmem:s12+$0x1A0];
	v26 =	vor.u32 v31, v26  }
0x182: {  	v31 =	vld [tilespmem:s12+$0xFFFFFDB0];
	v21 =	vadd.f32 v3, v21;
	v32 =	vmul.f32 v34, v15;
	v33, _, _ =	vpop (xrf2)  }
0x183: {  	v34 =	vld [tilespmem:s12+$0xFFFFFE30];
	v20 =	vadd.f32 v20, v23;
	v23 =	vmul.f32 v35, v15;
	[tilespmem:v25+s1+$0x0] =	vst.idx.msk vm0, v33  }
0x184: {  	v25 =	vld [tilespmem:s12+$0xFFFFFEB0];
	v22 =	vadd.f32 v32, v22;
	v32 =	vmul.f32 v36, v15  }
0x185: {  	v33 =	vld [tilespmem:s12+$0xFFFFFF30];
	v23 =	vadd.f32 v23, v28;
	v28 =	vmul.f32 v38, v15;
	v35, _, _ =	vpop (xrf2)  }
0x186: {  	v36 =	vld [tilespmem:s12+$0xFFFFFFB0];
	v27 =	vadd.f32 v32, v27;
	v24 =	vmul.f32 v24, v15;
	[tilespmem:v26+s1+$0x0] =	vst.idx.msk vm0, v35  }
0x187: {  	v26 =	vmul.f32 v31, v14;
	v31 =	vld [tilespmem:s12+$0x30];
	v28 =	vadd.f32 v28, v29  }
0x188: {  	v29 =	vmul.f32 v34, v14;
	v32 =	vld [tilespmem:s12+$0xB0];
	v24 =	vadd.f32 v24, v30  }
0x189: {  	v18 =	vadd.f32 v26, v18;
	v25 =	vmul.f32 v25, v14;
	v26 =	vld [tilespmem:s12+$0x130]  }
0x18a: {  	v19 =	vadd.f32 v29, v19;
	v29 =	vmul.f32 v33, v14;
	v30 =	vld [tilespmem:s12+$0x1B0]  }
0x18b: {  	v33 =	vld [tilespmem:s12+$0xFFFFFDC0];
	v21 =	vadd.f32 v25, v21;
	v25 =	vmul.f32 v36, v14  }
0x18c: {  	v34 =	vld [tilespmem:s12+$0xFFFFFE40];
	v20 =	vadd.f32 v29, v20;
	v29 =	vmul.f32 v31, v14  }
0x18d: {  	v31 =	vld [tilespmem:s12+$0xFFFFFEC0];
	v22 =	vadd.f32 v25, v22;
	v25 =	vmul.f32 v32, v14  }
0x18e: {  	v32 =	vld [tilespmem:s12+$0xFFFFFF40];
	v23 =	vadd.f32 v29, v23;
	v26 =	vmul.f32 v26, v14  }
0x18f: {  	v29 =	vld [tilespmem:s12+$0xFFFFFFC0];
	v25 =	vadd.f32 v25, v27;
	v27 =	vmul.f32 v30, v14  }
0x190: {  	v30 =	vmul.f32 v33, v13;
	v33 =	vld [tilespmem:s12+$0x40];
	v26 =	vadd.f32 v26, v28  }
0x191: {  	v28 =	vmul.f32 v34, v13;
	v34 =	vld [tilespmem:s12+$0xC0];
	v24 =	vadd.f32 v27, v24  }
0x192: {  	v18 =	vadd.f32 v30, v18;
	v27 =	vmul.f32 v31, v13;
	v30 =	vld [tilespmem:s12+$0x140]  }
0x193: {  	v19 =	vadd.f32 v28, v19;
	v28 =	vmul.f32 v32, v13;
	v31 =	vld [tilespmem:s12+$0x1C0]  }
0x194: {  	v32 =	vld [tilespmem:s12+$0xFFFFFDD0];
	v21 =	vadd.f32 v27, v21;
	v27 =	vmul.f32 v29, v13  }
0x195: {  	v29 =	vld [tilespmem:s12+$0xFFFFFE50];
	v20 =	vadd.f32 v28, v20;
	v28 =	vmul.f32 v33, v13  }
0x196: {  	v33 =	vld [tilespmem:s12+$0xFFFFFED0];
	v22 =	vadd.f32 v27, v22;
	v27 =	vmul.f32 v34, v13  }
0x197: {  	v34 =	vld [tilespmem:s12+$0xFFFFFF50];
	v23 =	vadd.f32 v28, v23;
	v28 =	vmul.f32 v30, v13  }
0x198: {  	v30 =	vld [tilespmem:s12+$0xFFFFFFD0];
	v25 =	vadd.f32 v27, v25;
	v27 =	vmul.f32 v31, v13  }
0x199: {  	v31 =	vmul.f32 v32, v12;
	v32 =	vld [tilespmem:s12+$0x50];
	v26 =	vadd.f32 v28, v26  }
0x19a: {  	v28 =	vmul.f32 v29, v12;
	v29 =	vld [tilespmem:s12+$0xD0];
	v24 =	vadd.f32 v27, v24  }
0x19b: {  	v18 =	vadd.f32 v31, v18;
	v27 =	vmul.f32 v33, v12;
	v31 =	vld [tilespmem:s12+$0x150]  }
0x19c: {  	v19 =	vadd.f32 v28, v19;
	v28 =	vmul.f32 v34, v12;
	v33 =	vld [tilespmem:s12+$0x1D0]  }
0x19d: {  	v34 =	vld [tilespmem:s12+$0xFFFFFDE0];
	v21 =	vadd.f32 v27, v21;
	v27 =	vmul.f32 v30, v12  }
0x19e: {  	v30 =	vld [tilespmem:s12+$0xFFFFFE60];
	v20 =	vadd.f32 v28, v20;
	v28 =	vmul.f32 v32, v12  }
0x19f: {  	v32 =	vld [tilespmem:s12+$0xFFFFFEE0];
	v22 =	vadd.f32 v27, v22;
	v27 =	vmul.f32 v29, v12  }
0x1a0: {  	v29 =	vld [tilespmem:s12+$0xFFFFFF60];
	v28 =	vadd.f32 v28, v23;
	v23 =	vmul.f32 v31, v12  }
0x1a1: {  	v31 =	vld [tilespmem:s12+$0xFFFFFFE0];
	v25 =	vadd.f32 v27, v25;
	v27 =	vmul.f32 v33, v12  }
0x1a2: {  	v33 =	vmul.f32 v34, v11;
	v34 =	vld [tilespmem:s12+$0x60];
	v26 =	vadd.f32 v23, v26  }
0x1a3: {  	v23 =	vmul.f32 v30, v11;
	v30 =	vld [tilespmem:s12+$0xE0];
	v24 =	vadd.f32 v27, v24  }
0x1a4: {  	v18 =	vadd.f32 v33, v18;
	v27 =	vmul.f32 v32, v11;
	v32 =	vld [tilespmem:s12+$0x160]  }
0x1a5: {  	v19 =	vadd.f32 v23, v19;
	v23 =	vmul.f32 v29, v11;
	v29 =	vld [tilespmem:s12+$0x1E0]  }
0x1a6: {  	v33 =	vld [tilespmem:s12+$0xFFFFFDF0];
	v27 =	vadd.f32 v27, v21;
	v21 =	vmul.f32 v31, v11  }
0x1a7: {  	v31 =	vld [tilespmem:s12+$0xFFFFFE70];
	v38 =	vadd.f32 v23, v20;
	v20 =	vmul.f32 v34, v11  }
0x1a8: {  	v35 =	vld [tilespmem:s12+$0xFFFFFEF0];
	v23 =	vadd.f32 v21, v22;
	v21 =	vmul.f32 v30, v11  }
0x1a9: {  	v36 =	vld [tilespmem:s12+$0xFFFFFF70];
	v22 =	vadd.f32 v20, v28;
	v20 =	vmul.f32 v32, v11  }
0x1aa: {  	v28 =	vmov s16;
	v37 =	vld [tilespmem:s12+$0xFFFFFFF0];
	v21 =	vadd.f32 v21, v25;
	v25 =	vmul.f32 v29, v11  }
0x1ab: {  	v30 =	vand.u32 $0x6, v28;
	v29 =	vmul.f32 v33, v9;
	v39 =	vld [tilespmem:s12+$0x70];
	v20 =	vadd.f32 v20, v26  }
.Ltmp0:
0x1ac: {  	s28 =	sadd.s32 $0x1, s16;
	v32 =	vand.u32 $0x38, v28;
	v26 =	vmul.f32 v31, v9;
	v34 =	vld [tilespmem:s12+$0xF0];
	v31 =	vadd.f32 v25, v24;
	(pc) =	sbr.rel @p0 .LBB2_4-.Ltmp0, $4  }
0x1ad: {  	v28 =	vmov s28;
	s28 =	sadd.s32 $0x2, s16;
	v18 =	vadd.f32 v29, v18;
	v24 =	vmul.f32 v35, v9;
	v35 =	vld [tilespmem:s12+$0x170]  }
0x1ae: {  	v25 =	vmov s28;
	s28 =	sadd.s32 $0x3, s16;
	v29 =	vadd.f32 v26, v19;
	v26 =	vmul.f32 v36, v9;
	v36 =	vld [tilespmem:s12+$0x1F0];
	s12 =	sadd.s32 $0x500, s12  }
0x1af: {  	v33 =	vld [tilespmem:s12+$0x200];
	v19 =	vadd.f32 v24, v27;
	v27 =	vmov s28;
	s28 =	sadd.s32 $0x4, s16;
	v24 =	vmul.f32 v37, v9;
	(xrf2) =	vadd.scan.msk.f32 $0xffff, v18  }
0x1b0: {  	s24 =	sadd.s32 $0xA, s24;
	v37 =	vld [tilespmem:s12+$0x210];
	v18 =	vadd.f32 v26, v38;
	v26 =	vmov s28;
	s28 =	sadd.s32 $0x5, s16;
	v38 =	vmul.f32 v39, v9  }
0x1b1: {  	v39 =	vld [tilespmem:s12+$0xFFFFFD80]  }
0x1b2: {  	v40 =	vld [tilespmem:s12+$0x220]  }
0x1b3: {  	v41 =	vld [tilespmem:s12+$0xFFFFFD90]  }
0x1b4: {  	v42 =	vld [tilespmem:s12+$0x230]  }
0x1b5: {  	v43 =	vld [tilespmem:s12+$0xFFFFFE00]  }
0x1b6: {  	v44 =	vld [tilespmem:s12+$0x240]  }
0x1b7: {  	v45 =	vld [tilespmem:s12+$0xFFFFFE10]  }
0x1b8: {  	v46 =	vld [tilespmem:s12+$0x250]  }
0x1b9: {  	v47 =	vld [tilespmem:s12+$0xFFFFFE80]  }
0x1ba: {  	v48 =	vld [tilespmem:s12+$0x260]  }
0x1bb: {  	v49 =	vld [tilespmem:s12+$0xFFFFFE90]  }
0x1bc: {  	v50 =	vld [tilespmem:s12+$0x270]  }
0x1bd: {  	v51 =	vld [tilespmem:s12+$0xFFFFFF00]  }
0x1be: {  	v24 =	vadd.f32 v24, v23;
	v52 =	vld [tilespmem:s12+$0xFFFFFF10]  }
0x1bf: {  	v34 =	vmul.f32 v34, v9;
	v53 =	vmov s28;
	v54 =	vld [tilespmem:s12+$0xFFFFFF80];
	v32 =	vadd.s32 v10, v32  }
0x1c0: {  	v55 =	vld [tilespmem:s12+$0x0];
	v63 =	vand.u32 $0x6, v25;
	v25 =	vand.u32 $0x78, v25;
	v23 =	vadd.f32 v38, v22  }
0x1c1: {  	v58 =	vld [tilespmem:s12+$0xFFFFFF20];
	v32 =	vor.u32 v30, v32;
	v30 =	vand.u32 $0x7, v28;
	v28 =	vand.u32 $0x38, v28  }
0x1c2: {  	v35 =	vmul.f32 v35, v9;
	v22 =	vadd.f32 v34, v21;
	v34 =	vld [tilespmem:s12+$0xFFFFFF90];
	v28 =	vadd.s32 v10, v28  }
0x1c3: {  	v60 =	vand.u32 $0x78, v27;
	v27 =	vand.u32 $0x7, v27;
	v56 =	vor.u32 v30, v28;
	v30 =	vld [tilespmem:s12+$0x100]  }
0x1c4: {  	s24 =	sadd.s32 $0x6, s16;
	v57 =	vand.u32 $0x6, v26;
	v36 =	vmul.f32 v36, v9;
	v21 =	vadd.f32 v35, v20;
	v35 =	vld [tilespmem:s12+$0x110]  }
0x1c5: {  	v38 =	vmov s24;
	v25 =	vadd.s32 v10, v25;
	v61 =	vmul.f32 v37, v16;
	v37 =	vld [tilespmem:s12+$0x10]  }
0x1c6: {  	v25 =	vor.u32 v63, v25;
	v33 =	vmul.f32 v33, v17;
	v20 =	vadd.f32 v36, v31;
	v36 =	vld [tilespmem:s12+$0x80]  }
0x1c7: {  	(xrf2) =	vadd.scan.msk.f32 $0xffff, v29;
	v29 =	vand.u32 $0x78, v38;
	v31 =	vmul.f32 v39, v17;
	v62 =	vmul.f32 v40, v15;
	v39 =	vld [tilespmem:s12+$0x90]  }
0x1c8: {  	v41 =	vmul.f32 v41, v16;
	v59 =	vmul.f32 v42, v14;
	v42 =	vld [tilespmem:s12+$0x180];
	v33 =	vadd.f32 v61, v33  }
0x1c9: {  	v38 =	vand.u32 $0x6, v38;
	v29 =	vadd.s32 v10, v29;
	v63 =	vmul.f32 v46, v12;
	v46 =	vld [tilespmem:s12+$0xFFFFFE20]  }
0x1ca: {  	v61 =	vmul.f32 v44, v13;
	v44 =	vld [tilespmem:s12+$0x190];
	v41 =	vadd.f32 v41, v31;
	v28 =	vadd.f32 v62, v33  }
0x1cb: {  	v31 =	vmul.f32 v43, v17;
	v43 =	vadd.s32 v10, v60;
	v62 =	vmul.f32 v45, v16;
	v45 =	vld [tilespmem:s12+$0xFFFFFDA0]  }
0x1cc: {  	v60 =	vmul.f32 v48, v11;
	v48 =	vld [tilespmem:s12+$0xFFFFFFA0];
	v36 =	vmul.f32 v36, v17;
	v28 =	vadd.f32 v59, v28  }
0x1cd: {  	v40 =	vadd.f32 v62, v31;
	v31 =	vmul.f32 v47, v17;
	v47 =	vld [tilespmem:s12+$0xFFFFFEA0];
	v39 =	vmul.f32 v39, v16  }
0x1ce: {  	v59 =	vld [tilespmem:s12+$0x20];
	v46 =	vmul.f32 v46, v15;
	v28 =	vadd.f32 v61, v28;
	v61 =	vand.u32 $0x78, v26  }
0x1cf: {  	v26 =	vor.u32 v27, v43;
	v27 =	vmul.f32 v49, v16;
	v36 =	vadd.f32 v39, v36;
	v39 =	vld [tilespmem:s12+$0x1B0]  }
0x1d0: {  	v40 =	vadd.f32 v46, v40;
	v46 =	vld [tilespmem:s12+$0xFFFFFDD0];
	v62 =	vadd.s32 v10, v61;
	v45 =	vmul.f32 v45, v15  }
0x1d1: {  	v61 =	vand.u32 $0x7, v53;
	v28 =	vadd.f32 v63, v28;
	v63 =	vand.u32 $0x78, v53;
	v53 =	vld [tilespmem:s12+$0x120]  }
0x1d2: {  	v50 =	vmul.f32 v50, v9;
	v41 =	vadd.f32 v45, v41;
	v45 =	vmul.f32 v47, v15;
	v47 =	vld [tilespmem:s12+$0xFFFFFEC0]  }
0x1d3: {  	v43 =	vadd.f32 v27, v31;
	v33 =	vadd.f32 v60, v28;
	v28 =	vor.u32 v57, v62;
	v57 =	vld [tilespmem:s12+$0xA0]  }
0x1d4: {  	v27 =	vadd.s32 v10, v63;
	v62 =	vmul.f32 v54, v17;
	v54 =	vmul.f32 v55, v17;
	v55 =	vld [tilespmem:s12+$0xFFFFFE30]  }
0x1d5: {  	s21 =	sadd.s32 $0x7, s16;
	v51 =	vmul.f32 v51, v17;
	v60 =	vmul.f32 v52, v16;
	v27 =	vor.u32 v61, v27;
	v61 =	vld [tilespmem:s12+$0xFFFFFFB0]  }
0x1d6: {  	v34 =	vmul.f32 v34, v16;
	v52 =	vmov s21;
	s21 =	sadd.s32 $0x9, s11;
	v31 =	vadd.f32 v50, v33;
	v50 =	vld [tilespmem:s12+$0x1A0]  }
0x1d7: {  	v29 =	vor.u32 v38, v29;
	v38 =	vmov s21;
	v49 =	vadd.f32 v60, v51;
	v51 =	vld [tilespmem:s12+$0xFFFFFDB0]  }
0x1d8: {  	v33 =	vadd.f32 v34, v62;
	v34 =	vmul.f32 v37, v16;
	v37 =	vld [tilespmem:s12+$0xFFFFFEB0];
	v62 =	vmul.f32 v30, v17  }
0x1d9: {  	v35 =	vmul.f32 v35, v16;
	v44 =	vmul.f32 v44, v16;
	v60 =	vld [tilespmem:s12+$0xFFFFFF30];
	v30 =	vand.u32 $0x7, v38  }
0x1da: {  	v17 =	vmul.f32 v42, v17;
	v34 =	vadd.f32 v34, v54;
	v54 =	vand.u32 $0x78, v38;
	v38 =	vld [tilespmem:s12+$0xB0]  }
0x1db: {  	v43 =	vadd.f32 v45, v43;
	v42 =	vand.u32 $0x7, v52;
	v63 =	vadd.s32 v10, v54;
	v54 =	vld [tilespmem:s12+$0x30]  }
0x1dc: {  	v35 =	vadd.f32 v35, v62;
	v30 =	vor.u32 v30, v63;
	v63 =	vand.u32 $0x78, v52;
	v52 =	vld [tilespmem:s12+$0x130];
	v62, _, _ =	vpop (xrf2)  }
0x1dd: {  	s21 =	sadd.s32 $0x8, s16;
	v44 =	vadd.f32 v44, v17;
	v16 =	vadd.s32 v10, v63;
	[tilespmem:v32+s1+$0x0] =	vst.idx.msk vm0, v62;
	v62 =	vld [tilespmem:s12+$0xFFFFFE40]  }
0x1de: {  	v63 =	vmov s21;
	v17, _, _ =	vpop (xrf2);
	v37 =	vmul.f32 v37, v14;
	v16 =	vor.u32 v42, v16;
	v42 =	vld [tilespmem:s12+$0xFFFFFDC0]  }
0x1df: {  	v32 =	vand.u32 $0x78, v63;
	[tilespmem:v56+s1+$0x0] =	vst.idx.msk vm0, v17;
	v17 =	vand.u32 $0x6, v63;
	v56 =	vld [tilespmem:s12+$0xFFFFFF40]  }
0x1e0: {  	v63 =	vmul.f32 v58, v15;
	v58 =	vld [tilespmem:s12+$0xFFFFFFC0];
	v32 =	vadd.s32 v10, v32;
	v37 =	vadd.f32 v37, v43  }
0x1e1: {  	v43 =	vld [tilespmem:s12+$0xFFFFFE50];
	v38 =	vmul.f32 v38, v14;
	v17 =	vor.u32 v17, v32;
	v32 =	vmul.f32 v48, v15  }
0x1e2: {  	v48 =	vmul.f32 v59, v15;
	v45 =	vadd.f32 v63, v49;
	v63 =	vmul.f32 v57, v15;
	v49 =	vld [tilespmem:s12+$0x40]  }
0x1e3: {  	v57 =	vmul.f32 v53, v15;
	v15 =	vmul.f32 v50, v15;
	v50 =	vld [tilespmem:s12+$0x140];
	v32 =	vadd.f32 v32, v33  }
0x1e4: {  	v59 =	vmul.f32 v51, v14;
	v51 =	vld [tilespmem:s12+$0x1C0];
	v33 =	vadd.f32 v48, v34;
	v36 =	vadd.f32 v63, v36  }
0x1e5: {  	v53 =	vld [tilespmem:s12+$0xFFFFFED0];
	v34 =	vadd.f32 v57, v35;
	v63 =	vmul.f32 v55, v14;
	v55 =	vmul.f32 v60, v14  }
0x1e6: {  	v48 =	vld [tilespmem:s12+$0xC0];
	v41 =	vadd.f32 v59, v41;
	v57 =	vmul.f32 v61, v14;
	v59 =	vmul.f32 v54, v14  }
0x1e7: {  	v15 =	vadd.f32 v15, v44;
	v60 =	vmul.f32 v52, v14;
	v14 =	vmul.f32 v39, v14;
	v39 =	vld [tilespmem:s12+$0xFFFFFF50]  }
0x1e8: {  	v62 =	vmul.f32 v62, v13;
	v52 =	vld [tilespmem:s12+$0x150];
	v35 =	vadd.f32 v63, v40;
	v44 =	vadd.f32 v55, v45  }
0x1e9: {  	v61 =	vmul.f32 v42, v13;
	v42 =	vld [tilespmem:s12+$0xFFFFFFD0];
	v32 =	vadd.f32 v57, v32;
	v33 =	vadd.f32 v59, v33  }
0x1ea: {  	(xrf2) =	vadd.scan.msk.f32 $0xffff, v19;
	v56 =	vmul.f32 v56, v13;
	v36 =	vadd.f32 v38, v36;
	v14 =	vadd.f32 v14, v15;
	v15 =	vld [tilespmem:s12+$0x50]  }
0x1eb: {  	v34 =	vadd.f32 v60, v34;
	v63 =	vmul.f32 v47, v13;
	v47 =	vld [tilespmem:s12+$0xD0];
	v57 =	vmul.f32 v58, v13  }
0x1ec: {  	(xrf2) =	vadd.scan.msk.f32 $0xffff, v18;
	v60 =	vld [tilespmem:s12+$0x1D0];
	v38 =	vadd.f32 v61, v41;
	v49 =	vmul.f32 v49, v13;
	v61 =	vmul.f32 v50, v13  }
0x1ed: {  	v50 =	vmul.f32 v53, v12;
	v53 =	vld [tilespmem:s12+$0xFFFFFF60];
	v35 =	vadd.f32 v62, v35;
	v37 =	vadd.f32 v63, v37  }
0x1ee: {  	v58 =	vadd.f32 v56, v44;
	v32 =	vadd.f32 v57, v32;
	v62 =	vld [tilespmem:s12+$0xFFFFFDE0];
	v63 =	vmul.f32 v46, v12  }
0x1ef: {  	v46 =	vld [tilespmem:s12+$0xFFFFFE60];
	v59 =	vmul.f32 v48, v13;
	v33 =	vadd.f32 v49, v33;
	v13 =	vmul.f32 v51, v13  }
0x1f0: {  	(xrf2) =	vadd.scan.msk.f32 $0xffff, v24;
	v56 =	vld [tilespmem:s12+$0xFFFFFFE0];
	v19 =	vadd.f32 v61, v34;
	v49 =	vmul.f32 v43, v12;
	v54 =	vadd.f32 v50, v37  }
0x1f1: {  	(xrf2) =	vadd.scan.msk.f32 $0xffff, v23;
	v51 =	vld [tilespmem:s12+$0xFFFFFEE0];
	v18 =	vmul.f32 v39, v12;
	v36 =	vadd.f32 v59, v36;
	v13 =	vadd.f32 v13, v14  }
0x1f2: {  	(xrf2) =	vadd.scan.msk.f32 $0xffff, v22;
	v55 =	vmul.f32 v42, v12;
	v42 =	vld [tilespmem:s12+$0xFFFFFDF0];
	v14 =	vadd.f32 v63, v38;
	v24 =	vadd.f32 v49, v35  }
0x1f3: {  	(xrf2) =	vadd.scan.msk.f32 $0xffff, v31;
	v18 =	vadd.f32 v18, v58;
	v15 =	vmul.f32 v15, v12;
	v57 =	vmul.f32 v47, v12;
	v58 =	vld [tilespmem:s12+$0x60]  }
0x1f4: {  	s24 =	sadd.s32 $0x1, s11;
	(xrf2) =	vadd.scan.msk.f32 $0xffff, v21;
	v59 =	vmul.f32 v52, v12;
	v12 =	vmul.f32 v60, v12;
	v60 =	vld [tilespmem:s12+$0xE0];
	v47, _, _ =	vpop (xrf2);
	v23 =	vadd.f32 v55, v32  }
0x1f5: {  	v21 =	vmov s24;
	v63 =	vld [tilespmem:s12+$0x160];
	v41 =	vmul.f32 v53, v11;
	[tilespmem:v25+s1+$0x0] =	vst.idx.msk vm0, v47;
	v15 =	vadd.f32 v15, v33  }
0x1f6: {  	v25, _, _ =	vpop (xrf2);
	v61 =	vadd.f32 v57, v36;
	v22 =	vmul.f32 v46, v11;
	v12 =	vadd.f32 v12, v13;
	v13 =	vld [tilespmem:s12+$0x1E0]  }
0x1f7: {  	v43 =	vld [tilespmem:s12+$0xFFFFFE70];
	v49 =	vmov s11;
	v62 =	vmul.f32 v62, v11;
	v19 =	vadd.f32 v59, v19;
	[tilespmem:v26+s1+$0x0] =	vst.idx.msk vm0, v25  }
0x1f8: {  	v45 =	vld [tilespmem:s12+$0xFFFFFEF0];
	v31 =	vmul.f32 v51, v11;
	v22 =	vadd.f32 v22, v24;
	v24 =	vmul.f32 v56, v11  }
0x1f9: {  	v18 =	vadd.f32 v41, v18;
	v14 =	vadd.f32 v62, v14;
	v25 =	vmul.f32 v42, v9  }
0x1fa: {  	v44 =	vmul.f32 v58, v11;
	v46 =	vmul.f32 v60, v11;
	v23 =	vadd.f32 v24, v23;
	v24 =	vld [tilespmem:s12+$0xFFFFFF70]  }
0x1fb: {  	v50 =	vld [tilespmem:s12+$0xFFFFFFF0];
	v31 =	vadd.f32 v31, v54;
	v48 =	vmul.f32 v63, v11;
	v11 =	vmul.f32 v13, v11;
	v13, _, _ =	vpop (xrf2)  }
0x1fc: {  	v26 =	vand.u32 $0x6, v49;
	v51 =	vld [tilespmem:s12+$0x70];
	v14 =	vadd.f32 v25, v14;
	[tilespmem:v28+s1+$0x0] =	vst.idx.msk vm0, v13;
	v28 =	vmul.f32 v43, v9  }
0x1fd: {  	v52 =	vld [tilespmem:s12+$0xF0];
	v25 =	vmul.f32 v45, v9;
	v15 =	vadd.f32 v44, v15;
	v33 =	vadd.f32 v46, v61  }
0x1fe: {  	s21 =	sadd.s32 $0x2, s11;
	v53 =	vld [tilespmem:s12+$0x170];
	v19 =	vadd.f32 v48, v19;
	v13 =	vand.u32 $0x38, v49;
	v11 =	vadd.f32 v11, v12;
	v12, _, _ =	vpop (xrf2)  }
0x1ff: {  	s24 =	sadd.s32 $0x3, s11;
	[tilespmem:v27+s1+$0x0] =	vst.idx.msk vm0, v12;
	v12 =	vadd.f32 v28, v22;
	v22 =	vmov s21;
	v27 =	vld [tilespmem:s12+$0x1F0];
	v24 =	vmul.f32 v24, v9  }
0x200: {  	s21 =	sadd.s32 $0x4, s11;
	v28, _, _ =	vpop (xrf2);
	(xrf2) =	vadd.scan.msk.f32 $0xffff, v20;
	v20 =	vadd.f32 v25, v31;
	v25 =	vmov s24;
	v31 =	vmul.f32 v50, v9  }
0x201: {  	s24 =	sadd.s32 $0x5, s11;
	[tilespmem:v29+s1+$0x0] =	vst.idx.msk vm0, v28;
	v28, _, _ =	vpop (xrf2);
	v18 =	vadd.f32 v24, v18;
	v24 =	vmov s21;
	v29 =	vmul.f32 v51, v9  }
0x202: {  	(xrf2) =	vadd.scan.msk.f32 $0xffff, v14;
	[tilespmem:v30+s1+$0x0] =	vst.idx.msk vm0, v28;
	v23 =	vadd.f32 v31, v23;
	v28 =	vmov s24  }
0x203: {  	v30 =	vmul.f32 v52, v9;
	(xrf2) =	vadd.scan.msk.f32 $0xffff, v12;
	v12 =	vadd.s32 v10, v13;
	v14 =	vadd.f32 v29, v15  }
0x204: {  	v29 =	vmul.f32 v53, v9;
	v9 =	vmul.f32 v27, v9;
	v12 =	vor.u32 v26, v12  }
0x205: {  	v26 =	vand.u32 $0x7, v21;
	(xrf2) =	vadd.scan.msk.f32 $0xffff, v20;
	v20 =	vand.u32 $0x78, v22;
	v13 =	vadd.f32 v30, v33  }
0x206: {  	(xrf2) =	vadd.scan.msk.f32 $0xffff, v18;
	v18 =	vand.u32 $0x6, v22;
	v20 =	vadd.s32 v10, v20;
	v19 =	vadd.f32 v29, v19  }
0x207: {  	v9 =	vadd.f32 v9, v11;
	v11 =	vand.u32 $0x38, v21;
	(xrf2) =	vadd.scan.msk.f32 $0xffff, v23;
	v21 =	vand.u32 $0x78, v25  }
0x208: {  	v18 =	vor.u32 v18, v20;
	(xrf2) =	vadd.scan.msk.f32 $0xffff, v14;
	v14 =	vand.u32 $0x7, v25;
	v20 =	vadd.s32 v10, v21  }
0x209: {  	s16 =	sadd.s32 $0x6, s11;
	v11 =	vadd.s32 v10, v11;
	(xrf2) =	vadd.scan.msk.f32 $0xffff, v13;
	v13 =	vor.u32 v14, v20;
	v20 =	vand.u32 $0x78, v28  }
0x20a: {  	v15 =	vmov s16;
	v11 =	vor.u32 v26, v11;
	(xrf2) =	vadd.scan.msk.f32 $0xffff, v19;
	v20 =	vadd.s32 v10, v20;
	v19, _, _ =	vpop (xrf2)  }
0x20b: {  	v22 =	vand.u32 $0x7, v28;
	v14 =	vand.u32 $0x78, v24;
	[tilespmem:v16+s1+$0x0] =	vst.idx.msk vm0, v19;
	v19 =	vand.u32 $0x78, v15  }
0x20c: {  	s21 =	sadd.s32 $0x7, s11;
	v21 =	vand.u32 $0x6, v24;
	v14 =	vadd.s32 v10, v14;
	(xrf2) =	vadd.scan.msk.f32 $0xffff, v9;
	v9, _, _ =	vpop (xrf2);
	v16 =	vor.u32 v22, v20  }
0x20d: {  	v15 =	vand.u32 $0x6, v15;
	v20, _, _ =	vpop (xrf2);
	[tilespmem:v17+s1+$0x0] =	vst.idx.msk vm0, v9;
	v9 =	vmov s21;
	v17 =	vadd.s32 v10, v19  }
0x20e: {  	s24 =	sadd.s32 $0x8, s11;
	v14 =	vor.u32 v21, v14;
	[tilespmem:v12+s1+$0x0] =	vst.idx.msk vm0, v20;
	v12 =	vor.u32 v15, v17;
	v17 =	vand.u32 $0x78, v9;
	v19, _, _ =	vpop (xrf2)  }
0x20f: {  	v15 =	vmov s24;
	v9 =	vand.u32 $0x7, v9;
	[tilespmem:v11+s1+$0x0] =	vst.idx.msk vm0, v19;
	v11 =	vadd.s32 v10, v17  }
0x210: {  	v20, _, _ =	vpop (xrf2);
	v17 =	vand.u32 $0x78, v15;
	v9 =	vor.u32 v9, v11;
	v11 =	vand.u32 $0x6, v15  }
0x211: {  	v19, _, _ =	vpop (xrf2);
	[tilespmem:v18+s1+$0x0] =	vst.idx.msk vm0, v20;
	v10 =	vadd.s32 v10, v17  }
0x212: {  	v15, _, _ =	vpop (xrf2);
	[tilespmem:v13+s1+$0x0] =	vst.idx.msk vm0, v19;
	v10 =	vor.u32 v11, v10  }
0x213: {  	[tilespmem:v14+s1+$0x0] =	vst.idx.msk vm0, v15;
	v11, _, _ =	vpop (xrf2)  }
0x214: {  	[tilespmem:v16+s1+$0x0] =	vst.idx.msk vm0, v11;
	v11, _, _ =	vpop (xrf2)  }
0x215: {  	[tilespmem:v12+s1+$0x0] =	vst.idx.msk vm0, v11;
	v11, _, _ =	vpop (xrf2)  }
0x216: {  	[tilespmem:v9+s1+$0x0] =	vst.idx.msk vm0, v11;
	v9, _, _ =	vpop (xrf2)  }
0x217: {  	[tilespmem:v10+s1+$0x0] =	vst.idx.msk vm0, v9  }
0x218: {  	v9 =	vld [tilespmem:s9+$0x400];
	_ =	sdelay $0x4  }
0x219: {  	v9 =	vand.u32 $0xF, v9  }
0x21a: {  	v9 =	vor.u32 v0, v9;
	_ =	sdelay $0x4  }
0x21b: {  	v9 =	vld.idx.msk [tilespmem:v9+s0+$0x0], $0xffff;
	_ =	sdelay $0x1  }
0x21c: {  	s12 =	smul.u32 $0x380, s8;
	_ =	sdelay $0x1  }
0x21d: {  	s16 =	sshra.s32 s12, $0x2  }
0x21e: {  	[tilespmem:s16+$0x166D0] =	vst v9  }
0x21f: {  	v9 =	vld [tilespmem:s9+$0x410];
	_ =	sdelay $0x4  }
0x220: {  	v9 =	vand.u32 $0xF, v9  }
0x221: {  	v9 =	vor.u32 v1, v9;
	_ =	sdelay $0x4  }
0x222: {  	v9 =	vld.idx.msk [tilespmem:v9+s0+$0x0], $0xffff;
	_ =	sdelay $0x4  }
0x223: {  	[tilespmem:s16+$0x166E0] =	vst v9  }
0x224: {  	v9 =	vld [tilespmem:s9+$0x420];
	_ =	sdelay $0x4  }
0x225: {  	v9 =	vand.u32 $0xF, v9  }
0x226: {  	v9 =	vor.u32 v2, v9;
	_ =	sdelay $0x4  }
0x227: {  	v9 =	vld.idx.msk [tilespmem:v9+s0+$0x0], $0xffff;
	_ =	sdelay $0x4  }
0x228: {  	[tilespmem:s16+$0x166F0] =	vst v9  }
0x229: {  	v9 =	vld [tilespmem:s9+$0x422];
	_ =	sdelay $0x4  }
0x22a: {  	v9 =	vand.u32 $0xF, v9  }
0x22b: {  	v9 =	vor.u32 v8, v9;
	_ =	sdelay $0x4  }
0x22c: {  	v9 =	vld.idx.msk [tilespmem:v9+s0+$0x0], $0xffff;
	_ =	sdelay $0x3  }
0x22d: {  	s11 =	sor.u32 $0x1, s10  }
0x22e: {  	s21 =	sshll.u32 s11, $0x7;
	[tilespmem:s16+$0x166F2] =	vst v9  }
0x22f: {  	v17 =	vld [tilespmem:s21+$0x6C00]  }
0x230: {  	v16 =	vld [tilespmem:s21+$0x6C10]  }
0x231: {  	v9 =	vld [tilespmem:s21+$0xAC00]  }
0x232: {  	v10 =	vld [tilespmem:s21+$0xAC10]  }
0x233: {  	v15 =	vld [tilespmem:s21+$0x6C20]  }
0x234: {  	v11 =	vld [tilespmem:s21+$0xAC20]  }
0x235: {  	v14 =	vld [tilespmem:s21+$0x6C30]  }
0x236: {  	v18 =	vld [tilespmem:s21+$0xAC30]  }
0x237: {  	v13 =	vld [tilespmem:s21+$0x6C40];
	v9 =	vmul.f32 v9, v17;
	v10 =	vmul.f32 v10, v16  }
0x238: {  	v19 =	vld [tilespmem:s21+$0xAC40]  }
0x239: {  	v12 =	vld [tilespmem:s21+$0x6C50];
	v9 =	vadd.f32 v10, v9;
	v10 =	vmul.f32 v11, v15  }
0x23a: {  	v20 =	vld [tilespmem:s21+$0xAC50]  }
0x23b: {  	v21 =	vld [tilespmem:s21+$0xAC60];
	v18 =	vmul.f32 v18, v14;
	v10 =	vadd.f32 v10, v9  }
0x23c: {  	v11 =	vld [tilespmem:s21+$0x6C60]  }
0x23d: {  	v9 =	vld [tilespmem:s21+$0x6C70];
	v10 =	vadd.f32 v18, v10;
	v18 =	vmul.f32 v19, v13  }
0x23e: {  	v19 =	vld [tilespmem:s21+$0xAC70]  }
0x23f: {  	v10 =	vadd.f32 v18, v10;
	v18 =	vmul.f32 v20, v12;
	_ =	sdelay $0x1  }
0x240: {  	v10 =	vadd.f32 v18, v10;
	v18 =	vmul.f32 v21, v11;
	_ =	sdelay $0x1  }
0x241: {  	v10 =	vadd.f32 v18, v10;
	v18 =	vmul.f32 v19, v9;
	_ =	sdelay $0x1  }
0x242: {  	v10 =	vadd.f32 v18, v10;
	_ =	sdelay $0x1  }
0x243: {  	(xrf2) =	vadd.scan.msk.f32 $0xffff, v10;
	_ =	sdelay $0x5  }
0x244: {  	v10 =	vmov s11;
	_ =	sdelay $0x3  }
0x245: {  	v18, _, _ =	vpop (xrf2)  }
0x246: {  	s12 =	simm.s32 $0x109F0;
	[tilespmem:v10+s17+$0x0] =	vst.idx.msk vm0, v18  }
0x247: {  	v18 =	vld [tilespmem:s12+$0xFFFFFF90]  }
0x248: {  	v19 =	vld [tilespmem:s12+$0xFFFFFFA0]  }
0x249: {  	v20 =	vld [tilespmem:s12+$0xFFFFFB10]  }
0x24a: {  	v21 =	vld [tilespmem:s12+$0xFFFFFFB0]  }
0x24b: {  	v22 =	vld [tilespmem:s12+$0xFFFFFB20]  }
0x24c: {  	v23 =	vld [tilespmem:s12+$0xFFFFFFC0]  }
0x24d: {  	v24 =	vld [tilespmem:s12+$0xFFFFFB90]  }
0x24e: {  	v25 =	vld [tilespmem:s12+$0xFFFFFFD0]  }
0x24f: {  	v26 =	vld [tilespmem:s12+$0xFFFFFBA0]  }
0x250: {  	v27 =	vld [tilespmem:s12+$0xFFFFFFE0]  }
0x251: {  	v28 =	vld [tilespmem:s12+$0xFFFFFC10]  }
0x252: {  	v29 =	vld [tilespmem:s12+$0xFFFFFFF0]  }
0x253: {  	v30 =	vld [tilespmem:s12+$0xFFFFFC20]  }
0x254: {  	v31 =	vld [tilespmem:s12+$0x0]  }
0x255: {  	v32 =	vld [tilespmem:s12+$0xFFFFFC90]  }
0x256: {  	v54 =	vld [tilespmem:s12+$0xFFFFFCA0]  }
0x257: {  	v55 =	vld [tilespmem:s12+$0xFFFFFD10]  }
0x258: {  	v60 =	vld [tilespmem:s12+$0xFFFFFD20]  }
0x259: {  	v61 =	vld [tilespmem:s12+$0xFFFFFD90]  }
0x25a: {  	v62 =	vld [tilespmem:s12+$0xFFFFFDA0]  }
0x25b: {  	v63 =	vld [tilespmem:s12+$0xFFFFFE10]  }
0x25c: {  	v52 =	vld [tilespmem:s12+$0xFFFFFE20]  }
0x25d: {  	v53 =	vld [tilespmem:s12+$0xFFFFFE90]  }
0x25e: {  	v56 =	vld [tilespmem:s12+$0xFFFFFEA0]  }
0x25f: {  	v57 =	vld [tilespmem:s12+$0xFFFFFF10]  }
0x260: {  	v58 =	vld [tilespmem:s12+$0xFFFFFF20]  }
0x261: {  	v59 =	vld [tilespmem:s12+$0xFFFFFB30]  }
0x262: {  	v45 =	vld [tilespmem:s12+$0xFFFFFC30]  }
0x263: {  	v46 =	vld [tilespmem:s12+$0xFFFFFD30]  }
0x264: {  	v47 =	vld [tilespmem:s12+$0xFFFFFE30]  }
0x265: {  	v48 =	vld [tilespmem:s12+$0xFFFFFF30];
	v18 =	vmul.f32 v18, v17  }
0x266: {  	v34 =	vld [tilespmem:s12+$0xFFFFFD40];
	v19 =	vmul.f32 v19, v16;
	v20 =	vmul.f32 v20, v17  }
0x267: {  	v36 =	vld [tilespmem:s12+$0xFFFFFDC0];
	v22 =	vmul.f32 v22, v16;
	v24 =	vmul.f32 v24, v17  }
0x268: {  	v10 =	vmul.u32 $0x38, v10;
	v38 =	vld [tilespmem:s12+$0xFFFFFE40];
	v26 =	vmul.f32 v26, v16;
	v60 =	vmul.f32 v60, v16  }
0x269: {  	v51 =	vld [tilespmem:s12+$0xFFFFFB50];
	v40 =	vmul.f32 v53, v17;
	v18 =	vadd.f32 v19, v18;
	v19 =	vmul.f32 v21, v15  }
0x26a: {  	v41 =	vmul.f32 v56, v16;
	v21 =	vld [tilespmem:s12+$0xFFFFFBB0];
	v20 =	vadd.f32 v22, v20;
	v22 =	vmul.f32 v28, v17  }
0x26b: {  	v28 =	vmul.f32 v30, v16;
	v30 =	vld [tilespmem:s12+$0xFFFFFBC0];
	v18 =	vadd.f32 v19, v18;
	v19 =	vmul.f32 v23, v14  }
0x26c: {  	v42 =	vmul.f32 v57, v17;
	v43 =	vmul.f32 v58, v16;
	v24 =	vadd.f32 v26, v24;
	v26 =	vld [tilespmem:s12+$0xFFFFFC40]  }
0x26d: {  	v57 =	vmul.f32 v59, v15;
	v23 =	vld [tilespmem:s12+$0xFFFFFCB0];
	v18 =	vadd.f32 v19, v18;
	v19 =	vmul.f32 v25, v13  }
0x26e: {  	v44 =	vld [tilespmem:s12+$0xFFFFFC70];
	v53 =	vmul.f32 v38, v14;
	v40 =	vadd.f32 v41, v40;
	v22 =	vadd.f32 v28, v22  }
0x26f: {  	v28 =	vmul.f32 v32, v17;
	v25 =	vld [tilespmem:s12+$0xFFFFFDB0];
	v18 =	vadd.f32 v19, v18;
	v19 =	vmul.f32 v27, v12  }
0x270: {  	v59 =	vadd.f32 v43, v42;
	v21 =	vmul.f32 v21, v15;
	v30 =	vmul.f32 v30, v14;
	v27 =	vld [tilespmem:s12+$0xFFFFFEB0]  }
0x271: {  	v49 =	vld [tilespmem:s12+$0xFFFFFDF0];
	v26 =	vmul.f32 v26, v14;
	v18 =	vadd.f32 v19, v18;
	v19 =	vmul.f32 v29, v11  }
0x272: {  	v56 =	vld [tilespmem:s12+$0xFFFFFF40];
	v23 =	vmul.f32 v23, v15;
	v21 =	vadd.f32 v21, v24;
	v24 =	vmul.f32 v46, v15  }
0x273: {  	v29 =	vld [tilespmem:s12+$0xFFFFFB40];
	v18 =	vadd.f32 v19, v18;
	v19 =	vmul.f32 v31, v9;
	v31 =	vmul.f32 v54, v16  }
0x274: {  	v58 =	vld [tilespmem:s12+$0xFFFFFBD0];
	v20 =	vadd.f32 v57, v20;
	v46 =	vmul.f32 v48, v15;
	v25 =	vmul.f32 v25, v15  }
0x275: {  	s24 =	simm.s32 $0x9;
	v32 =	vld [tilespmem:s12+$0xFFFFFCC0];
	v21 =	vadd.f32 v30, v21;
	v27 =	vmul.f32 v27, v15;
	v28 =	vadd.f32 v31, v28  }
0x276: {  	v57 =	vld [tilespmem:s12+$0xFFFFFD60];
	v31 =	vmul.f32 v61, v17;
	v61 =	vmul.f32 v62, v16;
	v62 =	vmov s24  }
0x277: {  	v48 =	vld [tilespmem:s12+$0xFFFFFF50];
	v19 =	vadd.f32 v19, v18;
	v18 =	vmul.f32 v55, v17;
	v54 =	vand.u32 $0x78, v62  }
0x278: {  	v30 =	vld [tilespmem:s12+$0xFFFFFBE0];
	v37 =	vand.u32 $0x7, v62;
	v29 =	vmul.f32 v29, v14;
	v27 =	vadd.f32 v27, v40  }
0x279: {  	v55 =	vld [tilespmem:s12+$0xFFFFFEC0];
	v33 =	vadd.f32 v60, v18;
	v18 =	vmul.f32 v63, v17;
	v31 =	vadd.f32 v61, v31  }
0x27a: {  	v62 =	vld [tilespmem:s12+$0xFFFFFCD0];
	v63 =	vmul.f32 v52, v16;
	v39 =	vadd.s32 v10, v54;
	v61 =	vmul.f32 v45, v15  }
0x27b: {  	v60 =	vld [tilespmem:s12+$0xFFFFFC50];
	v23 =	vadd.f32 v23, v28;
	v28 =	vmul.f32 v47, v15;
	v20 =	vadd.f32 v29, v20  }
0x27c: {  	v45 =	vld [tilespmem:s12+$0xFFFFFDD0];
	v29 =	vmul.f32 v32, v14;
	v35 =	vadd.f32 v63, v18;
	v22 =	vadd.f32 v61, v22  }
0x27d: {  	v52 =	vld [tilespmem:s12+$0xFFFFFB60];
	v18 =	vor.u32 v37, v39;
	v24 =	vadd.f32 v24, v33;
	v25 =	vadd.f32 v25, v31  }
0x27e: {  	v47 =	vld [tilespmem:s12+$0xFFFFFED0];
	v33 =	vadd.f32 v46, v59;
	v22 =	vadd.f32 v26, v22;
	v26 =	vmul.f32 v34, v14  }
0x27f: {  	v63 =	vld [tilespmem:s12+$0xFFFFFD50];
	v23 =	vadd.f32 v29, v23;
	v29 =	vmul.f32 v36, v14;
	v28 =	vadd.f32 v28, v35  }
0x280: {  	v31 =	vld [tilespmem:s12+$0xFFFFFE50];
	v59 =	vmul.f32 v62, v13;
	v24 =	vadd.f32 v26, v24;
	v26 =	vmul.f32 v55, v14  }
0x281: {  	v54 =	vld [tilespmem:s12+$0xFFFFFC60];
	v25 =	vadd.f32 v29, v25;
	v29 =	vmul.f32 v51, v13;
	v37 =	vmul.f32 v45, v13  }
0x282: {  	v32 =	vmul.f32 v52, v12;
	v52 =	vld [tilespmem:s12+$0xFFFFFB80];
	v26 =	vadd.f32 v26, v27;
	v27 =	vmul.f32 v58, v13  }
0x283: {  	v61 =	vld [tilespmem:s12+$0xFFFFFEE0];
	v55 =	vmul.f32 v56, v14;
	v20 =	vadd.f32 v29, v20;
	v29 =	vmul.f32 v60, v13  }
0x284: {  	v56 =	vld [tilespmem:s12+$0xFFFFFCE0];
	v28 =	vadd.f32 v53, v28;
	v21 =	vadd.f32 v27, v21;
	v27 =	vmul.f32 v63, v13  }
0x285: {  	v23 =	vadd.f32 v59, v23;
	v60 =	vld [tilespmem:s12+$0xFFFFFE60];
	v22 =	vadd.f32 v29, v22;
	v29 =	vmul.f32 v31, v13  }
0x286: {  	v25 =	vadd.f32 v37, v25;
	v58 =	vld [tilespmem:s12+$0xFFFFFDE0];
	v24 =	vadd.f32 v27, v24;
	v27 =	vmul.f32 v47, v13  }
0x287: {  	v33 =	vadd.f32 v55, v33;
	v31 =	vld [tilespmem:s12+$0xFFFFFF60];
	v59 =	vmul.f32 v52, v9;
	v28 =	vadd.f32 v29, v28  }
0x288: {  	v62 =	vld [tilespmem:s12+$0xFFFFFB70];
	v29 =	vmul.f32 v48, v13;
	v26 =	vadd.f32 v27, v26;
	v27 =	vmul.f32 v30, v12  }
0x289: {  	v20 =	vadd.f32 v32, v20;
	v63 =	vld [tilespmem:s12+$0xFFFFFBF0];
	v45 =	vmul.f32 v56, v12;
	v30 =	vmul.f32 v54, v12  }
0x28a: {  	v46 =	vld [tilespmem:s12+$0xFFFFFCF0];
	v48 =	vmul.f32 v60, v12;
	v21 =	vadd.f32 v27, v21;
	v27 =	vmul.f32 v57, v12  }
0x28b: {  	v29 =	vadd.f32 v29, v33;
	v47 =	vmul.f32 v58, v12;
	v22 =	vadd.f32 v30, v22;
	v30 =	vld [tilespmem:s12+$0xFFFFFD70]  }
0x28c: {  	v50 =	vld [tilespmem:s12+$0xFFFFFE70];
	v31 =	vmul.f32 v31, v12;
	v24 =	vadd.f32 v27, v24;
	v27 =	vmul.f32 v61, v12  }
0x28d: {  	(xrf2) =	vadd.scan.msk.f32 $0xffff, v19;
	v51 =	vld [tilespmem:s12+$0xFFFFFEF0];
	v19 =	vadd.f32 v47, v25;
	v25 =	vadd.f32 v48, v28;
	v28 =	vmul.f32 v62, v11  }
0x28e: {  	v56 =	vld [tilespmem:s12+$0xFFFFFC80];
	v23 =	vadd.f32 v45, v23;
	v26 =	vadd.f32 v27, v26;
	v27 =	vmul.f32 v63, v11  }
0x28f: {  	v60 =	vld [tilespmem:s12+$0xFFFFFE00];
	v33 =	vmul.f32 v46, v11;
	v29 =	vadd.f32 v31, v29;
	v28 =	vadd.f32 v28, v20  }
0x290: {  	s24 =	simm.s32 $0x0;
	v31 =	vld [tilespmem:s12+$0xFFFFFF70];
	v20 =	vmul.f32 v44, v11;
	v27 =	vadd.f32 v27, v21;
	v21 =	vmul.f32 v30, v11  }
0x291: {  	v53 =	vld [tilespmem:s12+$0xFFFFFC00];
	v55 =	vadd.f32 v33, v23;
	v57 =	vmov s24;
	v30 =	vmul.f32 v49, v11  }
0x292: {  	v54 =	vadd.f32 v20, v22;
	v20 =	vmul.f32 v50, v11;
	v23 =	vadd.f32 v21, v24;
	v24 =	vld [tilespmem:s12+$0xFFFFFD00]  }
0x293: {  	v58 =	vld [tilespmem:s12+$0xFFFFFD80];
	v32 =	vand.u32 $0x38, v57;
	v22 =	vadd.f32 v30, v19;
	v19 =	vmul.f32 v51, v11  }
0x294: {  	v38 =	vmul.f32 v60, v9;
	v61 =	vmul.f32 v56, v9;
	v21 =	vadd.f32 v20, v25  }
0x295: {  	s21 =	simm.s32 $0x1;
	v34 =	vld [tilespmem:s12+$0xFFFFFE80];
	v25 =	vmul.f32 v31, v11;
	v30 =	vand.u32 $0x6, v57;
	v20 =	vadd.f32 v19, v26  }
0x296: {  	v35 =	vld [tilespmem:s12+$0xFFFFFF00];
	v19 =	vmul.f32 v53, v9;
	v26 =	vadd.f32 v59, v28;
	v28 =	vmov s21;
	s21 =	simm.s32 $0x2  }
0x297: {  	s16 =	simm.s32 $0x10EF0;
	v36 =	vld [tilespmem:s12+$0xFFFFFF80];
	v31 =	vadd.f32 v25, v29;
	v25 =	vmov s21;
	v63 =	vmul.f32 v24, v9  }
0x298: {  	s28 =	simm.s32 $0x3;
	s29 =	simm.s32 $0x4;
	v37 =	vld [tilespmem:s16+$0xFFFFFFA0];
	v62, _, _ =	vpop (xrf2);
	v29 =	vadd.f32 v19, v27;
	v19 =	vadd.f32 v61, v54;
	(xrf2) =	vadd.scan.msk.f32 $0xffff, v26;
	v24 =	vmul.f32 v58, v9  }
0x299: {  	v33 =	vld [tilespmem:s16+$0xFFFFFF90];
	[tilespmem:v18+s1+$0x0] =	vst.idx.msk vm0, v62;
	s12 =	simm.s32 $0xA;
	v27 =	vmov s28;
	s28 =	simm.s32 $0x14;
	v26 =	vmov s29;
	s29 =	simm.s32 $0x5;
	v18 =	vadd.f32 v63, v55  }
.LBB2_6:
0x29a: {  	p0 =	slt.u32 s28, $0x28;
	v39 =	vld [tilespmem:s16+$0xFFFFFB10];
	v23 =	vadd.f32 v24, v23;
	v24 =	vmov s29;
	s29 =	sadd.s32 $0x6, s24;
	v34 =	vmul.f32 v34, v9  }
0x29b: {  	v40 =	vld [tilespmem:s16+$0xFFFFFFB0];
	v22 =	vadd.f32 v38, v22;
	v38 =	vmov s29;
	v35 =	vmul.f32 v35, v9;
	(xrf2) =	vadd.scan.msk.f32 $0xffff, v29  }
0x29c: {  	v32 =	vadd.s32 v10, v32;
	v29 =	vld [tilespmem:s16+$0xFFFFFB20];
	v21 =	vadd.f32 v34, v21;
	v34 =	vmul.f32 v36, v9  }
0x29d: {  	v30 =	vor.u32 v30, v32;
	v32 =	vand.u32 $0x7, v28;
	v36 =	vld [tilespmem:s16+$0xFFFFFFC0];
	v35 =	vadd.f32 v35, v20  }
0x29e: {  	v33 =	vmul.f32 v33, v17;
	v41 =	vld [tilespmem:s16+$0xFFFFFB90];
	v37 =	vmul.f32 v37, v16;
	v20 =	vadd.f32 v34, v31;
	(xrf2) =	vadd.scan.msk.f32 $0xffff, v19  }
0x29f: {  	v28 =	vand.u32 $0x38, v28;
	v34 =	vand.u32 $0x6, v25;
	v19 =	vmul.f32 v39, v17;
	v31 =	vld [tilespmem:s16+$0xFFFFFFD0]  }
0x2a0: {  	v28 =	vadd.s32 v10, v28;
	v39 =	vld [tilespmem:s16+$0xFFFFFBA0];
	v33 =	vadd.f32 v37, v33;
	v3 =	vmul.f32 v40, v15  }
0x2a1: {  	v28 =	vor.u32 v32, v28;
	v25 =	vand.u32 $0x78, v25;
	v29 =	vmul.f32 v29, v16;
	v40 =	vld [tilespmem:s16+$0xFFFFFFE0];
	(xrf2) =	vadd.scan.msk.f32 $0xffff, v18  }
0x2a2: {  	v25 =	vadd.s32 v10, v25;
	v32 =	vld [tilespmem:s16+$0xFFFFFC10];
	v33 =	vadd.f32 v3, v33;
	v3 =	vmul.f32 v36, v14;
	v37, _, _ =	vpop (xrf2)  }
0x2a3: {  	v18 =	vadd.f32 v29, v19;
	v19 =	vmul.f32 v41, v17;
	v29 =	vld [tilespmem:s16+$0xFFFFFFF0];
	[tilespmem:v30+s1+$0x0] =	vst.idx.msk vm0, v37;
	v30 =	vand.u32 $0x78, v27  }
0x2a4: {  	v25 =	vor.u32 v34, v25;
	v37 =	vld [tilespmem:s16+$0xFFFFFC20];
	v33 =	vadd.f32 v3, v33;
	v31 =	vmul.f32 v31, v13;
	(xrf2) =	vadd.scan.msk.f32 $0xffff, v23  }
0x2a5: {  	v27 =	vand.u32 $0x7, v27;
	v30 =	vadd.s32 v10, v30;
	v23 =	vmul.f32 v39, v16;
	v34 =	vld [tilespmem:s16+$0x0];
	v36, _, _ =	vpop (xrf2)  }
0x2a6: {  	v39 =	vld [tilespmem:s16+$0xFFFFFC90];
	v3 =	vadd.f32 v31, v33;
	v33 =	vmul.f32 v40, v12;
	[tilespmem:v28+s1+$0x0] =	vst.idx.msk vm0, v36;
	v28 =	vand.u32 $0x6, v26  }
0x2a7: {  	v27 =	vor.u32 v27, v30;
	v19 =	vadd.f32 v23, v19;
	v23 =	vmul.f32 v32, v17;
	v32 =	vld [tilespmem:s16+$0xFFFFFCA0];
	(xrf2) =	vadd.scan.msk.f32 $0xffff, v22  }
0x2a8: {  	v26 =	vand.u32 $0x78, v26;
	v22 =	vld [tilespmem:s16+$0xFFFFFD10];
	v30 =	vadd.f32 v33, v3;
	v29 =	vmul.f32 v29, v11;
	v31, _, _ =	vpop (xrf2)  }
0x2a9: {  	v3 =	vmul.f32 v37, v16;
	v36 =	vld [tilespmem:s16+$0xFFFFFD20];
	[tilespmem:v25+s1+$0x0] =	vst.idx.msk vm0, v31;
	v25 =	vadd.s32 v10, v26;
	v26 =	vand.u32 $0x78, v24  }
0x2aa: {  	v31 =	vld [tilespmem:s16+$0xFFFFFD90];
	v29 =	vadd.f32 v29, v30;
	v30 =	vmul.f32 v34, v9;
	v25 =	vor.u32 v28, v25;
	(xrf2) =	vadd.scan.msk.f32 $0xffff, v21  }
0x2ab: {  	v26 =	vadd.s32 v10, v26;
	v21 =	vadd.f32 v3, v23;
	v23 =	vmul.f32 v39, v17;
	v28 =	vld [tilespmem:s16+$0xFFFFFDA0];
	v33, _, _ =	vpop (xrf2)  }
0x2ac: {  	s29 =	sadd.s32 $0x7, s24;
	v24 =	vand.u32 $0x7, v24;
	v32 =	vmul.f32 v32, v16;
	v34 =	vld [tilespmem:s16+$0xFFFFFE10];
	v29 =	vadd.f32 v30, v29;
	[tilespmem:v27+s1+$0x0] =	vst.idx.msk vm0, v33  }
0x2ad: {  	v24 =	vor.u32 v24, v26;
	v26 =	vmov s29;
	v22 =	vmul.f32 v22, v17;
	v27 =	vld [tilespmem:s16+$0xFFFFFE20]  }
0x2ae: {  	v23 =	vadd.f32 v32, v23;
	v30 =	vmul.f32 v36, v16;
	v32 =	vld [tilespmem:s16+$0xFFFFFE90];
	(xrf2) =	vadd.scan.msk.f32 $0xffff, v29;
	v29 =	vand.u32 $0x78, v38;
	v33, _, _ =	vpop (xrf2)  }
0x2af: {  	v31 =	vmul.f32 v31, v17;
	v36 =	vld [tilespmem:s16+$0xFFFFFEA0];
	[tilespmem:v25+s1+$0x0] =	vst.idx.msk vm0, v33;
	v25 =	vand.u32 $0x6, v38;
	v29 =	vadd.s32 v10, v29  }
0x2b0: {  	s21 =	sadd.s32 $0x8, s24;
	s24 =	smov.u32 s12;
	s29 =	sadd.s32 $0x9, s12;
	v22 =	vadd.f32 v30, v22;
	v28 =	vmul.f32 v28, v16;
	v30 =	vld [tilespmem:s16+$0xFFFFFF10];
	v25 =	vor.u32 v25, v29  }
0x2b1: {  	v37 =	vmov s21;
	s12 =	smov.u32 s28;
	v29 =	vmul.f32 v34, v17;
	v33 =	vld [tilespmem:s16+$0xFFFFFF20];
	v34 =	vmov s29;
	v38, _, _ =	vpop (xrf2);
	(xrf2) =	vadd.scan.msk.f32 $0xffff, v35  }
0x2b2: {  	v35 =	vld [tilespmem:s16+$0xFFFFFB30];
	v28 =	vadd.f32 v28, v31;
	v27 =	vmul.f32 v27, v16;
	v31 =	vand.u32 $0x78, v34;
	[tilespmem:v24+s1+$0x0] =	vst.idx.msk vm0, v38  }
0x2b3: {  	v3 =	vand.u32 $0x7, v34;
	v24 =	vld [tilespmem:s16+$0xFFFFFBB0];
	v32 =	vmul.f32 v32, v17;
	v31 =	vadd.s32 v10, v31  }
0x2b4: {  	v38 =	vld [tilespmem:s16+$0xFFFFFC30];
	v27 =	vadd.f32 v27, v29;
	v29 =	vmul.f32 v36, v16;
	v31 =	vor.u32 v3, v31;
	v34, _, _ =	vpop (xrf2);
	(xrf2) =	vadd.scan.msk.f32 $0xffff, v20  }
0x2b5: {  	v20 =	vld [tilespmem:s16+$0xFFFFFCB0];
	v30 =	vmul.f32 v30, v17;
	[tilespmem:v25+s1+$0x0] =	vst.idx.msk vm0, v34;
	v25 =	vand.u32 $0x78, v26;
	v26 =	vand.u32 $0x7, v26  }
0x2b6: {  	v34 =	vld [tilespmem:s16+$0xFFFFFD30];
	v29 =	vadd.f32 v29, v32;
	v3 =	vmul.f32 v33, v16;
	v25 =	vadd.s32 v10, v25  }
0x2b7: {  	v33 =	vmul.f32 v35, v15;
	v35 =	vld [tilespmem:s16+$0xFFFFFDB0];
	v25 =	vor.u32 v26, v25;
	v26 =	vand.u32 $0x78, v37  }
0x2b8: {  	v24 =	vmul.f32 v24, v15;
	v36 =	vld [tilespmem:s16+$0xFFFFFE30];
	v30 =	vadd.f32 v3, v30;
	v32, _, _ =	vpop (xrf2);
	v26 =	vadd.s32 v10, v26  }
0x2b9: {  	v18 =	vadd.f32 v33, v18;
	v3 =	vmul.f32 v38, v15;
	v38 =	vld [tilespmem:s16+$0xFFFFFEB0];
	[tilespmem:v31+s1+$0x0] =	vst.idx.msk vm0, v32;
	v31 =	vand.u32 $0x6, v37  }
0x2ba: {  	v19 =	vadd.f32 v24, v19;
	v20 =	vmul.f32 v20, v15;
	v24 =	vld [tilespmem:s16+$0xFFFFFF30];
	v26 =	vor.u32 v31, v26  }
0x2bb: {  	v31 =	vld [tilespmem:s16+$0xFFFFFB40];
	v21 =	vadd.f32 v3, v21;
	v32 =	vmul.f32 v34, v15;
	v33, _, _ =	vpop (xrf2)  }
0x2bc: {  	v34 =	vld [tilespmem:s16+$0xFFFFFBC0];
	v20 =	vadd.f32 v20, v23;
	v23 =	vmul.f32 v35, v15;
	[tilespmem:v25+s1+$0x0] =	vst.idx.msk vm0, v33  }
0x2bd: {  	v25 =	vld [tilespmem:s16+$0xFFFFFC40];
	v22 =	vadd.f32 v32, v22;
	v32 =	vmul.f32 v36, v15  }
0x2be: {  	v33 =	vld [tilespmem:s16+$0xFFFFFCC0];
	v23 =	vadd.f32 v23, v28;
	v28 =	vmul.f32 v38, v15;
	v35, _, _ =	vpop (xrf2)  }
0x2bf: {  	v36 =	vld [tilespmem:s16+$0xFFFFFD40];
	v27 =	vadd.f32 v32, v27;
	v24 =	vmul.f32 v24, v15;
	[tilespmem:v26+s1+$0x0] =	vst.idx.msk vm0, v35  }
0x2c0: {  	v26 =	vmul.f32 v31, v14;
	v31 =	vld [tilespmem:s16+$0xFFFFFDC0];
	v28 =	vadd.f32 v28, v29  }
0x2c1: {  	v29 =	vmul.f32 v34, v14;
	v32 =	vld [tilespmem:s16+$0xFFFFFE40];
	v24 =	vadd.f32 v24, v30  }
0x2c2: {  	v18 =	vadd.f32 v26, v18;
	v25 =	vmul.f32 v25, v14;
	v26 =	vld [tilespmem:s16+$0xFFFFFEC0]  }
0x2c3: {  	v19 =	vadd.f32 v29, v19;
	v29 =	vmul.f32 v33, v14;
	v30 =	vld [tilespmem:s16+$0xFFFFFF40]  }
0x2c4: {  	v33 =	vld [tilespmem:s16+$0xFFFFFB50];
	v21 =	vadd.f32 v25, v21;
	v25 =	vmul.f32 v36, v14  }
0x2c5: {  	v34 =	vld [tilespmem:s16+$0xFFFFFBD0];
	v20 =	vadd.f32 v29, v20;
	v29 =	vmul.f32 v31, v14  }
0x2c6: {  	v31 =	vld [tilespmem:s16+$0xFFFFFC50];
	v22 =	vadd.f32 v25, v22;
	v25 =	vmul.f32 v32, v14  }
0x2c7: {  	v32 =	vld [tilespmem:s16+$0xFFFFFCD0];
	v23 =	vadd.f32 v29, v23;
	v26 =	vmul.f32 v26, v14  }
0x2c8: {  	v29 =	vld [tilespmem:s16+$0xFFFFFD50];
	v25 =	vadd.f32 v25, v27;
	v27 =	vmul.f32 v30, v14  }
0x2c9: {  	v30 =	vmul.f32 v33, v13;
	v33 =	vld [tilespmem:s16+$0xFFFFFDD0];
	v26 =	vadd.f32 v26, v28  }
0x2ca: {  	v28 =	vmul.f32 v34, v13;
	v34 =	vld [tilespmem:s16+$0xFFFFFE50];
	v24 =	vadd.f32 v27, v24  }
0x2cb: {  	v18 =	vadd.f32 v30, v18;
	v27 =	vmul.f32 v31, v13;
	v30 =	vld [tilespmem:s16+$0xFFFFFED0]  }
0x2cc: {  	v19 =	vadd.f32 v28, v19;
	v28 =	vmul.f32 v32, v13;
	v31 =	vld [tilespmem:s16+$0xFFFFFF50]  }
0x2cd: {  	v32 =	vld [tilespmem:s16+$0xFFFFFB60];
	v21 =	vadd.f32 v27, v21;
	v27 =	vmul.f32 v29, v13  }
0x2ce: {  	v29 =	vld [tilespmem:s16+$0xFFFFFBE0];
	v20 =	vadd.f32 v28, v20;
	v28 =	vmul.f32 v33, v13  }
0x2cf: {  	v33 =	vld [tilespmem:s16+$0xFFFFFC60];
	v22 =	vadd.f32 v27, v22;
	v27 =	vmul.f32 v34, v13  }
0x2d0: {  	v34 =	vld [tilespmem:s16+$0xFFFFFCE0];
	v23 =	vadd.f32 v28, v23;
	v28 =	vmul.f32 v30, v13  }
0x2d1: {  	v30 =	vld [tilespmem:s16+$0xFFFFFD60];
	v25 =	vadd.f32 v27, v25;
	v27 =	vmul.f32 v31, v13  }
0x2d2: {  	v31 =	vmul.f32 v32, v12;
	v32 =	vld [tilespmem:s16+$0xFFFFFDE0];
	v26 =	vadd.f32 v28, v26  }
0x2d3: {  	v28 =	vmul.f32 v29, v12;
	v29 =	vld [tilespmem:s16+$0xFFFFFE60];
	v24 =	vadd.f32 v27, v24  }
0x2d4: {  	v18 =	vadd.f32 v31, v18;
	v27 =	vmul.f32 v33, v12;
	v31 =	vld [tilespmem:s16+$0xFFFFFEE0]  }
0x2d5: {  	v19 =	vadd.f32 v28, v19;
	v28 =	vmul.f32 v34, v12;
	v33 =	vld [tilespmem:s16+$0xFFFFFF60]  }
0x2d6: {  	v34 =	vld [tilespmem:s16+$0xFFFFFB70];
	v21 =	vadd.f32 v27, v21;
	v27 =	vmul.f32 v30, v12  }
0x2d7: {  	v30 =	vld [tilespmem:s16+$0xFFFFFBF0];
	v20 =	vadd.f32 v28, v20;
	v28 =	vmul.f32 v32, v12  }
0x2d8: {  	v32 =	vld [tilespmem:s16+$0xFFFFFC70];
	v22 =	vadd.f32 v27, v22;
	v27 =	vmul.f32 v29, v12  }
0x2d9: {  	v29 =	vld [tilespmem:s16+$0xFFFFFCF0];
	v28 =	vadd.f32 v28, v23;
	v23 =	vmul.f32 v31, v12  }
0x2da: {  	v31 =	vld [tilespmem:s16+$0xFFFFFD70];
	v25 =	vadd.f32 v27, v25;
	v27 =	vmul.f32 v33, v12  }
0x2db: {  	v33 =	vmul.f32 v34, v11;
	v34 =	vld [tilespmem:s16+$0xFFFFFDF0];
	v26 =	vadd.f32 v23, v26  }
0x2dc: {  	v23 =	vmul.f32 v30, v11;
	v30 =	vld [tilespmem:s16+$0xFFFFFE70];
	v24 =	vadd.f32 v27, v24  }
0x2dd: {  	v18 =	vadd.f32 v33, v18;
	v27 =	vmul.f32 v32, v11;
	v32 =	vld [tilespmem:s16+$0xFFFFFEF0]  }
0x2de: {  	v19 =	vadd.f32 v23, v19;
	v23 =	vmul.f32 v29, v11;
	v29 =	vld [tilespmem:s16+$0xFFFFFF70]  }
0x2df: {  	v33 =	vld [tilespmem:s16+$0xFFFFFB80];
	v27 =	vadd.f32 v27, v21;
	v21 =	vmul.f32 v31, v11  }
0x2e0: {  	v31 =	vld [tilespmem:s16+$0xFFFFFC00];
	v38 =	vadd.f32 v23, v20;
	v20 =	vmul.f32 v34, v11  }
0x2e1: {  	v35 =	vld [tilespmem:s16+$0xFFFFFC80];
	v23 =	vadd.f32 v21, v22;
	v21 =	vmul.f32 v30, v11  }
0x2e2: {  	v36 =	vld [tilespmem:s16+$0xFFFFFD00];
	v22 =	vadd.f32 v20, v28;
	v20 =	vmul.f32 v32, v11  }
0x2e3: {  	v28 =	vmov s24;
	v37 =	vld [tilespmem:s16+$0xFFFFFD80];
	v21 =	vadd.f32 v21, v25;
	v25 =	vmul.f32 v29, v11  }
0x2e4: {  	v30 =	vand.u32 $0x6, v28;
	v29 =	vmul.f32 v33, v9;
	v39 =	vld [tilespmem:s16+$0xFFFFFE00];
	v20 =	vadd.f32 v20, v26  }
.Ltmp1:
0x2e5: {  	s21 =	sadd.s32 $0x1, s24;
	v32 =	vand.u32 $0x38, v28;
	v26 =	vmul.f32 v31, v9;
	v34 =	vld [tilespmem:s16+$0xFFFFFE80];
	v31 =	vadd.f32 v25, v24;
	(pc) =	sbr.rel @p0 .LBB2_6-.Ltmp1, $4  }
0x2e6: {  	v28 =	vmov s21;
	s21 =	sadd.s32 $0x2, s24;
	v18 =	vadd.f32 v29, v18;
	v24 =	vmul.f32 v35, v9;
	v35 =	vld [tilespmem:s16+$0xFFFFFF00]  }
0x2e7: {  	v25 =	vmov s21;
	s21 =	sadd.s32 $0x3, s24;
	v29 =	vadd.f32 v26, v19;
	v26 =	vmul.f32 v36, v9;
	v36 =	vld [tilespmem:s16+$0xFFFFFF80];
	s16 =	sadd.s32 $0x500, s16  }
0x2e8: {  	v33 =	vld [tilespmem:s16+$0xFFFFFF90];
	v19 =	vadd.f32 v24, v27;
	v27 =	vmov s21;
	s21 =	sadd.s32 $0x4, s24;
	v24 =	vmul.f32 v37, v9;
	(xrf2) =	vadd.scan.msk.f32 $0xffff, v18  }
0x2e9: {  	s28 =	sadd.s32 $0xA, s28;
	s29 =	sadd.s32 $0x5, s24;
	v37 =	vld [tilespmem:s16+$0xFFFFFFA0];
	v18 =	vadd.f32 v26, v38;
	v26 =	vmov s21;
	v38 =	vmul.f32 v39, v9  }
0x2ea: {  	v39 =	vld [tilespmem:s16+$0xFFFFFB10]  }
0x2eb: {  	v40 =	vld [tilespmem:s16+$0xFFFFFFB0]  }
0x2ec: {  	v41 =	vld [tilespmem:s16+$0xFFFFFB20]  }
0x2ed: {  	v42 =	vld [tilespmem:s16+$0xFFFFFFC0]  }
0x2ee: {  	v43 =	vld [tilespmem:s16+$0xFFFFFB90]  }
0x2ef: {  	v44 =	vld [tilespmem:s16+$0xFFFFFFD0]  }
0x2f0: {  	v45 =	vld [tilespmem:s16+$0xFFFFFBA0]  }
0x2f1: {  	v46 =	vld [tilespmem:s16+$0xFFFFFFE0]  }
0x2f2: {  	v47 =	vld [tilespmem:s16+$0xFFFFFC10]  }
0x2f3: {  	v48 =	vld [tilespmem:s16+$0xFFFFFFF0]  }
0x2f4: {  	v49 =	vld [tilespmem:s16+$0xFFFFFC20]  }
0x2f5: {  	v50 =	vld [tilespmem:s16+$0x0]  }
0x2f6: {  	v51 =	vld [tilespmem:s16+$0xFFFFFC90]  }
0x2f7: {  	v24 =	vadd.f32 v24, v23;
	v52 =	vld [tilespmem:s16+$0xFFFFFCA0]  }
0x2f8: {  	v34 =	vmul.f32 v34, v9;
	v53 =	vmov s29;
	v54 =	vld [tilespmem:s16+$0xFFFFFD10];
	v32 =	vadd.s32 v10, v32  }
0x2f9: {  	v55 =	vld [tilespmem:s16+$0xFFFFFD90];
	v63 =	vand.u32 $0x6, v25;
	v25 =	vand.u32 $0x78, v25;
	v23 =	vadd.f32 v38, v22  }
0x2fa: {  	v58 =	vld [tilespmem:s16+$0xFFFFFCB0];
	v32 =	vor.u32 v30, v32;
	v30 =	vand.u32 $0x7, v28;
	v28 =	vand.u32 $0x38, v28  }
0x2fb: {  	v35 =	vmul.f32 v35, v9;
	v22 =	vadd.f32 v34, v21;
	v34 =	vld [tilespmem:s16+$0xFFFFFD20];
	v28 =	vadd.s32 v10, v28  }
0x2fc: {  	v60 =	vand.u32 $0x78, v27;
	v27 =	vand.u32 $0x7, v27;
	v56 =	vor.u32 v30, v28;
	v30 =	vld [tilespmem:s16+$0xFFFFFE90]  }
0x2fd: {  	s21 =	sadd.s32 $0x6, s24;
	v57 =	vand.u32 $0x6, v26;
	v36 =	vmul.f32 v36, v9;
	v21 =	vadd.f32 v35, v20;
	v35 =	vld [tilespmem:s16+$0xFFFFFEA0]  }
0x2fe: {  	v38 =	vmov s21;
	v25 =	vadd.s32 v10, v25;
	v61 =	vmul.f32 v37, v16;
	v37 =	vld [tilespmem:s16+$0xFFFFFDA0]  }
0x2ff: {  	v25 =	vor.u32 v63, v25;
	v33 =	vmul.f32 v33, v17;
	v20 =	vadd.f32 v36, v31;
	v36 =	vld [tilespmem:s16+$0xFFFFFE10]  }
0x300: {  	(xrf2) =	vadd.scan.msk.f32 $0xffff, v29;
	v29 =	vand.u32 $0x78, v38;
	v31 =	vmul.f32 v39, v17;
	v62 =	vmul.f32 v40, v15;
	v39 =	vld [tilespmem:s16+$0xFFFFFE20]  }
0x301: {  	v41 =	vmul.f32 v41, v16;
	v59 =	vmul.f32 v42, v14;
	v42 =	vld [tilespmem:s16+$0xFFFFFF10];
	v33 =	vadd.f32 v61, v33  }
0x302: {  	v38 =	vand.u32 $0x6, v38;
	v29 =	vadd.s32 v10, v29;
	v63 =	vmul.f32 v46, v12;
	v46 =	vld [tilespmem:s16+$0xFFFFFBB0]  }
0x303: {  	v61 =	vmul.f32 v44, v13;
	v44 =	vld [tilespmem:s16+$0xFFFFFF20];
	v41 =	vadd.f32 v41, v31;
	v28 =	vadd.f32 v62, v33  }
0x304: {  	v31 =	vmul.f32 v43, v17;
	v43 =	vadd.s32 v10, v60;
	v62 =	vmul.f32 v45, v16;
	v45 =	vld [tilespmem:s16+$0xFFFFFB30]  }
0x305: {  	v60 =	vmul.f32 v48, v11;
	v48 =	vld [tilespmem:s16+$0xFFFFFD30];
	v36 =	vmul.f32 v36, v17;
	v28 =	vadd.f32 v59, v28  }
0x306: {  	v40 =	vadd.f32 v62, v31;
	v31 =	vmul.f32 v47, v17;
	v47 =	vld [tilespmem:s16+$0xFFFFFC30];
	v39 =	vmul.f32 v39, v16  }
0x307: {  	v59 =	vld [tilespmem:s16+$0xFFFFFDB0];
	v46 =	vmul.f32 v46, v15;
	v28 =	vadd.f32 v61, v28;
	v61 =	vand.u32 $0x78, v26  }
0x308: {  	v26 =	vor.u32 v27, v43;
	v27 =	vmul.f32 v49, v16;
	v36 =	vadd.f32 v39, v36;
	v39 =	vld [tilespmem:s16+$0xFFFFFF40]  }
0x309: {  	v40 =	vadd.f32 v46, v40;
	v46 =	vld [tilespmem:s16+$0xFFFFFB60];
	v62 =	vadd.s32 v10, v61;
	v45 =	vmul.f32 v45, v15  }
0x30a: {  	v61 =	vand.u32 $0x7, v53;
	v28 =	vadd.f32 v63, v28;
	v63 =	vand.u32 $0x78, v53;
	v53 =	vld [tilespmem:s16+$0xFFFFFEB0]  }
0x30b: {  	v50 =	vmul.f32 v50, v9;
	v41 =	vadd.f32 v45, v41;
	v45 =	vmul.f32 v47, v15;
	v47 =	vld [tilespmem:s16+$0xFFFFFC50]  }
0x30c: {  	v43 =	vadd.f32 v27, v31;
	v33 =	vadd.f32 v60, v28;
	v28 =	vor.u32 v57, v62;
	v57 =	vld [tilespmem:s16+$0xFFFFFE30]  }
0x30d: {  	v27 =	vadd.s32 v10, v63;
	v62 =	vmul.f32 v54, v17;
	v54 =	vmul.f32 v55, v17;
	v55 =	vld [tilespmem:s16+$0xFFFFFBC0]  }
0x30e: {  	s21 =	sadd.s32 $0x7, s24;
	v51 =	vmul.f32 v51, v17;
	v60 =	vmul.f32 v52, v16;
	v27 =	vor.u32 v61, v27;
	v61 =	vld [tilespmem:s16+$0xFFFFFD40]  }
0x30f: {  	v34 =	vmul.f32 v34, v16;
	v52 =	vmov s21;
	s21 =	sadd.s32 $0x9, s12;
	v31 =	vadd.f32 v50, v33;
	v50 =	vld [tilespmem:s16+$0xFFFFFF30]  }
0x310: {  	v29 =	vor.u32 v38, v29;
	v38 =	vmov s21;
	v49 =	vadd.f32 v60, v51;
	v51 =	vld [tilespmem:s16+$0xFFFFFB40]  }
0x311: {  	v33 =	vadd.f32 v34, v62;
	v34 =	vmul.f32 v37, v16;
	v37 =	vld [tilespmem:s16+$0xFFFFFC40];
	v62 =	vmul.f32 v30, v17  }
0x312: {  	v35 =	vmul.f32 v35, v16;
	v44 =	vmul.f32 v44, v16;
	v60 =	vld [tilespmem:s16+$0xFFFFFCC0];
	v30 =	vand.u32 $0x7, v38  }
0x313: {  	v17 =	vmul.f32 v42, v17;
	v34 =	vadd.f32 v34, v54;
	v54 =	vand.u32 $0x78, v38;
	v38 =	vld [tilespmem:s16+$0xFFFFFE40]  }
0x314: {  	v43 =	vadd.f32 v45, v43;
	v42 =	vand.u32 $0x7, v52;
	v63 =	vadd.s32 v10, v54;
	v54 =	vld [tilespmem:s16+$0xFFFFFDC0]  }
0x315: {  	v35 =	vadd.f32 v35, v62;
	v30 =	vor.u32 v30, v63;
	v63 =	vand.u32 $0x78, v52;
	v52 =	vld [tilespmem:s16+$0xFFFFFEC0];
	v62, _, _ =	vpop (xrf2)  }
0x316: {  	s24 =	sadd.s32 $0x8, s24;
	v53 =	vmul.f32 v53, v15;
	v16 =	vadd.s32 v10, v63;
	[tilespmem:v32+s1+$0x0] =	vst.idx.msk vm0, v62;
	v62 =	vld [tilespmem:s16+$0xFFFFFBD0]  }
0x317: {  	v44 =	vadd.f32 v44, v17;
	v63 =	vmov s24;
	v17, _, _ =	vpop (xrf2);
	v16 =	vor.u32 v42, v16;
	v42 =	vld [tilespmem:s16+$0xFFFFFB50]  }
0x318: {  	v61 =	vmul.f32 v61, v14;
	v37 =	vmul.f32 v37, v14;
	v32 =	vand.u32 $0x78, v63;
	[tilespmem:v56+s1+$0x0] =	vst.idx.msk vm0, v17;
	v56 =	vld [tilespmem:s16+$0xFFFFFCD0]  }
0x319: {  	v17 =	vand.u32 $0x6, v63;
	v63 =	vmul.f32 v58, v15;
	v58 =	vld [tilespmem:s16+$0xFFFFFD50];
	v32 =	vadd.s32 v10, v32  }
0x31a: {  	v60 =	vmul.f32 v60, v14;
	v37 =	vadd.f32 v37, v43;
	v43 =	vld [tilespmem:s16+$0xFFFFFBE0];
	v17 =	vor.u32 v17, v32  }
0x31b: {  	v32 =	vmul.f32 v48, v15;
	v48 =	vmul.f32 v59, v15;
	v45 =	vadd.f32 v63, v49;
	v49 =	vld [tilespmem:s16+$0xFFFFFDD0]  }
0x31c: {  	v63 =	vmul.f32 v57, v15;
	v15 =	vmul.f32 v50, v15;
	v50 =	vld [tilespmem:s16+$0xFFFFFED0]  }
0x31d: {  	v38 =	vmul.f32 v38, v14;
	v57 =	vmul.f32 v51, v14;
	v51 =	vld [tilespmem:s16+$0xFFFFFF50];
	v32 =	vadd.f32 v32, v33  }
0x31e: {  	v59 =	vmul.f32 v55, v14;
	v33 =	vadd.f32 v48, v34;
	v48 =	vld [tilespmem:s16+$0xFFFFFE50];
	v36 =	vadd.f32 v63, v36  }
0x31f: {  	v34 =	vadd.f32 v53, v35;
	v15 =	vadd.f32 v15, v44;
	v63 =	vmul.f32 v54, v14;
	v53 =	vld [tilespmem:s16+$0xFFFFFC60]  }
0x320: {  	v41 =	vadd.f32 v57, v41;
	v54 =	vmul.f32 v52, v14;
	v14 =	vmul.f32 v39, v14;
	v39 =	vld [tilespmem:s16+$0xFFFFFCE0]  }
0x321: {  	v35 =	vadd.f32 v59, v40;
	v44 =	vadd.f32 v60, v45;
	v59 =	vmul.f32 v47, v13;
	v47 =	vld [tilespmem:s16+$0xFFFFFE60]  }
0x322: {  	v57 =	vmul.f32 v62, v13;
	v52 =	vld [tilespmem:s16+$0xFFFFFEE0];
	v32 =	vadd.f32 v61, v32;
	v33 =	vadd.f32 v63, v33  }
0x323: {  	v45 =	vld [tilespmem:s16+$0xFFFFFF60];
	v55 =	vmul.f32 v42, v13;
	v36 =	vadd.f32 v38, v36;
	v34 =	vadd.f32 v54, v34  }
0x324: {  	v42 =	vld [tilespmem:s16+$0xFFFFFD60];
	v60 =	vmul.f32 v56, v13;
	v14 =	vadd.f32 v14, v15;
	v35 =	vadd.f32 v57, v35  }
0x325: {  	v15 =	vld [tilespmem:s16+$0xFFFFFDE0];
	v61 =	vmul.f32 v58, v13;
	v37 =	vadd.f32 v59, v37;
	v38 =	vadd.f32 v55, v41  }
0x326: {  	v54 =	vld [tilespmem:s16+$0xFFFFFBF0];
	v49 =	vmul.f32 v49, v13;
	v41 =	vadd.f32 v60, v44;
	v63 =	vmul.f32 v50, v13  }
0x327: {  	(xrf2) =	vadd.scan.msk.f32 $0xffff, v19;
	v57 =	vld [tilespmem:s16+$0xFFFFFC70];
	v55 =	vmul.f32 v43, v12;
	v32 =	vadd.f32 v61, v32;
	v62 =	vmul.f32 v48, v13  }
0x328: {  	(xrf2) =	vadd.scan.msk.f32 $0xffff, v18;
	v58 =	vld [tilespmem:s16+$0xFFFFFCF0];
	v33 =	vadd.f32 v49, v33;
	v13 =	vmul.f32 v51, v13;
	v51 =	vmul.f32 v46, v12  }
0x329: {  	v44 =	vld [tilespmem:s16+$0xFFFFFE70];
	v19 =	vadd.f32 v63, v34;
	v56 =	vmul.f32 v53, v12;
	v18 =	vmul.f32 v39, v12  }
0x32a: {  	(xrf2) =	vadd.scan.msk.f32 $0xffff, v24;
	v48 =	vld [tilespmem:s16+$0xFFFFFB70];
	v24 =	vadd.f32 v55, v35;
	v60 =	vmul.f32 v42, v12;
	v42 =	vmul.f32 v52, v12  }
0x32b: {  	v61 =	vld [tilespmem:s16+$0xFFFFFD70];
	v36 =	vadd.f32 v62, v36;
	v13 =	vadd.f32 v13, v14;
	v15 =	vmul.f32 v15, v12  }
0x32c: {  	(xrf2) =	vadd.scan.msk.f32 $0xffff, v23;
	v50 =	vld [tilespmem:s16+$0xFFFFFB80];
	v14 =	vadd.f32 v51, v38;
	v62 =	vmul.f32 v47, v12;
	v12 =	vmul.f32 v45, v12  }
0x32d: {  	(xrf2) =	vadd.scan.msk.f32 $0xffff, v22;
	v63 =	vld [tilespmem:s16+$0xFFFFFDF0];
	v59 =	vadd.f32 v56, v37;
	v18 =	vadd.f32 v18, v41;
	v22 =	vmul.f32 v54, v11  }
0x32e: {  	(xrf2) =	vadd.scan.msk.f32 $0xffff, v31;
	v31 =	vmul.f32 v57, v11;
	v49 =	vmul.f32 v58, v11;
	v12 =	vadd.f32 v12, v13;
	v13 =	vld [tilespmem:s16+$0xFFFFFF70]  }
0x32f: {  	v23 =	vadd.f32 v60, v32;
	v19 =	vadd.f32 v42, v19;
	v47 =	vmul.f32 v48, v11;
	v48 =	vld [tilespmem:s16+$0xFFFFFEF0]  }
0x330: {  	v51 =	vld [tilespmem:s16+$0xFFFFFC00];
	v15 =	vadd.f32 v15, v33;
	v22 =	vadd.f32 v22, v24;
	v24 =	vmul.f32 v61, v11  }
0x331: {  	(xrf2) =	vadd.scan.msk.f32 $0xffff, v21;
	s24 =	sadd.s32 $0x1, s12;
	v53 =	vld [tilespmem:s16+$0xFFFFFC80];
	v55, _, _ =	vpop (xrf2);
	v54 =	vmul.f32 v44, v11;
	v45 =	vadd.f32 v62, v36;
	v31 =	vadd.f32 v31, v59  }
0x332: {  	v21 =	vmov s24;
	[tilespmem:v25+s1+$0x0] =	vst.idx.msk vm0, v55;
	v25, _, _ =	vpop (xrf2);
	v18 =	vadd.f32 v49, v18;
	v23 =	vadd.f32 v24, v23;
	v24 =	vld [tilespmem:s16+$0xFFFFFD00]  }
0x333: {  	v57 =	vmov s12;
	[tilespmem:v26+s1+$0x0] =	vst.idx.msk vm0, v25;
	v25 =	vmul.f32 v50, v9;
	v52 =	vmul.f32 v63, v11  }
0x334: {  	v58 =	vld [tilespmem:s16+$0xFFFFFD80];
	v14 =	vadd.f32 v47, v14;
	v56 =	vmul.f32 v48, v11;
	v11 =	vmul.f32 v13, v11;
	v13, _, _ =	vpop (xrf2)  }
0x335: {  	v26 =	vand.u32 $0x6, v57;
	v59 =	vld [tilespmem:s16+$0xFFFFFE00];
	v33 =	vadd.f32 v54, v45;
	[tilespmem:v28+s1+$0x0] =	vst.idx.msk vm0, v13;
	v28 =	vmul.f32 v51, v9  }
0x336: {  	v60 =	vld [tilespmem:s16+$0xFFFFFE80];
	v15 =	vadd.f32 v52, v15;
	v14 =	vadd.f32 v25, v14;
	v25 =	vmul.f32 v53, v9  }
0x337: {  	s24 =	sadd.s32 $0x2, s12;
	v61 =	vld [tilespmem:s16+$0xFFFFFF00];
	v13 =	vand.u32 $0x38, v57;
	v24 =	vmul.f32 v24, v9;
	v11 =	vadd.f32 v11, v12;
	v12, _, _ =	vpop (xrf2)  }
0x338: {  	v19 =	vadd.f32 v56, v19;
	[tilespmem:v27+s1+$0x0] =	vst.idx.msk vm0, v12;
	v12 =	vadd.f32 v28, v22;
	v22 =	vmov s24;
	v27 =	vld [tilespmem:s16+$0xFFFFFF80]  }
0x339: {  	s21 =	sadd.s32 $0x4, s12;
	s24 =	sadd.s32 $0x3, s12;
	v18 =	vadd.f32 v24, v18;
	v28, _, _ =	vpop (xrf2);
	(xrf2) =	vadd.scan.msk.f32 $0xffff, v20;
	v20 =	vadd.f32 v25, v31;
	v31 =	vmul.f32 v58, v9  }
0x33a: {  	v24 =	vmov s21;
	v25 =	vmov s24;
	s24 =	sadd.s32 $0x5, s12;
	[tilespmem:v29+s1+$0x0] =	vst.idx.msk vm0, v28;
	v28, _, _ =	vpop (xrf2);
	v29 =	vmul.f32 v59, v9  }
0x33b: {  	(xrf2) =	vadd.scan.msk.f32 $0xffff, v14;
	[tilespmem:v30+s1+$0x0] =	vst.idx.msk vm0, v28;
	v23 =	vadd.f32 v31, v23;
	v28 =	vmov s24  }
0x33c: {  	v30 =	vmul.f32 v60, v9;
	(xrf2) =	vadd.scan.msk.f32 $0xffff, v12;
	v12 =	vadd.s32 v10, v13;
	v14 =	vadd.f32 v29, v15  }
0x33d: {  	v29 =	vmul.f32 v61, v9;
	v9 =	vmul.f32 v27, v9;
	v12 =	vor.u32 v26, v12  }
0x33e: {  	v26 =	vand.u32 $0x7, v21;
	(xrf2) =	vadd.scan.msk.f32 $0xffff, v20;
	v20 =	vand.u32 $0x78, v22;
	v13 =	vadd.f32 v30, v33  }
0x33f: {  	(xrf2) =	vadd.scan.msk.f32 $0xffff, v18;
	v18 =	vand.u32 $0x6, v22;
	v20 =	vadd.s32 v10, v20;
	v19 =	vadd.f32 v29, v19  }
0x340: {  	v9 =	vadd.f32 v9, v11;
	v11 =	vand.u32 $0x38, v21;
	(xrf2) =	vadd.scan.msk.f32 $0xffff, v23;
	v21 =	vand.u32 $0x78, v25  }
0x341: {  	v18 =	vor.u32 v18, v20;
	(xrf2) =	vadd.scan.msk.f32 $0xffff, v14;
	v14 =	vand.u32 $0x7, v25;
	v20 =	vadd.s32 v10, v21  }
0x342: {  	s21 =	sadd.s32 $0x6, s12;
	v11 =	vadd.s32 v10, v11;
	(xrf2) =	vadd.scan.msk.f32 $0xffff, v13;
	v13 =	vor.u32 v14, v20;
	v20 =	vand.u32 $0x78, v28  }
0x343: {  	v15 =	vmov s21;
	v11 =	vor.u32 v26, v11;
	(xrf2) =	vadd.scan.msk.f32 $0xffff, v19;
	v20 =	vadd.s32 v10, v20;
	v19, _, _ =	vpop (xrf2)  }
0x344: {  	v22 =	vand.u32 $0x7, v28;
	v14 =	vand.u32 $0x78, v24;
	[tilespmem:v16+s1+$0x0] =	vst.idx.msk vm0, v19;
	v19 =	vand.u32 $0x78, v15  }
0x345: {  	s24 =	sadd.s32 $0x7, s12;
	v21 =	vand.u32 $0x6, v24;
	v14 =	vadd.s32 v10, v14;
	(xrf2) =	vadd.scan.msk.f32 $0xffff, v9;
	v9, _, _ =	vpop (xrf2);
	v16 =	vor.u32 v22, v20  }
0x346: {  	v15 =	vand.u32 $0x6, v15;
	v20, _, _ =	vpop (xrf2);
	[tilespmem:v17+s1+$0x0] =	vst.idx.msk vm0, v9;
	v9 =	vmov s24;
	v17 =	vadd.s32 v10, v19  }
0x347: {  	s16 =	sadd.s32 $0x8, s12;
	v14 =	vor.u32 v21, v14;
	[tilespmem:v12+s1+$0x0] =	vst.idx.msk vm0, v20;
	v12 =	vor.u32 v15, v17;
	v17 =	vand.u32 $0x78, v9;
	v19, _, _ =	vpop (xrf2)  }
0x348: {  	v15 =	vmov s16;
	v9 =	vand.u32 $0x7, v9;
	[tilespmem:v11+s1+$0x0] =	vst.idx.msk vm0, v19;
	v11 =	vadd.s32 v10, v17  }
0x349: {  	v20, _, _ =	vpop (xrf2);
	v17 =	vand.u32 $0x78, v15;
	v9 =	vor.u32 v9, v11;
	v11 =	vand.u32 $0x6, v15  }
0x34a: {  	v19, _, _ =	vpop (xrf2);
	[tilespmem:v18+s1+$0x0] =	vst.idx.msk vm0, v20;
	v10 =	vadd.s32 v10, v17  }
0x34b: {  	v15, _, _ =	vpop (xrf2);
	[tilespmem:v13+s1+$0x0] =	vst.idx.msk vm0, v19;
	v10 =	vor.u32 v11, v10  }
0x34c: {  	[tilespmem:v14+s1+$0x0] =	vst.idx.msk vm0, v15;
	v11, _, _ =	vpop (xrf2)  }
0x34d: {  	[tilespmem:v16+s1+$0x0] =	vst.idx.msk vm0, v11;
	v11, _, _ =	vpop (xrf2)  }
0x34e: {  	[tilespmem:v12+s1+$0x0] =	vst.idx.msk vm0, v11;
	v11, _, _ =	vpop (xrf2)  }
0x34f: {  	[tilespmem:v9+s1+$0x0] =	vst.idx.msk vm0, v11;
	v9, _, _ =	vpop (xrf2)  }
0x350: {  	[tilespmem:v10+s1+$0x0] =	vst.idx.msk vm0, v9  }
0x351: {  	v9 =	vld [tilespmem:s9+$0x432];
	_ =	sdelay $0x4  }
0x352: {  	v10 =	vand.u32 $0xF, v9;
	v9 =	vadd.s32 $0x320, v0  }
0x353: {  	v10 =	vor.u32 v9, v10;
	_ =	sdelay $0x4  }
0x354: {  	v10 =	vld.idx.msk [tilespmem:v10+s0+$0x0], $0xffff;
	_ =	sdelay $0x1  }
0x355: {  	s11 =	smul.u32 $0xE0, s11;
	_ =	sdelay $0x1  }
0x356: {  	s11 =	sshra.s32 s11, $0x2  }
0x357: {  	[tilespmem:s11+$0x166D0] =	vst v10  }
0x358: {  	v10 =	vld [tilespmem:s9+$0x442];
	_ =	sdelay $0x4  }
0x359: {  	v11 =	vand.u32 $0xF, v10;
	v10 =	vadd.s32 $0x420, v0  }
0x35a: {  	v11 =	vor.u32 v10, v11;
	_ =	sdelay $0x4  }
0x35b: {  	v11 =	vld.idx.msk [tilespmem:v11+s0+$0x0], $0xffff;
	_ =	sdelay $0x4  }
0x35c: {  	[tilespmem:s11+$0x166E0] =	vst v11  }
0x35d: {  	v11 =	vld [tilespmem:s9+$0x452];
	_ =	sdelay $0x4  }
0x35e: {  	v12 =	vand.u32 $0xF, v11;
	v11 =	vadd.s32 $0x520, v0  }
0x35f: {  	v12 =	vor.u32 v11, v12;
	_ =	sdelay $0x4  }
0x360: {  	v12 =	vld.idx.msk [tilespmem:v12+s0+$0x0], $0xffff;
	_ =	sdelay $0x4  }
0x361: {  	[tilespmem:s11+$0x166F0] =	vst v12  }
0x362: {  	v12 =	vld [tilespmem:s9+$0x454];
	_ =	sdelay $0x4  }
0x363: {  	v13 =	vand.u32 $0xF, v12;
	v12 =	vadd.s32 $0x540, v0  }
0x364: {  	v13 =	vor.u32 v12, v13;
	_ =	sdelay $0x4  }
0x365: {  	v13 =	vld.idx.msk [tilespmem:v13+s0+$0x0], $0xffff;
	_ =	sdelay $0x4  }
0x366: {  	p0 =	seq.s32 s8, $0x1F;
	[tilespmem:s11+$0x166F2] =	vst v13  }
0x367: {  	v13 =	vld @!p0 [tilespmem:s9+$0x4D0];
	_ =	sdelay $0x4  }
0x368: {  	v13 =	vshra.s32 @!p0 v13, $0x4  }
0x369: {  	[tilespmem:$0x15080] =	vst @!p0 v13  }
0x36a: {  	v13 =	vld @!p0 [tilespmem:s9+$0x4E0];
	_ =	sdelay $0x4  }
0x36b: {  	v13 =	vshra.s32 @!p0 v13, $0x4  }
0x36c: {  	[tilespmem:$0x15090] =	vst @!p0 v13  }
0x36d: {  	v13 =	vld @!p0 [tilespmem:s9+$0x4F0];
	_ =	sdelay $0x4  }
0x36e: {  	v13 =	vshra.s32 @!p0 v13, $0x4  }
0x36f: {  	[tilespmem:$0x150A0] =	vst @!p0 v13  }
0x370: {  	v13 =	vld @!p0 [tilespmem:s9+$0x500];
	_ =	sdelay $0x4  }
0x371: {  	v13 =	vshra.s32 @!p0 v13, $0x4  }
0x372: {  	[tilespmem:$0x150B0] =	vst @!p0 v13  }
0x373: {  	v13 =	vld @!p0 [tilespmem:s9+$0x510];
	_ =	sdelay $0x4  }
0x374: {  	v13 =	vshra.s32 @!p0 v13, $0x4  }
0x375: {  	[tilespmem:$0x150C0] =	vst @!p0 v13  }
0x376: {  	v13 =	vld @!p0 [tilespmem:s9+$0x520];
	_ =	sdelay $0x4  }
0x377: {  	v13 =	vshra.s32 @!p0 v13, $0x4  }
0x378: {  	[tilespmem:$0x150D0] =	vst @!p0 v13  }
0x379: {  	v13 =	vld @!p0 [tilespmem:s9+$0x524];
	_ =	sdelay $0x4  }
0x37a: {  	v13 =	vshra.s32 @!p0 v13, $0x4  }
0x37b: {  	s12 =	simm.s32 @!p0 $0x64;
	s16 =	simm.s32 @!p0 $0xEC00;
	s11 =	sadd.s32 @!p0 $0x4D0, s9;
	[tilespmem:$0x150D4] =	vst @!p0 v13  }
0x37c: {  	[tilespmem:s16], [sflag:$0x4] =	stream.indirect.gather @!p0 [hbm4b:s2+s12], $0x80, s11, s12, $0xb8;
	[tilespmem:$0x19F50] =	vst v63  }
0x37d: {  	s11 =	simm.s32 @!p0 $0x15080;
	s16 =	simm.s32 @!p0 $0x15950  }
0x37e: {  	[tilespmem:s16], [sflag:$0x6] =	stream.indirect.gather @!p0 [hbm4b:s5+s12], $0x10, s11, s12, $0xb8;
	[tilespmem:$0x19F50] =	vst v63  }
0x37f: {  	_ =	swait.ge [sflag:s4], $0x3200  }
0x380: {  	[sflag:s4] =	ssyncset.done $0x0  }
0x381: {  	[sflag:s4] =	ssyncadd.s32 $0xFFFFCE00  }
0x382: {  	_ =	swait.ge [sflag:s22], $0x640  }
0x383: {  	s11 =	sor.u32 $0x2, s10;
	[sflag:s22] =	ssyncset.done $0x0  }
0x384: {  	s21 =	sshll.u32 s11, $0x7;
	[sflag:s22] =	ssyncadd.s32 $0xFFFFF9C0  }
0x385: {  	v21 =	vld [tilespmem:s21+$0x6C00]  }
0x386: {  	v20 =	vld [tilespmem:s21+$0x6C10]  }
0x387: {  	v13 =	vld [tilespmem:s21+$0xAC00]  }
0x388: {  	v14 =	vld [tilespmem:s21+$0xAC10]  }
0x389: {  	v19 =	vld [tilespmem:s21+$0x6C20]  }
0x38a: {  	v15 =	vld [tilespmem:s21+$0xAC20]  }
0x38b: {  	v18 =	vld [tilespmem:s21+$0x6C30]  }
0x38c: {  	v22 =	vld [tilespmem:s21+$0xAC30]  }
0x38d: {  	v17 =	vld [tilespmem:s21+$0x6C40];
	v13 =	vmul.f32 v13, v21;
	v14 =	vmul.f32 v14, v20  }
0x38e: {  	v23 =	vld [tilespmem:s21+$0xAC40]  }
0x38f: {  	v16 =	vld [tilespmem:s21+$0x6C50];
	v13 =	vadd.f32 v14, v13;
	v14 =	vmul.f32 v15, v19  }
0x390: {  	v24 =	vld [tilespmem:s21+$0xAC50]  }
0x391: {  	v25 =	vld [tilespmem:s21+$0xAC60];
	v22 =	vmul.f32 v22, v18;
	v14 =	vadd.f32 v14, v13  }
0x392: {  	v15 =	vld [tilespmem:s21+$0x6C60]  }
0x393: {  	v13 =	vld [tilespmem:s21+$0x6C70];
	v14 =	vadd.f32 v22, v14;
	v22 =	vmul.f32 v23, v17  }
0x394: {  	v23 =	vld [tilespmem:s21+$0xAC70]  }
0x395: {  	v14 =	vadd.f32 v22, v14;
	v22 =	vmul.f32 v24, v16;
	_ =	sdelay $0x1  }
0x396: {  	v14 =	vadd.f32 v22, v14;
	v22 =	vmul.f32 v25, v15;
	_ =	sdelay $0x1  }
0x397: {  	v14 =	vadd.f32 v22, v14;
	v22 =	vmul.f32 v23, v13;
	_ =	sdelay $0x1  }
0x398: {  	v14 =	vadd.f32 v22, v14;
	_ =	sdelay $0x1  }
0x399: {  	(xrf2) =	vadd.scan.msk.f32 $0xffff, v14;
	_ =	sdelay $0x5  }
0x39a: {  	v14 =	vmov s11;
	_ =	sdelay $0x3  }
0x39b: {  	v22, _, _ =	vpop (xrf2)  }
0x39c: {  	s12 =	simm.s32 $0x12080;
	[tilespmem:v14+s17+$0x0] =	vst.idx.msk vm0, v22  }
0x39d: {  	v22 =	vld [tilespmem:s12+$0x200]  }
0x39e: {  	v23 =	vld [tilespmem:s12+$0x210]  }
0x39f: {  	v24 =	vld [tilespmem:s12+$0xFFFFFD80]  }
0x3a0: {  	v25 =	vld [tilespmem:s12+$0x220]  }
0x3a1: {  	v26 =	vld [tilespmem:s12+$0xFFFFFD90]  }
0x3a2: {  	v27 =	vld [tilespmem:s12+$0x230]  }
0x3a3: {  	v28 =	vld [tilespmem:s12+$0xFFFFFE00]  }
0x3a4: {  	v29 =	vld [tilespmem:s12+$0x240]  }
0x3a5: {  	v30 =	vld [tilespmem:s12+$0xFFFFFE10]  }
0x3a6: {  	v31 =	vld [tilespmem:s12+$0x250]  }
0x3a7: {  	v32 =	vld [tilespmem:s12+$0xFFFFFE80]  }
0x3a8: {  	v33 =	vld [tilespmem:s12+$0x260]  }
0x3a9: {  	v62 =	vld [tilespmem:s12+$0xFFFFFE90]  }
0x3aa: {  	v35 =	vld [tilespmem:s12+$0x270]  }
0x3ab: {  	v63 =	vld [tilespmem:s12+$0xFFFFFF00]  }
0x3ac: {  	v37 =	vld [tilespmem:s12+$0xFFFFFF10]  }
0x3ad: {  	v38 =	vld [tilespmem:s12+$0xFFFFFF80]  }
0x3ae: {  	v39 =	vld [tilespmem:s12+$0xFFFFFF90]  }
0x3af: {  	v56 =	vld [tilespmem:s12+$0x0]  }
0x3b0: {  	v57 =	vld [tilespmem:s12+$0x10]  }
0x3b1: {  	v58 =	vld [tilespmem:s12+$0x80]  }
0x3b2: {  	v59 =	vld [tilespmem:s12+$0x90]  }
0x3b3: {  	v44 =	vld [tilespmem:s12+$0x100]  }
0x3b4: {  	v60 =	vld [tilespmem:s12+$0x110]  }
0x3b5: {  	v46 =	vld [tilespmem:s12+$0x180]  }
0x3b6: {  	v47 =	vld [tilespmem:s12+$0x190]  }
0x3b7: {  	v61 =	vld [tilespmem:s12+$0xFFFFFDA0]  }
0x3b8: {  	v49 =	vld [tilespmem:s12+$0xFFFFFEA0]  }
0x3b9: {  	v50 =	vld [tilespmem:s12+$0xFFFFFFA0]  }
0x3ba: {  	v51 =	vld [tilespmem:s12+$0xA0]  }
0x3bb: {  	v52 =	vld [tilespmem:s12+$0x1A0];
	v22 =	vmul.f32 v22, v21  }
0x3bc: {  	v34 =	vld [tilespmem:s12+$0xFFFFFE30];
	v23 =	vmul.f32 v23, v20;
	v24 =	vmul.f32 v24, v21  }
0x3bd: {  	v36 =	vld [tilespmem:s12+$0xFFFFFF30];
	v26 =	vmul.f32 v26, v20;
	v28 =	vmul.f32 v28, v21  }
0x3be: {  	v40 =	vld [tilespmem:s12+$0x30];
	v30 =	vmul.f32 v30, v20;
	v62 =	vmul.f32 v62, v20  }
0x3bf: {  	v42 =	vld [tilespmem:s12+$0xB0];
	v63 =	vmul.f32 v63, v21;
	v53 =	vmul.f32 v37, v20  }
0x3c0: {  	v48 =	vld [tilespmem:s12+$0xFFFFFFC0];
	v54 =	vmul.f32 v39, v20;
	v55 =	vmul.f32 v56, v21  }
0x3c1: {  	v14 =	vmul.u32 $0x38, v14;
	v56 =	vmul.f32 v57, v20;
	v45 =	vmul.f32 v60, v20;
	v60 =	vld [tilespmem:s12+$0x1B0]  }
0x3c2: {  	v44 =	vmul.f32 v44, v21;
	v22 =	vadd.f32 v23, v22;
	v23 =	vmul.f32 v25, v19;
	v25 =	vld [tilespmem:s12+$0xFFFFFE20]  }
0x3c3: {  	v46 =	vmul.f32 v46, v21;
	v47 =	vmul.f32 v47, v20;
	v28 =	vadd.f32 v30, v28;
	v30 =	vld [tilespmem:s12+$0xFFFFFEB0]  }
0x3c4: {  	s24 =	simm.s32 $0x9;
	v24 =	vadd.f32 v26, v24;
	v26 =	vmul.f32 v32, v21;
	v32 =	vadd.f32 v53, v63;
	v53 =	vld [tilespmem:s12+$0x130]  }
0x3c5: {  	v57 =	vmov s24;
	v61 =	vmul.f32 v61, v19;
	v63 =	vmul.f32 v49, v19;
	v49 =	vld [tilespmem:s12+$0x50]  }
0x3c6: {  	v51 =	vmul.f32 v51, v19;
	v22 =	vadd.f32 v23, v22;
	v23 =	vmul.f32 v27, v18;
	v27 =	vld [tilespmem:s12+$0xFFFFFF20]  }
0x3c7: {  	v52 =	vmul.f32 v52, v19;
	v26 =	vadd.f32 v62, v26;
	v62 =	vadd.f32 v47, v46;
	v46 =	vld [tilespmem:s12+$0xFFFFFEC0]  }
0x3c8: {  	v34 =	vmul.f32 v34, v18;
	v41 =	vand.u32 $0x7, v57;
	v44 =	vadd.f32 v45, v44;
	v47 =	vld [tilespmem:s12+$0xFFFFFF40]  }
0x3c9: {  	v24 =	vadd.f32 v61, v24;
	v61 =	vld [tilespmem:s12+$0xFFFFFF50];
	v22 =	vadd.f32 v23, v22;
	v23 =	vmul.f32 v29, v17  }
0x3ca: {  	v60 =	vmul.f32 v60, v18;
	v29 =	vld [tilespmem:s12+$0x20];
	v26 =	vadd.f32 v63, v26;
	v25 =	vmul.f32 v25, v19  }
0x3cb: {  	v63 =	vld [tilespmem:s12+$0xFFFFFFD0];
	v30 =	vmul.f32 v30, v18;
	v22 =	vadd.f32 v23, v22;
	v23 =	vmul.f32 v31, v16  }
0x3cc: {  	v45 =	vmul.f32 v49, v16;
	v49 =	vld [tilespmem:s12+$0xE0];
	v27 =	vmul.f32 v27, v19;
	v25 =	vadd.f32 v25, v28  }
0x3cd: {  	v31 =	vld [tilespmem:s12+$0x120];
	v28 =	vmul.f32 v50, v19;
	v22 =	vadd.f32 v23, v22;
	v23 =	vmul.f32 v33, v15  }
0x3ce: {  	v26 =	vadd.f32 v30, v26;
	v50 =	vmul.f32 v46, v17;
	v61 =	vmul.f32 v61, v16;
	v33 =	vld [tilespmem:s12+$0xFFFFFDB0]  }
0x3cf: {  	v25 =	vadd.f32 v34, v25;
	v34 =	vld [tilespmem:s12+$0xFFFFFE50];
	v22 =	vadd.f32 v23, v22;
	v23 =	vmul.f32 v35, v13  }
0x3d0: {  	v29 =	vmul.f32 v29, v19;
	v27 =	vadd.f32 v27, v32;
	v35 =	vadd.f32 v56, v55;
	v55 =	vld [tilespmem:s12+$0xFFFFFDC0]  }
0x3d1: {  	v56 =	vmul.f32 v36, v18;
	v36 =	vld [tilespmem:s12+$0xFFFFFDD0];
	v23 =	vadd.f32 v23, v22;
	v22 =	vmul.f32 v38, v21  }
0x3d2: {  	v26 =	vadd.f32 v50, v26;
	v31 =	vmul.f32 v31, v19;
	v38 =	vld [tilespmem:s12+$0xFFFFFFB0];
	v29 =	vadd.f32 v29, v35  }
0x3d3: {  	v35 =	vld [tilespmem:s12+$0xC0];
	v27 =	vadd.f32 v56, v27;
	v33 =	vmul.f32 v33, v18;
	v37 =	vadd.f32 v54, v22  }
0x3d4: {  	v56 =	vld [tilespmem:s12+$0xFFFFFDE0];
	v22 =	vmul.f32 v58, v21;
	v58 =	vmul.f32 v59, v20;
	v59 =	vand.u32 $0x78, v57  }
0x3d5: {  	v31 =	vadd.f32 v31, v44;
	v44 =	vld [tilespmem:s12+$0x1C0];
	v57 =	vmul.f32 v40, v18;
	v43 =	vadd.s32 v14, v59  }
0x3d6: {  	v24 =	vadd.f32 v33, v24;
	v39 =	vadd.f32 v58, v22;
	v22 =	vor.u32 v41, v43;
	v43 =	vld [tilespmem:s12+$0xFFFFFE40]  }
0x3d7: {  	v59 =	vld [tilespmem:s12+$0xFFFFFED0];
	v36 =	vmul.f32 v36, v16;
	v28 =	vadd.f32 v28, v37;
	v30 =	vmul.f32 v38, v18  }
0x3d8: {  	v41 =	vld [tilespmem:s12+$0x40];
	v37 =	vadd.f32 v52, v62;
	v58 =	vmul.f32 v42, v18;
	v29 =	vadd.f32 v57, v29  }
0x3d9: {  	v62 =	vmul.f32 v55, v17;
	v52 =	vld [tilespmem:s12+$0xD0];
	v28 =	vadd.f32 v30, v28;
	v30 =	vmul.f32 v53, v18  }
0x3da: {  	v54 =	vmul.f32 v35, v17;
	v32 =	vadd.f32 v51, v39;
	v39 =	vld [tilespmem:s12+$0x140];
	v37 =	vadd.f32 v60, v37  }
0x3db: {  	v55 =	vld [tilespmem:s12+$0x1D0];
	v51 =	vmul.f32 v47, v17;
	v30 =	vadd.f32 v30, v31;
	v31 =	vmul.f32 v43, v17  }
0x3dc: {  	v24 =	vadd.f32 v62, v24;
	v57 =	vmul.f32 v44, v17;
	v60 =	vld [tilespmem:s12+$0xFFFFFEE0];
	v32 =	vadd.f32 v58, v32  }
0x3dd: {  	v62 =	vld [tilespmem:s12+$0xFFFFFF60];
	v27 =	vadd.f32 v51, v27;
	v25 =	vadd.f32 v31, v25;
	v31 =	vmul.f32 v48, v17  }
0x3de: {  	v53 =	vld [tilespmem:s12+$0x150];
	v59 =	vmul.f32 v59, v16;
	v33 =	vadd.f32 v57, v37;
	v24 =	vadd.f32 v36, v24  }
0x3df: {  	v58 =	vld [tilespmem:s12+$0xFFFFFE60];
	v41 =	vmul.f32 v41, v17;
	v28 =	vadd.f32 v31, v28;
	v31 =	vmul.f32 v39, v17  }
0x3e0: {  	v57 =	vld [tilespmem:s12+$0xFFFFFEF0];
	v46 =	vmul.f32 v52, v16;
	v35 =	vmul.f32 v55, v16;
	v32 =	vadd.f32 v54, v32  }
0x3e1: {  	v52 =	vld [tilespmem:s12+$0x1E0];
	v26 =	vadd.f32 v59, v26;
	v30 =	vadd.f32 v31, v30;
	v31 =	vmul.f32 v34, v16  }
0x3e2: {  	v50 =	vmul.f32 v56, v15;
	v27 =	vadd.f32 v61, v27;
	v59 =	vld [tilespmem:s12+$0xFFFFFFF0];
	v29 =	vadd.f32 v41, v29  }
0x3e3: {  	v48 =	vld [tilespmem:s12+$0x60];
	v33 =	vadd.f32 v35, v33;
	v25 =	vadd.f32 v31, v25;
	v31 =	vmul.f32 v63, v16  }
0x3e4: {  	(xrf2) =	vadd.scan.msk.f32 $0xffff, v23;
	v37 =	vmul.f32 v62, v15;
	v23 =	vadd.f32 v45, v29;
	v29 =	vadd.f32 v46, v32;
	v63 =	vld [tilespmem:s12+$0xFFFFFFE0]  }
0x3e5: {  	v51 =	vld [tilespmem:s12+$0x160];
	v32 =	vadd.f32 v50, v24;
	v28 =	vadd.f32 v31, v28;
	v31 =	vmul.f32 v53, v16  }
0x3e6: {  	v24 =	vmul.f32 v60, v15;
	v56 =	vadd.f32 v37, v27;
	v61 =	vmul.f32 v57, v13;
	v53 =	vld [tilespmem:s12+$0xFFFFFDF0]  }
0x3e7: {  	v54 =	vld [tilespmem:s12+$0xFFFFFE70];
	v35 =	vmul.f32 v52, v15;
	v30 =	vadd.f32 v31, v30;
	v31 =	vmul.f32 v58, v15  }
0x3e8: {  	v40 =	vadd.f32 v24, v26;
	v24 =	vmul.f32 v49, v15;
	v55 =	vmul.f32 v48, v15  }
0x3e9: {  	v41 =	vmul.f32 v59, v13;
	v58 =	vld [tilespmem:s12+$0xFFFFFF70];
	v31 =	vadd.f32 v31, v25;
	v25 =	vmul.f32 v63, v15  }
0x3ea: {  	s24 =	simm.s32 $0x0;
	v60 =	vld [tilespmem:s12+$0x70];
	v35 =	vadd.f32 v35, v33;
	v26 =	vadd.f32 v55, v23;
	v23 =	vmul.f32 v51, v15  }
0x3eb: {  	v38 =	vmul.f32 v53, v13;
	v27 =	vadd.f32 v25, v28;
	v28 =	vmov s24  }
0x3ec: {  	s21 =	simm.s32 $0x1;
	v25 =	vadd.f32 v24, v29;
	v24 =	vadd.f32 v23, v30;
	v23 =	vmul.f32 v54, v13;
	v29 =	vld [tilespmem:s12+$0xF0]  }
0x3ed: {  	v34 =	vand.u32 $0x6, v28;
	v30 =	vadd.f32 v38, v32;
	v32 =	vmov s21;
	s21 =	simm.s32 $0x2;
	v38 =	vld [tilespmem:s12+$0x170]  }
0x3ee: {  	s16 =	simm.s32 $0x12580;
	v39 =	vld [tilespmem:s12+$0x1F0];
	v36 =	vand.u32 $0x38, v28;
	v63 =	vmul.f32 v58, v13;
	v28 =	vmov s21;
	s21 =	simm.s32 $0x3  }
0x3ef: {  	v62, _, _ =	vpop (xrf2);
	v37 =	vld [tilespmem:s16+$0x200];
	v42 =	vmul.f32 v60, v13;
	v33 =	vadd.f32 v23, v31;
	v31 =	vmov s21;
	s21 =	simm.s32 $0x4;
	(xrf2) =	vadd.scan.msk.f32 $0xffff, v30  }
0x3f0: {  	s28 =	simm.s32 $0x14;
	s29 =	simm.s32 $0x5;
	[tilespmem:v22+s1+$0x0] =	vst.idx.msk vm0, v62;
	s12 =	simm.s32 $0xA;
	v23 =	vadd.f32 v61, v40;
	v40 =	vld [tilespmem:s16+$0x210];
	v22 =	vadd.f32 v63, v56;
	v30 =	vmov s21  }
.LBB2_8:
0x3f1: {  	p0 =	slt.u32 s28, $0x28;
	v43 =	vld [tilespmem:s16+$0xFFFFFD80];
	v27 =	vadd.f32 v41, v27;
	v41 =	vmov s29;
	s21 =	sadd.s32 $0x6, s24;
	v29 =	vmul.f32 v29, v13  }
0x3f2: {  	v44 =	vld [tilespmem:s16+$0x220];
	v26 =	vadd.f32 v42, v26;
	v42 =	vmov s21;
	v38 =	vmul.f32 v38, v13;
	(xrf2) =	vadd.scan.msk.f32 $0xffff, v33  }
0x3f3: {  	v36 =	vadd.s32 v14, v36;
	v33 =	vld [tilespmem:s16+$0xFFFFFD90];
	v25 =	vadd.f32 v29, v25;
	v29 =	vmul.f32 v39, v13  }
0x3f4: {  	v34 =	vor.u32 v34, v36;
	v36 =	vand.u32 $0x7, v32;
	v39 =	vld [tilespmem:s16+$0x230];
	v38 =	vadd.f32 v38, v24  }
0x3f5: {  	v37 =	vmul.f32 v37, v21;
	v45 =	vld [tilespmem:s16+$0xFFFFFE00];
	v40 =	vmul.f32 v40, v20;
	v24 =	vadd.f32 v29, v35;
	(xrf2) =	vadd.scan.msk.f32 $0xffff, v23  }
0x3f6: {  	v32 =	vand.u32 $0x38, v32;
	v35 =	vand.u32 $0x6, v28;
	v23 =	vmul.f32 v43, v21;
	v29 =	vld [tilespmem:s16+$0x240]  }
0x3f7: {  	v32 =	vadd.s32 v14, v32;
	v43 =	vld [tilespmem:s16+$0xFFFFFE10];
	v37 =	vadd.f32 v40, v37;
	v3 =	vmul.f32 v44, v19  }
0x3f8: {  	v32 =	vor.u32 v36, v32;
	v28 =	vand.u32 $0x78, v28;
	v33 =	vmul.f32 v33, v20;
	v44 =	vld [tilespmem:s16+$0x250];
	(xrf2) =	vadd.scan.msk.f32 $0xffff, v22  }
0x3f9: {  	v28 =	vadd.s32 v14, v28;
	v36 =	vld [tilespmem:s16+$0xFFFFFE80];
	v37 =	vadd.f32 v3, v37;
	v3 =	vmul.f32 v39, v18;
	v40, _, _ =	vpop (xrf2)  }
0x3fa: {  	v22 =	vadd.f32 v33, v23;
	v23 =	vmul.f32 v45, v21;
	v33 =	vld [tilespmem:s16+$0x260];
	[tilespmem:v34+s1+$0x0] =	vst.idx.msk vm0, v40;
	v34 =	vand.u32 $0x78, v31  }
0x3fb: {  	v28 =	vor.u32 v35, v28;
	v40 =	vld [tilespmem:s16+$0xFFFFFE90];
	v37 =	vadd.f32 v3, v37;
	v29 =	vmul.f32 v29, v17;
	(xrf2) =	vadd.scan.msk.f32 $0xffff, v27  }
0x3fc: {  	v31 =	vand.u32 $0x7, v31;
	v34 =	vadd.s32 v14, v34;
	v27 =	vmul.f32 v43, v20;
	v35 =	vld [tilespmem:s16+$0x270];
	v39, _, _ =	vpop (xrf2)  }
0x3fd: {  	v43 =	vld [tilespmem:s16+$0xFFFFFF00];
	v29 =	vadd.f32 v29, v37;
	v37 =	vmul.f32 v44, v16;
	[tilespmem:v32+s1+$0x0] =	vst.idx.msk vm0, v39;
	v32 =	vand.u32 $0x6, v30  }
0x3fe: {  	v31 =	vor.u32 v31, v34;
	v23 =	vadd.f32 v27, v23;
	v27 =	vmul.f32 v36, v21;
	v36 =	vld [tilespmem:s16+$0xFFFFFF10];
	(xrf2) =	vadd.scan.msk.f32 $0xffff, v26  }
0x3ff: {  	v30 =	vand.u32 $0x78, v30;
	v26 =	vld [tilespmem:s16+$0xFFFFFF80];
	v29 =	vadd.f32 v37, v29;
	v33 =	vmul.f32 v33, v15;
	v34, _, _ =	vpop (xrf2)  }
0x400: {  	v37 =	vmul.f32 v40, v20;
	v39 =	vld [tilespmem:s16+$0xFFFFFF90];
	[tilespmem:v28+s1+$0x0] =	vst.idx.msk vm0, v34;
	v28 =	vadd.s32 v14, v30;
	v30 =	vand.u32 $0x78, v41  }
0x401: {  	v34 =	vld [tilespmem:s16+$0x0];
	v29 =	vadd.f32 v33, v29;
	v33 =	vmul.f32 v35, v13;
	v28 =	vor.u32 v32, v28;
	(xrf2) =	vadd.scan.msk.f32 $0xffff, v25  }
0x402: {  	v30 =	vadd.s32 v14, v30;
	v25 =	vadd.f32 v37, v27;
	v27 =	vmul.f32 v43, v21;
	v32 =	vld [tilespmem:s16+$0x10];
	v35, _, _ =	vpop (xrf2)  }
0x403: {  	s21 =	sadd.s32 $0x7, s24;
	v36 =	vmul.f32 v36, v20;
	v37 =	vld [tilespmem:s16+$0x80];
	v29 =	vadd.f32 v33, v29;
	[tilespmem:v31+s1+$0x0] =	vst.idx.msk vm0, v35;
	v31 =	vand.u32 $0x7, v41  }
0x404: {  	v26 =	vmul.f32 v26, v21;
	v33 =	vld [tilespmem:s16+$0x90];
	v30 =	vor.u32 v31, v30;
	v31 =	vmov s21  }
0x405: {  	v27 =	vadd.f32 v36, v27;
	v35 =	vmul.f32 v39, v20;
	v36 =	vld [tilespmem:s16+$0x100];
	(xrf2) =	vadd.scan.msk.f32 $0xffff, v29;
	v29 =	vand.u32 $0x78, v42;
	v39, _, _ =	vpop (xrf2)  }
0x406: {  	v34 =	vmul.f32 v34, v21;
	v40 =	vld [tilespmem:s16+$0x110];
	[tilespmem:v28+s1+$0x0] =	vst.idx.msk vm0, v39;
	v28 =	vand.u32 $0x6, v42;
	v29 =	vadd.s32 v14, v29  }
0x407: {  	s29 =	sadd.s32 $0x8, s24;
	s24 =	smov.u32 s12;
	s21 =	sadd.s32 $0x9, s12;
	v26 =	vadd.f32 v35, v26;
	v32 =	vmul.f32 v32, v20;
	v35 =	vld [tilespmem:s16+$0x180];
	v28 =	vor.u32 v28, v29  }
0x408: {  	v41 =	vmov s29;
	s12 =	smov.u32 s28;
	v39 =	vmov s21;
	v29 =	vmul.f32 v37, v21;
	v37 =	vld [tilespmem:s16+$0x190];
	v42, _, _ =	vpop (xrf2);
	(xrf2) =	vadd.scan.msk.f32 $0xffff, v38  }
0x409: {  	v38 =	vld [tilespmem:s16+$0xFFFFFDA0];
	v32 =	vadd.f32 v32, v34;
	v33 =	vmul.f32 v33, v20;
	v34 =	vand.u32 $0x78, v39;
	[tilespmem:v30+s1+$0x0] =	vst.idx.msk vm0, v42  }
0x40a: {  	v3 =	vand.u32 $0x7, v39;
	v30 =	vld [tilespmem:s16+$0xFFFFFE20];
	v36 =	vmul.f32 v36, v21;
	v34 =	vadd.s32 v14, v34  }
0x40b: {  	v42 =	vld [tilespmem:s16+$0xFFFFFEA0];
	v29 =	vadd.f32 v33, v29;
	v33 =	vmul.f32 v40, v20;
	v34 =	vor.u32 v3, v34;
	v39, _, _ =	vpop (xrf2);
	(xrf2) =	vadd.scan.msk.f32 $0xffff, v24  }
0x40c: {  	v24 =	vld [tilespmem:s16+$0xFFFFFF20];
	v35 =	vmul.f32 v35, v21;
	[tilespmem:v28+s1+$0x0] =	vst.idx.msk vm0, v39;
	v28 =	vand.u32 $0x78, v31;
	v31 =	vand.u32 $0x7, v31  }
0x40d: {  	v39 =	vld [tilespmem:s16+$0xFFFFFFA0];
	v33 =	vadd.f32 v33, v36;
	v3 =	vmul.f32 v37, v20;
	v28 =	vadd.s32 v14, v28  }
0x40e: {  	v37 =	vmul.f32 v38, v19;
	v38 =	vld [tilespmem:s16+$0x20];
	v28 =	vor.u32 v31, v28;
	v31 =	vand.u32 $0x78, v41  }
0x40f: {  	v30 =	vmul.f32 v30, v19;
	v40 =	vld [tilespmem:s16+$0xA0];
	v35 =	vadd.f32 v3, v35;
	v36, _, _ =	vpop (xrf2);
	v31 =	vadd.s32 v14, v31  }
0x410: {  	v22 =	vadd.f32 v37, v22;
	v3 =	vmul.f32 v42, v19;
	v42 =	vld [tilespmem:s16+$0x120];
	[tilespmem:v34+s1+$0x0] =	vst.idx.msk vm0, v36;
	v34 =	vand.u32 $0x6, v41  }
0x411: {  	v23 =	vadd.f32 v30, v23;
	v24 =	vmul.f32 v24, v19;
	v30 =	vld [tilespmem:s16+$0x1A0];
	v31 =	vor.u32 v34, v31  }
0x412: {  	v34 =	vld [tilespmem:s16+$0xFFFFFDB0];
	v25 =	vadd.f32 v3, v25;
	v36 =	vmul.f32 v39, v19;
	v37, _, _ =	vpop (xrf2)  }
0x413: {  	v39 =	vld [tilespmem:s16+$0xFFFFFE30];
	v24 =	vadd.f32 v24, v27;
	v27 =	vmul.f32 v38, v19;
	[tilespmem:v28+s1+$0x0] =	vst.idx.msk vm0, v37  }
0x414: {  	v28 =	vld [tilespmem:s16+$0xFFFFFEB0];
	v26 =	vadd.f32 v36, v26;
	v36 =	vmul.f32 v40, v19  }
0x415: {  	v37 =	vld [tilespmem:s16+$0xFFFFFF30];
	v27 =	vadd.f32 v27, v32;
	v32 =	vmul.f32 v42, v19;
	v38, _, _ =	vpop (xrf2)  }
0x416: {  	v40 =	vld [tilespmem:s16+$0xFFFFFFB0];
	v29 =	vadd.f32 v36, v29;
	v30 =	vmul.f32 v30, v19;
	[tilespmem:v31+s1+$0x0] =	vst.idx.msk vm0, v38  }
0x417: {  	v31 =	vmul.f32 v34, v18;
	v34 =	vld [tilespmem:s16+$0x30];
	v32 =	vadd.f32 v32, v33  }
0x418: {  	v33 =	vmul.f32 v39, v18;
	v36 =	vld [tilespmem:s16+$0xB0];
	v30 =	vadd.f32 v30, v35  }
0x419: {  	v22 =	vadd.f32 v31, v22;
	v28 =	vmul.f32 v28, v18;
	v31 =	vld [tilespmem:s16+$0x130]  }
0x41a: {  	v23 =	vadd.f32 v33, v23;
	v33 =	vmul.f32 v37, v18;
	v35 =	vld [tilespmem:s16+$0x1B0]  }
0x41b: {  	v37 =	vld [tilespmem:s16+$0xFFFFFDC0];
	v25 =	vadd.f32 v28, v25;
	v28 =	vmul.f32 v40, v18  }
0x41c: {  	v38 =	vld [tilespmem:s16+$0xFFFFFE40];
	v24 =	vadd.f32 v33, v24;
	v33 =	vmul.f32 v34, v18  }
0x41d: {  	v34 =	vld [tilespmem:s16+$0xFFFFFEC0];
	v26 =	vadd.f32 v28, v26;
	v28 =	vmul.f32 v36, v18  }
0x41e: {  	v36 =	vld [tilespmem:s16+$0xFFFFFF40];
	v27 =	vadd.f32 v33, v27;
	v31 =	vmul.f32 v31, v18  }
0x41f: {  	v33 =	vld [tilespmem:s16+$0xFFFFFFC0];
	v28 =	vadd.f32 v28, v29;
	v29 =	vmul.f32 v35, v18  }
0x420: {  	v35 =	vmul.f32 v37, v17;
	v37 =	vld [tilespmem:s16+$0x40];
	v31 =	vadd.f32 v31, v32  }
0x421: {  	v32 =	vmul.f32 v38, v17;
	v38 =	vld [tilespmem:s16+$0xC0];
	v29 =	vadd.f32 v29, v30  }
0x422: {  	v22 =	vadd.f32 v35, v22;
	v30 =	vmul.f32 v34, v17;
	v34 =	vld [tilespmem:s16+$0x140]  }
0x423: {  	v23 =	vadd.f32 v32, v23;
	v32 =	vmul.f32 v36, v17;
	v35 =	vld [tilespmem:s16+$0x1C0]  }
0x424: {  	v36 =	vld [tilespmem:s16+$0xFFFFFDD0];
	v25 =	vadd.f32 v30, v25;
	v30 =	vmul.f32 v33, v17  }
0x425: {  	v33 =	vld [tilespmem:s16+$0xFFFFFE50];
	v24 =	vadd.f32 v32, v24;
	v32 =	vmul.f32 v37, v17  }
0x426: {  	v37 =	vld [tilespmem:s16+$0xFFFFFED0];
	v26 =	vadd.f32 v30, v26;
	v30 =	vmul.f32 v38, v17  }
0x427: {  	v38 =	vld [tilespmem:s16+$0xFFFFFF50];
	v27 =	vadd.f32 v32, v27;
	v32 =	vmul.f32 v34, v17  }
0x428: {  	v34 =	vld [tilespmem:s16+$0xFFFFFFD0];
	v28 =	vadd.f32 v30, v28;
	v30 =	vmul.f32 v35, v17  }
0x429: {  	v35 =	vmul.f32 v36, v16;
	v36 =	vld [tilespmem:s16+$0x50];
	v31 =	vadd.f32 v32, v31  }
0x42a: {  	v32 =	vmul.f32 v33, v16;
	v33 =	vld [tilespmem:s16+$0xD0];
	v29 =	vadd.f32 v30, v29  }
0x42b: {  	v22 =	vadd.f32 v35, v22;
	v30 =	vmul.f32 v37, v16;
	v35 =	vld [tilespmem:s16+$0x150]  }
0x42c: {  	v23 =	vadd.f32 v32, v23;
	v32 =	vmul.f32 v38, v16;
	v37 =	vld [tilespmem:s16+$0x1D0]  }
0x42d: {  	v38 =	vld [tilespmem:s16+$0xFFFFFDE0];
	v25 =	vadd.f32 v30, v25;
	v30 =	vmul.f32 v34, v16  }
0x42e: {  	v34 =	vld [tilespmem:s16+$0xFFFFFE60];
	v24 =	vadd.f32 v32, v24;
	v32 =	vmul.f32 v36, v16  }
0x42f: {  	v36 =	vld [tilespmem:s16+$0xFFFFFEE0];
	v26 =	vadd.f32 v30, v26;
	v30 =	vmul.f32 v33, v16  }
0x430: {  	v33 =	vld [tilespmem:s16+$0xFFFFFF60];
	v32 =	vadd.f32 v32, v27;
	v27 =	vmul.f32 v35, v16  }
0x431: {  	v35 =	vld [tilespmem:s16+$0xFFFFFFE0];
	v28 =	vadd.f32 v30, v28;
	v30 =	vmul.f32 v37, v16  }
0x432: {  	v37 =	vmul.f32 v38, v15;
	v38 =	vld [tilespmem:s16+$0x60];
	v31 =	vadd.f32 v27, v31  }
0x433: {  	v27 =	vmul.f32 v34, v15;
	v34 =	vld [tilespmem:s16+$0xE0];
	v30 =	vadd.f32 v30, v29  }
0x434: {  	v22 =	vadd.f32 v37, v22;
	v29 =	vmul.f32 v36, v15;
	v36 =	vld [tilespmem:s16+$0x160]  }
0x435: {  	v23 =	vadd.f32 v27, v23;
	v27 =	vmul.f32 v33, v15;
	v33 =	vld [tilespmem:s16+$0x1E0]  }
0x436: {  	v37 =	vld [tilespmem:s16+$0xFFFFFDF0];
	v40 =	vadd.f32 v29, v25;
	v25 =	vmul.f32 v35, v15  }
0x437: {  	v29 =	vld [tilespmem:s16+$0xFFFFFE70];
	v42 =	vadd.f32 v27, v24;
	v24 =	vmul.f32 v38, v15  }
0x438: {  	v38 =	vld [tilespmem:s16+$0xFFFFFEF0];
	v27 =	vadd.f32 v25, v26;
	v25 =	vmul.f32 v34, v15  }
0x439: {  	v39 =	vld [tilespmem:s16+$0xFFFFFF70];
	v26 =	vadd.f32 v24, v32;
	v24 =	vmul.f32 v36, v15  }
0x43a: {  	v32 =	vmov s24;
	v41 =	vld [tilespmem:s16+$0xFFFFFFF0];
	v25 =	vadd.f32 v25, v28;
	v28 =	vmul.f32 v33, v15  }
0x43b: {  	v34 =	vand.u32 $0x6, v32;
	v33 =	vmul.f32 v37, v13;
	v43 =	vld [tilespmem:s16+$0x70];
	v24 =	vadd.f32 v24, v31  }
.Ltmp2:
0x43c: {  	s21 =	sadd.s32 $0x1, s24;
	v36 =	vand.u32 $0x38, v32;
	v31 =	vmul.f32 v29, v13;
	v29 =	vld [tilespmem:s16+$0xF0];
	v35 =	vadd.f32 v28, v30;
	(pc) =	sbr.rel @p0 .LBB2_8-.Ltmp2, $4  }
0x43d: {  	v32 =	vmov s21;
	s21 =	sadd.s32 $0x2, s24;
	v22 =	vadd.f32 v33, v22;
	v30 =	vmul.f32 v38, v13;
	v38 =	vld [tilespmem:s16+$0x170]  }
0x43e: {  	v28 =	vmov s21;
	s21 =	sadd.s32 $0x3, s24;
	v33 =	vadd.f32 v31, v23;
	v44 =	vmul.f32 v39, v13;
	v39 =	vld [tilespmem:s16+$0x1F0];
	s16 =	sadd.s32 $0x500, s16  }
0x43f: {  	v31 =	vmov s21;
	s21 =	sadd.s32 $0x4, s24;
	v37 =	vld [tilespmem:s16+$0x200];
	v23 =	vadd.f32 v30, v40;
	v41 =	vmul.f32 v41, v13;
	(xrf2) =	vadd.scan.msk.f32 $0xffff, v22  }
0x440: {  	s29 =	sadd.s32 $0x5, s24;
	s28 =	sadd.s32 $0xA, s28;
	v30 =	vmov s21;
	v40 =	vld [tilespmem:s16+$0x210];
	v22 =	vadd.f32 v44, v42;
	v42 =	vmul.f32 v43, v13  }
0x441: {  	v43 =	vld [tilespmem:s16+$0xFFFFFD80]  }
0x442: {  	v44 =	vld [tilespmem:s16+$0x220]  }
0x443: {  	v45 =	vld [tilespmem:s16+$0xFFFFFD90]  }
0x444: {  	v46 =	vld [tilespmem:s16+$0x230]  }
0x445: {  	v47 =	vld [tilespmem:s16+$0xFFFFFE00]  }
0x446: {  	v48 =	vld [tilespmem:s16+$0x240]  }
0x447: {  	v49 =	vld [tilespmem:s16+$0xFFFFFE10]  }
0x448: {  	v50 =	vld [tilespmem:s16+$0x250]  }
0x449: {  	v51 =	vld [tilespmem:s16+$0xFFFFFE80]  }
0x44a: {  	v52 =	vld [tilespmem:s16+$0x260]  }
0x44b: {  	v53 =	vld [tilespmem:s16+$0xFFFFFE90]  }
0x44c: {  	v54 =	vld [tilespmem:s16+$0x270]  }
0x44d: {  	v55 =	vld [tilespmem:s16+$0xFFFFFF00]  }
0x44e: {  	v56 =	vmov s29;
	v58 =	vld [tilespmem:s16+$0xFFFFFF10]  }
0x44f: {  	v57 =	vmul.f32 v29, v13;
	v29 =	vadd.f32 v41, v27;
	v36 =	vadd.s32 v14, v36;
	v59 =	vld [tilespmem:s16+$0x0]  }
0x450: {  	s21 =	sadd.s32 $0x6, s24;
	v63 =	vand.u32 $0x7, v32;
	v61 =	vand.u32 $0x38, v32;
	v3 =	vld [tilespmem:s16+$0xFFFFFF30];
	v27 =	vadd.f32 v42, v26  }
0x451: {  	v4 =	vld [tilespmem:s16+$0xFFFFFFB0];
	v41 =	vmov s21;
	v38 =	vmul.f32 v38, v13;
	v36 =	vor.u32 v34, v36  }
0x452: {  	v42 =	vld [tilespmem:s16+$0xFFFFFF80];
	v32 =	vadd.s32 v14, v61;
	v61 =	vand.u32 $0x78, v31;
	v39 =	vmul.f32 v39, v13  }
0x453: {  	v34 =	vld [tilespmem:s16+$0x100];
	v31 =	vand.u32 $0x7, v31;
	v26 =	vadd.f32 v57, v25;
	v25 =	vadd.f32 v38, v24  }
0x454: {  	v57 =	vld [tilespmem:s16+$0xFFFFFF90];
	v37 =	vmul.f32 v37, v21;
	v60 =	vmul.f32 v40, v20;
	v24 =	vadd.f32 v39, v35  }
0x455: {  	v40 =	vld [tilespmem:s16+$0x10];
	v35 =	vmul.f32 v43, v21;
	v38 =	vmul.f32 v44, v19;
	v44 =	vand.u32 $0x6, v28  }
0x456: {  	v39 =	vld [tilespmem:s16+$0x80];
	v45 =	vmul.f32 v45, v20;
	v28 =	vand.u32 $0x78, v28;
	v37 =	vadd.f32 v60, v37  }
0x457: {  	v43 =	vld [tilespmem:s16+$0x90];
	v60 =	vor.u32 v63, v32;
	v63 =	vmul.f32 v46, v18;
	v28 =	vadd.s32 v14, v28  }
0x458: {  	v28 =	vor.u32 v44, v28;
	v44 =	vmul.f32 v49, v20;
	v49 =	vld [tilespmem:s16+$0xFFFFFDA0];
	v62 =	vadd.f32 v38, v37  }
0x459: {  	(xrf2) =	vadd.scan.msk.f32 $0xffff, v33;
	v33 =	vand.u32 $0x78, v41;
	v45 =	vadd.f32 v45, v35;
	v35 =	vmul.f32 v47, v21;
	v38 =	vld [tilespmem:s16+$0x110]  }
0x45a: {  	v41 =	vand.u32 $0x6, v41;
	v46 =	vld [tilespmem:s16+$0x180];
	v32 =	vadd.f32 v63, v62;
	v62 =	vmul.f32 v48, v17  }
0x45b: {  	v33 =	vadd.s32 v14, v33;
	v44 =	vadd.f32 v44, v35;
	v35 =	vmul.f32 v51, v21;
	v51 =	vld [tilespmem:s16+$0xFFFFFEA0]  }
0x45c: {  	v54 =	vmul.f32 v54, v13;
	v37 =	vmul.f32 v50, v16;
	v50 =	vld [tilespmem:s16+$0xFFFFFE20];
	v32 =	vadd.f32 v62, v32  }
0x45d: {  	v5 =	vmul.f32 v34, v21;
	v47 =	vadd.s32 v14, v61;
	v61 =	vand.u32 $0x6, v30;
	v48 =	vld [tilespmem:s16+$0x190]  }
0x45e: {  	v63 =	vld [tilespmem:s16+$0x20];
	v49 =	vmul.f32 v49, v19;
	v38 =	vmul.f32 v38, v20;
	v32 =	vadd.f32 v37, v32  }
0x45f: {  	v62 =	vld [tilespmem:s16+$0xFFFFFF20];
	v37 =	vmul.f32 v52, v15;
	v52 =	vand.u32 $0x78, v30;
	v30 =	vor.u32 v31, v47  }
0x460: {  	v31 =	vmul.f32 v53, v20;
	v45 =	vadd.f32 v49, v45;
	v49 =	vmul.f32 v51, v19;
	v51 =	vld [tilespmem:s16+$0xFFFFFEC0]  }
0x461: {  	v53 =	vand.u32 $0x78, v56;
	v47 =	vadd.s32 v14, v52;
	v52 =	vld [tilespmem:s16+$0xFFFFFFA0];
	v5 =	vadd.f32 v38, v5  }
0x462: {  	v38 =	vmul.f32 v48, v20;
	v37 =	vadd.f32 v37, v32;
	v32 =	vor.u32 v61, v47;
	v61 =	vld [tilespmem:s16+$0xA0]  }
0x463: {  	v48, _, _ =	vpop (xrf2);
	v47 =	vadd.f32 v31, v35;
	v31 =	vadd.s32 v14, v53;
	v53 =	vmul.f32 v58, v20;
	v58 =	vld [tilespmem:s16+$0x120]  }
0x464: {  	v55 =	vmul.f32 v55, v21;
	v56 =	vand.u32 $0x7, v56;
	[tilespmem:v36+s1+$0x0] =	vst.idx.msk vm0, v48;
	v48 =	vmul.f32 v50, v19;
	v50 =	vld [tilespmem:s16+$0xFFFFFE40]  }
0x465: {  	v40 =	vmul.f32 v40, v20;
	v39 =	vmul.f32 v39, v21;
	v31 =	vor.u32 v56, v31;
	v56 =	vld [tilespmem:s16+$0xFFFFFDB0]  }
0x466: {  	v43 =	vmul.f32 v43, v20;
	v35 =	vadd.f32 v54, v37;
	v37 =	vmul.f32 v42, v21;
	v42 =	vld [tilespmem:s16+$0x1A0]  }
0x467: {  	s29 =	sadd.s32 $0x7, s24;
	v53 =	vadd.f32 v53, v55;
	v55 =	vmul.f32 v57, v20;
	v57 =	vmul.f32 v59, v21;
	v59 =	vld [tilespmem:s16+$0xFFFFFE30]  }
0x468: {  	v39 =	vadd.f32 v43, v39;
	v54 =	vmov s29;
	v47 =	vadd.f32 v49, v47;
	v49 =	vld [tilespmem:s16+$0x140]  }
0x469: {  	v21 =	vmul.f32 v46, v21;
	v43 =	vand.u32 $0x78, v54;
	v46 =	vand.u32 $0x7, v54;
	v54 =	vld [tilespmem:s16+$0x130]  }
0x46a: {  	s29 =	sadd.s32 $0x9, s12;
	v44 =	vadd.f32 v48, v44;
	v48 =	vmul.f32 v62, v19;
	v37 =	vadd.f32 v55, v37;
	v55 =	vld [tilespmem:s16+$0xFFFFFEB0]  }
0x46b: {  	v33 =	vor.u32 v41, v33;
	v41 =	vmov s29;
	v20 =	vadd.s32 v14, v43;
	v43 =	vld [tilespmem:s16+$0x1B0]  }
0x46c: {  	v40 =	vadd.f32 v40, v57;
	v57 =	vand.u32 $0x78, v41;
	v48 =	vadd.f32 v48, v53;
	v53 =	vld [tilespmem:s16+$0x40]  }
0x46d: {  	v34 =	vand.u32 $0x7, v41;
	v41 =	vadd.s32 v14, v57;
	v57 =	vld [tilespmem:s16+$0x30]  }
0x46e: {  	v3 =	vmul.f32 v3, v18;
	v4 =	vmul.f32 v4, v18;
	s29 =	sadd.s32 $0x8, s24;
	v20 =	vor.u32 v46, v20;
	v46 =	vld [tilespmem:s16+$0xFFFFFDC0]  }
0x46f: {  	v63 =	vmul.f32 v63, v19;
	v6 =	vmov s29;
	v34 =	vor.u32 v34, v41;
	v41 =	vld [tilespmem:s16+$0xB0]  }
0x470: {  	v38 =	vadd.f32 v38, v21;
	v36 =	vand.u32 $0x78, v6;
	v21, _, _ =	vpop (xrf2);
	v3 =	vadd.f32 v3, v48;
	v48 =	vld [tilespmem:s16+$0xFFFFFED0]  }
0x471: {  	v6 =	vand.u32 $0x6, v6;
	v61 =	vmul.f32 v61, v19;
	v36 =	vadd.s32 v14, v36;
	[tilespmem:v60+s1+$0x0] =	vst.idx.msk vm0, v21;
	v60 =	vld [tilespmem:s16+$0xFFFFFF40]  }
0x472: {  	v62 =	vmul.f32 v58, v19;
	v21 =	vor.u32 v6, v36;
	v6 =	vmul.f32 v52, v19;
	v52 =	vld [tilespmem:s16+$0xFFFFFFC0]  }
0x473: {  	v36 =	vadd.f32 v63, v40;
	v40 =	vld [tilespmem:s16+$0xC0];
	v39 =	vadd.f32 v61, v39;
	v63 =	vmul.f32 v56, v18  }
0x474: {  	v19 =	vmul.f32 v42, v19;
	v5 =	vadd.f32 v62, v5;
	v56 =	vld [tilespmem:s16+$0x1C0];
	v55 =	vmul.f32 v55, v18  }
0x475: {  	v61 =	vmul.f32 v59, v18;
	v42 =	vld [tilespmem:s16+$0xFFFFFDD0];
	v6 =	vadd.f32 v6, v37;
	v62 =	vadd.f32 v63, v45  }
0x476: {  	v45 =	vld [tilespmem:s16+$0xFFFFFE50];
	v63 =	vadd.f32 v55, v47;
	v55 =	vmul.f32 v57, v18;
	v41 =	vmul.f32 v41, v18  }
0x477: {  	v4 =	vadd.f32 v4, v6;
	v6 =	vmul.f32 v54, v18;
	v18 =	vmul.f32 v43, v18;
	v43 =	vld [tilespmem:s16+$0xFFFFFF50]  }
0x478: {  	(xrf2) =	vadd.scan.msk.f32 $0xffff, v23;
	v19 =	vadd.f32 v19, v38;
	v57 =	vmul.f32 v46, v17;
	v46 =	vld [tilespmem:s16+$0xFFFFFFD0]  }
0x479: {  	(xrf2) =	vadd.scan.msk.f32 $0xffff, v22;
	v54 =	vld [tilespmem:s16+$0xFFFFFDE0]  }
0x47a: {  	v58 =	vmul.f32 v51, v17;
	v37 =	vadd.f32 v61, v44;
	v18 =	vadd.f32 v18, v19;
	v19 =	vld [tilespmem:s16+$0x50]  }
0x47b: {  	v61 =	vmul.f32 v53, v17;
	v5 =	vadd.f32 v6, v5;
	v6 =	vmul.f32 v50, v17;
	v50 =	vld [tilespmem:s16+$0xD0]  }
0x47c: {  	v53 =	vmul.f32 v49, v17;
	v59 =	vmul.f32 v60, v17;
	v38 =	vadd.f32 v57, v62;
	v62 =	vld [tilespmem:s16+$0x150]  }
0x47d: {  	v60 =	vmul.f32 v52, v17;
	v39 =	vadd.f32 v41, v39;
	v41 =	vadd.f32 v58, v63;
	v63 =	vld [tilespmem:s16+$0x1D0]  }
0x47e: {  	(xrf2) =	vadd.scan.msk.f32 $0xffff, v29;
	v40 =	vmul.f32 v40, v17;
	v36 =	vadd.f32 v55, v36;
	v17 =	vmul.f32 v56, v17;
	v56 =	vld [tilespmem:s16+$0xFFFFFE60]  }
0x47f: {  	(xrf2) =	vadd.scan.msk.f32 $0xffff, v27;
	v58 =	vld [tilespmem:s16+$0xFFFFFEE0];
	v3 =	vadd.f32 v59, v3;
	v4 =	vadd.f32 v60, v4  }
0x480: {  	(xrf2) =	vadd.scan.msk.f32 $0xffff, v26;
	v55 =	vmul.f32 v42, v16;
	v42 =	vld [tilespmem:s16+$0xFFFFFDF0];
	v6 =	vadd.f32 v6, v37;
	v36 =	vadd.f32 v61, v36  }
0x481: {  	(xrf2) =	vadd.scan.msk.f32 $0xffff, v35;
	v57 =	vmul.f32 v48, v16;
	v59 =	vld [tilespmem:s16+$0xFFFFFF60];
	v39 =	vadd.f32 v40, v39;
	v5 =	vadd.f32 v53, v5  }
0x482: {  	s24 =	sadd.s32 $0x1, s12;
	(xrf2) =	vadd.scan.msk.f32 $0xffff, v25;
	v23 =	vmul.f32 v45, v16;
	v60 =	vld [tilespmem:s16+$0xFFFFFFE0];
	v45, _, _ =	vpop (xrf2);
	v17 =	vadd.f32 v17, v18;
	v18 =	vadd.f32 v55, v38  }
0x483: {  	v25 =	vmov s24;
	v61 =	vld [tilespmem:s16+$0x60];
	[tilespmem:v28+s1+$0x0] =	vst.idx.msk vm0, v45;
	v28, _, _ =	vpop (xrf2);
	v22 =	vmul.f32 v43, v16;
	v29 =	vmul.f32 v46, v16  }
0x484: {  	v47 =	vmov s12;
	v43 =	vld [tilespmem:s16+$0xFFFFFE70];
	[tilespmem:v30+s1+$0x0] =	vst.idx.msk vm0, v28;
	v6 =	vadd.f32 v23, v6;
	v19 =	vmul.f32 v19, v16  }
0x485: {  	v30 =	vld [tilespmem:s16+$0x70];
	v3 =	vadd.f32 v22, v3;
	v22 =	vmul.f32 v50, v16;
	v27 =	vmul.f32 v62, v16  }
0x486: {  	v4 =	vadd.f32 v29, v4;
	v16 =	vmul.f32 v63, v16;
	v29 =	vld [tilespmem:s16+$0xE0];
	v62 =	vmul.f32 v54, v15  }
0x487: {  	v23 =	vadd.f32 v57, v41;
	v63 =	vld [tilespmem:s16+$0x160];
	v26 =	vmul.f32 v56, v15;
	v28 =	vmul.f32 v42, v13  }
0x488: {  	v5 =	vadd.f32 v27, v5;
	v16 =	vadd.f32 v16, v17;
	v17 =	vld [tilespmem:s16+$0x1E0];
	v27 =	vmul.f32 v58, v15  }
0x489: {  	v50 =	vld [tilespmem:s16+$0xF0];
	v19 =	vadd.f32 v19, v36;
	v6 =	vadd.f32 v26, v6;
	v26 =	vmul.f32 v60, v15  }
0x48a: {  	v41 =	vmul.f32 v59, v15;
	v18 =	vadd.f32 v62, v18;
	v23 =	vadd.f32 v27, v23;
	v27 =	vld [tilespmem:s16+$0xFFFFFEF0]  }
0x48b: {  	v22 =	vadd.f32 v22, v39;
	v44 =	vmul.f32 v61, v15;
	v4 =	vadd.f32 v26, v4;
	v26 =	vld [tilespmem:s16+$0xFFFFFF70]  }
0x48c: {  	v49 =	vmul.f32 v43, v13;
	v18 =	vadd.f32 v28, v18;
	v28 =	vld [tilespmem:s16+$0x170];
	v29 =	vmul.f32 v29, v15  }
0x48d: {  	v3 =	vadd.f32 v41, v3;
	v46 =	vmul.f32 v63, v15;
	v15 =	vmul.f32 v17, v15  }
0x48e: {  	v48 =	vld [tilespmem:s16+$0xFFFFFFF0];
	v30 =	vmul.f32 v30, v13;
	v19 =	vadd.f32 v44, v19;
	v6 =	vadd.f32 v49, v6;
	v17, _, _ =	vpop (xrf2)  }
0x48f: {  	v53 =	vmul.f32 v50, v13;
	v22 =	vadd.f32 v29, v22;
	v15 =	vadd.f32 v15, v16;
	v16, _, _ =	vpop (xrf2)  }
0x490: {  	v29 =	vand.u32 $0x6, v47;
	v5 =	vadd.f32 v46, v5;
	v27 =	vmul.f32 v27, v13;
	[tilespmem:v31+s1+$0x0] =	vst.idx.msk vm0, v16;
	v31 =	vld [tilespmem:s16+$0x1F0]  }
0x491: {  	s29 =	sadd.s32 $0x2, s12;
	s24 =	sadd.s32 $0x3, s12;
	[tilespmem:v32+s1+$0x0] =	vst.idx.msk vm0, v17;
	v17 =	vand.u32 $0x38, v47;
	v26 =	vmul.f32 v26, v13;
	v28 =	vmul.f32 v28, v13  }
0x492: {  	v16 =	vmov s29;
	v51, _, _ =	vpop (xrf2);
	(xrf2) =	vadd.scan.msk.f32 $0xffff, v24;
	v24 =	vmov s24;
	s29 =	sadd.s32 $0x4, s12;
	v23 =	vadd.f32 v27, v23  }
0x493: {  	s24 =	sadd.s32 $0x6, s12;
	v27 =	vmul.f32 v48, v13;
	v3 =	vadd.f32 v26, v3;
	v26 =	vmov s29  }
0x494: {  	(xrf2) =	vadd.scan.msk.f32 $0xffff, v18;
	v18 =	vadd.f32 v30, v19;
	v19 =	vmov s24;
	v5 =	vadd.f32 v28, v5  }
0x495: {  	s21 =	sadd.s32 $0x5, s12;
	(xrf2) =	vadd.scan.msk.f32 $0xffff, v6;
	v6 =	vadd.s32 v14, v17;
	v17 =	vadd.f32 v53, v22;
	v13 =	vmul.f32 v31, v13  }
0x496: {  	[tilespmem:v33+s1+$0x0] =	vst.idx.msk vm0, v51;
	v22 =	vand.u32 $0x7, v25;
	v4 =	vadd.f32 v27, v4;
	v27 =	vmov s21  }
0x497: {  	v6 =	vor.u32 v29, v6;
	(xrf2) =	vadd.scan.msk.f32 $0xffff, v23;
	v13 =	vadd.f32 v13, v15;
	v15 =	vand.u32 $0x38, v25  }
0x498: {  	v23 =	vand.u32 $0x78, v16;
	(xrf2) =	vadd.scan.msk.f32 $0xffff, v3;
	v3 =	vand.u32 $0x6, v16;
	v15 =	vadd.s32 v14, v15  }
0x499: {  	v16 =	vadd.s32 v14, v23;
	(xrf2) =	vadd.scan.msk.f32 $0xffff, v4;
	v4 =	vor.u32 v22, v15;
	v15 =	vand.u32 $0x78, v24  }
0x49a: {  	v3 =	vor.u32 v3, v16;
	v16 =	vand.u32 $0x7, v24;
	(xrf2) =	vadd.scan.msk.f32 $0xffff, v18;
	v15 =	vadd.s32 v14, v15  }
0x49b: {  	v52, _, _ =	vpop (xrf2);
	(xrf2) =	vadd.scan.msk.f32 $0xffff, v17;
	v17 =	vand.u32 $0x78, v27;
	v15 =	vor.u32 v16, v15;
	v16 =	vand.u32 $0x78, v26  }
0x49c: {  	v18 =	vand.u32 $0x6, v26;
	(xrf2) =	vadd.scan.msk.f32 $0xffff, v5;
	v5, _, _ =	vpop (xrf2);
	v17 =	vadd.s32 v14, v17;
	v16 =	vadd.s32 v14, v16  }
0x49d: {  	v22 =	vand.u32 $0x7, v27;
	(xrf2) =	vadd.scan.msk.f32 $0xffff, v13;
	[tilespmem:v20+s1+$0x0] =	vst.idx.msk vm0, v5;
	v5 =	vor.u32 v18, v16  }
0x49e: {  	s29 =	sadd.s32 $0x7, s12;
	[tilespmem:v34+s1+$0x0] =	vst.idx.msk vm0, v52;
	v13, _, _ =	vpop (xrf2);
	v16 =	vor.u32 v22, v17;
	v17 =	vand.u32 $0x78, v19;
	v19 =	vand.u32 $0x6, v19  }
0x49f: {  	s16 =	sadd.s32 $0x8, s12;
	[tilespmem:v21+s1+$0x0] =	vst.idx.msk vm0, v13;
	v13 =	vmov s29;
	v18, _, _ =	vpop (xrf2);
	v17 =	vadd.s32 v14, v17  }
0x4a0: {  	v20, _, _ =	vpop (xrf2);
	[tilespmem:v6+s1+$0x0] =	vst.idx.msk vm0, v18;
	v18 =	vand.u32 $0x78, v13;
	v6 =	vor.u32 v19, v17;
	v17 =	vmov s16  }
0x4a1: {  	[tilespmem:v4+s1+$0x0] =	vst.idx.msk vm0, v20;
	v4 =	vand.u32 $0x7, v13;
	v13 =	vadd.s32 v14, v18;
	v19, _, _ =	vpop (xrf2);
	v18 =	vand.u32 $0x78, v17  }
0x4a2: {  	v20, _, _ =	vpop (xrf2);
	[tilespmem:v3+s1+$0x0] =	vst.idx.msk vm0, v19;
	v3 =	vor.u32 v4, v13;
	v4 =	vadd.s32 v14, v18;
	v13 =	vand.u32 $0x6, v17  }
0x4a3: {  	v14, _, _ =	vpop (xrf2);
	[tilespmem:v15+s1+$0x0] =	vst.idx.msk vm0, v20;
	v4 =	vor.u32 v13, v4  }
0x4a4: {  	[tilespmem:v5+s1+$0x0] =	vst.idx.msk vm0, v14;
	v5, _, _ =	vpop (xrf2)  }
0x4a5: {  	[tilespmem:v16+s1+$0x0] =	vst.idx.msk vm0, v5;
	v5, _, _ =	vpop (xrf2)  }
0x4a6: {  	[tilespmem:v6+s1+$0x0] =	vst.idx.msk vm0, v5;
	v5, _, _ =	vpop (xrf2)  }
0x4a7: {  	[tilespmem:v3+s1+$0x0] =	vst.idx.msk vm0, v5;
	v3, _, _ =	vpop (xrf2)  }
0x4a8: {  	[tilespmem:v4+s1+$0x0] =	vst.idx.msk vm0, v3  }
0x4a9: {  	v3 =	vld [tilespmem:s9+$0x468];
	_ =	sdelay $0x4  }
0x4aa: {  	v3 =	vand.u32 $0xF, v3  }
0x4ab: {  	v3 =	vor.u32 v0, v3;
	_ =	sdelay $0x4  }
0x4ac: {  	v3 =	vld.idx.msk [tilespmem:v3+s13+$0x0], $0xffff;
	_ =	sdelay $0x1  }
0x4ad: {  	s11 =	smul.u32 $0xE0, s11;
	_ =	sdelay $0x1  }
0x4ae: {  	s11 =	sshra.s32 s11, $0x2  }
0x4af: {  	[tilespmem:s11+$0x166D0] =	vst v3  }
0x4b0: {  	v3 =	vld [tilespmem:s9+$0x478];
	_ =	sdelay $0x4  }
0x4b1: {  	v3 =	vand.u32 $0xF, v3  }
0x4b2: {  	v3 =	vor.u32 v1, v3;
	_ =	sdelay $0x4  }
0x4b3: {  	v3 =	vld.idx.msk [tilespmem:v3+s13+$0x0], $0xffff;
	_ =	sdelay $0x4  }
0x4b4: {  	[tilespmem:s11+$0x166E0] =	vst v3  }
0x4b5: {  	v3 =	vld [tilespmem:s9+$0x488];
	_ =	sdelay $0x4  }
0x4b6: {  	v3 =	vand.u32 $0xF, v3  }
0x4b7: {  	v3 =	vor.u32 v2, v3;
	_ =	sdelay $0x4  }
0x4b8: {  	v3 =	vld.idx.msk [tilespmem:v3+s13+$0x0], $0xffff;
	_ =	sdelay $0x4  }
0x4b9: {  	[tilespmem:s11+$0x166F0] =	vst v3  }
0x4ba: {  	v3 =	vld [tilespmem:s9+$0x48A];
	_ =	sdelay $0x4  }
0x4bb: {  	v3 =	vand.u32 $0xF, v3  }
0x4bc: {  	v3 =	vor.u32 v8, v3;
	_ =	sdelay $0x4  }
0x4bd: {  	v3 =	vld.idx.msk [tilespmem:v3+s13+$0x0], $0xffff;
	_ =	sdelay $0x3  }
0x4be: {  	s10 =	sor.u32 $0x3, s10  }
0x4bf: {  	s21 =	sshll.u32 s10, $0x7;
	[tilespmem:s11+$0x166F2] =	vst v3  }
0x4c0: {  	v21 =	vld [tilespmem:s21+$0x6C00]  }
0x4c1: {  	v20 =	vld [tilespmem:s21+$0x6C10]  }
0x4c2: {  	v3 =	vld [tilespmem:s21+$0xAC00]  }
0x4c3: {  	v4 =	vld [tilespmem:s21+$0xAC10]  }
0x4c4: {  	v19 =	vld [tilespmem:s21+$0x6C20]  }
0x4c5: {  	v5 =	vld [tilespmem:s21+$0xAC20]  }
0x4c6: {  	v18 =	vld [tilespmem:s21+$0x6C30]  }
0x4c7: {  	v6 =	vld [tilespmem:s21+$0xAC30]  }
0x4c8: {  	v17 =	vld [tilespmem:s21+$0x6C40];
	v3 =	vmul.f32 v3, v21;
	v4 =	vmul.f32 v4, v20  }
0x4c9: {  	v14 =	vld [tilespmem:s21+$0xAC40]  }
0x4ca: {  	v16 =	vld [tilespmem:s21+$0x6C50];
	v3 =	vadd.f32 v4, v3;
	v4 =	vmul.f32 v5, v19  }
0x4cb: {  	v5 =	vld [tilespmem:s21+$0xAC50]  }
0x4cc: {  	v15 =	vld [tilespmem:s21+$0x6C60];
	v3 =	vadd.f32 v4, v3;
	v4 =	vmul.f32 v6, v18  }
0x4cd: {  	v6 =	vld [tilespmem:s21+$0xAC60]  }
0x4ce: {  	v13 =	vld [tilespmem:s21+$0x6C70];
	v3 =	vadd.f32 v4, v3;
	v4 =	vmul.f32 v14, v17  }
0x4cf: {  	v14 =	vld [tilespmem:s21+$0xAC70]  }
0x4d0: {  	v3 =	vadd.f32 v4, v3;
	v4 =	vmul.f32 v5, v16;
	_ =	sdelay $0x1  }
0x4d1: {  	v3 =	vadd.f32 v4, v3;
	v4 =	vmul.f32 v6, v15;
	_ =	sdelay $0x1  }
0x4d2: {  	v3 =	vadd.f32 v4, v3;
	v4 =	vmul.f32 v14, v13;
	_ =	sdelay $0x1  }
0x4d3: {  	v3 =	vadd.f32 v4, v3;
	_ =	sdelay $0x1  }
0x4d4: {  	(xrf2) =	vadd.scan.msk.f32 $0xffff, v3;
	_ =	sdelay $0x5  }
0x4d5: {  	v3 =	vmov s10;
	_ =	sdelay $0x3  }
0x4d6: {  	v4, _, _ =	vpop (xrf2)  }
0x4d7: {  	s11 =	simm.s32 $0x13BF0;
	[tilespmem:v3+s17+$0x0] =	vst.idx.msk vm0, v4  }
0x4d8: {  	v4 =	vld [tilespmem:s11+$0xFFFFFF90]  }
0x4d9: {  	v5 =	vld [tilespmem:s11+$0xFFFFFFA0]  }
0x4da: {  	v6 =	vld [tilespmem:s11+$0xFFFFFB10]  }
0x4db: {  	v14 =	vld [tilespmem:s11+$0xFFFFFFB0]  }
0x4dc: {  	v22 =	vld [tilespmem:s11+$0xFFFFFB20]  }
0x4dd: {  	v23 =	vld [tilespmem:s11+$0xFFFFFFC0]  }
0x4de: {  	v24 =	vld [tilespmem:s11+$0xFFFFFB90]  }
0x4df: {  	v25 =	vld [tilespmem:s11+$0xFFFFFFD0]  }
0x4e0: {  	v26 =	vld [tilespmem:s11+$0xFFFFFBA0]  }
0x4e1: {  	v27 =	vld [tilespmem:s11+$0xFFFFFFE0]  }
0x4e2: {  	v28 =	vld [tilespmem:s11+$0xFFFFFC10]  }
0x4e3: {  	v29 =	vld [tilespmem:s11+$0xFFFFFFF0]  }
0x4e4: {  	v30 =	vld [tilespmem:s11+$0xFFFFFC20]  }
0x4e5: {  	v31 =	vld [tilespmem:s11+$0x0]  }
0x4e6: {  	v54 =	vld [tilespmem:s11+$0xFFFFFC90]  }
0x4e7: {  	v33 =	vld [tilespmem:s11+$0xFFFFFCA0]  }
0x4e8: {  	v34 =	vld [tilespmem:s11+$0xFFFFFD10]  }
0x4e9: {  	v55 =	vld [tilespmem:s11+$0xFFFFFD20]  }
0x4ea: {  	v56 =	vld [tilespmem:s11+$0xFFFFFD90]  }
0x4eb: {  	v57 =	vld [tilespmem:s11+$0xFFFFFDA0]  }
0x4ec: {  	v58 =	vld [tilespmem:s11+$0xFFFFFE10]  }
0x4ed: {  	v59 =	vld [tilespmem:s11+$0xFFFFFE20]  }
0x4ee: {  	v40 =	vld [tilespmem:s11+$0xFFFFFE90]  }
0x4ef: {  	v41 =	vld [tilespmem:s11+$0xFFFFFEA0]  }
0x4f0: {  	v52 =	vld [tilespmem:s11+$0xFFFFFF10]  }
0x4f1: {  	v53 =	vld [tilespmem:s11+$0xFFFFFF20]  }
0x4f2: {  	v60 =	vld [tilespmem:s11+$0xFFFFFB30]  }
0x4f3: {  	v61 =	vld [tilespmem:s11+$0xFFFFFBB0]  }
0x4f4: {  	v62 =	vld [tilespmem:s11+$0xFFFFFC30]  }
0x4f5: {  	v63 =	vld [tilespmem:s11+$0xFFFFFD30]  }
0x4f6: {  	v48 =	vld [tilespmem:s11+$0xFFFFFE30];
	v4 =	vmul.f32 v4, v21;
	v5 =	vmul.f32 v5, v20  }
0x4f7: {  	v44 =	vld [tilespmem:s11+$0xFFFFFCD0];
	v6 =	vmul.f32 v6, v21;
	v26 =	vmul.f32 v26, v20  }
0x4f8: {  	v32 =	vld [tilespmem:s11+$0xFFFFFCC0];
	v40 =	vmul.f32 v40, v21;
	v41 =	vmul.f32 v41, v20  }
0x4f9: {  	v36 =	vld [tilespmem:s11+$0xFFFFFDC0];
	v42 =	vmul.f32 v52, v21;
	v43 =	vmul.f32 v53, v20  }
0x4fa: {  	v49 =	vld [tilespmem:s11+$0xFFFFFEC0];
	v60 =	vmul.f32 v60, v19;
	v61 =	vmul.f32 v61, v19  }
0x4fb: {  	v50 =	vld [tilespmem:s11+$0xFFFFFF40];
	v62 =	vmul.f32 v62, v19;
	v63 =	vmul.f32 v63, v19  }
0x4fc: {  	v51 =	vld [tilespmem:s11+$0xFFFFFB50];
	v46 =	vmul.f32 v44, v17;
	v4 =	vadd.f32 v5, v4;
	v5 =	vmul.f32 v14, v19  }
0x4fd: {  	v47 =	vld [tilespmem:s11+$0xFFFFFE60];
	v14 =	vmul.u32 $0x38, v3;
	v3 =	vmul.f32 v22, v20;
	v40 =	vadd.f32 v41, v40  }
0x4fe: {  	v52 =	vld [tilespmem:s11+$0xFFFFFD50];
	v22 =	vmul.f32 v24, v21;
	v42 =	vadd.f32 v43, v42;
	v4 =	vadd.f32 v5, v4  }
0x4ff: {  	v24 =	vld [tilespmem:s11+$0xFFFFFF30];
	v5 =	vmul.f32 v23, v18;
	v3 =	vadd.f32 v3, v6;
	v6 =	vmul.f32 v28, v21  }
0x500: {  	s24 =	simm.s32 $0x9;
	v53 =	vld [tilespmem:s11+$0xFFFFFDD0];
	v28 =	vmul.f32 v30, v20;
	v26 =	vadd.f32 v26, v22;
	v22 =	vmul.f32 v54, v21  }
0x501: {  	v43 =	vld [tilespmem:s11+$0xFFFFFC50];
	v54 =	vmul.f32 v55, v20;
	v55 =	vmul.f32 v57, v20;
	v57 =	vmov s24  }
0x502: {  	v23 =	vld [tilespmem:s11+$0xFFFFFCB0];
	v37 =	vand.u32 $0x7, v57;
	v4 =	vadd.f32 v5, v4;
	v5 =	vmul.f32 v25, v17  }
0x503: {  	v30 =	vld [tilespmem:s11+$0xFFFFFBC0];
	v6 =	vadd.f32 v28, v6;
	v28 =	vmul.f32 v33, v20;
	v3 =	vadd.f32 v60, v3  }
0x504: {  	v25 =	vld [tilespmem:s11+$0xFFFFFDB0];
	v26 =	vadd.f32 v61, v26;
	v60 =	vmul.f32 v50, v18;
	v24 =	vmul.f32 v24, v19  }
0x505: {  	v61 =	vld [tilespmem:s11+$0xFFFFFCE0];
	v4 =	vadd.f32 v5, v4;
	v5 =	vmul.f32 v27, v16;
	v28 =	vadd.f32 v28, v22  }
0x506: {  	v50 =	vld [tilespmem:s11+$0xFFFFFB70];
	v22 =	vmul.f32 v56, v21;
	v56 =	vmul.f32 v58, v21;
	v6 =	vadd.f32 v62, v6  }
0x507: {  	v27 =	vld [tilespmem:s11+$0xFFFFFEB0];
	v23 =	vmul.f32 v23, v19;
	v4 =	vadd.f32 v5, v4;
	v5 =	vmul.f32 v29, v15  }
0x508: {  	v30 =	vmul.f32 v30, v18;
	v29 =	vld [tilespmem:s11+$0xFFFFFB40];
	v35 =	vadd.f32 v55, v22;
	v22 =	vmul.f32 v59, v20  }
0x509: {  	v58 =	vld [tilespmem:s11+$0xFFFFFE40];
	v59 =	vand.u32 $0x78, v57;
	v4 =	vadd.f32 v5, v4;
	v5 =	vmul.f32 v31, v13  }
0x50a: {  	v62 =	vld [tilespmem:s11+$0xFFFFFD60];
	v24 =	vadd.f32 v24, v42;
	v39 =	vadd.s32 v14, v59;
	v25 =	vmul.f32 v25, v19  }
0x50b: {  	v23 =	vadd.f32 v23, v28;
	v4 =	vadd.f32 v5, v4;
	v5 =	vmul.f32 v34, v21;
	v34 =	vld [tilespmem:s11+$0xFFFFFD40]  }
0x50c: {  	v55 =	vld [tilespmem:s11+$0xFFFFFED0];
	v28 =	vmul.f32 v48, v19;
	v26 =	vadd.f32 v30, v26;
	v24 =	vadd.f32 v60, v24  }
0x50d: {  	v57 =	vld [tilespmem:s11+$0xFFFFFB60];
	v33 =	vadd.f32 v22, v56;
	v22 =	vor.u32 v37, v39;
	v29 =	vmul.f32 v29, v18  }
0x50e: {  	v31 =	vld [tilespmem:s11+$0xFFFFFC40];
	v37 =	vmul.f32 v53, v17;
	v25 =	vadd.f32 v25, v35;
	v5 =	vadd.f32 v54, v5  }
0x50f: {  	v39 =	vld [tilespmem:s11+$0xFFFFFBD0];
	v27 =	vmul.f32 v27, v19;
	v3 =	vadd.f32 v29, v3;
	v29 =	vmul.f32 v32, v18  }
0x510: {  	v59 =	vld [tilespmem:s11+$0xFFFFFC60];
	v58 =	vmul.f32 v58, v18;
	v5 =	vadd.f32 v63, v5;
	v30 =	vmul.f32 v34, v18  }
0x511: {  	v48 =	vld [tilespmem:s11+$0xFFFFFEE0];
	v28 =	vadd.f32 v28, v33;
	v23 =	vadd.f32 v29, v23;
	v29 =	vmul.f32 v36, v18  }
0x512: {  	v27 =	vadd.f32 v27, v40;
	v54 =	vld [tilespmem:s11+$0xFFFFFE50];
	v5 =	vadd.f32 v30, v5;
	v30 =	vmul.f32 v49, v18  }
0x513: {  	v56 =	vld [tilespmem:s11+$0xFFFFFF50];
	v31 =	vmul.f32 v31, v18;
	v25 =	vadd.f32 v29, v25;
	v29 =	vmul.f32 v51, v17  }
0x514: {  	v53 =	vld [tilespmem:s11+$0xFFFFFCF0];
	v28 =	vadd.f32 v58, v28;
	v27 =	vadd.f32 v30, v27;
	v30 =	vmul.f32 v39, v17  }
0x515: {  	v6 =	vadd.f32 v31, v6;
	v31 =	vld [tilespmem:s11+$0xFFFFFBE0];
	v3 =	vadd.f32 v29, v3;
	v29 =	vmul.f32 v43, v17  }
0x516: {  	v58 =	vld [tilespmem:s11+$0xFFFFFB80];
	v32 =	vmul.f32 v57, v16;
	v26 =	vadd.f32 v30, v26;
	v30 =	vmul.f32 v52, v17  }
0x517: {  	v23 =	vadd.f32 v46, v23;
	v49 =	vld [tilespmem:s11+$0xFFFFFF60];
	v6 =	vadd.f32 v29, v6;
	v29 =	vmul.f32 v54, v17  }
0x518: {  	v63 =	vld [tilespmem:s11+$0xFFFFFDE0];
	v25 =	vadd.f32 v37, v25;
	v5 =	vadd.f32 v30, v5;
	v30 =	vmul.f32 v55, v17  }
0x519: {  	v51 =	vld [tilespmem:s11+$0xFFFFFBF0];
	v3 =	vadd.f32 v32, v3;
	v28 =	vadd.f32 v29, v28;
	v29 =	vmul.f32 v56, v17  }
0x51a: {  	v52 =	vld [tilespmem:s11+$0xFFFFFC70];
	v54 =	vmul.f32 v47, v16;
	v27 =	vadd.f32 v30, v27;
	v30 =	vmul.f32 v31, v16  }
0x51b: {  	v55 =	vld [tilespmem:s11+$0xFFFFFDF0];
	v31 =	vmul.f32 v59, v16;
	v24 =	vadd.f32 v29, v24;
	v29 =	vmul.f32 v61, v16  }
0x51c: {  	v35 =	vmul.f32 v49, v16;
	v56 =	vld [tilespmem:s11+$0xFFFFFE70];
	v26 =	vadd.f32 v30, v26;
	v30 =	vmul.f32 v62, v16  }
0x51d: {  	v6 =	vadd.f32 v31, v6;
	v31 =	vld [tilespmem:s11+$0xFFFFFD70];
	v23 =	vadd.f32 v29, v23;
	v29 =	vmul.f32 v63, v16  }
0x51e: {  	v61 =	vld [tilespmem:s11+$0xFFFFFD80];
	v57 =	vadd.f32 v35, v24;
	v5 =	vadd.f32 v30, v5;
	v30 =	vmul.f32 v48, v16  }
0x51f: {  	(xrf2) =	vadd.scan.msk.f32 $0xffff, v4;
	v24 =	vld [tilespmem:s11+$0xFFFFFF70];
	v4 =	vadd.f32 v29, v25;
	v25 =	vadd.f32 v54, v28;
	v28 =	vmul.f32 v50, v15  }
0x520: {  	v29 =	vld [tilespmem:s11+$0xFFFFFEF0];
	v30 =	vadd.f32 v30, v27;
	v27 =	vmul.f32 v51, v15  }
0x521: {  	v32 =	vmul.f32 v53, v15;
	v62 =	vmul.f32 v58, v13;
	v63 =	vld [tilespmem:s11+$0xFFFFFE00];
	v3 =	vadd.f32 v28, v3  }
0x522: {  	s29 =	simm.s32 $0x1;
	v28 =	vmul.f32 v52, v15;
	v37 =	vadd.f32 v27, v26;
	v26 =	vmul.f32 v31, v15;
	v31 =	vld [tilespmem:s11+$0xFFFFFC00]  }
0x523: {  	v59 =	vmul.f32 v55, v15;
	v60 =	vadd.f32 v32, v23;
	v23 =	vld [tilespmem:s11+$0xFFFFFC80];
	v32 =	vmov s29  }
0x524: {  	s16 =	simm.s32 $0x0;
	v6 =	vadd.f32 v28, v6;
	v28 =	vmul.f32 v56, v15;
	v27 =	vadd.f32 v26, v5;
	v5 =	vld [tilespmem:s11+$0xFFFFFD00]  }
0x525: {  	v26 =	vadd.f32 v59, v4;
	v4 =	vmul.f32 v29, v15;
	v29 =	vmov s16  }
0x526: {  	v25 =	vadd.f32 v28, v25;
	v28 =	vmul.f32 v24, v15;
	v34 =	vand.u32 $0x6, v29  }
0x527: {  	v36 =	vand.u32 $0x38, v29;
	v29 =	vld [tilespmem:s11+$0xFFFFFE80];
	v24 =	vadd.f32 v4, v30;
	v4 =	vmul.f32 v31, v13  }
0x528: {  	v38 =	vld [tilespmem:s11+$0xFFFFFF00];
	v41 =	vmul.f32 v61, v13;
	v3 =	vadd.f32 v62, v3;
	v23 =	vmul.f32 v23, v13  }
0x529: {  	s12 =	simm.s32 $0x140F0;
	s21 =	simm.s32 $0x2;
	v39 =	vld [tilespmem:s11+$0xFFFFFF80];
	v42 =	vmul.f32 v63, v13;
	v33 =	vadd.f32 v4, v37;
	v4 =	vmul.f32 v5, v13  }
0x52a: {  	s24 =	simm.s32 $0x3;
	v40 =	vld [tilespmem:s12+$0xFFFFFFA0];
	s29 =	simm.s32 $0x4;
	v23 =	vadd.f32 v23, v6;
	v35 =	vadd.f32 v28, v57;
	v30, _, _ =	vpop (xrf2);
	v28 =	vmov s21;
	(xrf2) =	vadd.scan.msk.f32 $0xffff, v3  }
0x52b: {  	s28 =	simm.s32 $0x5;
	s11 =	simm.s32 $0xA;
	[tilespmem:v22+s1+$0x0] =	vst.idx.msk vm0, v30;
	v31 =	vmov s24;
	s24 =	simm.s32 $0x14;
	v30 =	vmov s29;
	v37 =	vld [tilespmem:s12+$0xFFFFFF90];
	v22 =	vadd.f32 v4, v60  }
.LBB2_10:
0x52c: {  	p0 =	slt.u32 s24, $0x28;
	v3 =	vld [tilespmem:s12+$0xFFFFFB10];
	v4 =	vadd.f32 v41, v27;
	v5 =	vmov s28;
	s21 =	sadd.s32 $0x6, s16;
	v6 =	vmul.f32 v29, v13  }
0x52d: {  	v27 =	vld [tilespmem:s12+$0xFFFFFFB0];
	v26 =	vadd.f32 v42, v26;
	v29 =	vmov s21;
	v38 =	vmul.f32 v38, v13;
	(xrf2) =	vadd.scan.msk.f32 $0xffff, v33  }
0x52e: {  	v36 =	vadd.s32 v14, v36;
	v33 =	vld [tilespmem:s12+$0xFFFFFB20];
	v6 =	vadd.f32 v6, v25;
	v25 =	vmul.f32 v39, v13  }
0x52f: {  	v34 =	vor.u32 v34, v36;
	v36 =	vand.u32 $0x7, v32;
	v39 =	vld [tilespmem:s12+$0xFFFFFFC0];
	v38 =	vadd.f32 v38, v24  }
0x530: {  	v37 =	vmul.f32 v37, v21;
	v41 =	vld [tilespmem:s12+$0xFFFFFB90];
	v40 =	vmul.f32 v40, v20;
	v24 =	vadd.f32 v25, v35;
	(xrf2) =	vadd.scan.msk.f32 $0xffff, v23  }
0x531: {  	v25 =	vand.u32 $0x38, v32;
	v32 =	vand.u32 $0x6, v28;
	v3 =	vmul.f32 v3, v21;
	v23 =	vld [tilespmem:s12+$0xFFFFFFD0]  }
0x532: {  	v25 =	vadd.s32 v14, v25;
	v35 =	vld [tilespmem:s12+$0xFFFFFBA0];
	v37 =	vadd.f32 v40, v37;
	v27 =	vmul.f32 v27, v19  }
0x533: {  	v28 =	vand.u32 $0x78, v28;
	v25 =	vor.u32 v36, v25;
	v33 =	vmul.f32 v33, v20;
	v40 =	vld [tilespmem:s12+$0xFFFFFFE0];
	(xrf2) =	vadd.scan.msk.f32 $0xffff, v22  }
0x534: {  	v28 =	vadd.s32 v14, v28;
	v36 =	vld [tilespmem:s12+$0xFFFFFC10];
	v27 =	vadd.f32 v27, v37;
	v37 =	vmul.f32 v39, v18;
	v39, _, _ =	vpop (xrf2)  }
0x535: {  	v22 =	vadd.f32 v33, v3;
	v3 =	vmul.f32 v41, v21;
	v33 =	vld [tilespmem:s12+$0xFFFFFFF0];
	[tilespmem:v34+s1+$0x0] =	vst.idx.msk vm0, v39;
	v34 =	vand.u32 $0x78, v31  }
0x536: {  	v28 =	vor.u32 v32, v28;
	v39 =	vld [tilespmem:s12+$0xFFFFFC20];
	v27 =	vadd.f32 v37, v27;
	v23 =	vmul.f32 v23, v17;
	(xrf2) =	vadd.scan.msk.f32 $0xffff, v4  }
0x537: {  	v31 =	vand.u32 $0x7, v31;
	v34 =	vadd.s32 v14, v34;
	v4 =	vmul.f32 v35, v20;
	v32 =	vld [tilespmem:s12+$0x0];
	v35, _, _ =	vpop (xrf2)  }
0x538: {  	v37 =	vld [tilespmem:s12+$0xFFFFFC90];
	v23 =	vadd.f32 v23, v27;
	v27 =	vmul.f32 v40, v16;
	[tilespmem:v25+s1+$0x0] =	vst.idx.msk vm0, v35;
	v25 =	vand.u32 $0x6, v30  }
0x539: {  	v31 =	vor.u32 v31, v34;
	v3 =	vadd.f32 v4, v3;
	v4 =	vmul.f32 v36, v21;
	v35 =	vld [tilespmem:s12+$0xFFFFFCA0];
	(xrf2) =	vadd.scan.msk.f32 $0xffff, v26  }
0x53a: {  	v30 =	vand.u32 $0x78, v30;
	v26 =	vld [tilespmem:s12+$0xFFFFFD10];
	v23 =	vadd.f32 v27, v23;
	v27 =	vmul.f32 v33, v15;
	v33, _, _ =	vpop (xrf2)  }
0x53b: {  	v34 =	vmul.f32 v39, v20;
	v36 =	vld [tilespmem:s12+$0xFFFFFD20];
	[tilespmem:v28+s1+$0x0] =	vst.idx.msk vm0, v33;
	v28 =	vadd.s32 v14, v30;
	v30 =	vand.u32 $0x78, v5  }
0x53c: {  	v33 =	vld [tilespmem:s12+$0xFFFFFD90];
	v23 =	vadd.f32 v27, v23;
	v27 =	vmul.f32 v32, v13;
	v25 =	vor.u32 v25, v28;
	(xrf2) =	vadd.scan.msk.f32 $0xffff, v6  }
0x53d: {  	v30 =	vadd.s32 v14, v30;
	v4 =	vadd.f32 v34, v4;
	v6 =	vmul.f32 v37, v21;
	v28 =	vld [tilespmem:s12+$0xFFFFFDA0];
	v32, _, _ =	vpop (xrf2)  }
0x53e: {  	s21 =	sadd.s32 $0x7, s16;
	v5 =	vand.u32 $0x7, v5;
	v37 =	vmul.f32 v35, v20;
	v35 =	vld [tilespmem:s12+$0xFFFFFE10];
	v23 =	vadd.f32 v27, v23;
	[tilespmem:v31+s1+$0x0] =	vst.idx.msk vm0, v32  }
0x53f: {  	v5 =	vor.u32 v5, v30;
	v30 =	vmov s21;
	v26 =	vmul.f32 v26, v21;
	v27 =	vld [tilespmem:s12+$0xFFFFFE20]  }
0x540: {  	v6 =	vadd.f32 v37, v6;
	v31 =	vmul.f32 v36, v20;
	v32 =	vld [tilespmem:s12+$0xFFFFFE90];
	(xrf2) =	vadd.scan.msk.f32 $0xffff, v23;
	v23 =	vand.u32 $0x78, v29;
	v34, _, _ =	vpop (xrf2)  }
0x541: {  	v33 =	vmul.f32 v33, v21;
	v36 =	vld [tilespmem:s12+$0xFFFFFEA0];
	[tilespmem:v25+s1+$0x0] =	vst.idx.msk vm0, v34;
	v25 =	vand.u32 $0x6, v29;
	v23 =	vadd.s32 v14, v23  }
0x542: {  	s28 =	sadd.s32 $0x8, s16;
	s16 =	smov.u32 s11;
	s21 =	sadd.s32 $0x9, s11;
	v26 =	vadd.f32 v31, v26;
	v28 =	vmul.f32 v28, v20;
	v29 =	vld [tilespmem:s12+$0xFFFFFF10];
	v23 =	vor.u32 v25, v23  }
0x543: {  	s11 =	smov.u32 s24;
	v34 =	vmov s21;
	v25 =	vmul.f32 v35, v21;
	v31 =	vld [tilespmem:s12+$0xFFFFFF20];
	v35 =	vmov s28;
	v37, _, _ =	vpop (xrf2);
	(xrf2) =	vadd.scan.msk.f32 $0xffff, v38  }
0x544: {  	v38 =	vld [tilespmem:s12+$0xFFFFFB30];
	v28 =	vadd.f32 v28, v33;
	v27 =	vmul.f32 v27, v20;
	v33 =	vand.u32 $0x78, v34;
	[tilespmem:v5+s1+$0x0] =	vst.idx.msk vm0, v37  }
0x545: {  	v39 =	vand.u32 $0x7, v34;
	v5 =	vld [tilespmem:s12+$0xFFFFFBB0];
	v32 =	vmul.f32 v32, v21;
	v33 =	vadd.s32 v14, v33  }
0x546: {  	v37 =	vld [tilespmem:s12+$0xFFFFFC30];
	v25 =	vadd.f32 v27, v25;
	v27 =	vmul.f32 v36, v20;
	v33 =	vor.u32 v39, v33;
	v34, _, _ =	vpop (xrf2);
	(xrf2) =	vadd.scan.msk.f32 $0xffff, v24  }
0x547: {  	v24 =	vld [tilespmem:s12+$0xFFFFFCB0];
	v29 =	vmul.f32 v29, v21;
	[tilespmem:v23+s1+$0x0] =	vst.idx.msk vm0, v34;
	v23 =	vand.u32 $0x78, v30;
	v30 =	vand.u32 $0x7, v30  }
0x548: {  	v34 =	vld [tilespmem:s12+$0xFFFFFD30];
	v27 =	vadd.f32 v27, v32;
	v39 =	vmul.f32 v31, v20;
	v23 =	vadd.s32 v14, v23  }
0x549: {  	v32 =	vmul.f32 v38, v19;
	v36 =	vld [tilespmem:s12+$0xFFFFFDB0];
	v23 =	vor.u32 v30, v23;
	v30 =	vand.u32 $0x78, v35  }
0x54a: {  	v5 =	vmul.f32 v5, v19;
	v38 =	vld [tilespmem:s12+$0xFFFFFE30];
	v29 =	vadd.f32 v39, v29;
	v31, _, _ =	vpop (xrf2);
	v30 =	vadd.s32 v14, v30  }
0x54b: {  	v22 =	vadd.f32 v32, v22;
	v32 =	vmul.f32 v37, v19;
	v37 =	vld [tilespmem:s12+$0xFFFFFEB0];
	[tilespmem:v33+s1+$0x0] =	vst.idx.msk vm0, v31;
	v31 =	vand.u32 $0x6, v35  }
0x54c: {  	v3 =	vadd.f32 v5, v3;
	v5 =	vmul.f32 v24, v19;
	v24 =	vld [tilespmem:s12+$0xFFFFFF30];
	v30 =	vor.u32 v31, v30  }
0x54d: {  	v31 =	vld [tilespmem:s12+$0xFFFFFB40];
	v4 =	vadd.f32 v32, v4;
	v32 =	vmul.f32 v34, v19;
	v33, _, _ =	vpop (xrf2)  }
0x54e: {  	v34 =	vld [tilespmem:s12+$0xFFFFFBC0];
	v5 =	vadd.f32 v5, v6;
	v6 =	vmul.f32 v36, v19;
	[tilespmem:v23+s1+$0x0] =	vst.idx.msk vm0, v33  }
0x54f: {  	v23 =	vld [tilespmem:s12+$0xFFFFFC40];
	v26 =	vadd.f32 v32, v26;
	v32 =	vmul.f32 v38, v19  }
0x550: {  	v33 =	vld [tilespmem:s12+$0xFFFFFCC0];
	v6 =	vadd.f32 v6, v28;
	v28 =	vmul.f32 v37, v19;
	v35, _, _ =	vpop (xrf2)  }
0x551: {  	v36 =	vld [tilespmem:s12+$0xFFFFFD40];
	v25 =	vadd.f32 v32, v25;
	v24 =	vmul.f32 v24, v19;
	[tilespmem:v30+s1+$0x0] =	vst.idx.msk vm0, v35  }
0x552: {  	v30 =	vmul.f32 v31, v18;
	v31 =	vld [tilespmem:s12+$0xFFFFFDC0];
	v27 =	vadd.f32 v28, v27  }
0x553: {  	v28 =	vmul.f32 v34, v18;
	v32 =	vld [tilespmem:s12+$0xFFFFFE40];
	v24 =	vadd.f32 v24, v29  }
0x554: {  	v22 =	vadd.f32 v30, v22;
	v23 =	vmul.f32 v23, v18;
	v29 =	vld [tilespmem:s12+$0xFFFFFEC0]  }
0x555: {  	v3 =	vadd.f32 v28, v3;
	v28 =	vmul.f32 v33, v18;
	v30 =	vld [tilespmem:s12+$0xFFFFFF40]  }
0x556: {  	v33 =	vld [tilespmem:s12+$0xFFFFFB50];
	v4 =	vadd.f32 v23, v4;
	v23 =	vmul.f32 v36, v18  }
0x557: {  	v34 =	vld [tilespmem:s12+$0xFFFFFBD0];
	v5 =	vadd.f32 v28, v5;
	v28 =	vmul.f32 v31, v18  }
0x558: {  	v31 =	vld [tilespmem:s12+$0xFFFFFC50];
	v23 =	vadd.f32 v23, v26;
	v26 =	vmul.f32 v32, v18  }
0x559: {  	v32 =	vld [tilespmem:s12+$0xFFFFFCD0];
	v6 =	vadd.f32 v28, v6;
	v28 =	vmul.f32 v29, v18  }
0x55a: {  	v29 =	vld [tilespmem:s12+$0xFFFFFD50];
	v25 =	vadd.f32 v26, v25;
	v26 =	vmul.f32 v30, v18  }
0x55b: {  	v30 =	vmul.f32 v33, v17;
	v33 =	vld [tilespmem:s12+$0xFFFFFDD0];
	v27 =	vadd.f32 v28, v27  }
0x55c: {  	v28 =	vmul.f32 v34, v17;
	v34 =	vld [tilespmem:s12+$0xFFFFFE50];
	v24 =	vadd.f32 v26, v24  }
0x55d: {  	v22 =	vadd.f32 v30, v22;
	v26 =	vmul.f32 v31, v17;
	v30 =	vld [tilespmem:s12+$0xFFFFFED0]  }
0x55e: {  	v3 =	vadd.f32 v28, v3;
	v28 =	vmul.f32 v32, v17;
	v31 =	vld [tilespmem:s12+$0xFFFFFF50]  }
0x55f: {  	v32 =	vld [tilespmem:s12+$0xFFFFFB60];
	v4 =	vadd.f32 v26, v4;
	v26 =	vmul.f32 v29, v17  }
0x560: {  	v29 =	vld [tilespmem:s12+$0xFFFFFBE0];
	v5 =	vadd.f32 v28, v5;
	v28 =	vmul.f32 v33, v17  }
0x561: {  	v33 =	vld [tilespmem:s12+$0xFFFFFC60];
	v23 =	vadd.f32 v26, v23;
	v26 =	vmul.f32 v34, v17  }
0x562: {  	v34 =	vld [tilespmem:s12+$0xFFFFFCE0];
	v6 =	vadd.f32 v28, v6;
	v28 =	vmul.f32 v30, v17  }
0x563: {  	v30 =	vld [tilespmem:s12+$0xFFFFFD60];
	v25 =	vadd.f32 v26, v25;
	v26 =	vmul.f32 v31, v17  }
0x564: {  	v31 =	vmul.f32 v32, v16;
	v32 =	vld [tilespmem:s12+$0xFFFFFDE0];
	v27 =	vadd.f32 v28, v27  }
0x565: {  	v28 =	vmul.f32 v29, v16;
	v29 =	vld [tilespmem:s12+$0xFFFFFE60];
	v24 =	vadd.f32 v26, v24  }
0x566: {  	v22 =	vadd.f32 v31, v22;
	v26 =	vmul.f32 v33, v16;
	v31 =	vld [tilespmem:s12+$0xFFFFFEE0]  }
0x567: {  	v3 =	vadd.f32 v28, v3;
	v28 =	vmul.f32 v34, v16;
	v33 =	vld [tilespmem:s12+$0xFFFFFF60]  }
0x568: {  	v34 =	vld [tilespmem:s12+$0xFFFFFB70];
	v4 =	vadd.f32 v26, v4;
	v26 =	vmul.f32 v30, v16  }
0x569: {  	v30 =	vld [tilespmem:s12+$0xFFFFFBF0];
	v5 =	vadd.f32 v28, v5;
	v28 =	vmul.f32 v32, v16  }
0x56a: {  	v32 =	vld [tilespmem:s12+$0xFFFFFC70];
	v23 =	vadd.f32 v26, v23;
	v26 =	vmul.f32 v29, v16  }
0x56b: {  	v29 =	vld [tilespmem:s12+$0xFFFFFCF0];
	v6 =	vadd.f32 v28, v6;
	v28 =	vmul.f32 v31, v16  }
0x56c: {  	v31 =	vld [tilespmem:s12+$0xFFFFFD70];
	v25 =	vadd.f32 v26, v25;
	v26 =	vmul.f32 v33, v16  }
0x56d: {  	v33 =	vmul.f32 v34, v15;
	v34 =	vld [tilespmem:s12+$0xFFFFFDF0];
	v28 =	vadd.f32 v28, v27  }
0x56e: {  	v27 =	vmul.f32 v30, v15;
	v30 =	vld [tilespmem:s12+$0xFFFFFE70];
	v35 =	vadd.f32 v26, v24  }
0x56f: {  	v22 =	vadd.f32 v33, v22;
	v24 =	vmul.f32 v32, v15;
	v32 =	vld [tilespmem:s12+$0xFFFFFEF0]  }
0x570: {  	v3 =	vadd.f32 v27, v3;
	v26 =	vmul.f32 v29, v15;
	v29 =	vld [tilespmem:s12+$0xFFFFFF70]  }
0x571: {  	v33 =	vld [tilespmem:s12+$0xFFFFFB80];
	v4 =	vadd.f32 v24, v4;
	v24 =	vmul.f32 v31, v15  }
0x572: {  	v31 =	vld [tilespmem:s12+$0xFFFFFC00];
	v5 =	vadd.f32 v26, v5;
	v26 =	vmul.f32 v34, v15  }
0x573: {  	v37 =	vld [tilespmem:s12+$0xFFFFFC80];
	v27 =	vadd.f32 v24, v23;
	v23 =	vmul.f32 v30, v15  }
0x574: {  	v30 =	vld [tilespmem:s12+$0xFFFFFD00];
	v26 =	vadd.f32 v26, v6;
	v6 =	vmul.f32 v32, v15  }
0x575: {  	v32 =	vmov s16;
	v40 =	vld [tilespmem:s12+$0xFFFFFD80];
	v25 =	vadd.f32 v23, v25;
	v23 =	vmul.f32 v29, v15  }
0x576: {  	v34 =	vand.u32 $0x6, v32;
	v33 =	vmul.f32 v33, v13;
	v42 =	vld [tilespmem:s12+$0xFFFFFE00];
	v24 =	vadd.f32 v6, v28  }
.Ltmp3:
0x577: {  	s21 =	sadd.s32 $0x1, s16;
	v36 =	vand.u32 $0x38, v32;
	v6 =	vmul.f32 v31, v13;
	v29 =	vld [tilespmem:s12+$0xFFFFFE80];
	v35 =	vadd.f32 v23, v35;
	(pc) =	sbr.rel @p0 .LBB2_10-.Ltmp3, $4  }
0x578: {  	v32 =	vmov s21;
	s21 =	sadd.s32 $0x2, s16;
	v22 =	vadd.f32 v33, v22;
	v23 =	vmul.f32 v37, v13;
	v38 =	vld [tilespmem:s12+$0xFFFFFF00]  }
0x579: {  	v28 =	vmov s21;
	s21 =	sadd.s32 $0x3, s16;
	v33 =	vadd.f32 v6, v3;
	v3 =	vmul.f32 v30, v13;
	v39 =	vld [tilespmem:s12+$0xFFFFFF80];
	s12 =	sadd.s32 $0x500, s12  }
0x57a: {  	v31 =	vmov s21;
	s21 =	sadd.s32 $0x4, s16;
	v37 =	vld [tilespmem:s12+$0xFFFFFF90];
	v23 =	vadd.f32 v23, v4;
	v41 =	vmul.f32 v40, v13;
	(xrf2) =	vadd.scan.msk.f32 $0xffff, v22  }
0x57b: {  	s24 =	sadd.s32 $0xA, s24;
	s28 =	sadd.s32 $0x5, s16;
	v30 =	vmov s21;
	v40 =	vld [tilespmem:s12+$0xFFFFFFA0];
	v22 =	vadd.f32 v3, v5;
	v42 =	vmul.f32 v42, v13  }
0x57c: {  	v3 =	vld [tilespmem:s12+$0xFFFFFB10]  }
0x57d: {  	v4 =	vld [tilespmem:s12+$0xFFFFFFB0]  }
0x57e: {  	v5 =	vld [tilespmem:s12+$0xFFFFFB20]  }
0x57f: {  	v6 =	vld [tilespmem:s12+$0xFFFFFFC0]  }
0x580: {  	v43 =	vld [tilespmem:s12+$0xFFFFFB90]  }
0x581: {  	v44 =	vld [tilespmem:s12+$0xFFFFFFD0]  }
0x582: {  	v45 =	vld [tilespmem:s12+$0xFFFFFBA0]  }
0x583: {  	v46 =	vld [tilespmem:s12+$0xFFFFFFE0]  }
0x584: {  	v47 =	vld [tilespmem:s12+$0xFFFFFC10]  }
0x585: {  	v48 =	vld [tilespmem:s12+$0xFFFFFFF0]  }
0x586: {  	v49 =	vld [tilespmem:s12+$0xFFFFFC20]  }
0x587: {  	v50 =	vld [tilespmem:s12+$0x0]  }
0x588: {  	v51 =	vld [tilespmem:s12+$0xFFFFFC90]  }
0x589: {  	v52 =	vmov s28;
	v53 =	vmul.f32 v29, v13;
	v54 =	vld [tilespmem:s12+$0xFFFFFCA0]  }
0x58a: {  	v29 =	vadd.f32 v41, v27;
	v36 =	vadd.s32 v14, v36;
	v59 =	vand.u32 $0x7, v32;
	v55 =	vld [tilespmem:s12+$0xFFFFFD90]  }
0x58b: {  	v61 =	vand.u32 $0x38, v32;
	v63 =	vand.u32 $0x6, v28;
	v57 =	vld [tilespmem:s12+$0xFFFFFEA0];
	v27 =	vadd.f32 v42, v26  }
0x58c: {  	v58 =	vld [tilespmem:s12+$0xFFFFFCB0];
	v38 =	vmul.f32 v38, v13;
	v36 =	vor.u32 v34, v36;
	v32 =	vadd.s32 v14, v61  }
0x58d: {  	v42 =	vld [tilespmem:s12+$0xFFFFFD10];
	v26 =	vadd.f32 v53, v25;
	v39 =	vmul.f32 v39, v13;
	v56 =	vor.u32 v59, v32  }
0x58e: {  	v34 =	vld [tilespmem:s12+$0xFFFFFE90];
	v32 =	vand.u32 $0x78, v28;
	v25 =	vadd.f32 v38, v24;
	v37 =	vmul.f32 v37, v21  }
0x58f: {  	v53 =	vld [tilespmem:s12+$0xFFFFFD20];
	v28 =	vadd.s32 v14, v32;
	v60 =	vmul.f32 v40, v20;
	v24 =	vadd.f32 v39, v35  }
0x590: {  	v38 =	vld [tilespmem:s12+$0xFFFFFB30];
	v28 =	vor.u32 v63, v28;
	v3 =	vmul.f32 v3, v21;
	v4 =	vmul.f32 v4, v19  }
0x591: {  	v39 =	vld [tilespmem:s12+$0xFFFFFE10];
	v63 =	vand.u32 $0x78, v30;
	v5 =	vmul.f32 v5, v20;
	v6 =	vmul.f32 v6, v18  }
0x592: {  	v61 =	vmul.f32 v45, v20;
	v35 =	vmul.f32 v47, v21;
	v47 =	vld [tilespmem:s12+$0xFFFFFC30];
	v62 =	vadd.f32 v60, v37  }
0x593: {  	v51 =	vmul.f32 v51, v21;
	v37 =	vld [tilespmem:s12+$0xFFFFFE20];
	v60 =	vand.u32 $0x78, v31;
	v3 =	vadd.f32 v5, v3  }
0x594: {  	v59 =	vld [tilespmem:s12+$0xFFFFFE30];
	v5 =	vmul.f32 v43, v21;
	v32 =	vadd.s32 v14, v60;
	v4 =	vadd.f32 v4, v62  }
0x595: {  	v40 =	vld [tilespmem:s12+$0xFFFFFDA0];
	v60 =	vmul.f32 v49, v20;
	v62 =	vand.u32 $0x7, v31;
	v38 =	vmul.f32 v38, v19  }
0x596: {  	v45 =	vld [tilespmem:s12+$0xFFFFFBB0];
	v5 =	vadd.f32 v61, v5;
	v4 =	vadd.f32 v6, v4;
	v6 =	vmul.f32 v44, v17  }
0x597: {  	v43 =	vld [tilespmem:s12+$0xFFFFFF10];
	v61 =	vadd.s32 v14, v63;
	v39 =	vmul.f32 v39, v21;
	v3 =	vadd.f32 v38, v3  }
0x598: {  	v44 =	vld [tilespmem:s12+$0xFFFFFF20];
	v38 =	vmul.f32 v47, v19;
	v37 =	vmul.f32 v37, v20;
	v4 =	vadd.f32 v6, v4  }
0x599: {  	v47 =	vld [tilespmem:s12+$0xFFFFFC50];
	v6 =	vmul.f32 v46, v16;
	v46 =	vand.u32 $0x6, v30;
	v30 =	vor.u32 v62, v32  }
0x59a: {  	v32 =	vor.u32 v46, v61;
	v46 =	vadd.f32 v60, v35;
	v60 =	vmul.f32 v54, v20;
	v54 =	vld [tilespmem:s12+$0xFFFFFEB0]  }
0x59b: {  	v62 =	vand.u32 $0x78, v52;
	v61 =	vmul.f32 v53, v20;
	v53 =	vmul.f32 v55, v21;
	v55 =	vld [tilespmem:s12+$0xFFFFFBC0]  }
0x59c: {  	v52 =	vand.u32 $0x7, v52;
	v37 =	vadd.f32 v37, v39;
	v39 =	vmul.f32 v57, v20;
	v57 =	vld [tilespmem:s12+$0xFFFFFEC0]  }
0x59d: {  	s21 =	sadd.s32 $0x6, s16;
	v63 =	vadd.s32 v14, v62;
	v4 =	vadd.f32 v6, v4;
	v6 =	vmul.f32 v48, v15;
	v48 =	vld [tilespmem:s12+$0xFFFFFD30]  }
0x59e: {  	v41 =	vmov s21;
	v31 =	vor.u32 v52, v63;
	v52 =	vld [tilespmem:s12+$0xFFFFFB40]  }
0x59f: {  	v40 =	vmul.f32 v40, v20;
	v62 =	vand.u32 $0x78, v41;
	v49 =	vadd.f32 v60, v51;
	v51 =	vld [tilespmem:s12+$0xFFFFFC40]  }
0x5a0: {  	(xrf2) =	vadd.scan.msk.f32 $0xffff, v33;
	v45 =	vmul.f32 v45, v19;
	v41 =	vand.u32 $0x6, v41;
	v33 =	vadd.s32 v14, v62;
	v60 =	vld [tilespmem:s12+$0xFFFFFCC0]  }
0x5a1: {  	s29 =	sadd.s32 $0x9, s11;
	v62 =	vmul.f32 v34, v21;
	v33 =	vor.u32 v41, v33;
	v38 =	vadd.f32 v38, v46;
	v46 =	vld [tilespmem:s12+$0xFFFFFED0]  }
0x5a2: {  	v41 =	vmov s29;
	v4 =	vadd.f32 v6, v4;
	v6 =	vmul.f32 v50, v13;
	v50 =	vld [tilespmem:s12+$0xFFFFFDB0]  }
0x5a3: {  	v40 =	vadd.f32 v40, v53;
	v53 =	vand.u32 $0x78, v41;
	v34 =	vand.u32 $0x7, v41;
	v41 =	vld [tilespmem:s12+$0xFFFFFE40]  }
0x5a4: {  	v5 =	vadd.f32 v45, v5;
	v44 =	vmul.f32 v44, v20;
	v63 =	vadd.s32 v14, v53;
	v53 =	vld [tilespmem:s12+$0xFFFFFDC0]  }
0x5a5: {  	s28 =	sadd.s32 $0x7, s16;
	v39 =	vadd.f32 v39, v62;
	v35 =	vadd.f32 v6, v4;
	v4 =	vmul.f32 v42, v21;
	v6 =	vld [tilespmem:s12+$0xFFFFFF30]  }
0x5a6: {  	v42 =	vmov s28;
	v34 =	vor.u32 v34, v63;
	v21 =	vmul.f32 v43, v21;
	v43 =	vld [tilespmem:s12+$0xFFFFFF40];
	v62, _, _ =	vpop (xrf2)  }
0x5a7: {  	v54 =	vmul.f32 v54, v19;
	v57 =	vmul.f32 v57, v18;
	v63 =	vand.u32 $0x78, v42;
	[tilespmem:v36+s1+$0x0] =	vst.idx.msk vm0, v62;
	v62 =	vld [tilespmem:s12+$0xFFFFFBD0]  }
0x5a8: {  	v42 =	vand.u32 $0x7, v42;
	v4 =	vadd.f32 v61, v4;
	v61 =	vld [tilespmem:s12+$0xFFFFFD40];
	v20 =	vadd.s32 v14, v63  }
0x5a9: {  	s21 =	sadd.s32 $0x8, s16;
	v39 =	vadd.f32 v54, v39;
	v51 =	vmul.f32 v51, v18;
	v54 =	vmul.f32 v46, v17;
	v46 =	vld [tilespmem:s12+$0xFFFFFB70]  }
0x5aa: {  	v63 =	vmov s21;
	v44 =	vadd.f32 v44, v21;
	v20 =	vor.u32 v42, v20;
	v42 =	vld [tilespmem:s12+$0xFFFFFB50]  }
0x5ab: {  	v60 =	vmul.f32 v60, v18;
	v36 =	vand.u32 $0x78, v63;
	v21, _, _ =	vpop (xrf2);
	v38 =	vadd.f32 v51, v38;
	v51 =	vld [tilespmem:s12+$0xFFFFFBE0]  }
0x5ac: {  	v36 =	vadd.s32 v14, v36;
	v39 =	vadd.f32 v57, v39;
	[tilespmem:v56+s1+$0x0] =	vst.idx.msk vm0, v21;
	v56 =	vld [tilespmem:s12+$0xFFFFFCD0]  }
0x5ad: {  	v21 =	vand.u32 $0x6, v63;
	v63 =	vmul.f32 v58, v19;
	v58 =	vmul.f32 v50, v19;
	v50 =	vld [tilespmem:s12+$0xFFFFFD50]  }
0x5ae: {  	s21 =	sadd.s32 $0x5, s11;
	v41 =	vmul.f32 v41, v18;
	v21 =	vor.u32 v21, v36;
	v36 =	vmul.f32 v48, v19;
	v48 =	vld [tilespmem:s12+$0xFFFFFE50]  }
0x5af: {  	(xrf2) =	vadd.scan.msk.f32 $0xffff, v23;
	v6 =	vmul.f32 v6, v19;
	v23 =	vadd.f32 v54, v39;
	v54 =	vld [tilespmem:s12+$0xFFFFFE70];
	v39 =	vmov s21  }
0x5b0: {  	v45 =	vadd.f32 v63, v49;
	v63 =	vmul.f32 v59, v19;
	v49 =	vld [tilespmem:s12+$0xFFFFFDD0];
	v59 =	vmul.f32 v55, v18  }
0x5b1: {  	v6 =	vadd.f32 v6, v44;
	v44 =	vld [tilespmem:s12+$0xFFFFFB60];
	v61 =	vmul.f32 v61, v18;
	v4 =	vadd.f32 v36, v4  }
0x5b2: {  	v36 =	vadd.f32 v58, v40;
	v58 =	vmul.f32 v52, v18;
	v52 =	vld [tilespmem:s12+$0xFFFFFF50];
	v37 =	vadd.f32 v63, v37  }
0x5b3: {  	v5 =	vadd.f32 v59, v5;
	v63 =	vmul.f32 v53, v18;
	v53 =	vld [tilespmem:s12+$0xFFFFFC60];
	v59 =	vmul.f32 v42, v17  }
0x5b4: {  	v19 =	vadd.f32 v60, v45;
	v42 =	vld [tilespmem:s12+$0xFFFFFD60];
	v60 =	vmul.f32 v62, v17;
	v57 =	vmul.f32 v51, v16  }
0x5b5: {  	v45 =	vld [tilespmem:s12+$0xFFFFFF60];
	v3 =	vadd.f32 v58, v3;
	v4 =	vadd.f32 v61, v4;
	v58 =	vmul.f32 v43, v18  }
0x5b6: {  	v51 =	vld [tilespmem:s12+$0xFFFFFDF0];
	v61 =	vmul.f32 v47, v17;
	v62 =	vmul.f32 v56, v17;
	v36 =	vadd.f32 v63, v36  }
0x5b7: {  	v43 =	vld [tilespmem:s12+$0xFFFFFCE0];
	v37 =	vadd.f32 v41, v37;
	v5 =	vadd.f32 v60, v5;
	v63 =	vmul.f32 v50, v17  }
0x5b8: {  	v18 =	vld [tilespmem:s12+$0xFFFFFDE0];
	v48 =	vmul.f32 v48, v17;
	v6 =	vadd.f32 v58, v6;
	v3 =	vadd.f32 v59, v3  }
0x5b9: {  	v47 =	vld [tilespmem:s12+$0xFFFFFE60];
	v49 =	vmul.f32 v49, v17;
	v38 =	vadd.f32 v61, v38;
	v19 =	vadd.f32 v62, v19  }
0x5ba: {  	v50 =	vld [tilespmem:s12+$0xFFFFFEE0];
	v56 =	vmul.f32 v44, v16;
	v4 =	vadd.f32 v63, v4;
	v37 =	vadd.f32 v48, v37  }
0x5bb: {  	v44 =	vld [tilespmem:s12+$0xFFFFFBF0];
	v55 =	vmul.f32 v52, v17;
	v5 =	vadd.f32 v57, v5;
	v58 =	vmul.f32 v53, v16  }
0x5bc: {  	v59 =	vld [tilespmem:s12+$0xFFFFFC70];
	v36 =	vadd.f32 v49, v36;
	v62 =	vmul.f32 v42, v16;
	v53 =	vmul.f32 v45, v16  }
0x5bd: {  	(xrf2) =	vadd.scan.msk.f32 $0xffff, v22;
	v61 =	vld [tilespmem:s12+$0xFFFFFCF0];
	v3 =	vadd.f32 v56, v3;
	v60 =	vmul.f32 v43, v16;
	v18 =	vmul.f32 v18, v16  }
0x5be: {  	(xrf2) =	vadd.scan.msk.f32 $0xffff, v29;
	v63 =	vld [tilespmem:s12+$0xFFFFFD70];
	v6 =	vadd.f32 v55, v6;
	v49 =	vmul.f32 v47, v16;
	v55 =	vmul.f32 v46, v15  }
0x5bf: {  	v48 =	vld [tilespmem:s12+$0xFFFFFD80];
	v43 =	vmul.f32 v54, v15;
	v47 =	vmov s11;
	v29 =	vadd.f32 v58, v38  }
0x5c0: {  	s16 =	sadd.s32 $0x4, s11;
	v56 =	vld [tilespmem:s12+$0xFFFFFEF0];
	v4 =	vadd.f32 v62, v4;
	v52 =	vmul.f32 v50, v16;
	v54 =	vand.u32 $0x38, v47  }
0x5c1: {  	(xrf2) =	vadd.scan.msk.f32 $0xffff, v27;
	v42 =	vld [tilespmem:s12+$0xFFFFFC80];
	v38 =	vmov s16;
	v17 =	vadd.f32 v60, v19;
	v18 =	vadd.f32 v18, v36  }
0x5c2: {  	v45 =	vld [tilespmem:s12+$0xFFFFFD00];
	v19 =	vadd.f32 v49, v37;
	v57 =	vmul.f32 v44, v15;
	v6 =	vadd.f32 v53, v6  }
0x5c3: {  	(xrf2) =	vadd.scan.msk.f32 $0xffff, v26;
	v58 =	vld [tilespmem:s12+$0xFFFFFF70];
	v3 =	vadd.f32 v55, v3;
	v59 =	vmul.f32 v59, v15;
	v22 =	vmul.f32 v61, v15  }
0x5c4: {  	v62 =	vld [tilespmem:s12+$0xFFFFFC00];
	v23 =	vadd.f32 v52, v23;
	v61 =	vmul.f32 v63, v15;
	v63 =	vmul.f32 v51, v15  }
0x5c5: {  	v60 =	vld [tilespmem:s12+$0xFFFFFB80];
	v52 =	vand.u32 $0x6, v47;
	v36 =	vmul.f32 v48, v13;
	v5 =	vadd.f32 v57, v5  }
0x5c6: {  	(xrf2) =	vadd.scan.msk.f32 $0xffff, v35;
	v44, _, _ =	vpop (xrf2);
	v27 =	vadd.f32 v59, v29;
	v17 =	vadd.f32 v22, v17;
	v37 =	vmul.f32 v56, v15  }
0x5c7: {  	s29 =	sadd.s32 $0x3, s11;
	v53 =	vld [tilespmem:s12+$0xFFFFFE00];
	v46, _, _ =	vpop (xrf2);
	v19 =	vadd.f32 v43, v19;
	v22 =	vmul.f32 v42, v13;
	v26 =	vmul.f32 v45, v13  }
0x5c8: {  	(xrf2) =	vadd.scan.msk.f32 $0xffff, v25;
	v50, _, _ =	vpop (xrf2);
	v4 =	vadd.f32 v61, v4;
	v18 =	vadd.f32 v63, v18;
	v63 =	vmov s29  }
0x5c9: {  	s24 =	sadd.s32 $0x1, s11;
	[tilespmem:v32+s1+$0x0] =	vst.idx.msk vm0, v50;
	v50 =	vand.u32 $0x78, v38;
	v49 =	vmul.f32 v58, v15;
	v23 =	vadd.f32 v37, v23  }
0x5ca: {  	[tilespmem:v28+s1+$0x0] =	vst.idx.msk vm0, v44;
	v55 =	vmul.f32 v62, v13;
	v58 =	vmov s24;
	v51 =	vmul.f32 v60, v13  }
0x5cb: {  	s28 =	sadd.s32 $0x2, s11;
	[tilespmem:v30+s1+$0x0] =	vst.idx.msk vm0, v46;
	v56 =	vld [tilespmem:s12+$0xFFFFFE80];
	v57, _, _ =	vpop (xrf2);
	v22 =	vadd.f32 v22, v27;
	v17 =	vadd.f32 v26, v17;
	v48 =	vand.u32 $0x78, v63  }
0x5cc: {  	v61 =	vld [tilespmem:s12+$0xFFFFFF80];
	s24 =	sadd.s32 $0x6, s11;
	[tilespmem:v31+s1+$0x0] =	vst.idx.msk vm0, v57;
	v60 =	vmov s28;
	v30 =	vmul.f32 v53, v13;
	v3 =	vadd.f32 v51, v3  }
0x5cd: {  	v59 =	vld [tilespmem:s12+$0xFFFFFF00];
	v62, _, _ =	vpop (xrf2);
	(xrf2) =	vadd.scan.msk.f32 $0xffff, v24;
	v4 =	vadd.f32 v36, v4;
	v41 =	vmov s24;
	v5 =	vadd.f32 v55, v5  }
0x5ce: {  	s29 =	sadd.s32 $0x8, s11;
	v44 =	vand.u32 $0x7, v58;
	v45 =	vand.u32 $0x38, v58;
	v53 =	vand.u32 $0x7, v39;
	(xrf2) =	vadd.scan.msk.f32 $0xffff, v3  }
0x5cf: {  	v57 =	vmov s29;
	v6 =	vadd.f32 v49, v6;
	v46 =	vand.u32 $0x78, v60;
	(xrf2) =	vadd.scan.msk.f32 $0xffff, v5  }
0x5d0: {  	[tilespmem:v33+s1+$0x0] =	vst.idx.msk vm0, v62;
	v37, _, _ =	vpop (xrf2);
	v15 =	vand.u32 $0x6, v60;
	v49 =	vand.u32 $0x6, v38;
	v60 =	vand.u32 $0x78, v57  }
0x5d1: {  	[tilespmem:v34+s1+$0x0] =	vst.idx.msk vm0, v37;
	v40 =	vmul.f32 v56, v13;
	v43 =	vmul.f32 v61, v13;
	(xrf2) =	vadd.scan.msk.f32 $0xffff, v22  }
0x5d2: {  	v28 =	vmul.f32 v59, v13;
	v51 =	vand.u32 $0x78, v39;
	v3 =	vadd.f32 v30, v18;
	(xrf2) =	vadd.scan.msk.f32 $0xffff, v17  }
0x5d3: {  	v42 =	vadd.f32 v40, v19;
	v5 =	vadd.s32 v14, v54;
	v6 =	vadd.f32 v43, v6;
	(xrf2) =	vadd.scan.msk.f32 $0xffff, v4  }
0x5d4: {  	v13 =	vadd.s32 v14, v45;
	v23 =	vadd.f32 v28, v23;
	v5 =	vor.u32 v52, v5;
	(xrf2) =	vadd.scan.msk.f32 $0xffff, v3  }
0x5d5: {  	v47 =	vadd.s32 v14, v46;
	v16 =	vadd.s32 v14, v51;
	v4 =	vor.u32 v44, v13;
	(xrf2) =	vadd.scan.msk.f32 $0xffff, v42  }
0x5d6: {  	v15 =	vor.u32 v15, v47;
	v16 =	vor.u32 v53, v16;
	v18 =	vand.u32 $0x6, v41;
	v52, _, _ =	vpop (xrf2);
	(xrf2) =	vadd.scan.msk.f32 $0xffff, v23  }
0x5d7: {  	s28 =	sadd.s32 $0x7, s11;
	[tilespmem:v20+s1+$0x0] =	vst.idx.msk vm0, v52;
	v13 =	vadd.s32 v14, v48;
	v3 =	vand.u32 $0x7, v63;
	(xrf2) =	vadd.scan.msk.f32 $0xffff, v6;
	v6, _, _ =	vpop (xrf2)  }
0x5d8: {  	v3 =	vor.u32 v3, v13;
	v13 =	vadd.s32 v14, v50;
	[tilespmem:v21+s1+$0x0] =	vst.idx.msk vm0, v6;
	v6 =	vmov s28;
	v55, _, _ =	vpop (xrf2)  }
0x5d9: {  	v54 =	vand.u32 $0x78, v41;
	v13 =	vor.u32 v49, v13;
	v58 =	vand.u32 $0x78, v6;
	v56, _, _ =	vpop (xrf2);
	[tilespmem:v5+s1+$0x0] =	vst.idx.msk vm0, v55  }
0x5da: {  	v17 =	vadd.s32 v14, v54;
	[tilespmem:v4+s1+$0x0] =	vst.idx.msk vm0, v56;
	v4 =	vand.u32 $0x7, v6;
	v6 =	vadd.s32 v14, v58  }
0x5db: {  	v5 =	vor.u32 v18, v17;
	v59, _, _ =	vpop (xrf2);
	v4 =	vor.u32 v4, v6;
	v6 =	vadd.s32 v14, v60  }
0x5dc: {  	v62 =	vand.u32 $0x6, v57;
	v61, _, _ =	vpop (xrf2);
	[tilespmem:v15+s1+$0x0] =	vst.idx.msk vm0, v59  }
0x5dd: {  	v63, _, _ =	vpop (xrf2);
	[tilespmem:v3+s1+$0x0] =	vst.idx.msk vm0, v61;
	v3 =	vor.u32 v62, v6  }
0x5de: {  	[tilespmem:v13+s1+$0x0] =	vst.idx.msk vm0, v63;
	v6, _, _ =	vpop (xrf2)  }
0x5df: {  	[tilespmem:v16+s1+$0x0] =	vst.idx.msk vm0, v6;
	v6, _, _ =	vpop (xrf2)  }
0x5e0: {  	[tilespmem:v5+s1+$0x0] =	vst.idx.msk vm0, v6;
	v5, _, _ =	vpop (xrf2)  }
0x5e1: {  	[tilespmem:v4+s1+$0x0] =	vst.idx.msk vm0, v5;
	v4, _, _ =	vpop (xrf2)  }
0x5e2: {  	[tilespmem:v3+s1+$0x0] =	vst.idx.msk vm0, v4  }
0x5e3: {  	v3 =	vld [tilespmem:s9+$0x49A];
	_ =	sdelay $0x4  }
0x5e4: {  	v3 =	vand.u32 $0xF, v3  }
0x5e5: {  	v3 =	vor.u32 v9, v3;
	_ =	sdelay $0x4  }
0x5e6: {  	v3 =	vld.idx.msk [tilespmem:v3+s13+$0x0], $0xffff;
	_ =	sdelay $0x1  }
0x5e7: {  	s10 =	smul.u32 $0xE0, s10;
	_ =	sdelay $0x1  }
0x5e8: {  	s10 =	sshra.s32 s10, $0x2  }
0x5e9: {  	[tilespmem:s10+$0x166D0] =	vst v3  }
0x5ea: {  	v3 =	vld [tilespmem:s9+$0x4AA];
	_ =	sdelay $0x4  }
0x5eb: {  	v3 =	vand.u32 $0xF, v3  }
0x5ec: {  	v3 =	vor.u32 v10, v3;
	_ =	sdelay $0x4  }
0x5ed: {  	v3 =	vld.idx.msk [tilespmem:v3+s13+$0x0], $0xffff;
	_ =	sdelay $0x4  }
0x5ee: {  	[tilespmem:s10+$0x166E0] =	vst v3  }
0x5ef: {  	v3 =	vld [tilespmem:s9+$0x4BA];
	_ =	sdelay $0x4  }
0x5f0: {  	v3 =	vand.u32 $0xF, v3  }
0x5f1: {  	v3 =	vor.u32 v11, v3;
	_ =	sdelay $0x4  }
0x5f2: {  	v3 =	vld.idx.msk [tilespmem:v3+s13+$0x0], $0xffff;
	_ =	sdelay $0x4  }
0x5f3: {  	[tilespmem:s10+$0x166F0] =	vst v3  }
0x5f4: {  	v3 =	vld [tilespmem:s9+$0x4BC];
	_ =	sdelay $0x4  }
0x5f5: {  	v3 =	vand.u32 $0xF, v3  }
0x5f6: {  	v3 =	vor.u32 v12, v3;
	_ =	sdelay $0x3  }
0x5f7: {  	s8 =	sadd.s32 $0x1, s8  }
0x5f8: {  	p0 =	sne.s32 s8, $0x20;
	v3 =	vld.idx.msk [tilespmem:v3+s13+$0x0], $0xffff  }
.Ltmp4:
0x5f9: {  	_ = 	snop;
	(pc) =	sbr.rel @p0 .LBB2_3-.Ltmp4, $2  }
0x5fa: {  	_ =	sdelay $0x2  }
0x5fb: {  	[tilespmem:s10+$0x166F2] =	vst v3  }
0x5fc: {  	s3 =	rddreg [dreg:$0xd]  }
0x5fd: {  	s3 =	sadd.s32 s3, s31  }
0x5fe: {  	s7 =	rddreg [dreg:$0x8];
	s3 =	sshrl.u32 s3, $0x3  }
0x5ff: {  	s7 =	sadd.s32 s7, s3  }
0x600: {  	[hbm4b:s7+s6] =	stream.linear.scatter [tilespmem:s17], [sflag:$0x8], $0x80, $0x38;
	[tilespmem:$0x19F50] =	vst v63  }
0x601: {  	s8 =	smul.u32 $0x1C00, s23;
	_ =	swait.ge [sflag:s18], $0x80  }
0x602: {  	s12 =	rddreg [dreg:$0x11]  }
0x603: {  	s7 =	sadd.s32 s12, s8  }
0x604: {  	[sflag:s18] =	ssyncset.done $0x0;
	s16 =	rddreg [dreg:$0x9];
	s7 =	sshrl.u32 s7, $0x3  }
0x605: {  	[sflag:s18] =	ssyncadd.s32 $0xFFFFFF80;
	s8 =	sadd.s32 s16, s7  }
0x606: {  	[hbm4b:s8+s6] =	stream.linear.scatter [tilespmem:s1], [sflag:$0x8], $0x1C00, $0x38;
	[tilespmem:$0x19F50] =	vst v63  }
0x607: {  	_ =	swait.ge [sflag:s18], $0x1C00  }
0x608: {  	[sflag:s18] =	ssyncset.done $0x0;
	s21 =	rddreg [dreg:$0xa]  }
0x609: {  	s9 =	simm.s32 $0x165D0;
	[sflag:s18] =	ssyncadd.s32 $0xFFFFE400;
	s8 =	sadd.s32 s21, s3  }
0x60a: {  	[hbm4b:s8+s6] =	stream.linear.scatter [tilespmem:s9], [sflag:$0x8], $0x80, $0x38;
	[tilespmem:$0x19F50] =	vst v63  }
0x60b: {  	_ =	swait.ge [sflag:s18], $0x80  }
0x60c: {  	[sflag:s18] =	ssyncset.done $0x0;
	s24 =	rddreg [dreg:$0xb]  }
0x60d: {  	s28 =	simm.s32 $0x16650;
	[sflag:s18] =	ssyncadd.s32 $0xFFFFFF80;
	s3 =	sadd.s32 s24, s3  }
0x60e: {  	[hbm4b:s3+s6] =	stream.linear.scatter [tilespmem:s28], [sflag:$0x8], $0x80, $0x38;
	[tilespmem:$0x19F50] =	vst v63  }
0x60f: {  	s23 =	sadd.s32 $0x1, s23;
	s31 =	simm.s32 $0x166D0;
	_ =	swait.ge [sflag:s18], $0x80  }
0x610: {  	p0 =	sne.s32 s23, $0x4;
	[sflag:s18] =	ssyncset.done $0x0;
	s29 =	rddreg [dreg:$0xc]  }
.Ltmp5:
0x611: {  	[sflag:s18] =	ssyncadd.s32 $0xFFFFFF80;
	s3 =	sadd.s32 s29, s7;
	(pc) =	sbr.rel @p0 .LBB2_2-.Ltmp5, $4  }
0x612: {  	[hbm4b:s3+s6] =	stream.linear.scatter [tilespmem:s31], [sflag:$0x8], $0x1C00, $0x38;
	[tilespmem:$0x19F50] =	vst v63  }
0x613: {  	_ =	swait.ge [sflag:s18], $0x1C00  }
0x614: {  	[sflag:s18] =	ssyncset.done $0x0  }
0x615: {  	[sflag:s18] =	ssyncadd.s32 $0xFFFFE400  }
0x616: {  	s7 =	rddreg [dreg:$0x13]  }
0x617: {  	s3 =	rddreg [dreg:$0x12];
	s7 =	sadd.s32 $0x1, s7  }
0x618: {  	p0 =	sne.s32 s7, s3  }
.Ltmp6:
0x619: {  	_ = 	snop;
	(pc) =	sbr.rel @p0 .LBB2_1-.Ltmp6, $1  }
0x61a: {  	_ =	sdelay $0x3  }
0x61b: {  	_ =	sfence.sel $0x180000  }
0x61c: {  	[bflag:$0x0] =	sbarrier.arrive $0xFFFF  }
0x61d: {  	_ =	strace $0x90000047  }
0x61e: {  	s0 =	stileid.u32;
	[bflag:$0x2] =	sbarrier.arrive $0xFFFF  }
0x61f: {  	p0 =	sne.s32 s0, $0x0;
	s0 =	rddreg [dreg:$0x7]  }
0x620: {  	s0 =	sadd.s32 @!p0 $0x100000, s0  }
0x621: {  	[sflag:s0] =	ssyncadd.tile.s32 @!p0 $0x1;
	_ =	shalt  }
.Lfunc_end2:
_tile_overlayer_lowered:
.L_overlay_start_2:
0x622: {  	(tag) =	ssettag $0x2  }
0x623: {  	s0 =	rddreg [dreg:$0x0];
	s2 =	stileid.u32  }
0x624: {  	s1 =	rddreg [dreg:$0x1];
	p0 =	sne.s32 s2, $0x0  }
0x625: {  	s3 =	rddreg [dreg:$0x2];
	[bflag:$0x3] =	sbarrier.arrive $0xFFFF;
	s2 =	simm.s32 @!p0 $0x1C08  }
0x626: {  	[timem:s3], [sflag:s2] =	dma.local @!p0 [hbm:s0], s1  }
0x627: {  	s0 =	simm.s32 @!p0 $0x8  }
0x628: {  	_ =	swait.ge @!p0 [sflag:s0], s1  }
0x629: {  	s1 =	ssub.s32 @!p0 $0x0, s1;
	[sflag:s0] =	ssyncset.done @!p0 $0x0  }
0x62a: {  	[sflag:s0] =	ssyncadd.s32 @!p0 s1  }
0x62b: {  	[bflag:$0x3] =	sbarrier.arrive $0xFFFF  }
0x62c: {  	_ =	shalt  }

</sc_bundles>
